<compile_context>
chip_gen: v7x
topology: tpu7x:2x2x1
jax: 0.10.2.dev20260603
libtpu: 0.0.44.dev20260713+nightly
codegen_flags: <defaults>
</compile_context>

<pallas_src>
import functools

import jax
import jax.numpy as jnp
from jax import lax
from jax.experimental import pallas as pl
from jax.experimental.pallas import tpu as pltpu
from jax.experimental.pallas import tpu_sc as plsc

N = 6_400_000
NUM_G = 1024
POS_W = 2.0
NC = 2
NS = 16
L = 16
NW = NC * NS
PER_W = N // NW
BLK = 10_000
NBLK = PER_W // BLK
NV = BLK // L
GRP = 25
NG = NV // GRP
SUB = 5

TAB_N = 4096
TAB_SCALE = 256.0


def _softplus_table():
    i = jnp.arange(TAB_N, dtype=jnp.float32)
    return jnp.log1p(jnp.exp(-(i + 0.5) / TAB_SCALE))


def _make_bce(tab):
    def _bce(x, t):
        nx = -x
        q = jnp.minimum(jnp.abs(x) * TAB_SCALE, TAB_N - 1.0)
        s = plsc.load_gather(tab, [q.astype(jnp.int32)])
        m = t != 0
        u = s + jnp.maximum(jnp.where(m, nx, x), 0.0)
        return u + jnp.where(m, u, 0.0)
    return _bce


def _sc_partials(logits, targets, edge_batch, table):
    mesh = plsc.VectorSubcoreMesh(core_axis_name="c", subcore_axis_name="s")

    @functools.partial(
        pl.kernel,
        out_type=(jax.ShapeDtypeStruct((NW, NUM_G), jnp.float32),
                  jax.ShapeDtypeStruct((NW, NUM_G), jnp.float32)),
        mesh=mesh,
        compiler_params=pltpu.CompilerParams(needs_layout_passes=False),
        scratch_types=[
            pltpu.VMEM((BLK,), jnp.float32), pltpu.VMEM((BLK,), jnp.float32),
            pltpu.VMEM((BLK,), jnp.int32), pltpu.VMEM((BLK,), jnp.int32),
            pltpu.VMEM((BLK,), jnp.int32), pltpu.VMEM((BLK,), jnp.int32),
            pltpu.VMEM((NUM_G,), jnp.float32),
            pltpu.VMEM((NUM_G,), jnp.float32),
            pltpu.VMEM((TAB_N,), jnp.float32),
            pltpu.SemaphoreType.DMA,
            pltpu.SemaphoreType.DMA,
        ],
    )
    def k(x_hbm, t_hbm, e_hbm, tab_hbm, sums_out, cnts_out,
          xb0, xb1, tb0, tb1, eb0, eb1, sums, cnts, tab, sem0, sem1):
        wid = lax.axis_index("s") * NC + lax.axis_index("c")
        base_w = wid * PER_W
        lanes = lax.iota(jnp.int32, L)
        m0 = lanes == 0
        zeros_v = jnp.zeros((L,), jnp.float32)
        ones_v = jnp.ones((L,), jnp.float32)
        bufs = ((xb0, tb0, eb0, sem0), (xb1, tb1, eb1, sem1))
        pltpu.sync_copy(tab_hbm, tab)
        _bce = _make_bce(tab)

        def zero_body(i, _):
            sums[pl.ds(i * L, L)] = zeros_v
            cnts[pl.ds(i * L, L)] = zeros_v
            return 0

        lax.fori_loop(0, NUM_G // L, zero_body, 0)

        def copies(b, buf):
            xb, tb, eb, sem = buf
            base = base_w + b * BLK
            return (pltpu.make_async_copy(x_hbm.at[pl.ds(base, BLK)], xb, sem),
                    pltpu.make_async_copy(t_hbm.at[pl.ds(base, BLK)], tb, sem),
                    pltpu.make_async_copy(e_hbm.at[pl.ds(base, BLK)], eb, sem))

        def start_load(b, buf):
            for c in copies(b, buf):
                c.start()

        def wait_load(b, buf):
            for c in copies(b, buf):
                c.wait()

        def flush(cur, acc, rc):
            idx = jnp.full((L,), cur, jnp.int32)

            def lane_body(l, _):
                plsc.addupdate_scatter(sums, [idx], acc, mask=lanes == l)
                return 0

            lax.fori_loop(0, L, lane_body, 0)
            plsc.addupdate_scatter(cnts, [idx],
                                   jnp.full((L,), rc.astype(jnp.float32)),
                                   mask=m0)

        def make_vec_body(buf):
            xb, tb, eb, _ = buf

            def vec_body(v, carry):
                cur, rc, acc = carry
                off = v * L
                e = eb[pl.ds(off, L)]
                loss = _bce(xb[pl.ds(off, L)], tb[pl.ds(off, L)])
                e0 = e[0]
                e15 = e[L - 1]
                okv = jnp.logical_and(e0 == cur, e15 == cur)

                @pl.when(jnp.logical_not(okv))
                def _():
                    flush(cur, acc, rc)

                    def lane_body(l, _):
                        m = lanes == l
                        plsc.addupdate_scatter(sums, [e], loss, mask=m)
                        plsc.addupdate_scatter(cnts, [e], ones_v, mask=m)
                        return 0

                    lax.fori_loop(0, L, lane_body, 0)

                new_cur = jnp.where(okv, cur, e15)
                new_rc = jnp.where(okv, rc + L, 0)
                new_acc = jnp.where(okv, acc + loss, zeros_v)
                return (new_cur, new_rc, new_acc)

            return vec_body

        def bounds_of(eb, g):
            off = g * (GRP * L)
            return (eb[pl.ds(off, L)][0],
                    eb[pl.ds(off + (GRP - 1) * L, L)][L - 1])

        def make_group_body(buf):
            xb, tb, eb, _ = buf
            vec_body = make_vec_body(buf)

            def group_body(g, carry):
                cur, rc, acc, e_first, e_last = carry
                off = g * (GRP * L)
                ef_n, el_n = bounds_of(eb, jnp.minimum(g + 1, NG - 1))
                losses = [
                    _bce(xb[pl.ds(off + i * L, L)], tb[pl.ds(off + i * L, L)])
                    for i in range(GRP)
                ]
                while len(losses) > 1:
                    nxt = [a + b for a, b in zip(losses[::2], losses[1::2])]
                    if len(losses) % 2:
                        nxt.append(losses[-1])
                    losses = nxt
                tot = losses[0]
                fast = jnp.logical_and(e_first == cur, e_last == cur)

                def fast_fn(c):
                    cur, rc, acc = c
                    return (cur, rc + GRP * L, acc + tot)

                def slow_fn(c):
                    def sub_body(sg, c):
                        cur, rc, acc = c
                        soff = sg * (SUB * L)
                        ef = eb[pl.ds(soff, L)][0]
                        el = eb[pl.ds(soff + (SUB - 1) * L, L)][L - 1]
                        ls = [
                            _bce(xb[pl.ds(soff + i * L, L)],
                                 tb[pl.ds(soff + i * L, L)])
                            for i in range(SUB)
                        ]
                        tot5 = (ls[0] + ls[1]) + (ls[2] + ls[3]) + ls[4]
                        fast5 = jnp.logical_and(ef == cur, el == cur)

                        def ff(c):
                            return (c[0], c[1] + SUB * L, c[2] + tot5)

                        def sf(c):
                            return lax.fori_loop(sg * SUB, (sg + 1) * SUB,
                                                 vec_body, c)

                        return lax.cond(fast5, ff, sf, c)

                    return lax.fori_loop(g * (GRP // SUB),
                                         (g + 1) * (GRP // SUB), sub_body, c)

                cur, rc, acc = lax.cond(fast, fast_fn, slow_fn,
                                        (cur, rc, acc))
                return (cur, rc, acc, ef_n, el_n)

            return group_body

        start_load(0, bufs[0])

        def pair_body(p, carry):
            for q in range(2):
                b = 2 * p + q
                wait_load(b, bufs[q])
                start_load(jnp.minimum(b + 1, NBLK - 1), bufs[1 - q])
                ef0, el0 = bounds_of(bufs[q][2], 0)
                carry = lax.fori_loop(0, NG, make_group_body(bufs[q]),
                                      carry + (ef0, el0))[:3]
            return carry

        cur, rc, acc = lax.fori_loop(
            0, NBLK // 2, pair_body,
            (jnp.int32(0), jnp.int32(0), zeros_v))
        flush(cur, acc, rc)
        wait_load(NBLK - 1, bufs[0])
        pltpu.sync_copy(sums, sums_out.at[wid])
        pltpu.sync_copy(cnts, cnts_out.at[wid])

    return k(logits, targets, edge_batch, table)


def _tc_finish(sums, cnts):
    def k(s_ref, c_ref, o_ref):
        tot_s = jnp.sum(s_ref[...], axis=0)
        tot_c = jnp.sum(c_ref[...], axis=0)
        per_g = tot_s / jnp.clip(tot_c, 1.0, None)
        o_ref[0, 0] = jnp.sum(per_g) / jnp.float32(NUM_G)

    return pl.pallas_call(
        k,
        out_shape=jax.ShapeDtypeStruct((1, 1), jnp.float32),
        in_specs=[pl.BlockSpec(memory_space=pltpu.VMEM),
                  pl.BlockSpec(memory_space=pltpu.VMEM)],
        out_specs=pl.BlockSpec(memory_space=pltpu.SMEM),
    )(sums, cnts)


def kernel(logits, targets, edge_batch, num_graphs):
    x = logits.reshape(-1).astype(jnp.float32)
    t = targets.reshape(-1).astype(jnp.int32)
    e = edge_batch.reshape(-1).astype(jnp.int32)
    sums, cnts = _sc_partials(x, t, e, _softplus_table())
    return _tc_finish(sums, cnts)[0, 0]

# --- scband reference (transcript-rebuilt; emitter-appended) ---
"""Pipeline reference for scband-retriever-bceloss-41016937677179 (READ-ONLY COPY).

The authoritative reference and input builder live on the scoring server;
editing this copy changes nothing except your own understanding.
"""

import jax, jax.numpy as jnp
import numpy as np

POS_WEIGHT = 2.0
NUM_GRAPHS_STATIC = 1024

def setup_inputs(seed: int = 0) -> dict:
    key = jax.random.key(seed)
    k1, k2, k3 = jax.random.split(key, 3)
    N = 6400000
    num_graphs = 1024
    logits = jax.random.normal(k1, (N,), dtype=jnp.float32)
    targets = jax.random.randint(k2, (N,), 0, 2, dtype=jnp.int64)
    edge_batch = jnp.sort(jax.random.randint(k3, (N,), 0, num_graphs, dtype=jnp.int64))
    return {"logits": logits, "targets": targets, "edge_batch": edge_batch, "num_graphs": num_graphs}

def reference(logits, targets, edge_batch, num_graphs):
    logits = logits.reshape(-1)
    t = targets.reshape(-1).astype(jnp.float32)
    # BCE-with-logits with pos_weight (reduction='none'):
    # loss = pw * t * softplus(-x) + (1 - t) * softplus(x)
    edge_loss = POS_WEIGHT * t * jax.nn.softplus(-logits) + (1.0 - t) * jax.nn.softplus(logits)
    eb = edge_batch.reshape(-1).astype(jnp.int32)
    per_graph_sum = jax.ops.segment_sum(edge_loss, eb, num_segments=NUM_GRAPHS_STATIC)
    per_graph_cnt = jax.ops.segment_sum(jnp.ones_like(edge_loss), eb, num_segments=NUM_GRAPHS_STATIC)
    loss = (per_graph_sum / jnp.clip(per_graph_cnt, 1.0, None)).sum() / jnp.asarray(num_graphs, jnp.float32)
    return loss

if __name__ == "__main__":
    import jax
    _d = setup_inputs()
    print(jax.jit(kernel)(*tuple(_d.values())))

</pallas_src>

<mosaic_0001>
#map = affine_map<(d0, d1) -> (0)>
#map1 = affine_map<(d0, d1) -> (0, 0)>
module attributes {stable_mosaic.version = 14 : i64} {
  func.func @k(%arg0: i32, %arg1: i32, %arg2: memref<6400000xf32, #tpu.memory_space<hbm>>, %arg3: memref<6400000xi32, #tpu.memory_space<hbm>>, %arg4: memref<6400000xi32, #tpu.memory_space<hbm>>, %arg5: memref<4096xf32, #tpu.memory_space<hbm>>, %arg6: memref<32x1024xf32, #tpu.memory_space<hbm>>, %arg7: memref<32x1024xf32, #tpu.memory_space<hbm>>, %arg8: memref<10000xf32, #tpu.memory_space<vmem>>, %arg9: memref<10000xf32, #tpu.memory_space<vmem>>, %arg10: memref<10000xi32, #tpu.memory_space<vmem>>, %arg11: memref<10000xi32, #tpu.memory_space<vmem>>, %arg12: memref<10000xi32, #tpu.memory_space<vmem>>, %arg13: memref<10000xi32, #tpu.memory_space<vmem>>, %arg14: memref<1024xf32, #tpu.memory_space<vmem>>, %arg15: memref<1024xf32, #tpu.memory_space<vmem>>, %arg16: memref<4096xf32, #tpu.memory_space<vmem>>, %arg17: memref<!tpu.dma_semaphore, #tpu.memory_space<semaphore_mem>>, %arg18: memref<!tpu.dma_semaphore, #tpu.memory_space<semaphore_mem>>) attributes {dimension_semantics = [#tpu.dimension_semantics<core_parallel>, #tpu.dimension_semantics<subcore_parallel>], iteration_bounds = array<i64: 2, 16>, scalar_prefetch = 0 : i64, scratch_operands = 11 : i64, tpu.core_type = #tpu.core_type<sc_vector_subcore>, window_params = [{transform_indices = #map}, {transform_indices = #map}, {transform_indices = #map}, {transform_indices = #map}, {transform_indices = #map1}, {transform_indices = #map1}]} {
    %mul3A = arith.constant 2 : i32
    %mul3A_0 = arith.muli %arg1, %mul3A : i32
    %add3A = arith.addi %mul3A_0, %arg0 : i32
    %mul3A_1 = arith.constant 200000 : i32
    %mul3A_2 = arith.muli %add3A, %mul3A_1 : i32
    %iota3A = tpu.iota {dimensions = array<i32: 0>} : vector<16xi32>
    %eq3A = arith.constant 0 : i32
    %eq3A_3 = vector.broadcast %eq3A : i32 to vector<16xi32>
    %eq3A_4 = arith.cmpi eq, %iota3A, %eq3A_3 : vector<16xi32>
    %broadcast_in_dim3A = arith.constant 0.000000e+00 : f32
    %broadcast_in_dim3A_5 = vector.broadcast %broadcast_in_dim3A : f32 to vector<16xf32>
    %broadcast_in_dim3A_6 = arith.constant 1.000000e+00 : f32
    %broadcast_in_dim3A_7 = vector.broadcast %broadcast_in_dim3A_6 : f32 to vector<16xf32>
    "tpu.region"() ({
      %run_scoped3A = tpu.sem_alloc : memref<!tpu.dma_semaphore, #tpu.memory_space<semaphore_mem>>
      tpu.enqueue_dma source(%arg5 : memref<4096xf32, #tpu.memory_space<hbm>>) target(%arg16 : memref<4096xf32, #tpu.memory_space<vmem>>) target_semaphore(%run_scoped3A : memref<!tpu.dma_semaphore, #tpu.memory_space<semaphore_mem>>)
      tpu.wait_dma2 semaphore(%run_scoped3A : memref<!tpu.dma_semaphore, #tpu.memory_space<semaphore_mem>>) src(%arg5 : memref<4096xf32, #tpu.memory_space<hbm>>) dst(%arg16 : memref<4096xf32, #tpu.memory_space<vmem>>)
      tpu.yield
    }) : () -> ()
    %scan3A = arith.constant 0 : i32
    %scan3A_8 = arith.constant 0 : i32
    %scan3A_9 = arith.constant 64 : i32
    %scan3A_10 = arith.addi %scan3A_8, %scan3A_9 : i32
    %scan3A_11 = arith.constant 1 : i32
    %scan3A_12 = scf.for %scan3A_45 = %scan3A_8 to %scan3A_10 step %scan3A_11 iter_args(%scan3A_46 = %scan3A) -> (i32)  : i32 {
      %mul3A_47 = arith.constant 16 : i32
      %mul3A_48 = arith.muli %scan3A_45, %mul3A_47 : i32
      %swap3A = arith.index_cast %mul3A_48 : i32 to index
      %swap3A_49 = tpu.vector_load %arg14[%swap3A] {strides = array<i32>} : memref<1024xf32, #tpu.memory_space<vmem>>, vector<16xf32>,
      tpu.vector_store %arg14[%swap3A], %broadcast_in_dim3A_5 {strides = array<i32>} : memref<1024xf32, #tpu.memory_space<vmem>>, vector<16xf32>,
      %mul3A_50 = arith.constant 16 : i32
      %mul3A_51 = arith.muli %scan3A_45, %mul3A_50 : i32
      %swap3A_52 = arith.index_cast %mul3A_51 : i32 to index
      %swap3A_53 = tpu.vector_load %arg15[%swap3A_52] {strides = array<i32>} : memref<1024xf32, #tpu.memory_space<vmem>>, vector<16xf32>,
      tpu.vector_store %arg15[%swap3A_52], %broadcast_in_dim3A_5 {strides = array<i32>} : memref<1024xf32, #tpu.memory_space<vmem>>, vector<16xf32>,
      %scan3A_54 = arith.constant 0 : i32
      scf.yield %scan3A_54 : i32
    }
    %scan3A_13 = arith.constant 64 : i32
    %add3A_14 = arith.constant 0 : i32
    %add3A_15 = arith.addi %mul3A_2, %add3A_14 : i32
    %dma_start3A = tpu.memref_slice %arg2[%add3A_15] : memref<6400000xf32, #tpu.memory_space<hbm>> -> memref<10000xf32, #tpu.memory_space<hbm>>
    %dma_start3A_16 = tpu.memref_slice %arg2[%add3A_15] : memref<6400000xf32, #tpu.memory_space<hbm>> -> memref<10000xf32, #tpu.memory_space<hbm>>
    tpu.enqueue_dma source(%dma_start3A_16 : memref<10000xf32, #tpu.memory_space<hbm>>) target(%arg8 : memref<10000xf32, #tpu.memory_space<vmem>>) target_semaphore(%arg17 : memref<!tpu.dma_semaphore, #tpu.memory_space<semaphore_mem>>)
    %dma_start3A_17 = tpu.memref_slice %arg3[%add3A_15] : memref<6400000xi32, #tpu.memory_space<hbm>> -> memref<10000xi32, #tpu.memory_space<hbm>>
    %dma_start3A_18 = tpu.memref_slice %arg3[%add3A_15] : memref<6400000xi32, #tpu.memory_space<hbm>> -> memref<10000xi32, #tpu.memory_space<hbm>>
    tpu.enqueue_dma source(%dma_start3A_18 : memref<10000xi32, #tpu.memory_space<hbm>>) target(%arg10 : memref<10000xi32, #tpu.memory_space<vmem>>) target_semaphore(%arg17 : memref<!tpu.dma_semaphore, #tpu.memory_space<semaphore_mem>>)
    %dma_start3A_19 = tpu.memref_slice %arg4[%add3A_15] : memref<6400000xi32, #tpu.memory_space<hbm>> -> memref<10000xi32, #tpu.memory_space<hbm>>
    %dma_start3A_20 = tpu.memref_slice %arg4[%add3A_15] : memref<6400000xi32, #tpu.memory_space<hbm>> -> memref<10000xi32, #tpu.memory_space<hbm>>
    tpu.enqueue_dma source(%dma_start3A_20 : memref<10000xi32, #tpu.memory_space<hbm>>) target(%arg12 : memref<10000xi32, #tpu.memory_space<vmem>>) target_semaphore(%arg17 : memref<!tpu.dma_semaphore, #tpu.memory_space<semaphore_mem>>)
    %scan3A_21 = arith.constant 0 : i32
    %scan3A_22 = arith.constant 0 : i32
    %scan3A_23 = arith.constant 0 : i32
    %scan3A_24 = arith.constant 10 : i32
    %scan3A_25 = arith.addi %scan3A_23, %scan3A_24 : i32
    %scan3A_26 = arith.constant 1 : i32
    %scan3A_27:3 = scf.for %scan3A_45 = %scan3A_23 to %scan3A_25 step %scan3A_26 iter_args(%scan3A_46 = %scan3A_21, %scan3A_47 = %scan3A_22, %scan3A_48 = %broadcast_in_dim3A_5) -> (i32, i32, vector<16xf32>)  : i32 {
      %mul3A_49 = arith.constant 2 : i32
      %mul3A_50 = arith.muli %mul3A_49, %scan3A_45 : i32
      %add3A_51 = arith.constant 0 : i32
      %add3A_52 = arith.addi %mul3A_50, %add3A_51 : i32
      %mul3A_53 = arith.constant 10000 : i32
      %mul3A_54 = arith.muli %add3A_52, %mul3A_53 : i32
      %add3A_55 = arith.addi %mul3A_2, %mul3A_54 : i32
      %dma_wait3A_56 = tpu.memref_slice %arg2[%add3A_55] : memref<6400000xf32, #tpu.memory_space<hbm>> -> memref<10000xf32, #tpu.memory_space<hbm>>
      %dma_wait3A_57 = tpu.memref_slice %arg2[%add3A_55] : memref<6400000xf32, #tpu.memory_space<hbm>> -> memref<10000xf32, #tpu.memory_space<hbm>>
      tpu.wait_dma2 semaphore(%arg17 : memref<!tpu.dma_semaphore, #tpu.memory_space<semaphore_mem>>) src(%dma_wait3A_57 : memref<10000xf32, #tpu.memory_space<hbm>>) dst(%arg8 : memref<10000xf32, #tpu.memory_space<vmem>>)
      %dma_wait3A_58 = tpu.memref_slice %arg3[%add3A_55] : memref<6400000xi32, #tpu.memory_space<hbm>> -> memref<10000xi32, #tpu.memory_space<hbm>>
      %dma_wait3A_59 = tpu.memref_slice %arg3[%add3A_55] : memref<6400000xi32, #tpu.memory_space<hbm>> -> memref<10000xi32, #tpu.memory_space<hbm>>
      tpu.wait_dma2 semaphore(%arg17 : memref<!tpu.dma_semaphore, #tpu.memory_space<semaphore_mem>>) src(%dma_wait3A_59 : memref<10000xi32, #tpu.memory_space<hbm>>) dst(%arg10 : memref<10000xi32, #tpu.memory_space<vmem>>)
      %dma_wait3A_60 = tpu.memref_slice %arg4[%add3A_55] : memref<6400000xi32, #tpu.memory_space<hbm>> -> memref<10000xi32, #tpu.memory_space<hbm>>
      %dma_wait3A_61 = tpu.memref_slice %arg4[%add3A_55] : memref<6400000xi32, #tpu.memory_space<hbm>> -> memref<10000xi32, #tpu.memory_space<hbm>>
      tpu.wait_dma2 semaphore(%arg17 : memref<!tpu.dma_semaphore, #tpu.memory_space<semaphore_mem>>) src(%dma_wait3A_61 : memref<10000xi32, #tpu.memory_space<hbm>>) dst(%arg12 : memref<10000xi32, #tpu.memory_space<vmem>>)
      %add3A_62 = arith.constant 1 : i32
      %add3A_63 = arith.addi %add3A_52, %add3A_62 : i32
      %min3A = arith.constant 19 : i32
      %min3A_64 = arith.minsi %add3A_63, %min3A : i32
      %mul3A_65 = arith.constant 10000 : i32
      %mul3A_66 = arith.muli %min3A_64, %mul3A_65 : i32
      %add3A_67 = arith.addi %mul3A_2, %mul3A_66 : i32
      %dma_start3A_68 = tpu.memref_slice %arg2[%add3A_67] : memref<6400000xf32, #tpu.memory_space<hbm>> -> memref<10000xf32, #tpu.memory_space<hbm>>
      %dma_start3A_69 = tpu.memref_slice %arg2[%add3A_67] : memref<6400000xf32, #tpu.memory_space<hbm>> -> memref<10000xf32, #tpu.memory_space<hbm>>
      tpu.enqueue_dma source(%dma_start3A_69 : memref<10000xf32, #tpu.memory_space<hbm>>) target(%arg9 : memref<10000xf32, #tpu.memory_space<vmem>>) target_semaphore(%arg18 : memref<!tpu.dma_semaphore, #tpu.memory_space<semaphore_mem>>)
      %dma_start3A_70 = tpu.memref_slice %arg3[%add3A_67] : memref<6400000xi32, #tpu.memory_space<hbm>> -> memref<10000xi32, #tpu.memory_space<hbm>>
      %dma_start3A_71 = tpu.memref_slice %arg3[%add3A_67] : memref<6400000xi32, #tpu.memory_space<hbm>> -> memref<10000xi32, #tpu.memory_space<hbm>>
      tpu.enqueue_dma source(%dma_start3A_71 : memref<10000xi32, #tpu.memory_space<hbm>>) target(%arg11 : memref<10000xi32, #tpu.memory_space<vmem>>) target_semaphore(%arg18 : memref<!tpu.dma_semaphore, #tpu.memory_space<semaphore_mem>>)
      %dma_start3A_72 = tpu.memref_slice %arg4[%add3A_67] : memref<6400000xi32, #tpu.memory_space<hbm>> -> memref<10000xi32, #tpu.memory_space<hbm>>
      %dma_start3A_73 = tpu.memref_slice %arg4[%add3A_67] : memref<6400000xi32, #tpu.memory_space<hbm>> -> memref<10000xi32, #tpu.memory_space<hbm>>
      tpu.enqueue_dma source(%dma_start3A_73 : memref<10000xi32, #tpu.memory_space<hbm>>) target(%arg13 : memref<10000xi32, #tpu.memory_space<vmem>>) target_semaphore(%arg18 : memref<!tpu.dma_semaphore, #tpu.memory_space<semaphore_mem>>)
      %get3A = arith.constant 0 : index
      %get3A_74 = tpu.vector_load %arg12[%get3A] {strides = array<i32>} : memref<10000xi32, #tpu.memory_space<vmem>>, vector<16xi32>,
      %slice3A = vector.extract_strided_slice %get3A_74 {offsets = [0], sizes = [1], strides = [1]} : vector<16xi32> to vector<1xi32>
      %squeeze3A = vector.extract %slice3A[0] : i32 from vector<1xi32>
      %get3A_75 = arith.constant 384 : index
      %get3A_76 = tpu.vector_load %arg12[%get3A_75] {strides = array<i32>} : memref<10000xi32, #tpu.memory_space<vmem>>, vector<16xi32>,
      %slice3A_77 = vector.extract_strided_slice %get3A_76 {offsets = [15], sizes = [1], strides = [1]} : vector<16xi32> to vector<1xi32>
      %squeeze3A_78 = vector.extract %slice3A_77[0] : i32 from vector<1xi32>
      %scan3A_79 = arith.constant 0 : i32
      %scan3A_80 = arith.constant 25 : i32
      %scan3A_81 = arith.addi %scan3A_79, %scan3A_80 : i32
      %scan3A_82 = arith.constant 1 : i32
      %scan3A_83:5 = scf.for %scan3A_125 = %scan3A_79 to %scan3A_81 step %scan3A_82 iter_args(%scan3A_126 = %scan3A_46, %scan3A_127 = %scan3A_47, %scan3A_128 = %scan3A_48, %scan3A_129 = %squeeze3A, %scan3A_130 = %squeeze3A_78) -> (i32, i32, vector<16xf32>, i32, i32)  : i32 {
        %mul3A_131 = arith.constant 400 : i32
        %mul3A_132 = arith.muli %scan3A_125, %mul3A_131 : i32
        %add3A_133 = arith.constant 1 : i32
        %add3A_134 = arith.addi %scan3A_125, %add3A_133 : i32
        %min3A_135 = arith.constant 24 : i32
        %min3A_136 = arith.minsi %add3A_134, %min3A_135 : i32
        %mul3A_137 = arith.constant 400 : i32
        %mul3A_138 = arith.muli %min3A_136, %mul3A_137 : i32
        %get3A_139 = arith.index_cast %mul3A_138 : i32 to index
        %get3A_140 = tpu.vector_load %arg12[%get3A_139] {strides = array<i32>} : memref<10000xi32, #tpu.memory_space<vmem>>, vector<16xi32>,
        %slice3A_141 = vector.extract_strided_slice %get3A_140 {offsets = [0], sizes = [1], strides = [1]} : vector<16xi32> to vector<1xi32>
        %squeeze3A_142 = vector.extract %slice3A_141[0] : i32 from vector<1xi32>
        %add3A_143 = arith.constant 384 : i32
        %add3A_144 = arith.addi %mul3A_138, %add3A_143 : i32
        %get3A_145 = arith.index_cast %add3A_144 : i32 to index
        %get3A_146 = tpu.vector_load %arg12[%get3A_145] {strides = array<i32>} : memref<10000xi32, #tpu.memory_space<vmem>>, vector<16xi32>,
        %slice3A_147 = vector.extract_strided_slice %get3A_146 {offsets = [15], sizes = [1], strides = [1]} : vector<16xi32> to vector<1xi32>
        %squeeze3A_148 = vector.extract %slice3A_147[0] : i32 from vector<1xi32>
        %add3A_149 = arith.constant 0 : i32
        %add3A_150 = arith.addi %mul3A_132, %add3A_149 : i32
        %get3A_151 = arith.index_cast %add3A_150 : i32 to index
        %get3A_152 = tpu.vector_load %arg8[%get3A_151] {strides = array<i32>} : memref<10000xf32, #tpu.memory_space<vmem>>, vector<16xf32>,
        %add3A_153 = arith.constant 0 : i32
        %add3A_154 = arith.addi %mul3A_132, %add3A_153 : i32
        %get3A_155 = arith.index_cast %add3A_154 : i32 to index
        %get3A_156 = tpu.vector_load %arg10[%get3A_155] {strides = array<i32>} : memref<10000xi32, #tpu.memory_space<vmem>>, vector<16xi32>,
        %neg3A = arith.constant 0.000000e+00 : f32
        %neg3A_157 = vector.broadcast %neg3A : f32 to vector<16xf32>
        %neg3A_158 = arith.subf %neg3A_157, %get3A_152 : vector<16xf32>
        %abs3A = math.absf %get3A_152 : vector<16xf32>
        %mul3A_159 = arith.constant 2.560000e+02 : f32
        %mul3A_160 = vector.broadcast %mul3A_159 : f32 to vector<16xf32>
        %mul3A_161 = arith.mulf %abs3A, %mul3A_160 : vector<16xf32>
        %min3A_162 = arith.constant 4.095000e+03 : f32
        %min3A_163 = vector.broadcast %min3A_162 : f32 to vector<16xf32>
        %min3A_164 = arith.minimumf %mul3A_161, %min3A_163 : vector<16xf32>
        %convert_element_type3A_165 = arith.fptosi %min3A_164 : vector<16xf32> to vector<16xi32>
        %gather3A = tpu.vector_load_idx %arg16[%convert_element_type3A_165] : memref<4096xf32, #tpu.memory_space<vmem>>[vector<16xi32>], vector<16xf32>,
        %ne3A = arith.constant 0 : i32
        %ne3A_166 = vector.broadcast %ne3A : i32 to vector<16xi32>
        %ne3A_167 = arith.cmpi ne, %get3A_156, %ne3A_166 : vector<16xi32>
        %select_n3A = arith.select %ne3A_167, %neg3A_158, %get3A_152 : vector<16xi1>, vector<16xf32>
        %max3A = arith.constant 0.000000e+00 : f32
        %max3A_168 = vector.broadcast %max3A : f32 to vector<16xf32>
        %max3A_169 = arith.maximumf %select_n3A, %max3A_168 : vector<16xf32>
        %add3A_170 = arith.addf %gather3A, %max3A_169 : vector<16xf32>
        %jit3A = arith.constant 0.000000e+00 : f32
        %broadcast_in_dim3A_171 = vector.broadcast %jit3A : f32 to vector<16xf32>
        %select_n3A_172 = arith.select %ne3A_167, %add3A_170, %broadcast_in_dim3A_171 : vector<16xi1>, vector<16xf32>
        %add3A_173 = arith.addf %add3A_170, %select_n3A_172 : vector<16xf32>
        %add3A_174 = arith.constant 16 : i32
        %add3A_175 = arith.addi %mul3A_132, %add3A_174 : i32
        %get3A_176 = arith.index_cast %add3A_175 : i32 to index
        %get3A_177 = tpu.vector_load %arg8[%get3A_176] {strides = array<i32>} : memref<10000xf32, #tpu.memory_space<vmem>>, vector<16xf32>,
        %add3A_178 = arith.constant 16 : i32
        %add3A_179 = arith.addi %mul3A_132, %add3A_178 : i32
        %get3A_180 = arith.index_cast %add3A_179 : i32 to index
        %get3A_181 = tpu.vector_load %arg10[%get3A_180] {strides = array<i32>} : memref<10000xi32, #tpu.memory_space<vmem>>, vector<16xi32>,
        %neg3A_182 = arith.constant 0.000000e+00 : f32
        %neg3A_183 = vector.broadcast %neg3A_182 : f32 to vector<16xf32>
        %neg3A_184 = arith.subf %neg3A_183, %get3A_177 : vector<16xf32>
        %abs3A_185 = math.absf %get3A_177 : vector<16xf32>
        %mul3A_186 = arith.constant 2.560000e+02 : f32
        %mul3A_187 = vector.broadcast %mul3A_186 : f32 to vector<16xf32>
        %mul3A_188 = arith.mulf %abs3A_185, %mul3A_187 : vector<16xf32>
        %min3A_189 = arith.constant 4.095000e+03 : f32
        %min3A_190 = vector.broadcast %min3A_189 : f32 to vector<16xf32>
        %min3A_191 = arith.minimumf %mul3A_188, %min3A_190 : vector<16xf32>
        %convert_element_type3A_192 = arith.fptosi %min3A_191 : vector<16xf32> to vector<16xi32>
        %gather3A_193 = tpu.vector_load_idx %arg16[%convert_element_type3A_192] : memref<4096xf32, #tpu.memory_space<vmem>>[vector<16xi32>], vector<16xf32>,
        %ne3A_194 = arith.constant 0 : i32
        %ne3A_195 = vector.broadcast %ne3A_194 : i32 to vector<16xi32>
        %ne3A_196 = arith.cmpi ne, %get3A_181, %ne3A_195 : vector<16xi32>
        %select_n3A_197 = arith.select %ne3A_196, %neg3A_184, %get3A_177 : vector<16xi1>, vector<16xf32>
        %max3A_198 = arith.constant 0.000000e+00 : f32
        %max3A_199 = vector.broadcast %max3A_198 : f32 to vector<16xf32>
        %max3A_200 = arith.maximumf %select_n3A_197, %max3A_199 : vector<16xf32>
        %add3A_201 = arith.addf %gather3A_193, %max3A_200 : vector<16xf32>
        %jit3A_202 = arith.constant 0.000000e+00 : f32
        %broadcast_in_dim3A_203 = vector.broadcast %jit3A_202 : f32 to vector<16xf32>
        %select_n3A_204 = arith.select %ne3A_196, %add3A_201, %broadcast_in_dim3A_203 : vector<16xi1>, vector<16xf32>
        %add3A_205 = arith.addf %add3A_201, %select_n3A_204 : vector<16xf32>
        %add3A_206 = arith.constant 32 : i32
        %add3A_207 = arith.addi %mul3A_132, %add3A_206 : i32
        %get3A_208 = arith.index_cast %add3A_207 : i32 to index
        %get3A_209 = tpu.vector_load %arg8[%get3A_208] {strides = array<i32>} : memref<10000xf32, #tpu.memory_space<vmem>>, vector<16xf32>,
        %add3A_210 = arith.constant 32 : i32
        %add3A_211 = arith.addi %mul3A_132, %add3A_210 : i32
        %get3A_212 = arith.index_cast %add3A_211 : i32 to index
        %get3A_213 = tpu.vector_load %arg10[%get3A_212] {strides = array<i32>} : memref<10000xi32, #tpu.memory_space<vmem>>, vector<16xi32>,
        %neg3A_214 = arith.constant 0.000000e+00 : f32
        %neg3A_215 = vector.broadcast %neg3A_214 : f32 to vector<16xf32>
        %neg3A_216 = arith.subf %neg3A_215, %get3A_209 : vector<16xf32>
        %abs3A_217 = math.absf %get3A_209 : vector<16xf32>
        %mul3A_218 = arith.constant 2.560000e+02 : f32
        %mul3A_219 = vector.broadcast %mul3A_218 : f32 to vector<16xf32>
        %mul3A_220 = arith.mulf %abs3A_217, %mul3A_219 : vector<16xf32>
        %min3A_221 = arith.constant 4.095000e+03 : f32
        %min3A_222 = vector.broadcast %min3A_221 : f32 to vector<16xf32>
        %min3A_223 = arith.minimumf %mul3A_220, %min3A_222 : vector<16xf32>
        %convert_element_type3A_224 = arith.fptosi %min3A_223 : vector<16xf32> to vector<16xi32>
        %gather3A_225 = tpu.vector_load_idx %arg16[%convert_element_type3A_224] : memref<4096xf32, #tpu.memory_space<vmem>>[vector<16xi32>], vector<16xf32>,
        %ne3A_226 = arith.constant 0 : i32
        %ne3A_227 = vector.broadcast %ne3A_226 : i32 to vector<16xi32>
        %ne3A_228 = arith.cmpi ne, %get3A_213, %ne3A_227 : vector<16xi32>
        %select_n3A_229 = arith.select %ne3A_228, %neg3A_216, %get3A_209 : vector<16xi1>, vector<16xf32>
        %max3A_230 = arith.constant 0.000000e+00 : f32
        %max3A_231 = vector.broadcast %max3A_230 : f32 to vector<16xf32>
        %max3A_232 = arith.maximumf %select_n3A_229, %max3A_231 : vector<16xf32>
        %add3A_233 = arith.addf %gather3A_225, %max3A_232 : vector<16xf32>
        %jit3A_234 = arith.constant 0.000000e+00 : f32
        %broadcast_in_dim3A_235 = vector.broadcast %jit3A_234 : f32 to vector<16xf32>
        %select_n3A_236 = arith.select %ne3A_228, %add3A_233, %broadcast_in_dim3A_235 : vector<16xi1>, vector<16xf32>
        %add3A_237 = arith.addf %add3A_233, %select_n3A_236 : vector<16xf32>
        %add3A_238 = arith.constant 48 : i32
        %add3A_239 = arith.addi %mul3A_132, %add3A_238 : i32
        %get3A_240 = arith.index_cast %add3A_239 : i32 to index
        %get3A_241 = tpu.vector_load %arg8[%get3A_240] {strides = array<i32>} : memref<10000xf32, #tpu.memory_space<vmem>>, vector<16xf32>,
        %add3A_242 = arith.constant 48 : i32
        %add3A_243 = arith.addi %mul3A_132, %add3A_242 : i32
        %get3A_244 = arith.index_cast %add3A_243 : i32 to index
        %get3A_245 = tpu.vector_load %arg10[%get3A_244] {strides = array<i32>} : memref<10000xi32, #tpu.memory_space<vmem>>, vector<16xi32>,
        %neg3A_246 = arith.constant 0.000000e+00 : f32
        %neg3A_247 = vector.broadcast %neg3A_246 : f32 to vector<16xf32>
        %neg3A_248 = arith.subf %neg3A_247, %get3A_241 : vector<16xf32>
        %abs3A_249 = math.absf %get3A_241 : vector<16xf32>
        %mul3A_250 = arith.constant 2.560000e+02 : f32
        %mul3A_251 = vector.broadcast %mul3A_250 : f32 to vector<16xf32>
        %mul3A_252 = arith.mulf %abs3A_249, %mul3A_251 : vector<16xf32>
        %min3A_253 = arith.constant 4.095000e+03 : f32
        %min3A_254 = vector.broadcast %min3A_253 : f32 to vector<16xf32>
        %min3A_255 = arith.minimumf %mul3A_252, %min3A_254 : vector<16xf32>
        %convert_element_type3A_256 = arith.fptosi %min3A_255 : vector<16xf32> to vector<16xi32>
        %gather3A_257 = tpu.vector_load_idx %arg16[%convert_element_type3A_256] : memref<4096xf32, #tpu.memory_space<vmem>>[vector<16xi32>], vector<16xf32>,
        %ne3A_258 = arith.constant 0 : i32
        %ne3A_259 = vector.broadcast %ne3A_258 : i32 to vector<16xi32>
        %ne3A_260 = arith.cmpi ne, %get3A_245, %ne3A_259 : vector<16xi32>
        %select_n3A_261 = arith.select %ne3A_260, %neg3A_248, %get3A_241 : vector<16xi1>, vector<16xf32>
        %max3A_262 = arith.constant 0.000000e+00 : f32
        %max3A_263 = vector.broadcast %max3A_262 : f32 to vector<16xf32>
        %max3A_264 = arith.maximumf %select_n3A_261, %max3A_263 : vector<16xf32>
        %add3A_265 = arith.addf %gather3A_257, %max3A_264 : vector<16xf32>
        %jit3A_266 = arith.constant 0.000000e+00 : f32
        %broadcast_in_dim3A_267 = vector.broadcast %jit3A_266 : f32 to vector<16xf32>
        %select_n3A_268 = arith.select %ne3A_260, %add3A_265, %broadcast_in_dim3A_267 : vector<16xi1>, vector<16xf32>
        %add3A_269 = arith.addf %add3A_265, %select_n3A_268 : vector<16xf32>
        %add3A_270 = arith.constant 64 : i32
        %add3A_271 = arith.addi %mul3A_132, %add3A_270 : i32
        %get3A_272 = arith.index_cast %add3A_271 : i32 to index
        %get3A_273 = tpu.vector_load %arg8[%get3A_272] {strides = array<i32>} : memref<10000xf32, #tpu.memory_space<vmem>>, vector<16xf32>,
        %add3A_274 = arith.constant 64 : i32
        %add3A_275 = arith.addi %mul3A_132, %add3A_274 : i32
        %get3A_276 = arith.index_cast %add3A_275 : i32 to index
        %get3A_277 = tpu.vector_load %arg10[%get3A_276] {strides = array<i32>} : memref<10000xi32, #tpu.memory_space<vmem>>, vector<16xi32>,
        %neg3A_278 = arith.constant 0.000000e+00 : f32
        %neg3A_279 = vector.broadcast %neg3A_278 : f32 to vector<16xf32>
        %neg3A_280 = arith.subf %neg3A_279, %get3A_273 : vector<16xf32>
        %abs3A_281 = math.absf %get3A_273 : vector<16xf32>
        %mul3A_282 = arith.constant 2.560000e+02 : f32
        %mul3A_283 = vector.broadcast %mul3A_282 : f32 to vector<16xf32>
        %mul3A_284 = arith.mulf %abs3A_281, %mul3A_283 : vector<16xf32>
        %min3A_285 = arith.constant 4.095000e+03 : f32
        %min3A_286 = vector.broadcast %min3A_285 : f32 to vector<16xf32>
        %min3A_287 = arith.minimumf %mul3A_284, %min3A_286 : vector<16xf32>
        %convert_element_type3A_288 = arith.fptosi %min3A_287 : vector<16xf32> to vector<16xi32>
        %gather3A_289 = tpu.vector_load_idx %arg16[%convert_element_type3A_288] : memref<4096xf32, #tpu.memory_space<vmem>>[vector<16xi32>], vector<16xf32>,
        %ne3A_290 = arith.constant 0 : i32
        %ne3A_291 = vector.broadcast %ne3A_290 : i32 to vector<16xi32>
        %ne3A_292 = arith.cmpi ne, %get3A_277, %ne3A_291 : vector<16xi32>
        %select_n3A_293 = arith.select %ne3A_292, %neg3A_280, %get3A_273 : vector<16xi1>, vector<16xf32>
        %max3A_294 = arith.constant 0.000000e+00 : f32
        %max3A_295 = vector.broadcast %max3A_294 : f32 to vector<16xf32>
        %max3A_296 = arith.maximumf %select_n3A_293, %max3A_295 : vector<16xf32>
        %add3A_297 = arith.addf %gather3A_289, %max3A_296 : vector<16xf32>
        %jit3A_298 = arith.constant 0.000000e+00 : f32
        %broadcast_in_dim3A_299 = vector.broadcast %jit3A_298 : f32 to vector<16xf32>
        %select_n3A_300 = arith.select %ne3A_292, %add3A_297, %broadcast_in_dim3A_299 : vector<16xi1>, vector<16xf32>
        %add3A_301 = arith.addf %add3A_297, %select_n3A_300 : vector<16xf32>
        %add3A_302 = arith.constant 80 : i32
        %add3A_303 = arith.addi %mul3A_132, %add3A_302 : i32
        %get3A_304 = arith.index_cast %add3A_303 : i32 to index
        %get3A_305 = tpu.vector_load %arg8[%get3A_304] {strides = array<i32>} : memref<10000xf32, #tpu.memory_space<vmem>>, vector<16xf32>,
        %add3A_306 = arith.constant 80 : i32
        %add3A_307 = arith.addi %mul3A_132, %add3A_306 : i32
        %get3A_308 = arith.index_cast %add3A_307 : i32 to index
        %get3A_309 = tpu.vector_load %arg10[%get3A_308] {strides = array<i32>} : memref<10000xi32, #tpu.memory_space<vmem>>, vector<16xi32>,
        %neg3A_310 = arith.constant 0.000000e+00 : f32
        %neg3A_311 = vector.broadcast %neg3A_310 : f32 to vector<16xf32>
        %neg3A_312 = arith.subf %neg3A_311, %get3A_305 : vector<16xf32>
        %abs3A_313 = math.absf %get3A_305 : vector<16xf32>
        %mul3A_314 = arith.constant 2.560000e+02 : f32
        %mul3A_315 = vector.broadcast %mul3A_314 : f32 to vector<16xf32>
        %mul3A_316 = arith.mulf %abs3A_313, %mul3A_315 : vector<16xf32>
        %min3A_317 = arith.constant 4.095000e+03 : f32
        %min3A_318 = vector.broadcast %min3A_317 : f32 to vector<16xf32>
        %min3A_319 = arith.minimumf %mul3A_316, %min3A_318 : vector<16xf32>
        %convert_element_type3A_320 = arith.fptosi %min3A_319 : vector<16xf32> to vector<16xi32>
        %gather3A_321 = tpu.vector_load_idx %arg16[%convert_element_type3A_320] : memref<4096xf32, #tpu.memory_space<vmem>>[vector<16xi32>], vector<16xf32>,
        %ne3A_322 = arith.constant 0 : i32
        %ne3A_323 = vector.broadcast %ne3A_322 : i32 to vector<16xi32>
        %ne3A_324 = arith.cmpi ne, %get3A_309, %ne3A_323 : vector<16xi32>
        %select_n3A_325 = arith.select %ne3A_324, %neg3A_312, %get3A_305 : vector<16xi1>, vector<16xf32>
        %max3A_326 = arith.constant 0.000000e+00 : f32
        %max3A_327 = vector.broadcast %max3A_326 : f32 to vector<16xf32>
        %max3A_328 = arith.maximumf %select_n3A_325, %max3A_327 : vector<16xf32>
        %add3A_329 = arith.addf %gather3A_321, %max3A_328 : vector<16xf32>
        %jit3A_330 = arith.constant 0.000000e+00 : f32
        %broadcast_in_dim3A_331 = vector.broadcast %jit3A_330 : f32 to vector<16xf32>
        %select_n3A_332 = arith.select %ne3A_324, %add3A_329, %broadcast_in_dim3A_331 : vector<16xi1>, vector<16xf32>
        %add3A_333 = arith.addf %add3A_329, %select_n3A_332 : vector<16xf32>
        %add3A_334 = arith.constant 96 : i32
        %add3A_335 = arith.addi %mul3A_132, %add3A_334 : i32
        %get3A_336 = arith.index_cast %add3A_335 : i32 to index
        %get3A_337 = tpu.vector_load %arg8[%get3A_336] {strides = array<i32>} : memref<10000xf32, #tpu.memory_space<vmem>>, vector<16xf32>,
        %add3A_338 = arith.constant 96 : i32
        %add3A_339 = arith.addi %mul3A_132, %add3A_338 : i32
        %get3A_340 = arith.index_cast %add3A_339 : i32 to index
        %get3A_341 = tpu.vector_load %arg10[%get3A_340] {strides = array<i32>} : memref<10000xi32, #tpu.memory_space<vmem>>, vector<16xi32>,
        %neg3A_342 = arith.constant 0.000000e+00 : f32
        %neg3A_343 = vector.broadcast %neg3A_342 : f32 to vector<16xf32>
        %neg3A_344 = arith.subf %neg3A_343, %get3A_337 : vector<16xf32>
        %abs3A_345 = math.absf %get3A_337 : vector<16xf32>
        %mul3A_346 = arith.constant 2.560000e+02 : f32
        %mul3A_347 = vector.broadcast %mul3A_346 : f32 to vector<16xf32>
        %mul3A_348 = arith.mulf %abs3A_345, %mul3A_347 : vector<16xf32>
        %min3A_349 = arith.constant 4.095000e+03 : f32
        %min3A_350 = vector.broadcast %min3A_349 : f32 to vector<16xf32>
        %min3A_351 = arith.minimumf %mul3A_348, %min3A_350 : vector<16xf32>
        %convert_element_type3A_352 = arith.fptosi %min3A_351 : vector<16xf32> to vector<16xi32>
        %gather3A_353 = tpu.vector_load_idx %arg16[%convert_element_type3A_352] : memref<4096xf32, #tpu.memory_space<vmem>>[vector<16xi32>], vector<16xf32>,
        %ne3A_354 = arith.constant 0 : i32
        %ne3A_355 = vector.broadcast %ne3A_354 : i32 to vector<16xi32>
        %ne3A_356 = arith.cmpi ne, %get3A_341, %ne3A_355 : vector<16xi32>
        %select_n3A_357 = arith.select %ne3A_356, %neg3A_344, %get3A_337 : vector<16xi1>, vector<16xf32>
        %max3A_358 = arith.constant 0.000000e+00 : f32
        %max3A_359 = vector.broadcast %max3A_358 : f32 to vector<16xf32>
        %max3A_360 = arith.maximumf %select_n3A_357, %max3A_359 : vector<16xf32>
        %add3A_361 = arith.addf %gather3A_353, %max3A_360 : vector<16xf32>
        %jit3A_362 = arith.constant 0.000000e+00 : f32
        %broadcast_in_dim3A_363 = vector.broadcast %jit3A_362 : f32 to vector<16xf32>
        %select_n3A_364 = arith.select %ne3A_356, %add3A_361, %broadcast_in_dim3A_363 : vector<16xi1>, vector<16xf32>
        %add3A_365 = arith.addf %add3A_361, %select_n3A_364 : vector<16xf32>
        %add3A_366 = arith.constant 112 : i32
        %add3A_367 = arith.addi %mul3A_132, %add3A_366 : i32
        %get3A_368 = arith.index_cast %add3A_367 : i32 to index
        %get3A_369 = tpu.vector_load %arg8[%get3A_368] {strides = array<i32>} : memref<10000xf32, #tpu.memory_space<vmem>>, vector<16xf32>,
        %add3A_370 = arith.constant 112 : i32
        %add3A_371 = arith.addi %mul3A_132, %add3A_370 : i32
        %get3A_372 = arith.index_cast %add3A_371 : i32 to index
        %get3A_373 = tpu.vector_load %arg10[%get3A_372] {strides = array<i32>} : memref<10000xi32, #tpu.memory_space<vmem>>, vector<16xi32>,
        %neg3A_374 = arith.constant 0.000000e+00 : f32
        %neg3A_375 = vector.broadcast %neg3A_374 : f32 to vector<16xf32>
        %neg3A_376 = arith.subf %neg3A_375, %get3A_369 : vector<16xf32>
        %abs3A_377 = math.absf %get3A_369 : vector<16xf32>
        %mul3A_378 = arith.constant 2.560000e+02 : f32
        %mul3A_379 = vector.broadcast %mul3A_378 : f32 to vector<16xf32>
        %mul3A_380 = arith.mulf %abs3A_377, %mul3A_379 : vector<16xf32>
        %min3A_381 = arith.constant 4.095000e+03 : f32
        %min3A_382 = vector.broadcast %min3A_381 : f32 to vector<16xf32>
        %min3A_383 = arith.minimumf %mul3A_380, %min3A_382 : vector<16xf32>
        %convert_element_type3A_384 = arith.fptosi %min3A_383 : vector<16xf32> to vector<16xi32>
        %gather3A_385 = tpu.vector_load_idx %arg16[%convert_element_type3A_384] : memref<4096xf32, #tpu.memory_space<vmem>>[vector<16xi32>], vector<16xf32>,
        %ne3A_386 = arith.constant 0 : i32
        %ne3A_387 = vector.broadcast %ne3A_386 : i32 to vector<16xi32>
        %ne3A_388 = arith.cmpi ne, %get3A_373, %ne3A_387 : vector<16xi32>
        %select_n3A_389 = arith.select %ne3A_388, %neg3A_376, %get3A_369 : vector<16xi1>, vector<16xf32>
        %max3A_390 = arith.constant 0.000000e+00 : f32
        %max3A_391 = vector.broadcast %max3A_390 : f32 to vector<16xf32>
        %max3A_392 = arith.maximumf %select_n3A_389, %max3A_391 : vector<16xf32>
        %add3A_393 = arith.addf %gather3A_385, %max3A_392 : vector<16xf32>
        %jit3A_394 = arith.constant 0.000000e+00 : f32
        %broadcast_in_dim3A_395 = vector.broadcast %jit3A_394 : f32 to vector<16xf32>
        %select_n3A_396 = arith.select %ne3A_388, %add3A_393, %broadcast_in_dim3A_395 : vector<16xi1>, vector<16xf32>
        %add3A_397 = arith.addf %add3A_393, %select_n3A_396 : vector<16xf32>
        %add3A_398 = arith.constant 128 : i32
        %add3A_399 = arith.addi %mul3A_132, %add3A_398 : i32
        %get3A_400 = arith.index_cast %add3A_399 : i32 to index
        %get3A_401 = tpu.vector_load %arg8[%get3A_400] {strides = array<i32>} : memref<10000xf32, #tpu.memory_space<vmem>>, vector<16xf32>,
        %add3A_402 = arith.constant 128 : i32
        %add3A_403 = arith.addi %mul3A_132, %add3A_402 : i32
        %get3A_404 = arith.index_cast %add3A_403 : i32 to index
        %get3A_405 = tpu.vector_load %arg10[%get3A_404] {strides = array<i32>} : memref<10000xi32, #tpu.memory_space<vmem>>, vector<16xi32>,
        %neg3A_406 = arith.constant 0.000000e+00 : f32
        %neg3A_407 = vector.broadcast %neg3A_406 : f32 to vector<16xf32>
        %neg3A_408 = arith.subf %neg3A_407, %get3A_401 : vector<16xf32>
        %abs3A_409 = math.absf %get3A_401 : vector<16xf32>
        %mul3A_410 = arith.constant 2.560000e+02 : f32
        %mul3A_411 = vector.broadcast %mul3A_410 : f32 to vector<16xf32>
        %mul3A_412 = arith.mulf %abs3A_409, %mul3A_411 : vector<16xf32>
        %min3A_413 = arith.constant 4.095000e+03 : f32
        %min3A_414 = vector.broadcast %min3A_413 : f32 to vector<16xf32>
        %min3A_415 = arith.minimumf %mul3A_412, %min3A_414 : vector<16xf32>
        %convert_element_type3A_416 = arith.fptosi %min3A_415 : vector<16xf32> to vector<16xi32>
        %gather3A_417 = tpu.vector_load_idx %arg16[%convert_element_type3A_416] : memref<4096xf32, #tpu.memory_space<vmem>>[vector<16xi32>], vector<16xf32>,
        %ne3A_418 = arith.constant 0 : i32
        %ne3A_419 = vector.broadcast %ne3A_418 : i32 to vector<16xi32>
        %ne3A_420 = arith.cmpi ne, %get3A_405, %ne3A_419 : vector<16xi32>
        %select_n3A_421 = arith.select %ne3A_420, %neg3A_408, %get3A_401 : vector<16xi1>, vector<16xf32>
        %max3A_422 = arith.constant 0.000000e+00 : f32
        %max3A_423 = vector.broadcast %max3A_422 : f32 to vector<16xf32>
        %max3A_424 = arith.maximumf %select_n3A_421, %max3A_423 : vector<16xf32>
        %add3A_425 = arith.addf %gather3A_417, %max3A_424 : vector<16xf32>
        %jit3A_426 = arith.constant 0.000000e+00 : f32
        %broadcast_in_dim3A_427 = vector.broadcast %jit3A_426 : f32 to vector<16xf32>
        %select_n3A_428 = arith.select %ne3A_420, %add3A_425, %broadcast_in_dim3A_427 : vector<16xi1>, vector<16xf32>
        %add3A_429 = arith.addf %add3A_425, %select_n3A_428 : vector<16xf32>
        %add3A_430 = arith.constant 144 : i32
        %add3A_431 = arith.addi %mul3A_132, %add3A_430 : i32
        %get3A_432 = arith.index_cast %add3A_431 : i32 to index
        %get3A_433 = tpu.vector_load %arg8[%get3A_432] {strides = array<i32>} : memref<10000xf32, #tpu.memory_space<vmem>>, vector<16xf32>,
        %add3A_434 = arith.constant 144 : i32
        %add3A_435 = arith.addi %mul3A_132, %add3A_434 : i32
        %get3A_436 = arith.index_cast %add3A_435 : i32 to index
        %get3A_437 = tpu.vector_load %arg10[%get3A_436] {strides = array<i32>} : memref<10000xi32, #tpu.memory_space<vmem>>, vector<16xi32>,
        %neg3A_438 = arith.constant 0.000000e+00 : f32
        %neg3A_439 = vector.broadcast %neg3A_438 : f32 to vector<16xf32>
        %neg3A_440 = arith.subf %neg3A_439, %get3A_433 : vector<16xf32>
        %abs3A_441 = math.absf %get3A_433 : vector<16xf32>
        %mul3A_442 = arith.constant 2.560000e+02 : f32
        %mul3A_443 = vector.broadcast %mul3A_442 : f32 to vector<16xf32>
        %mul3A_444 = arith.mulf %abs3A_441, %mul3A_443 : vector<16xf32>
        %min3A_445 = arith.constant 4.095000e+03 : f32
        %min3A_446 = vector.broadcast %min3A_445 : f32 to vector<16xf32>
        %min3A_447 = arith.minimumf %mul3A_444, %min3A_446 : vector<16xf32>
        %convert_element_type3A_448 = arith.fptosi %min3A_447 : vector<16xf32> to vector<16xi32>
        %gather3A_449 = tpu.vector_load_idx %arg16[%convert_element_type3A_448] : memref<4096xf32, #tpu.memory_space<vmem>>[vector<16xi32>], vector<16xf32>,
        %ne3A_450 = arith.constant 0 : i32
        %ne3A_451 = vector.broadcast %ne3A_450 : i32 to vector<16xi32>
        %ne3A_452 = arith.cmpi ne, %get3A_437, %ne3A_451 : vector<16xi32>
        %select_n3A_453 = arith.select %ne3A_452, %neg3A_440, %get3A_433 : vector<16xi1>, vector<16xf32>
        %max3A_454 = arith.constant 0.000000e+00 : f32
        %max3A_455 = vector.broadcast %max3A_454 : f32 to vector<16xf32>
        %max3A_456 = arith.maximumf %select_n3A_453, %max3A_455 : vector<16xf32>
        %add3A_457 = arith.addf %gather3A_449, %max3A_456 : vector<16xf32>
        %jit3A_458 = arith.constant 0.000000e+00 : f32
        %broadcast_in_dim3A_459 = vector.broadcast %jit3A_458 : f32 to vector<16xf32>
        %select_n3A_460 = arith.select %ne3A_452, %add3A_457, %broadcast_in_dim3A_459 : vector<16xi1>, vector<16xf32>
        %add3A_461 = arith.addf %add3A_457, %select_n3A_460 : vector<16xf32>
        %add3A_462 = arith.constant 160 : i32
        %add3A_463 = arith.addi %mul3A_132, %add3A_462 : i32
        %get3A_464 = arith.index_cast %add3A_463 : i32 to index
        %get3A_465 = tpu.vector_load %arg8[%get3A_464] {strides = array<i32>} : memref<10000xf32, #tpu.memory_space<vmem>>, vector<16xf32>,
        %add3A_466 = arith.constant 160 : i32
        %add3A_467 = arith.addi %mul3A_132, %add3A_466 : i32
        %get3A_468 = arith.index_cast %add3A_467 : i32 to index
        %get3A_469 = tpu.vector_load %arg10[%get3A_468] {strides = array<i32>} : memref<10000xi32, #tpu.memory_space<vmem>>, vector<16xi32>,
        %neg3A_470 = arith.constant 0.000000e+00 : f32
        %neg3A_471 = vector.broadcast %neg3A_470 : f32 to vector<16xf32>
        %neg3A_472 = arith.subf %neg3A_471, %get3A_465 : vector<16xf32>
        %abs3A_473 = math.absf %get3A_465 : vector<16xf32>
        %mul3A_474 = arith.constant 2.560000e+02 : f32
        %mul3A_475 = vector.broadcast %mul3A_474 : f32 to vector<16xf32>
        %mul3A_476 = arith.mulf %abs3A_473, %mul3A_475 : vector<16xf32>
        %min3A_477 = arith.constant 4.095000e+03 : f32
        %min3A_478 = vector.broadcast %min3A_477 : f32 to vector<16xf32>
        %min3A_479 = arith.minimumf %mul3A_476, %min3A_478 : vector<16xf32>
        %convert_element_type3A_480 = arith.fptosi %min3A_479 : vector<16xf32> to vector<16xi32>
        %gather3A_481 = tpu.vector_load_idx %arg16[%convert_element_type3A_480] : memref<4096xf32, #tpu.memory_space<vmem>>[vector<16xi32>], vector<16xf32>,
        %ne3A_482 = arith.constant 0 : i32
        %ne3A_483 = vector.broadcast %ne3A_482 : i32 to vector<16xi32>
        %ne3A_484 = arith.cmpi ne, %get3A_469, %ne3A_483 : vector<16xi32>
        %select_n3A_485 = arith.select %ne3A_484, %neg3A_472, %get3A_465 : vector<16xi1>, vector<16xf32>
        %max3A_486 = arith.constant 0.000000e+00 : f32
        %max3A_487 = vector.broadcast %max3A_486 : f32 to vector<16xf32>
        %max3A_488 = arith.maximumf %select_n3A_485, %max3A_487 : vector<16xf32>
        %add3A_489 = arith.addf %gather3A_481, %max3A_488 : vector<16xf32>
        %jit3A_490 = arith.constant 0.000000e+00 : f32
        %broadcast_in_dim3A_491 = vector.broadcast %jit3A_490 : f32 to vector<16xf32>
        %select_n3A_492 = arith.select %ne3A_484, %add3A_489, %broadcast_in_dim3A_491 : vector<16xi1>, vector<16xf32>
        %add3A_493 = arith.addf %add3A_489, %select_n3A_492 : vector<16xf32>
        %add3A_494 = arith.constant 176 : i32
        %add3A_495 = arith.addi %mul3A_132, %add3A_494 : i32
        %get3A_496 = arith.index_cast %add3A_495 : i32 to index
        %get3A_497 = tpu.vector_load %arg8[%get3A_496] {strides = array<i32>} : memref<10000xf32, #tpu.memory_space<vmem>>, vector<16xf32>,
        %add3A_498 = arith.constant 176 : i32
        %add3A_499 = arith.addi %mul3A_132, %add3A_498 : i32
        %get3A_500 = arith.index_cast %add3A_499 : i32 to index
        %get3A_501 = tpu.vector_load %arg10[%get3A_500] {strides = array<i32>} : memref<10000xi32, #tpu.memory_space<vmem>>, vector<16xi32>,
        %neg3A_502 = arith.constant 0.000000e+00 : f32
        %neg3A_503 = vector.broadcast %neg3A_502 : f32 to vector<16xf32>
        %neg3A_504 = arith.subf %neg3A_503, %get3A_497 : vector<16xf32>
        %abs3A_505 = math.absf %get3A_497 : vector<16xf32>
        %mul3A_506 = arith.constant 2.560000e+02 : f32
        %mul3A_507 = vector.broadcast %mul3A_506 : f32 to vector<16xf32>
        %mul3A_508 = arith.mulf %abs3A_505, %mul3A_507 : vector<16xf32>
        %min3A_509 = arith.constant 4.095000e+03 : f32
        %min3A_510 = vector.broadcast %min3A_509 : f32 to vector<16xf32>
        %min3A_511 = arith.minimumf %mul3A_508, %min3A_510 : vector<16xf32>
        %convert_element_type3A_512 = arith.fptosi %min3A_511 : vector<16xf32> to vector<16xi32>
        %gather3A_513 = tpu.vector_load_idx %arg16[%convert_element_type3A_512] : memref<4096xf32, #tpu.memory_space<vmem>>[vector<16xi32>], vector<16xf32>,
        %ne3A_514 = arith.constant 0 : i32
        %ne3A_515 = vector.broadcast %ne3A_514 : i32 to vector<16xi32>
        %ne3A_516 = arith.cmpi ne, %get3A_501, %ne3A_515 : vector<16xi32>
        %select_n3A_517 = arith.select %ne3A_516, %neg3A_504, %get3A_497 : vector<16xi1>, vector<16xf32>
        %max3A_518 = arith.constant 0.000000e+00 : f32
        %max3A_519 = vector.broadcast %max3A_518 : f32 to vector<16xf32>
        %max3A_520 = arith.maximumf %select_n3A_517, %max3A_519 : vector<16xf32>
        %add3A_521 = arith.addf %gather3A_513, %max3A_520 : vector<16xf32>
        %jit3A_522 = arith.constant 0.000000e+00 : f32
        %broadcast_in_dim3A_523 = vector.broadcast %jit3A_522 : f32 to vector<16xf32>
        %select_n3A_524 = arith.select %ne3A_516, %add3A_521, %broadcast_in_dim3A_523 : vector<16xi1>, vector<16xf32>
        %add3A_525 = arith.addf %add3A_521, %select_n3A_524 : vector<16xf32>
        %add3A_526 = arith.constant 192 : i32
        %add3A_527 = arith.addi %mul3A_132, %add3A_526 : i32
        %get3A_528 = arith.index_cast %add3A_527 : i32 to index
        %get3A_529 = tpu.vector_load %arg8[%get3A_528] {strides = array<i32>} : memref<10000xf32, #tpu.memory_space<vmem>>, vector<16xf32>,
        %add3A_530 = arith.constant 192 : i32
        %add3A_531 = arith.addi %mul3A_132, %add3A_530 : i32
        %get3A_532 = arith.index_cast %add3A_531 : i32 to index
        %get3A_533 = tpu.vector_load %arg10[%get3A_532] {strides = array<i32>} : memref<10000xi32, #tpu.memory_space<vmem>>, vector<16xi32>,
        %neg3A_534 = arith.constant 0.000000e+00 : f32
        %neg3A_535 = vector.broadcast %neg3A_534 : f32 to vector<16xf32>
        %neg3A_536 = arith.subf %neg3A_535, %get3A_529 : vector<16xf32>
        %abs3A_537 = math.absf %get3A_529 : vector<16xf32>
        %mul3A_538 = arith.constant 2.560000e+02 : f32
        %mul3A_539 = vector.broadcast %mul3A_538 : f32 to vector<16xf32>
        %mul3A_540 = arith.mulf %abs3A_537, %mul3A_539 : vector<16xf32>
        %min3A_541 = arith.constant 4.095000e+03 : f32
        %min3A_542 = vector.broadcast %min3A_541 : f32 to vector<16xf32>
        %min3A_543 = arith.minimumf %mul3A_540, %min3A_542 : vector<16xf32>
        %convert_element_type3A_544 = arith.fptosi %min3A_543 : vector<16xf32> to vector<16xi32>
        %gather3A_545 = tpu.vector_load_idx %arg16[%convert_element_type3A_544] : memref<4096xf32, #tpu.memory_space<vmem>>[vector<16xi32>], vector<16xf32>,
        %ne3A_546 = arith.constant 0 : i32
        %ne3A_547 = vector.broadcast %ne3A_546 : i32 to vector<16xi32>
        %ne3A_548 = arith.cmpi ne, %get3A_533, %ne3A_547 : vector<16xi32>
        %select_n3A_549 = arith.select %ne3A_548, %neg3A_536, %get3A_529 : vector<16xi1>, vector<16xf32>
        %max3A_550 = arith.constant 0.000000e+00 : f32
        %max3A_551 = vector.broadcast %max3A_550 : f32 to vector<16xf32>
        %max3A_552 = arith.maximumf %select_n3A_549, %max3A_551 : vector<16xf32>
        %add3A_553 = arith.addf %gather3A_545, %max3A_552 : vector<16xf32>
        %jit3A_554 = arith.constant 0.000000e+00 : f32
        %broadcast_in_dim3A_555 = vector.broadcast %jit3A_554 : f32 to vector<16xf32>
        %select_n3A_556 = arith.select %ne3A_548, %add3A_553, %broadcast_in_dim3A_555 : vector<16xi1>, vector<16xf32>
        %add3A_557 = arith.addf %add3A_553, %select_n3A_556 : vector<16xf32>
        %add3A_558 = arith.constant 208 : i32
        %add3A_559 = arith.addi %mul3A_132, %add3A_558 : i32
        %get3A_560 = arith.index_cast %add3A_559 : i32 to index
        %get3A_561 = tpu.vector_load %arg8[%get3A_560] {strides = array<i32>} : memref<10000xf32, #tpu.memory_space<vmem>>, vector<16xf32>,
        %add3A_562 = arith.constant 208 : i32
        %add3A_563 = arith.addi %mul3A_132, %add3A_562 : i32
        %get3A_564 = arith.index_cast %add3A_563 : i32 to index
        %get3A_565 = tpu.vector_load %arg10[%get3A_564] {strides = array<i32>} : memref<10000xi32, #tpu.memory_space<vmem>>, vector<16xi32>,
        %neg3A_566 = arith.constant 0.000000e+00 : f32
        %neg3A_567 = vector.broadcast %neg3A_566 : f32 to vector<16xf32>
        %neg3A_568 = arith.subf %neg3A_567, %get3A_561 : vector<16xf32>
        %abs3A_569 = math.absf %get3A_561 : vector<16xf32>
        %mul3A_570 = arith.constant 2.560000e+02 : f32
        %mul3A_571 = vector.broadcast %mul3A_570 : f32 to vector<16xf32>
        %mul3A_572 = arith.mulf %abs3A_569, %mul3A_571 : vector<16xf32>
        %min3A_573 = arith.constant 4.095000e+03 : f32
        %min3A_574 = vector.broadcast %min3A_573 : f32 to vector<16xf32>
        %min3A_575 = arith.minimumf %mul3A_572, %min3A_574 : vector<16xf32>
        %convert_element_type3A_576 = arith.fptosi %min3A_575 : vector<16xf32> to vector<16xi32>
        %gather3A_577 = tpu.vector_load_idx %arg16[%convert_element_type3A_576] : memref<4096xf32, #tpu.memory_space<vmem>>[vector<16xi32>], vector<16xf32>,
        %ne3A_578 = arith.constant 0 : i32
        %ne3A_579 = vector.broadcast %ne3A_578 : i32 to vector<16xi32>
        %ne3A_580 = arith.cmpi ne, %get3A_565, %ne3A_579 : vector<16xi32>
        %select_n3A_581 = arith.select %ne3A_580, %neg3A_568, %get3A_561 : vector<16xi1>, vector<16xf32>
        %max3A_582 = arith.constant 0.000000e+00 : f32
        %max3A_583 = vector.broadcast %max3A_582 : f32 to vector<16xf32>
        %max3A_584 = arith.maximumf %select_n3A_581, %max3A_583 : vector<16xf32>
        %add3A_585 = arith.addf %gather3A_577, %max3A_584 : vector<16xf32>
        %jit3A_586 = arith.constant 0.000000e+00 : f32
        %broadcast_in_dim3A_587 = vector.broadcast %jit3A_586 : f32 to vector<16xf32>
        %select_n3A_588 = arith.select %ne3A_580, %add3A_585, %broadcast_in_dim3A_587 : vector<16xi1>, vector<16xf32>
        %add3A_589 = arith.addf %add3A_585, %select_n3A_588 : vector<16xf32>
        %add3A_590 = arith.constant 224 : i32
        %add3A_591 = arith.addi %mul3A_132, %add3A_590 : i32
        %get3A_592 = arith.index_cast %add3A_591 : i32 to index
        %get3A_593 = tpu.vector_load %arg8[%get3A_592] {strides = array<i32>} : memref<10000xf32, #tpu.memory_space<vmem>>, vector<16xf32>,
        %add3A_594 = arith.constant 224 : i32
        %add3A_595 = arith.addi %mul3A_132, %add3A_594 : i32
        %get3A_596 = arith.index_cast %add3A_595 : i32 to index
        %get3A_597 = tpu.vector_load %arg10[%get3A_596] {strides = array<i32>} : memref<10000xi32, #tpu.memory_space<vmem>>, vector<16xi32>,
        %neg3A_598 = arith.constant 0.000000e+00 : f32
        %neg3A_599 = vector.broadcast %neg3A_598 : f32 to vector<16xf32>
        %neg3A_600 = arith.subf %neg3A_599, %get3A_593 : vector<16xf32>
        %abs3A_601 = math.absf %get3A_593 : vector<16xf32>
        %mul3A_602 = arith.constant 2.560000e+02 : f32
        %mul3A_603 = vector.broadcast %mul3A_602 : f32 to vector<16xf32>
        %mul3A_604 = arith.mulf %abs3A_601, %mul3A_603 : vector<16xf32>
        %min3A_605 = arith.constant 4.095000e+03 : f32
        %min3A_606 = vector.broadcast %min3A_605 : f32 to vector<16xf32>
        %min3A_607 = arith.minimumf %mul3A_604, %min3A_606 : vector<16xf32>
        %convert_element_type3A_608 = arith.fptosi %min3A_607 : vector<16xf32> to vector<16xi32>
        %gather3A_609 = tpu.vector_load_idx %arg16[%convert_element_type3A_608] : memref<4096xf32, #tpu.memory_space<vmem>>[vector<16xi32>], vector<16xf32>,
        %ne3A_610 = arith.constant 0 : i32
        %ne3A_611 = vector.broadcast %ne3A_610 : i32 to vector<16xi32>
        %ne3A_612 = arith.cmpi ne, %get3A_597, %ne3A_611 : vector<16xi32>
        %select_n3A_613 = arith.select %ne3A_612, %neg3A_600, %get3A_593 : vector<16xi1>, vector<16xf32>
        %max3A_614 = arith.constant 0.000000e+00 : f32
        %max3A_615 = vector.broadcast %max3A_614 : f32 to vector<16xf32>
        %max3A_616 = arith.maximumf %select_n3A_613, %max3A_615 : vector<16xf32>
        %add3A_617 = arith.addf %gather3A_609, %max3A_616 : vector<16xf32>
        %jit3A_618 = arith.constant 0.000000e+00 : f32
        %broadcast_in_dim3A_619 = vector.broadcast %jit3A_618 : f32 to vector<16xf32>
        %select_n3A_620 = arith.select %ne3A_612, %add3A_617, %broadcast_in_dim3A_619 : vector<16xi1>, vector<16xf32>
        %add3A_621 = arith.addf %add3A_617, %select_n3A_620 : vector<16xf32>
        %add3A_622 = arith.constant 240 : i32
        %add3A_623 = arith.addi %mul3A_132, %add3A_622 : i32
        %get3A_624 = arith.index_cast %add3A_623 : i32 to index
        %get3A_625 = tpu.vector_load %arg8[%get3A_624] {strides = array<i32>} : memref<10000xf32, #tpu.memory_space<vmem>>, vector<16xf32>,
        %add3A_626 = arith.constant 240 : i32
        %add3A_627 = arith.addi %mul3A_132, %add3A_626 : i32
        %get3A_628 = arith.index_cast %add3A_627 : i32 to index
        %get3A_629 = tpu.vector_load %arg10[%get3A_628] {strides = array<i32>} : memref<10000xi32, #tpu.memory_space<vmem>>, vector<16xi32>,
        %neg3A_630 = arith.constant 0.000000e+00 : f32
        %neg3A_631 = vector.broadcast %neg3A_630 : f32 to vector<16xf32>
        %neg3A_632 = arith.subf %neg3A_631, %get3A_625 : vector<16xf32>
        %abs3A_633 = math.absf %get3A_625 : vector<16xf32>
        %mul3A_634 = arith.constant 2.560000e+02 : f32
        %mul3A_635 = vector.broadcast %mul3A_634 : f32 to vector<16xf32>
        %mul3A_636 = arith.mulf %abs3A_633, %mul3A_635 : vector<16xf32>
        %min3A_637 = arith.constant 4.095000e+03 : f32
        %min3A_638 = vector.broadcast %min3A_637 : f32 to vector<16xf32>
        %min3A_639 = arith.minimumf %mul3A_636, %min3A_638 : vector<16xf32>
        %convert_element_type3A_640 = arith.fptosi %min3A_639 : vector<16xf32> to vector<16xi32>
        %gather3A_641 = tpu.vector_load_idx %arg16[%convert_element_type3A_640] : memref<4096xf32, #tpu.memory_space<vmem>>[vector<16xi32>], vector<16xf32>,
        %ne3A_642 = arith.constant 0 : i32
        %ne3A_643 = vector.broadcast %ne3A_642 : i32 to vector<16xi32>
        %ne3A_644 = arith.cmpi ne, %get3A_629, %ne3A_643 : vector<16xi32>
        %select_n3A_645 = arith.select %ne3A_644, %neg3A_632, %get3A_625 : vector<16xi1>, vector<16xf32>
        %max3A_646 = arith.constant 0.000000e+00 : f32
        %max3A_647 = vector.broadcast %max3A_646 : f32 to vector<16xf32>
        %max3A_648 = arith.maximumf %select_n3A_645, %max3A_647 : vector<16xf32>
        %add3A_649 = arith.addf %gather3A_641, %max3A_648 : vector<16xf32>
        %jit3A_650 = arith.constant 0.000000e+00 : f32
        %broadcast_in_dim3A_651 = vector.broadcast %jit3A_650 : f32 to vector<16xf32>
        %select_n3A_652 = arith.select %ne3A_644, %add3A_649, %broadcast_in_dim3A_651 : vector<16xi1>, vector<16xf32>
        %add3A_653 = arith.addf %add3A_649, %select_n3A_652 : vector<16xf32>
        %add3A_654 = arith.constant 256 : i32
        %add3A_655 = arith.addi %mul3A_132, %add3A_654 : i32
        %get3A_656 = arith.index_cast %add3A_655 : i32 to index
        %get3A_657 = tpu.vector_load %arg8[%get3A_656] {strides = array<i32>} : memref<10000xf32, #tpu.memory_space<vmem>>, vector<16xf32>,
        %add3A_658 = arith.constant 256 : i32
        %add3A_659 = arith.addi %mul3A_132, %add3A_658 : i32
        %get3A_660 = arith.index_cast %add3A_659 : i32 to index
        %get3A_661 = tpu.vector_load %arg10[%get3A_660] {strides = array<i32>} : memref<10000xi32, #tpu.memory_space<vmem>>, vector<16xi32>,
        %neg3A_662 = arith.constant 0.000000e+00 : f32
        %neg3A_663 = vector.broadcast %neg3A_662 : f32 to vector<16xf32>
        %neg3A_664 = arith.subf %neg3A_663, %get3A_657 : vector<16xf32>
        %abs3A_665 = math.absf %get3A_657 : vector<16xf32>
        %mul3A_666 = arith.constant 2.560000e+02 : f32
        %mul3A_667 = vector.broadcast %mul3A_666 : f32 to vector<16xf32>
        %mul3A_668 = arith.mulf %abs3A_665, %mul3A_667 : vector<16xf32>
        %min3A_669 = arith.constant 4.095000e+03 : f32
        %min3A_670 = vector.broadcast %min3A_669 : f32 to vector<16xf32>
        %min3A_671 = arith.minimumf %mul3A_668, %min3A_670 : vector<16xf32>
        %convert_element_type3A_672 = arith.fptosi %min3A_671 : vector<16xf32> to vector<16xi32>
        %gather3A_673 = tpu.vector_load_idx %arg16[%convert_element_type3A_672] : memref<4096xf32, #tpu.memory_space<vmem>>[vector<16xi32>], vector<16xf32>,
        %ne3A_674 = arith.constant 0 : i32
        %ne3A_675 = vector.broadcast %ne3A_674 : i32 to vector<16xi32>
        %ne3A_676 = arith.cmpi ne, %get3A_661, %ne3A_675 : vector<16xi32>
        %select_n3A_677 = arith.select %ne3A_676, %neg3A_664, %get3A_657 : vector<16xi1>, vector<16xf32>
        %max3A_678 = arith.constant 0.000000e+00 : f32
        %max3A_679 = vector.broadcast %max3A_678 : f32 to vector<16xf32>
        %max3A_680 = arith.maximumf %select_n3A_677, %max3A_679 : vector<16xf32>
        %add3A_681 = arith.addf %gather3A_673, %max3A_680 : vector<16xf32>
        %jit3A_682 = arith.constant 0.000000e+00 : f32
        %broadcast_in_dim3A_683 = vector.broadcast %jit3A_682 : f32 to vector<16xf32>
        %select_n3A_684 = arith.select %ne3A_676, %add3A_681, %broadcast_in_dim3A_683 : vector<16xi1>, vector<16xf32>
        %add3A_685 = arith.addf %add3A_681, %select_n3A_684 : vector<16xf32>
        %add3A_686 = arith.constant 272 : i32
        %add3A_687 = arith.addi %mul3A_132, %add3A_686 : i32
        %get3A_688 = arith.index_cast %add3A_687 : i32 to index
        %get3A_689 = tpu.vector_load %arg8[%get3A_688] {strides = array<i32>} : memref<10000xf32, #tpu.memory_space<vmem>>, vector<16xf32>,
        %add3A_690 = arith.constant 272 : i32
        %add3A_691 = arith.addi %mul3A_132, %add3A_690 : i32
        %get3A_692 = arith.index_cast %add3A_691 : i32 to index
        %get3A_693 = tpu.vector_load %arg10[%get3A_692] {strides = array<i32>} : memref<10000xi32, #tpu.memory_space<vmem>>, vector<16xi32>,
        %neg3A_694 = arith.constant 0.000000e+00 : f32
        %neg3A_695 = vector.broadcast %neg3A_694 : f32 to vector<16xf32>
        %neg3A_696 = arith.subf %neg3A_695, %get3A_689 : vector<16xf32>
        %abs3A_697 = math.absf %get3A_689 : vector<16xf32>
        %mul3A_698 = arith.constant 2.560000e+02 : f32
        %mul3A_699 = vector.broadcast %mul3A_698 : f32 to vector<16xf32>
        %mul3A_700 = arith.mulf %abs3A_697, %mul3A_699 : vector<16xf32>
        %min3A_701 = arith.constant 4.095000e+03 : f32
        %min3A_702 = vector.broadcast %min3A_701 : f32 to vector<16xf32>
        %min3A_703 = arith.minimumf %mul3A_700, %min3A_702 : vector<16xf32>
        %convert_element_type3A_704 = arith.fptosi %min3A_703 : vector<16xf32> to vector<16xi32>
        %gather3A_705 = tpu.vector_load_idx %arg16[%convert_element_type3A_704] : memref<4096xf32, #tpu.memory_space<vmem>>[vector<16xi32>], vector<16xf32>,
        %ne3A_706 = arith.constant 0 : i32
        %ne3A_707 = vector.broadcast %ne3A_706 : i32 to vector<16xi32>
        %ne3A_708 = arith.cmpi ne, %get3A_693, %ne3A_707 : vector<16xi32>
        %select_n3A_709 = arith.select %ne3A_708, %neg3A_696, %get3A_689 : vector<16xi1>, vector<16xf32>
        %max3A_710 = arith.constant 0.000000e+00 : f32
        %max3A_711 = vector.broadcast %max3A_710 : f32 to vector<16xf32>
        %max3A_712 = arith.maximumf %select_n3A_709, %max3A_711 : vector<16xf32>
        %add3A_713 = arith.addf %gather3A_705, %max3A_712 : vector<16xf32>
        %jit3A_714 = arith.constant 0.000000e+00 : f32
        %broadcast_in_dim3A_715 = vector.broadcast %jit3A_714 : f32 to vector<16xf32>
        %select_n3A_716 = arith.select %ne3A_708, %add3A_713, %broadcast_in_dim3A_715 : vector<16xi1>, vector<16xf32>
        %add3A_717 = arith.addf %add3A_713, %select_n3A_716 : vector<16xf32>
        %add3A_718 = arith.constant 288 : i32
        %add3A_719 = arith.addi %mul3A_132, %add3A_718 : i32
        %get3A_720 = arith.index_cast %add3A_719 : i32 to index
        %get3A_721 = tpu.vector_load %arg8[%get3A_720] {strides = array<i32>} : memref<10000xf32, #tpu.memory_space<vmem>>, vector<16xf32>,
        %add3A_722 = arith.constant 288 : i32
        %add3A_723 = arith.addi %mul3A_132, %add3A_722 : i32
        %get3A_724 = arith.index_cast %add3A_723 : i32 to index
        %get3A_725 = tpu.vector_load %arg10[%get3A_724] {strides = array<i32>} : memref<10000xi32, #tpu.memory_space<vmem>>, vector<16xi32>,
        %neg3A_726 = arith.constant 0.000000e+00 : f32
        %neg3A_727 = vector.broadcast %neg3A_726 : f32 to vector<16xf32>
        %neg3A_728 = arith.subf %neg3A_727, %get3A_721 : vector<16xf32>
        %abs3A_729 = math.absf %get3A_721 : vector<16xf32>
        %mul3A_730 = arith.constant 2.560000e+02 : f32
        %mul3A_731 = vector.broadcast %mul3A_730 : f32 to vector<16xf32>
        %mul3A_732 = arith.mulf %abs3A_729, %mul3A_731 : vector<16xf32>
        %min3A_733 = arith.constant 4.095000e+03 : f32
        %min3A_734 = vector.broadcast %min3A_733 : f32 to vector<16xf32>
        %min3A_735 = arith.minimumf %mul3A_732, %min3A_734 : vector<16xf32>
        %convert_element_type3A_736 = arith.fptosi %min3A_735 : vector<16xf32> to vector<16xi32>
        %gather3A_737 = tpu.vector_load_idx %arg16[%convert_element_type3A_736] : memref<4096xf32, #tpu.memory_space<vmem>>[vector<16xi32>], vector<16xf32>,
        %ne3A_738 = arith.constant 0 : i32
        %ne3A_739 = vector.broadcast %ne3A_738 : i32 to vector<16xi32>
        %ne3A_740 = arith.cmpi ne, %get3A_725, %ne3A_739 : vector<16xi32>
        %select_n3A_741 = arith.select %ne3A_740, %neg3A_728, %get3A_721 : vector<16xi1>, vector<16xf32>
        %max3A_742 = arith.constant 0.000000e+00 : f32
        %max3A_743 = vector.broadcast %max3A_742 : f32 to vector<16xf32>
        %max3A_744 = arith.maximumf %select_n3A_741, %max3A_743 : vector<16xf32>
        %add3A_745 = arith.addf %gather3A_737, %max3A_744 : vector<16xf32>
        %jit3A_746 = arith.constant 0.000000e+00 : f32
        %broadcast_in_dim3A_747 = vector.broadcast %jit3A_746 : f32 to vector<16xf32>
        %select_n3A_748 = arith.select %ne3A_740, %add3A_745, %broadcast_in_dim3A_747 : vector<16xi1>, vector<16xf32>
        %add3A_749 = arith.addf %add3A_745, %select_n3A_748 : vector<16xf32>
        %add3A_750 = arith.constant 304 : i32
        %add3A_751 = arith.addi %mul3A_132, %add3A_750 : i32
        %get3A_752 = arith.index_cast %add3A_751 : i32 to index
        %get3A_753 = tpu.vector_load %arg8[%get3A_752] {strides = array<i32>} : memref<10000xf32, #tpu.memory_space<vmem>>, vector<16xf32>,
        %add3A_754 = arith.constant 304 : i32
        %add3A_755 = arith.addi %mul3A_132, %add3A_754 : i32
        %get3A_756 = arith.index_cast %add3A_755 : i32 to index
        %get3A_757 = tpu.vector_load %arg10[%get3A_756] {strides = array<i32>} : memref<10000xi32, #tpu.memory_space<vmem>>, vector<16xi32>,
        %neg3A_758 = arith.constant 0.000000e+00 : f32
        %neg3A_759 = vector.broadcast %neg3A_758 : f32 to vector<16xf32>
        %neg3A_760 = arith.subf %neg3A_759, %get3A_753 : vector<16xf32>
        %abs3A_761 = math.absf %get3A_753 : vector<16xf32>
        %mul3A_762 = arith.constant 2.560000e+02 : f32
        %mul3A_763 = vector.broadcast %mul3A_762 : f32 to vector<16xf32>
        %mul3A_764 = arith.mulf %abs3A_761, %mul3A_763 : vector<16xf32>
        %min3A_765 = arith.constant 4.095000e+03 : f32
        %min3A_766 = vector.broadcast %min3A_765 : f32 to vector<16xf32>
        %min3A_767 = arith.minimumf %mul3A_764, %min3A_766 : vector<16xf32>
        %convert_element_type3A_768 = arith.fptosi %min3A_767 : vector<16xf32> to vector<16xi32>
        %gather3A_769 = tpu.vector_load_idx %arg16[%convert_element_type3A_768] : memref<4096xf32, #tpu.memory_space<vmem>>[vector<16xi32>], vector<16xf32>,
        %ne3A_770 = arith.constant 0 : i32
        %ne3A_771 = vector.broadcast %ne3A_770 : i32 to vector<16xi32>
        %ne3A_772 = arith.cmpi ne, %get3A_757, %ne3A_771 : vector<16xi32>
        %select_n3A_773 = arith.select %ne3A_772, %neg3A_760, %get3A_753 : vector<16xi1>, vector<16xf32>
        %max3A_774 = arith.constant 0.000000e+00 : f32
        %max3A_775 = vector.broadcast %max3A_774 : f32 to vector<16xf32>
        %max3A_776 = arith.maximumf %select_n3A_773, %max3A_775 : vector<16xf32>
        %add3A_777 = arith.addf %gather3A_769, %max3A_776 : vector<16xf32>
        %jit3A_778 = arith.constant 0.000000e+00 : f32
        %broadcast_in_dim3A_779 = vector.broadcast %jit3A_778 : f32 to vector<16xf32>
        %select_n3A_780 = arith.select %ne3A_772, %add3A_777, %broadcast_in_dim3A_779 : vector<16xi1>, vector<16xf32>
        %add3A_781 = arith.addf %add3A_777, %select_n3A_780 : vector<16xf32>
        %add3A_782 = arith.constant 320 : i32
        %add3A_783 = arith.addi %mul3A_132, %add3A_782 : i32
        %get3A_784 = arith.index_cast %add3A_783 : i32 to index
        %get3A_785 = tpu.vector_load %arg8[%get3A_784] {strides = array<i32>} : memref<10000xf32, #tpu.memory_space<vmem>>, vector<16xf32>,
        %add3A_786 = arith.constant 320 : i32
        %add3A_787 = arith.addi %mul3A_132, %add3A_786 : i32
        %get3A_788 = arith.index_cast %add3A_787 : i32 to index
        %get3A_789 = tpu.vector_load %arg10[%get3A_788] {strides = array<i32>} : memref<10000xi32, #tpu.memory_space<vmem>>, vector<16xi32>,
        %neg3A_790 = arith.constant 0.000000e+00 : f32
        %neg3A_791 = vector.broadcast %neg3A_790 : f32 to vector<16xf32>
        %neg3A_792 = arith.subf %neg3A_791, %get3A_785 : vector<16xf32>
        %abs3A_793 = math.absf %get3A_785 : vector<16xf32>
        %mul3A_794 = arith.constant 2.560000e+02 : f32
        %mul3A_795 = vector.broadcast %mul3A_794 : f32 to vector<16xf32>
        %mul3A_796 = arith.mulf %abs3A_793, %mul3A_795 : vector<16xf32>
        %min3A_797 = arith.constant 4.095000e+03 : f32
        %min3A_798 = vector.broadcast %min3A_797 : f32 to vector<16xf32>
        %min3A_799 = arith.minimumf %mul3A_796, %min3A_798 : vector<16xf32>
        %convert_element_type3A_800 = arith.fptosi %min3A_799 : vector<16xf32> to vector<16xi32>
        %gather3A_801 = tpu.vector_load_idx %arg16[%convert_element_type3A_800] : memref<4096xf32, #tpu.memory_space<vmem>>[vector<16xi32>], vector<16xf32>,
        %ne3A_802 = arith.constant 0 : i32
        %ne3A_803 = vector.broadcast %ne3A_802 : i32 to vector<16xi32>
        %ne3A_804 = arith.cmpi ne, %get3A_789, %ne3A_803 : vector<16xi32>
        %select_n3A_805 = arith.select %ne3A_804, %neg3A_792, %get3A_785 : vector<16xi1>, vector<16xf32>
        %max3A_806 = arith.constant 0.000000e+00 : f32
        %max3A_807 = vector.broadcast %max3A_806 : f32 to vector<16xf32>
        %max3A_808 = arith.maximumf %select_n3A_805, %max3A_807 : vector<16xf32>
        %add3A_809 = arith.addf %gather3A_801, %max3A_808 : vector<16xf32>
        %jit3A_810 = arith.constant 0.000000e+00 : f32
        %broadcast_in_dim3A_811 = vector.broadcast %jit3A_810 : f32 to vector<16xf32>
        %select_n3A_812 = arith.select %ne3A_804, %add3A_809, %broadcast_in_dim3A_811 : vector<16xi1>, vector<16xf32>
        %add3A_813 = arith.addf %add3A_809, %select_n3A_812 : vector<16xf32>
        %add3A_814 = arith.constant 336 : i32
        %add3A_815 = arith.addi %mul3A_132, %add3A_814 : i32
        %get3A_816 = arith.index_cast %add3A_815 : i32 to index
        %get3A_817 = tpu.vector_load %arg8[%get3A_816] {strides = array<i32>} : memref<10000xf32, #tpu.memory_space<vmem>>, vector<16xf32>,
        %add3A_818 = arith.constant 336 : i32
        %add3A_819 = arith.addi %mul3A_132, %add3A_818 : i32
        %get3A_820 = arith.index_cast %add3A_819 : i32 to index
        %get3A_821 = tpu.vector_load %arg10[%get3A_820] {strides = array<i32>} : memref<10000xi32, #tpu.memory_space<vmem>>, vector<16xi32>,
        %neg3A_822 = arith.constant 0.000000e+00 : f32
        %neg3A_823 = vector.broadcast %neg3A_822 : f32 to vector<16xf32>
        %neg3A_824 = arith.subf %neg3A_823, %get3A_817 : vector<16xf32>
        %abs3A_825 = math.absf %get3A_817 : vector<16xf32>
        %mul3A_826 = arith.constant 2.560000e+02 : f32
        %mul3A_827 = vector.broadcast %mul3A_826 : f32 to vector<16xf32>
        %mul3A_828 = arith.mulf %abs3A_825, %mul3A_827 : vector<16xf32>
        %min3A_829 = arith.constant 4.095000e+03 : f32
        %min3A_830 = vector.broadcast %min3A_829 : f32 to vector<16xf32>
        %min3A_831 = arith.minimumf %mul3A_828, %min3A_830 : vector<16xf32>
        %convert_element_type3A_832 = arith.fptosi %min3A_831 : vector<16xf32> to vector<16xi32>
        %gather3A_833 = tpu.vector_load_idx %arg16[%convert_element_type3A_832] : memref<4096xf32, #tpu.memory_space<vmem>>[vector<16xi32>], vector<16xf32>,
        %ne3A_834 = arith.constant 0 : i32
        %ne3A_835 = vector.broadcast %ne3A_834 : i32 to vector<16xi32>
        %ne3A_836 = arith.cmpi ne, %get3A_821, %ne3A_835 : vector<16xi32>
        %select_n3A_837 = arith.select %ne3A_836, %neg3A_824, %get3A_817 : vector<16xi1>, vector<16xf32>
        %max3A_838 = arith.constant 0.000000e+00 : f32
        %max3A_839 = vector.broadcast %max3A_838 : f32 to vector<16xf32>
        %max3A_840 = arith.maximumf %select_n3A_837, %max3A_839 : vector<16xf32>
        %add3A_841 = arith.addf %gather3A_833, %max3A_840 : vector<16xf32>
        %jit3A_842 = arith.constant 0.000000e+00 : f32
        %broadcast_in_dim3A_843 = vector.broadcast %jit3A_842 : f32 to vector<16xf32>
        %select_n3A_844 = arith.select %ne3A_836, %add3A_841, %broadcast_in_dim3A_843 : vector<16xi1>, vector<16xf32>
        %add3A_845 = arith.addf %add3A_841, %select_n3A_844 : vector<16xf32>
        %add3A_846 = arith.constant 352 : i32
        %add3A_847 = arith.addi %mul3A_132, %add3A_846 : i32
        %get3A_848 = arith.index_cast %add3A_847 : i32 to index
        %get3A_849 = tpu.vector_load %arg8[%get3A_848] {strides = array<i32>} : memref<10000xf32, #tpu.memory_space<vmem>>, vector<16xf32>,
        %add3A_850 = arith.constant 352 : i32
        %add3A_851 = arith.addi %mul3A_132, %add3A_850 : i32
        %get3A_852 = arith.index_cast %add3A_851 : i32 to index
        %get3A_853 = tpu.vector_load %arg10[%get3A_852] {strides = array<i32>} : memref<10000xi32, #tpu.memory_space<vmem>>, vector<16xi32>,
        %neg3A_854 = arith.constant 0.000000e+00 : f32
        %neg3A_855 = vector.broadcast %neg3A_854 : f32 to vector<16xf32>
        %neg3A_856 = arith.subf %neg3A_855, %get3A_849 : vector<16xf32>
        %abs3A_857 = math.absf %get3A_849 : vector<16xf32>
        %mul3A_858 = arith.constant 2.560000e+02 : f32
        %mul3A_859 = vector.broadcast %mul3A_858 : f32 to vector<16xf32>
        %mul3A_860 = arith.mulf %abs3A_857, %mul3A_859 : vector<16xf32>
        %min3A_861 = arith.constant 4.095000e+03 : f32
        %min3A_862 = vector.broadcast %min3A_861 : f32 to vector<16xf32>
        %min3A_863 = arith.minimumf %mul3A_860, %min3A_862 : vector<16xf32>
        %convert_element_type3A_864 = arith.fptosi %min3A_863 : vector<16xf32> to vector<16xi32>
        %gather3A_865 = tpu.vector_load_idx %arg16[%convert_element_type3A_864] : memref<4096xf32, #tpu.memory_space<vmem>>[vector<16xi32>], vector<16xf32>,
        %ne3A_866 = arith.constant 0 : i32
        %ne3A_867 = vector.broadcast %ne3A_866 : i32 to vector<16xi32>
        %ne3A_868 = arith.cmpi ne, %get3A_853, %ne3A_867 : vector<16xi32>
        %select_n3A_869 = arith.select %ne3A_868, %neg3A_856, %get3A_849 : vector<16xi1>, vector<16xf32>
        %max3A_870 = arith.constant 0.000000e+00 : f32
        %max3A_871 = vector.broadcast %max3A_870 : f32 to vector<16xf32>
        %max3A_872 = arith.maximumf %select_n3A_869, %max3A_871 : vector<16xf32>
        %add3A_873 = arith.addf %gather3A_865, %max3A_872 : vector<16xf32>
        %jit3A_874 = arith.constant 0.000000e+00 : f32
        %broadcast_in_dim3A_875 = vector.broadcast %jit3A_874 : f32 to vector<16xf32>
        %select_n3A_876 = arith.select %ne3A_868, %add3A_873, %broadcast_in_dim3A_875 : vector<16xi1>, vector<16xf32>
        %add3A_877 = arith.addf %add3A_873, %select_n3A_876 : vector<16xf32>
        %add3A_878 = arith.constant 368 : i32
        %add3A_879 = arith.addi %mul3A_132, %add3A_878 : i32
        %get3A_880 = arith.index_cast %add3A_879 : i32 to index
        %get3A_881 = tpu.vector_load %arg8[%get3A_880] {strides = array<i32>} : memref<10000xf32, #tpu.memory_space<vmem>>, vector<16xf32>,
        %add3A_882 = arith.constant 368 : i32
        %add3A_883 = arith.addi %mul3A_132, %add3A_882 : i32
        %get3A_884 = arith.index_cast %add3A_883 : i32 to index
        %get3A_885 = tpu.vector_load %arg10[%get3A_884] {strides = array<i32>} : memref<10000xi32, #tpu.memory_space<vmem>>, vector<16xi32>,
        %neg3A_886 = arith.constant 0.000000e+00 : f32
        %neg3A_887 = vector.broadcast %neg3A_886 : f32 to vector<16xf32>
        %neg3A_888 = arith.subf %neg3A_887, %get3A_881 : vector<16xf32>
        %abs3A_889 = math.absf %get3A_881 : vector<16xf32>
        %mul3A_890 = arith.constant 2.560000e+02 : f32
        %mul3A_891 = vector.broadcast %mul3A_890 : f32 to vector<16xf32>
        %mul3A_892 = arith.mulf %abs3A_889, %mul3A_891 : vector<16xf32>
        %min3A_893 = arith.constant 4.095000e+03 : f32
        %min3A_894 = vector.broadcast %min3A_893 : f32 to vector<16xf32>
        %min3A_895 = arith.minimumf %mul3A_892, %min3A_894 : vector<16xf32>
        %convert_element_type3A_896 = arith.fptosi %min3A_895 : vector<16xf32> to vector<16xi32>
        %gather3A_897 = tpu.vector_load_idx %arg16[%convert_element_type3A_896] : memref<4096xf32, #tpu.memory_space<vmem>>[vector<16xi32>], vector<16xf32>,
        %ne3A_898 = arith.constant 0 : i32
        %ne3A_899 = vector.broadcast %ne3A_898 : i32 to vector<16xi32>
        %ne3A_900 = arith.cmpi ne, %get3A_885, %ne3A_899 : vector<16xi32>
        %select_n3A_901 = arith.select %ne3A_900, %neg3A_888, %get3A_881 : vector<16xi1>, vector<16xf32>
        %max3A_902 = arith.constant 0.000000e+00 : f32
        %max3A_903 = vector.broadcast %max3A_902 : f32 to vector<16xf32>
        %max3A_904 = arith.maximumf %select_n3A_901, %max3A_903 : vector<16xf32>
        %add3A_905 = arith.addf %gather3A_897, %max3A_904 : vector<16xf32>
        %jit3A_906 = arith.constant 0.000000e+00 : f32
        %broadcast_in_dim3A_907 = vector.broadcast %jit3A_906 : f32 to vector<16xf32>
        %select_n3A_908 = arith.select %ne3A_900, %add3A_905, %broadcast_in_dim3A_907 : vector<16xi1>, vector<16xf32>
        %add3A_909 = arith.addf %add3A_905, %select_n3A_908 : vector<16xf32>
        %add3A_910 = arith.constant 384 : i32
        %add3A_911 = arith.addi %mul3A_132, %add3A_910 : i32
        %get3A_912 = arith.index_cast %add3A_911 : i32 to index
        %get3A_913 = tpu.vector_load %arg8[%get3A_912] {strides = array<i32>} : memref<10000xf32, #tpu.memory_space<vmem>>, vector<16xf32>,
        %add3A_914 = arith.constant 384 : i32
        %add3A_915 = arith.addi %mul3A_132, %add3A_914 : i32
        %get3A_916 = arith.index_cast %add3A_915 : i32 to index
        %get3A_917 = tpu.vector_load %arg10[%get3A_916] {strides = array<i32>} : memref<10000xi32, #tpu.memory_space<vmem>>, vector<16xi32>,
        %neg3A_918 = arith.constant 0.000000e+00 : f32
        %neg3A_919 = vector.broadcast %neg3A_918 : f32 to vector<16xf32>
        %neg3A_920 = arith.subf %neg3A_919, %get3A_913 : vector<16xf32>
        %abs3A_921 = math.absf %get3A_913 : vector<16xf32>
        %mul3A_922 = arith.constant 2.560000e+02 : f32
        %mul3A_923 = vector.broadcast %mul3A_922 : f32 to vector<16xf32>
        %mul3A_924 = arith.mulf %abs3A_921, %mul3A_923 : vector<16xf32>
        %min3A_925 = arith.constant 4.095000e+03 : f32
        %min3A_926 = vector.broadcast %min3A_925 : f32 to vector<16xf32>
        %min3A_927 = arith.minimumf %mul3A_924, %min3A_926 : vector<16xf32>
        %convert_element_type3A_928 = arith.fptosi %min3A_927 : vector<16xf32> to vector<16xi32>
        %gather3A_929 = tpu.vector_load_idx %arg16[%convert_element_type3A_928] : memref<4096xf32, #tpu.memory_space<vmem>>[vector<16xi32>], vector<16xf32>,
        %ne3A_930 = arith.constant 0 : i32
        %ne3A_931 = vector.broadcast %ne3A_930 : i32 to vector<16xi32>
        %ne3A_932 = arith.cmpi ne, %get3A_917, %ne3A_931 : vector<16xi32>
        %select_n3A_933 = arith.select %ne3A_932, %neg3A_920, %get3A_913 : vector<16xi1>, vector<16xf32>
        %max3A_934 = arith.constant 0.000000e+00 : f32
        %max3A_935 = vector.broadcast %max3A_934 : f32 to vector<16xf32>
        %max3A_936 = arith.maximumf %select_n3A_933, %max3A_935 : vector<16xf32>
        %add3A_937 = arith.addf %gather3A_929, %max3A_936 : vector<16xf32>
        %jit3A_938 = arith.constant 0.000000e+00 : f32
        %broadcast_in_dim3A_939 = vector.broadcast %jit3A_938 : f32 to vector<16xf32>
        %select_n3A_940 = arith.select %ne3A_932, %add3A_937, %broadcast_in_dim3A_939 : vector<16xi1>, vector<16xf32>
        %add3A_941 = arith.addf %add3A_937, %select_n3A_940 : vector<16xf32>
        %add3A_942 = arith.addf %add3A_173, %add3A_205 : vector<16xf32>
        %add3A_943 = arith.addf %add3A_237, %add3A_269 : vector<16xf32>
        %add3A_944 = arith.addf %add3A_301, %add3A_333 : vector<16xf32>
        %add3A_945 = arith.addf %add3A_365, %add3A_397 : vector<16xf32>
        %add3A_946 = arith.addf %add3A_429, %add3A_461 : vector<16xf32>
        %add3A_947 = arith.addf %add3A_493, %add3A_525 : vector<16xf32>
        %add3A_948 = arith.addf %add3A_557, %add3A_589 : vector<16xf32>
        %add3A_949 = arith.addf %add3A_621, %add3A_653 : vector<16xf32>
        %add3A_950 = arith.addf %add3A_685, %add3A_717 : vector<16xf32>
        %add3A_951 = arith.addf %add3A_749, %add3A_781 : vector<16xf32>
        %add3A_952 = arith.addf %add3A_813, %add3A_845 : vector<16xf32>
        %add3A_953 = arith.addf %add3A_877, %add3A_909 : vector<16xf32>
        %add3A_954 = arith.addf %add3A_942, %add3A_943 : vector<16xf32>
        %add3A_955 = arith.addf %add3A_944, %add3A_945 : vector<16xf32>
        %add3A_956 = arith.addf %add3A_946, %add3A_947 : vector<16xf32>
        %add3A_957 = arith.addf %add3A_948, %add3A_949 : vector<16xf32>
        %add3A_958 = arith.addf %add3A_950, %add3A_951 : vector<16xf32>
        %add3A_959 = arith.addf %add3A_952, %add3A_953 : vector<16xf32>
        %add3A_960 = arith.addf %add3A_954, %add3A_955 : vector<16xf32>
        %add3A_961 = arith.addf %add3A_956, %add3A_957 : vector<16xf32>
        %add3A_962 = arith.addf %add3A_958, %add3A_959 : vector<16xf32>
        %add3A_963 = arith.addf %add3A_960, %add3A_961 : vector<16xf32>
        %add3A_964 = arith.addf %add3A_962, %add3A_941 : vector<16xf32>
        %add3A_965 = arith.addf %add3A_963, %add3A_964 : vector<16xf32>
        %eq3A_966 = arith.cmpi eq, %scan3A_129, %scan3A_126 : i32
        %eq3A_967 = arith.cmpi eq, %scan3A_130, %scan3A_126 : i32
        %and3A = arith.andi %eq3A_966, %eq3A_967 : i1
        %convert_element_type3A_968 = arith.extui %and3A : i1 to i32
        %cond3A = arith.constant 0 : i32
        %cond3A_969 = arith.cmpi ne, %convert_element_type3A_968, %cond3A : i32
        %cond3A_970:3 = scf.if %cond3A_969 -> (i32, i32, vector<16xf32>) {
          %add3A_971 = arith.constant 400 : i32
          %add3A_972 = arith.addi %scan3A_127, %add3A_971 : i32
          %add3A_973 = arith.addf %scan3A_128, %add3A_965 : vector<16xf32>
          scf.yield %scan3A_126, %add3A_972, %add3A_973 : i32, i32, vector<16xf32>
        } else {
          %mul3A_971 = arith.constant 5 : i32
          %mul3A_972 = arith.muli %scan3A_125, %mul3A_971 : i32
          %add3A_973 = arith.constant 1 : i32
          %add3A_974 = arith.addi %scan3A_125, %add3A_973 : i32
          %mul3A_975 = arith.constant 5 : i32
          %mul3A_976 = arith.muli %add3A_974, %mul3A_975 : i32
          %while3A = arith.subi %mul3A_976, %mul3A_972 : i32
          %while3A_977 = arith.addi %mul3A_972, %while3A : i32
          %while3A_978 = arith.constant 1 : i32
          %while3A_979 = arith.divsi %while3A, %while3A_978 : i32
          %while3A_980 = arith.muli %while3A_979, %while3A_978 : i32
          %while3A_981 = arith.addi %mul3A_972, %while3A_980 : i32
          %while3A_982 = arith.constant 1 : i32
          %while3A_983:3 = scf.for %while3A_986 = %mul3A_972 to %while3A_981 step %while3A_982 iter_args(%while3A_987 = %scan3A_126, %while3A_988 = %scan3A_127, %while3A_989 = %scan3A_128) -> (i32, i32, vector<16xf32>)  : i32 {
            %mul3A_990 = arith.constant 80 : i32
            %mul3A_991 = arith.muli %while3A_986, %mul3A_990 : i32
            %get3A_992 = arith.index_cast %mul3A_991 : i32 to index
            %get3A_993 = tpu.vector_load %arg12[%get3A_992] {strides = array<i32>} : memref<10000xi32, #tpu.memory_space<vmem>>, vector<16xi32>,
            %slice3A_994 = vector.extract_strided_slice %get3A_993 {offsets = [0], sizes = [1], strides = [1]} : vector<16xi32> to vector<1xi32>
            %squeeze3A_995 = vector.extract %slice3A_994[0] : i32 from vector<1xi32>
            %add3A_996 = arith.constant 64 : i32
            %add3A_997 = arith.addi %mul3A_991, %add3A_996 : i32
            %get3A_998 = arith.index_cast %add3A_997 : i32 to index
            %get3A_999 = tpu.vector_load %arg12[%get3A_998] {strides = array<i32>} : memref<10000xi32, #tpu.memory_space<vmem>>, vector<16xi32>,
            %slice3A_1000 = vector.extract_strided_slice %get3A_999 {offsets = [15], sizes = [1], strides = [1]} : vector<16xi32> to vector<1xi32>
            %squeeze3A_1001 = vector.extract %slice3A_1000[0] : i32 from vector<1xi32>
            %add3A_1002 = arith.constant 0 : i32
            %add3A_1003 = arith.addi %mul3A_991, %add3A_1002 : i32
            %get3A_1004 = arith.index_cast %add3A_1003 : i32 to index
            %get3A_1005 = tpu.vector_load %arg8[%get3A_1004] {strides = array<i32>} : memref<10000xf32, #tpu.memory_space<vmem>>, vector<16xf32>,
            %add3A_1006 = arith.constant 0 : i32
            %add3A_1007 = arith.addi %mul3A_991, %add3A_1006 : i32
            %get3A_1008 = arith.index_cast %add3A_1007 : i32 to index
            %get3A_1009 = tpu.vector_load %arg10[%get3A_1008] {strides = array<i32>} : memref<10000xi32, #tpu.memory_space<vmem>>, vector<16xi32>,
            %neg3A_1010 = arith.constant 0.000000e+00 : f32
            %neg3A_1011 = vector.broadcast %neg3A_1010 : f32 to vector<16xf32>
            %neg3A_1012 = arith.subf %neg3A_1011, %get3A_1005 : vector<16xf32>
            %abs3A_1013 = math.absf %get3A_1005 : vector<16xf32>
            %mul3A_1014 = arith.constant 2.560000e+02 : f32
            %mul3A_1015 = vector.broadcast %mul3A_1014 : f32 to vector<16xf32>
            %mul3A_1016 = arith.mulf %abs3A_1013, %mul3A_1015 : vector<16xf32>
            %min3A_1017 = arith.constant 4.095000e+03 : f32
            %min3A_1018 = vector.broadcast %min3A_1017 : f32 to vector<16xf32>
            %min3A_1019 = arith.minimumf %mul3A_1016, %min3A_1018 : vector<16xf32>
            %convert_element_type3A_1020 = arith.fptosi %min3A_1019 : vector<16xf32> to vector<16xi32>
            %gather3A_1021 = tpu.vector_load_idx %arg16[%convert_element_type3A_1020] : memref<4096xf32, #tpu.memory_space<vmem>>[vector<16xi32>], vector<16xf32>,
            %ne3A_1022 = arith.constant 0 : i32
            %ne3A_1023 = vector.broadcast %ne3A_1022 : i32 to vector<16xi32>
            %ne3A_1024 = arith.cmpi ne, %get3A_1009, %ne3A_1023 : vector<16xi32>
            %select_n3A_1025 = arith.select %ne3A_1024, %neg3A_1012, %get3A_1005 : vector<16xi1>, vector<16xf32>
            %max3A_1026 = arith.constant 0.000000e+00 : f32
            %max3A_1027 = vector.broadcast %max3A_1026 : f32 to vector<16xf32>
            %max3A_1028 = arith.maximumf %select_n3A_1025, %max3A_1027 : vector<16xf32>
            %add3A_1029 = arith.addf %gather3A_1021, %max3A_1028 : vector<16xf32>
            %jit3A_1030 = arith.constant 0.000000e+00 : f32
            %broadcast_in_dim3A_1031 = vector.broadcast %jit3A_1030 : f32 to vector<16xf32>
            %select_n3A_1032 = arith.select %ne3A_1024, %add3A_1029, %broadcast_in_dim3A_1031 : vector<16xi1>, vector<16xf32>
            %add3A_1033 = arith.addf %add3A_1029, %select_n3A_1032 : vector<16xf32>
            %add3A_1034 = arith.constant 16 : i32
            %add3A_1035 = arith.addi %mul3A_991, %add3A_1034 : i32
            %get3A_1036 = arith.index_cast %add3A_1035 : i32 to index
            %get3A_1037 = tpu.vector_load %arg8[%get3A_1036] {strides = array<i32>} : memref<10000xf32, #tpu.memory_space<vmem>>, vector<16xf32>,
            %add3A_1038 = arith.constant 16 : i32
            %add3A_1039 = arith.addi %mul3A_991, %add3A_1038 : i32
            %get3A_1040 = arith.index_cast %add3A_1039 : i32 to index
            %get3A_1041 = tpu.vector_load %arg10[%get3A_1040] {strides = array<i32>} : memref<10000xi32, #tpu.memory_space<vmem>>, vector<16xi32>,
            %neg3A_1042 = arith.constant 0.000000e+00 : f32
            %neg3A_1043 = vector.broadcast %neg3A_1042 : f32 to vector<16xf32>
            %neg3A_1044 = arith.subf %neg3A_1043, %get3A_1037 : vector<16xf32>
            %abs3A_1045 = math.absf %get3A_1037 : vector<16xf32>
            %mul3A_1046 = arith.constant 2.560000e+02 : f32
            %mul3A_1047 = vector.broadcast %mul3A_1046 : f32 to vector<16xf32>
            %mul3A_1048 = arith.mulf %abs3A_1045, %mul3A_1047 : vector<16xf32>
            %min3A_1049 = arith.constant 4.095000e+03 : f32
            %min3A_1050 = vector.broadcast %min3A_1049 : f32 to vector<16xf32>
            %min3A_1051 = arith.minimumf %mul3A_1048, %min3A_1050 : vector<16xf32>
            %convert_element_type3A_1052 = arith.fptosi %min3A_1051 : vector<16xf32> to vector<16xi32>
            %gather3A_1053 = tpu.vector_load_idx %arg16[%convert_element_type3A_1052] : memref<4096xf32, #tpu.memory_space<vmem>>[vector<16xi32>], vector<16xf32>,
            %ne3A_1054 = arith.constant 0 : i32
            %ne3A_1055 = vector.broadcast %ne3A_1054 : i32 to vector<16xi32>
            %ne3A_1056 = arith.cmpi ne, %get3A_1041, %ne3A_1055 : vector<16xi32>
            %select_n3A_1057 = arith.select %ne3A_1056, %neg3A_1044, %get3A_1037 : vector<16xi1>, vector<16xf32>
            %max3A_1058 = arith.constant 0.000000e+00 : f32
            %max3A_1059 = vector.broadcast %max3A_1058 : f32 to vector<16xf32>
            %max3A_1060 = arith.maximumf %select_n3A_1057, %max3A_1059 : vector<16xf32>
            %add3A_1061 = arith.addf %gather3A_1053, %max3A_1060 : vector<16xf32>
            %jit3A_1062 = arith.constant 0.000000e+00 : f32
            %broadcast_in_dim3A_1063 = vector.broadcast %jit3A_1062 : f32 to vector<16xf32>
            %select_n3A_1064 = arith.select %ne3A_1056, %add3A_1061, %broadcast_in_dim3A_1063 : vector<16xi1>, vector<16xf32>
            %add3A_1065 = arith.addf %add3A_1061, %select_n3A_1064 : vector<16xf32>
            %add3A_1066 = arith.constant 32 : i32
            %add3A_1067 = arith.addi %mul3A_991, %add3A_1066 : i32
            %get3A_1068 = arith.index_cast %add3A_1067 : i32 to index
            %get3A_1069 = tpu.vector_load %arg8[%get3A_1068] {strides = array<i32>} : memref<10000xf32, #tpu.memory_space<vmem>>, vector<16xf32>,
            %add3A_1070 = arith.constant 32 : i32
            %add3A_1071 = arith.addi %mul3A_991, %add3A_1070 : i32
            %get3A_1072 = arith.index_cast %add3A_1071 : i32 to index
            %get3A_1073 = tpu.vector_load %arg10[%get3A_1072] {strides = array<i32>} : memref<10000xi32, #tpu.memory_space<vmem>>, vector<16xi32>,
            %neg3A_1074 = arith.constant 0.000000e+00 : f32
            %neg3A_1075 = vector.broadcast %neg3A_1074 : f32 to vector<16xf32>
            %neg3A_1076 = arith.subf %neg3A_1075, %get3A_1069 : vector<16xf32>
            %abs3A_1077 = math.absf %get3A_1069 : vector<16xf32>
            %mul3A_1078 = arith.constant 2.560000e+02 : f32
            %mul3A_1079 = vector.broadcast %mul3A_1078 : f32 to vector<16xf32>
            %mul3A_1080 = arith.mulf %abs3A_1077, %mul3A_1079 : vector<16xf32>
            %min3A_1081 = arith.constant 4.095000e+03 : f32
            %min3A_1082 = vector.broadcast %min3A_1081 : f32 to vector<16xf32>
            %min3A_1083 = arith.minimumf %mul3A_1080, %min3A_1082 : vector<16xf32>
            %convert_element_type3A_1084 = arith.fptosi %min3A_1083 : vector<16xf32> to vector<16xi32>
            %gather3A_1085 = tpu.vector_load_idx %arg16[%convert_element_type3A_1084] : memref<4096xf32, #tpu.memory_space<vmem>>[vector<16xi32>], vector<16xf32>,
            %ne3A_1086 = arith.constant 0 : i32
            %ne3A_1087 = vector.broadcast %ne3A_1086 : i32 to vector<16xi32>
            %ne3A_1088 = arith.cmpi ne, %get3A_1073, %ne3A_1087 : vector<16xi32>
            %select_n3A_1089 = arith.select %ne3A_1088, %neg3A_1076, %get3A_1069 : vector<16xi1>, vector<16xf32>
            %max3A_1090 = arith.constant 0.000000e+00 : f32
            %max3A_1091 = vector.broadcast %max3A_1090 : f32 to vector<16xf32>
            %max3A_1092 = arith.maximumf %select_n3A_1089, %max3A_1091 : vector<16xf32>
            %add3A_1093 = arith.addf %gather3A_1085, %max3A_1092 : vector<16xf32>
            %jit3A_1094 = arith.constant 0.000000e+00 : f32
            %broadcast_in_dim3A_1095 = vector.broadcast %jit3A_1094 : f32 to vector<16xf32>
            %select_n3A_1096 = arith.select %ne3A_1088, %add3A_1093, %broadcast_in_dim3A_1095 : vector<16xi1>, vector<16xf32>
            %add3A_1097 = arith.addf %add3A_1093, %select_n3A_1096 : vector<16xf32>
            %add3A_1098 = arith.constant 48 : i32
            %add3A_1099 = arith.addi %mul3A_991, %add3A_1098 : i32
            %get3A_1100 = arith.index_cast %add3A_1099 : i32 to index
            %get3A_1101 = tpu.vector_load %arg8[%get3A_1100] {strides = array<i32>} : memref<10000xf32, #tpu.memory_space<vmem>>, vector<16xf32>,
            %add3A_1102 = arith.constant 48 : i32
            %add3A_1103 = arith.addi %mul3A_991, %add3A_1102 : i32
            %get3A_1104 = arith.index_cast %add3A_1103 : i32 to index
            %get3A_1105 = tpu.vector_load %arg10[%get3A_1104] {strides = array<i32>} : memref<10000xi32, #tpu.memory_space<vmem>>, vector<16xi32>,
            %neg3A_1106 = arith.constant 0.000000e+00 : f32
            %neg3A_1107 = vector.broadcast %neg3A_1106 : f32 to vector<16xf32>
            %neg3A_1108 = arith.subf %neg3A_1107, %get3A_1101 : vector<16xf32>
            %abs3A_1109 = math.absf %get3A_1101 : vector<16xf32>
            %mul3A_1110 = arith.constant 2.560000e+02 : f32
            %mul3A_1111 = vector.broadcast %mul3A_1110 : f32 to vector<16xf32>
            %mul3A_1112 = arith.mulf %abs3A_1109, %mul3A_1111 : vector<16xf32>
            %min3A_1113 = arith.constant 4.095000e+03 : f32
            %min3A_1114 = vector.broadcast %min3A_1113 : f32 to vector<16xf32>
            %min3A_1115 = arith.minimumf %mul3A_1112, %min3A_1114 : vector<16xf32>
            %convert_element_type3A_1116 = arith.fptosi %min3A_1115 : vector<16xf32> to vector<16xi32>
            %gather3A_1117 = tpu.vector_load_idx %arg16[%convert_element_type3A_1116] : memref<4096xf32, #tpu.memory_space<vmem>>[vector<16xi32>], vector<16xf32>,
            %ne3A_1118 = arith.constant 0 : i32
            %ne3A_1119 = vector.broadcast %ne3A_1118 : i32 to vector<16xi32>
            %ne3A_1120 = arith.cmpi ne, %get3A_1105, %ne3A_1119 : vector<16xi32>
            %select_n3A_1121 = arith.select %ne3A_1120, %neg3A_1108, %get3A_1101 : vector<16xi1>, vector<16xf32>
            %max3A_1122 = arith.constant 0.000000e+00 : f32
            %max3A_1123 = vector.broadcast %max3A_1122 : f32 to vector<16xf32>
            %max3A_1124 = arith.maximumf %select_n3A_1121, %max3A_1123 : vector<16xf32>
            %add3A_1125 = arith.addf %gather3A_1117, %max3A_1124 : vector<16xf32>
            %jit3A_1126 = arith.constant 0.000000e+00 : f32
            %broadcast_in_dim3A_1127 = vector.broadcast %jit3A_1126 : f32 to vector<16xf32>
            %select_n3A_1128 = arith.select %ne3A_1120, %add3A_1125, %broadcast_in_dim3A_1127 : vector<16xi1>, vector<16xf32>
            %add3A_1129 = arith.addf %add3A_1125, %select_n3A_1128 : vector<16xf32>
            %add3A_1130 = arith.constant 64 : i32
            %add3A_1131 = arith.addi %mul3A_991, %add3A_1130 : i32
            %get3A_1132 = arith.index_cast %add3A_1131 : i32 to index
            %get3A_1133 = tpu.vector_load %arg8[%get3A_1132] {strides = array<i32>} : memref<10000xf32, #tpu.memory_space<vmem>>, vector<16xf32>,
            %add3A_1134 = arith.constant 64 : i32
            %add3A_1135 = arith.addi %mul3A_991, %add3A_1134 : i32
            %get3A_1136 = arith.index_cast %add3A_1135 : i32 to index
            %get3A_1137 = tpu.vector_load %arg10[%get3A_1136] {strides = array<i32>} : memref<10000xi32, #tpu.memory_space<vmem>>, vector<16xi32>,
            %neg3A_1138 = arith.constant 0.000000e+00 : f32
            %neg3A_1139 = vector.broadcast %neg3A_1138 : f32 to vector<16xf32>
            %neg3A_1140 = arith.subf %neg3A_1139, %get3A_1133 : vector<16xf32>
            %abs3A_1141 = math.absf %get3A_1133 : vector<16xf32>
            %mul3A_1142 = arith.constant 2.560000e+02 : f32
            %mul3A_1143 = vector.broadcast %mul3A_1142 : f32 to vector<16xf32>
            %mul3A_1144 = arith.mulf %abs3A_1141, %mul3A_1143 : vector<16xf32>
            %min3A_1145 = arith.constant 4.095000e+03 : f32
            %min3A_1146 = vector.broadcast %min3A_1145 : f32 to vector<16xf32>
            %min3A_1147 = arith.minimumf %mul3A_1144, %min3A_1146 : vector<16xf32>
            %convert_element_type3A_1148 = arith.fptosi %min3A_1147 : vector<16xf32> to vector<16xi32>
            %gather3A_1149 = tpu.vector_load_idx %arg16[%convert_element_type3A_1148] : memref<4096xf32, #tpu.memory_space<vmem>>[vector<16xi32>], vector<16xf32>,
            %ne3A_1150 = arith.constant 0 : i32
            %ne3A_1151 = vector.broadcast %ne3A_1150 : i32 to vector<16xi32>
            %ne3A_1152 = arith.cmpi ne, %get3A_1137, %ne3A_1151 : vector<16xi32>
            %select_n3A_1153 = arith.select %ne3A_1152, %neg3A_1140, %get3A_1133 : vector<16xi1>, vector<16xf32>
            %max3A_1154 = arith.constant 0.000000e+00 : f32
            %max3A_1155 = vector.broadcast %max3A_1154 : f32 to vector<16xf32>
            %max3A_1156 = arith.maximumf %select_n3A_1153, %max3A_1155 : vector<16xf32>
            %add3A_1157 = arith.addf %gather3A_1149, %max3A_1156 : vector<16xf32>
            %jit3A_1158 = arith.constant 0.000000e+00 : f32
            %broadcast_in_dim3A_1159 = vector.broadcast %jit3A_1158 : f32 to vector<16xf32>
            %select_n3A_1160 = arith.select %ne3A_1152, %add3A_1157, %broadcast_in_dim3A_1159 : vector<16xi1>, vector<16xf32>
            %add3A_1161 = arith.addf %add3A_1157, %select_n3A_1160 : vector<16xf32>
            %add3A_1162 = arith.addf %add3A_1033, %add3A_1065 : vector<16xf32>
            %add3A_1163 = arith.addf %add3A_1097, %add3A_1129 : vector<16xf32>
            %add3A_1164 = arith.addf %add3A_1162, %add3A_1163 : vector<16xf32>
            %add3A_1165 = arith.addf %add3A_1164, %add3A_1161 : vector<16xf32>
            %eq3A_1166 = arith.cmpi eq, %squeeze3A_995, %while3A_987 : i32
            %eq3A_1167 = arith.cmpi eq, %squeeze3A_1001, %while3A_987 : i32
            %and3A_1168 = arith.andi %eq3A_1166, %eq3A_1167 : i1
            %convert_element_type3A_1169 = arith.extui %and3A_1168 : i1 to i32
            %cond3A_1170 = arith.constant 0 : i32
            %cond3A_1171 = arith.cmpi ne, %convert_element_type3A_1169, %cond3A_1170 : i32
            %cond3A_1172:3 = scf.if %cond3A_1171 -> (i32, i32, vector<16xf32>) {
              %add3A_1173 = arith.constant 80 : i32
              %add3A_1174 = arith.addi %while3A_988, %add3A_1173 : i32
              %add3A_1175 = arith.addf %while3A_989, %add3A_1165 : vector<16xf32>
              scf.yield %while3A_987, %add3A_1174, %add3A_1175 : i32, i32, vector<16xf32>
            } else {
              %mul3A_1173 = arith.constant 5 : i32
              %mul3A_1174 = arith.muli %while3A_986, %mul3A_1173 : i32
              %add3A_1175 = arith.constant 1 : i32
              %add3A_1176 = arith.addi %while3A_986, %add3A_1175 : i32
              %mul3A_1177 = arith.constant 5 : i32
              %mul3A_1178 = arith.muli %add3A_1176, %mul3A_1177 : i32
              %while3A_1179 = arith.subi %mul3A_1178, %mul3A_1174 : i32
              %while3A_1180 = arith.addi %mul3A_1174, %while3A_1179 : i32
              %while3A_1181 = arith.constant 1 : i32
              %while3A_1182 = arith.divsi %while3A_1179, %while3A_1181 : i32
              %while3A_1183 = arith.muli %while3A_1182, %while3A_1181 : i32
              %while3A_1184 = arith.addi %mul3A_1174, %while3A_1183 : i32
              %while3A_1185 = arith.constant 1 : i32
              %while3A_1186:3 = scf.for %while3A_1189 = %mul3A_1174 to %while3A_1184 step %while3A_1185 iter_args(%while3A_1190 = %while3A_987, %while3A_1191 = %while3A_988, %while3A_1192 = %while3A_989) -> (i32, i32, vector<16xf32>)  : i32 {
                %mul3A_1193 = arith.constant 16 : i32
                %mul3A_1194 = arith.muli %while3A_1189, %mul3A_1193 : i32
                %get3A_1195 = arith.index_cast %mul3A_1194 : i32 to index
                %get3A_1196 = tpu.vector_load %arg12[%get3A_1195] {strides = array<i32>} : memref<10000xi32, #tpu.memory_space<vmem>>, vector<16xi32>,
                %get3A_1197 = arith.index_cast %mul3A_1194 : i32 to index
                %get3A_1198 = tpu.vector_load %arg8[%get3A_1197] {strides = array<i32>} : memref<10000xf32, #tpu.memory_space<vmem>>, vector<16xf32>,
                %get3A_1199 = arith.index_cast %mul3A_1194 : i32 to index
                %get3A_1200 = tpu.vector_load %arg10[%get3A_1199] {strides = array<i32>} : memref<10000xi32, #tpu.memory_space<vmem>>, vector<16xi32>,
                %neg3A_1201 = arith.constant 0.000000e+00 : f32
                %neg3A_1202 = vector.broadcast %neg3A_1201 : f32 to vector<16xf32>
                %neg3A_1203 = arith.subf %neg3A_1202, %get3A_1198 : vector<16xf32>
                %abs3A_1204 = math.absf %get3A_1198 : vector<16xf32>
                %mul3A_1205 = arith.constant 2.560000e+02 : f32
                %mul3A_1206 = vector.broadcast %mul3A_1205 : f32 to vector<16xf32>
                %mul3A_1207 = arith.mulf %abs3A_1204, %mul3A_1206 : vector<16xf32>
                %min3A_1208 = arith.constant 4.095000e+03 : f32
                %min3A_1209 = vector.broadcast %min3A_1208 : f32 to vector<16xf32>
                %min3A_1210 = arith.minimumf %mul3A_1207, %min3A_1209 : vector<16xf32>
                %convert_element_type3A_1211 = arith.fptosi %min3A_1210 : vector<16xf32> to vector<16xi32>
                %gather3A_1212 = tpu.vector_load_idx %arg16[%convert_element_type3A_1211] : memref<4096xf32, #tpu.memory_space<vmem>>[vector<16xi32>], vector<16xf32>,
                %ne3A_1213 = arith.constant 0 : i32
                %ne3A_1214 = vector.broadcast %ne3A_1213 : i32 to vector<16xi32>
                %ne3A_1215 = arith.cmpi ne, %get3A_1200, %ne3A_1214 : vector<16xi32>
                %select_n3A_1216 = arith.select %ne3A_1215, %neg3A_1203, %get3A_1198 : vector<16xi1>, vector<16xf32>
                %max3A_1217 = arith.constant 0.000000e+00 : f32
                %max3A_1218 = vector.broadcast %max3A_1217 : f32 to vector<16xf32>
                %max3A_1219 = arith.maximumf %select_n3A_1216, %max3A_1218 : vector<16xf32>
                %add3A_1220 = arith.addf %gather3A_1212, %max3A_1219 : vector<16xf32>
                %jit3A_1221 = arith.constant 0.000000e+00 : f32
                %broadcast_in_dim3A_1222 = vector.broadcast %jit3A_1221 : f32 to vector<16xf32>
                %select_n3A_1223 = arith.select %ne3A_1215, %add3A_1220, %broadcast_in_dim3A_1222 : vector<16xi1>, vector<16xf32>
                %add3A_1224 = arith.addf %add3A_1220, %select_n3A_1223 : vector<16xf32>
                %slice3A_1225 = vector.extract_strided_slice %get3A_1196 {offsets = [0], sizes = [1], strides = [1]} : vector<16xi32> to vector<1xi32>
                %squeeze3A_1226 = vector.extract %slice3A_1225[0] : i32 from vector<1xi32>
                %slice3A_1227 = vector.extract_strided_slice %get3A_1196 {offsets = [15], sizes = [1], strides = [1]} : vector<16xi32> to vector<1xi32>
                %squeeze3A_1228 = vector.extract %slice3A_1227[0] : i32 from vector<1xi32>
                %eq3A_1229 = arith.cmpi eq, %squeeze3A_1226, %while3A_1190 : i32
                %eq3A_1230 = arith.cmpi eq, %squeeze3A_1228, %while3A_1190 : i32
                %and3A_1231 = arith.andi %eq3A_1229, %eq3A_1230 : i1
                %not3A = arith.constant true
                %not3A_1232 = arith.xori %and3A_1231, %not3A : i1
                %convert_element_type3A_1233 = arith.extui %not3A_1232 : i1 to i32
                %cond3A_1234 = arith.constant 0 : i32
                %cond3A_1235 = arith.cmpi ne, %convert_element_type3A_1233, %cond3A_1234 : i32
                scf.if %cond3A_1235 {
                  %broadcast_in_dim3A_1243 = vector.broadcast %while3A_1190 : i32 to vector<16xi32>
                  %scan3A_1244 = arith.constant 0 : i32
                  %scan3A_1245 = arith.constant 0 : i32
                  %scan3A_1246 = arith.constant 16 : i32
                  %scan3A_1247 = arith.addi %scan3A_1245, %scan3A_1246 : i32
                  %scan3A_1248 = arith.constant 1 : i32
                  %scan3A_1249 = scf.for %scan3A_1260 = %scan3A_1245 to %scan3A_1247 step %scan3A_1248 iter_args(%scan3A_1261 = %scan3A_1244) -> (i32)  : i32 {
                    %eq3A_1262 = vector.broadcast %scan3A_1260 : i32 to vector<16xi32>
                    %eq3A_1263 = arith.cmpi eq, %iota3A, %eq3A_1262 : vector<16xi32>
                    tpu.vector_store_idx %arg14[%broadcast_in_dim3A_1243], %while3A_1192 masked %eq3A_1263 {add = true} : memref<1024xf32, #tpu.memory_space<vmem>>[vector<16xi32>], vector<16xf32>, vector<16xi1>
                    %scan3A_1264 = arith.constant 0 : i32
                    scf.yield %scan3A_1264 : i32
                  }
                  %scan3A_1250 = arith.constant 16 : i32
                  %convert_element_type3A_1251 = arith.sitofp %while3A_1191 : i32 to f32
                  %broadcast_in_dim3A_1252 = vector.broadcast %convert_element_type3A_1251 : f32 to vector<16xf32>
                  tpu.vector_store_idx %arg15[%broadcast_in_dim3A_1243], %broadcast_in_dim3A_1252 masked %eq3A_4 {add = true} : memref<1024xf32, #tpu.memory_space<vmem>>[vector<16xi32>], vector<16xf32>, vector<16xi1>
                  %scan3A_1253 = arith.constant 0 : i32
                  %scan3A_1254 = arith.constant 0 : i32
                  %scan3A_1255 = arith.constant 16 : i32
                  %scan3A_1256 = arith.addi %scan3A_1254, %scan3A_1255 : i32
                  %scan3A_1257 = arith.constant 1 : i32
                  %scan3A_1258 = scf.for %scan3A_1260 = %scan3A_1254 to %scan3A_1256 step %scan3A_1257 iter_args(%scan3A_1261 = %scan3A_1253) -> (i32)  : i32 {
                    %eq3A_1262 = vector.broadcast %scan3A_1260 : i32 to vector<16xi32>
                    %eq3A_1263 = arith.cmpi eq, %iota3A, %eq3A_1262 : vector<16xi32>
                    tpu.vector_store_idx %arg14[%get3A_1196], %add3A_1224 masked %eq3A_1263 {add = true} : memref<1024xf32, #tpu.memory_space<vmem>>[vector<16xi32>], vector<16xf32>, vector<16xi1>
                    tpu.vector_store_idx %arg15[%get3A_1196], %broadcast_in_dim3A_7 masked %eq3A_1263 {add = true} : memref<1024xf32, #tpu.memory_space<vmem>>[vector<16xi32>], vector<16xf32>, vector<16xi1>
                    %scan3A_1264 = arith.constant 0 : i32
                    scf.yield %scan3A_1264 : i32
                  }
                  %scan3A_1259 = arith.constant 16 : i32
                } else {
                }
                %select_n3A_1236 = arith.select %and3A_1231, %while3A_1190, %squeeze3A_1228 : i32
                %add3A_1237 = arith.constant 16 : i32
                %add3A_1238 = arith.addi %while3A_1191, %add3A_1237 : i32
                %jit3A_1239 = arith.constant 0 : i32
                %select_n3A_1240 = arith.select %and3A_1231, %add3A_1238, %jit3A_1239 : i32
                %add3A_1241 = arith.addf %while3A_1192, %add3A_1224 : vector<16xf32>
                %select_n3A_1242 = arith.select %and3A_1231, %add3A_1241, %broadcast_in_dim3A_5 : vector<16xf32>
                scf.yield %select_n3A_1236, %select_n3A_1240, %select_n3A_1242 : i32, i32, vector<16xf32>
              }
              %while3A_1187 = arith.constant 1 : i32
              %while3A_1188:3 = scf.for %while3A_1189 = %while3A_1184 to %while3A_1180 step %while3A_1187 iter_args(%while3A_1190 = %while3A_1186#0, %while3A_1191 = %while3A_1186#1, %while3A_1192 = %while3A_1186#2) -> (i32, i32, vector<16xf32>)  : i32 {
                %mul3A_1193 = arith.constant 16 : i32
                %mul3A_1194 = arith.muli %while3A_1189, %mul3A_1193 : i32
                %get3A_1195 = arith.index_cast %mul3A_1194 : i32 to index
                %get3A_1196 = tpu.vector_load %arg12[%get3A_1195] {strides = array<i32>} : memref<10000xi32, #tpu.memory_space<vmem>>, vector<16xi32>,
                %get3A_1197 = arith.index_cast %mul3A_1194 : i32 to index
                %get3A_1198 = tpu.vector_load %arg8[%get3A_1197] {strides = array<i32>} : memref<10000xf32, #tpu.memory_space<vmem>>, vector<16xf32>,
                %get3A_1199 = arith.index_cast %mul3A_1194 : i32 to index
                %get3A_1200 = tpu.vector_load %arg10[%get3A_1199] {strides = array<i32>} : memref<10000xi32, #tpu.memory_space<vmem>>, vector<16xi32>,
                %neg3A_1201 = arith.constant 0.000000e+00 : f32
                %neg3A_1202 = vector.broadcast %neg3A_1201 : f32 to vector<16xf32>
                %neg3A_1203 = arith.subf %neg3A_1202, %get3A_1198 : vector<16xf32>
                %abs3A_1204 = math.absf %get3A_1198 : vector<16xf32>
                %mul3A_1205 = arith.constant 2.560000e+02 : f32
                %mul3A_1206 = vector.broadcast %mul3A_1205 : f32 to vector<16xf32>
                %mul3A_1207 = arith.mulf %abs3A_1204, %mul3A_1206 : vector<16xf32>
                %min3A_1208 = arith.constant 4.095000e+03 : f32
                %min3A_1209 = vector.broadcast %min3A_1208 : f32 to vector<16xf32>
                %min3A_1210 = arith.minimumf %mul3A_1207, %min3A_1209 : vector<16xf32>
                %convert_element_type3A_1211 = arith.fptosi %min3A_1210 : vector<16xf32> to vector<16xi32>
                %gather3A_1212 = tpu.vector_load_idx %arg16[%convert_element_type3A_1211] : memref<4096xf32, #tpu.memory_space<vmem>>[vector<16xi32>], vector<16xf32>,
                %ne3A_1213 = arith.constant 0 : i32
                %ne3A_1214 = vector.broadcast %ne3A_1213 : i32 to vector<16xi32>
                %ne3A_1215 = arith.cmpi ne, %get3A_1200, %ne3A_1214 : vector<16xi32>
                %select_n3A_1216 = arith.select %ne3A_1215, %neg3A_1203, %get3A_1198 : vector<16xi1>, vector<16xf32>
                %max3A_1217 = arith.constant 0.000000e+00 : f32
                %max3A_1218 = vector.broadcast %max3A_1217 : f32 to vector<16xf32>
                %max3A_1219 = arith.maximumf %select_n3A_1216, %max3A_1218 : vector<16xf32>
                %add3A_1220 = arith.addf %gather3A_1212, %max3A_1219 : vector<16xf32>
                %jit3A_1221 = arith.constant 0.000000e+00 : f32
                %broadcast_in_dim3A_1222 = vector.broadcast %jit3A_1221 : f32 to vector<16xf32>
                %select_n3A_1223 = arith.select %ne3A_1215, %add3A_1220, %broadcast_in_dim3A_1222 : vector<16xi1>, vector<16xf32>
                %add3A_1224 = arith.addf %add3A_1220, %select_n3A_1223 : vector<16xf32>
                %slice3A_1225 = vector.extract_strided_slice %get3A_1196 {offsets = [0], sizes = [1], strides = [1]} : vector<16xi32> to vector<1xi32>
                %squeeze3A_1226 = vector.extract %slice3A_1225[0] : i32 from vector<1xi32>
                %slice3A_1227 = vector.extract_strided_slice %get3A_1196 {offsets = [15], sizes = [1], strides = [1]} : vector<16xi32> to vector<1xi32>
                %squeeze3A_1228 = vector.extract %slice3A_1227[0] : i32 from vector<1xi32>
                %eq3A_1229 = arith.cmpi eq, %squeeze3A_1226, %while3A_1190 : i32
                %eq3A_1230 = arith.cmpi eq, %squeeze3A_1228, %while3A_1190 : i32
                %and3A_1231 = arith.andi %eq3A_1229, %eq3A_1230 : i1
                %not3A = arith.constant true
                %not3A_1232 = arith.xori %and3A_1231, %not3A : i1
                %convert_element_type3A_1233 = arith.extui %not3A_1232 : i1 to i32
                %cond3A_1234 = arith.constant 0 : i32
                %cond3A_1235 = arith.cmpi ne, %convert_element_type3A_1233, %cond3A_1234 : i32
                scf.if %cond3A_1235 {
                  %broadcast_in_dim3A_1243 = vector.broadcast %while3A_1190 : i32 to vector<16xi32>
                  %scan3A_1244 = arith.constant 0 : i32
                  %scan3A_1245 = arith.constant 0 : i32
                  %scan3A_1246 = arith.constant 16 : i32
                  %scan3A_1247 = arith.addi %scan3A_1245, %scan3A_1246 : i32
                  %scan3A_1248 = arith.constant 1 : i32
                  %scan3A_1249 = scf.for %scan3A_1260 = %scan3A_1245 to %scan3A_1247 step %scan3A_1248 iter_args(%scan3A_1261 = %scan3A_1244) -> (i32)  : i32 {
                    %eq3A_1262 = vector.broadcast %scan3A_1260 : i32 to vector<16xi32>
                    %eq3A_1263 = arith.cmpi eq, %iota3A, %eq3A_1262 : vector<16xi32>
                    tpu.vector_store_idx %arg14[%broadcast_in_dim3A_1243], %while3A_1192 masked %eq3A_1263 {add = true} : memref<1024xf32, #tpu.memory_space<vmem>>[vector<16xi32>], vector<16xf32>, vector<16xi1>
                    %scan3A_1264 = arith.constant 0 : i32
                    scf.yield %scan3A_1264 : i32
                  }
                  %scan3A_1250 = arith.constant 16 : i32
                  %convert_element_type3A_1251 = arith.sitofp %while3A_1191 : i32 to f32
                  %broadcast_in_dim3A_1252 = vector.broadcast %convert_element_type3A_1251 : f32 to vector<16xf32>
                  tpu.vector_store_idx %arg15[%broadcast_in_dim3A_1243], %broadcast_in_dim3A_1252 masked %eq3A_4 {add = true} : memref<1024xf32, #tpu.memory_space<vmem>>[vector<16xi32>], vector<16xf32>, vector<16xi1>
                  %scan3A_1253 = arith.constant 0 : i32
                  %scan3A_1254 = arith.constant 0 : i32
                  %scan3A_1255 = arith.constant 16 : i32
                  %scan3A_1256 = arith.addi %scan3A_1254, %scan3A_1255 : i32
                  %scan3A_1257 = arith.constant 1 : i32
                  %scan3A_1258 = scf.for %scan3A_1260 = %scan3A_1254 to %scan3A_1256 step %scan3A_1257 iter_args(%scan3A_1261 = %scan3A_1253) -> (i32)  : i32 {
                    %eq3A_1262 = vector.broadcast %scan3A_1260 : i32 to vector<16xi32>
                    %eq3A_1263 = arith.cmpi eq, %iota3A, %eq3A_1262 : vector<16xi32>
                    tpu.vector_store_idx %arg14[%get3A_1196], %add3A_1224 masked %eq3A_1263 {add = true} : memref<1024xf32, #tpu.memory_space<vmem>>[vector<16xi32>], vector<16xf32>, vector<16xi1>
                    tpu.vector_store_idx %arg15[%get3A_1196], %broadcast_in_dim3A_7 masked %eq3A_1263 {add = true} : memref<1024xf32, #tpu.memory_space<vmem>>[vector<16xi32>], vector<16xf32>, vector<16xi1>
                    %scan3A_1264 = arith.constant 0 : i32
                    scf.yield %scan3A_1264 : i32
                  }
                  %scan3A_1259 = arith.constant 16 : i32
                } else {
                }
                %select_n3A_1236 = arith.select %and3A_1231, %while3A_1190, %squeeze3A_1228 : i32
                %add3A_1237 = arith.constant 16 : i32
                %add3A_1238 = arith.addi %while3A_1191, %add3A_1237 : i32
                %jit3A_1239 = arith.constant 0 : i32
                %select_n3A_1240 = arith.select %and3A_1231, %add3A_1238, %jit3A_1239 : i32
                %add3A_1241 = arith.addf %while3A_1192, %add3A_1224 : vector<16xf32>
                %select_n3A_1242 = arith.select %and3A_1231, %add3A_1241, %broadcast_in_dim3A_5 : vector<16xf32>
                scf.yield %select_n3A_1236, %select_n3A_1240, %select_n3A_1242 : i32, i32, vector<16xf32>
              }
              scf.yield %while3A_1188#0, %while3A_1188#1, %while3A_1188#2 : i32, i32, vector<16xf32>
            }
            scf.yield %cond3A_1172#0, %cond3A_1172#1, %cond3A_1172#2 : i32, i32, vector<16xf32>
          }
          %while3A_984 = arith.constant 1 : i32
          %while3A_985:3 = scf.for %while3A_986 = %while3A_981 to %while3A_977 step %while3A_984 iter_args(%while3A_987 = %while3A_983#0, %while3A_988 = %while3A_983#1, %while3A_989 = %while3A_983#2) -> (i32, i32, vector<16xf32>)  : i32 {
            %mul3A_990 = arith.constant 80 : i32
            %mul3A_991 = arith.muli %while3A_986, %mul3A_990 : i32
            %get3A_992 = arith.index_cast %mul3A_991 : i32 to index
            %get3A_993 = tpu.vector_load %arg12[%get3A_992] {strides = array<i32>} : memref<10000xi32, #tpu.memory_space<vmem>>, vector<16xi32>,
            %slice3A_994 = vector.extract_strided_slice %get3A_993 {offsets = [0], sizes = [1], strides = [1]} : vector<16xi32> to vector<1xi32>
            %squeeze3A_995 = vector.extract %slice3A_994[0] : i32 from vector<1xi32>
            %add3A_996 = arith.constant 64 : i32
            %add3A_997 = arith.addi %mul3A_991, %add3A_996 : i32
            %get3A_998 = arith.index_cast %add3A_997 : i32 to index
            %get3A_999 = tpu.vector_load %arg12[%get3A_998] {strides = array<i32>} : memref<10000xi32, #tpu.memory_space<vmem>>, vector<16xi32>,
            %slice3A_1000 = vector.extract_strided_slice %get3A_999 {offsets = [15], sizes = [1], strides = [1]} : vector<16xi32> to vector<1xi32>
            %squeeze3A_1001 = vector.extract %slice3A_1000[0] : i32 from vector<1xi32>
            %add3A_1002 = arith.constant 0 : i32
            %add3A_1003 = arith.addi %mul3A_991, %add3A_1002 : i32
            %get3A_1004 = arith.index_cast %add3A_1003 : i32 to index
            %get3A_1005 = tpu.vector_load %arg8[%get3A_1004] {strides = array<i32>} : memref<10000xf32, #tpu.memory_space<vmem>>, vector<16xf32>,
            %add3A_1006 = arith.constant 0 : i32
            %add3A_1007 = arith.addi %mul3A_991, %add3A_1006 : i32
            %get3A_1008 = arith.index_cast %add3A_1007 : i32 to index
            %get3A_1009 = tpu.vector_load %arg10[%get3A_1008] {strides = array<i32>} : memref<10000xi32, #tpu.memory_space<vmem>>, vector<16xi32>,
            %neg3A_1010 = arith.constant 0.000000e+00 : f32
            %neg3A_1011 = vector.broadcast %neg3A_1010 : f32 to vector<16xf32>
            %neg3A_1012 = arith.subf %neg3A_1011, %get3A_1005 : vector<16xf32>
            %abs3A_1013 = math.absf %get3A_1005 : vector<16xf32>
            %mul3A_1014 = arith.constant 2.560000e+02 : f32
            %mul3A_1015 = vector.broadcast %mul3A_1014 : f32 to vector<16xf32>
            %mul3A_1016 = arith.mulf %abs3A_1013, %mul3A_1015 : vector<16xf32>
            %min3A_1017 = arith.constant 4.095000e+03 : f32
            %min3A_1018 = vector.broadcast %min3A_1017 : f32 to vector<16xf32>
            %min3A_1019 = arith.minimumf %mul3A_1016, %min3A_1018 : vector<16xf32>
            %convert_element_type3A_1020 = arith.fptosi %min3A_1019 : vector<16xf32> to vector<16xi32>
            %gather3A_1021 = tpu.vector_load_idx %arg16[%convert_element_type3A_1020] : memref<4096xf32, #tpu.memory_space<vmem>>[vector<16xi32>], vector<16xf32>,
            %ne3A_1022 = arith.constant 0 : i32
            %ne3A_1023 = vector.broadcast %ne3A_1022 : i32 to vector<16xi32>
            %ne3A_1024 = arith.cmpi ne, %get3A_1009, %ne3A_1023 : vector<16xi32>
            %select_n3A_1025 = arith.select %ne3A_1024, %neg3A_1012, %get3A_1005 : vector<16xi1>, vector<16xf32>
            %max3A_1026 = arith.constant 0.000000e+00 : f32
            %max3A_1027 = vector.broadcast %max3A_1026 : f32 to vector<16xf32>
            %max3A_1028 = arith.maximumf %select_n3A_1025, %max3A_1027 : vector<16xf32>
            %add3A_1029 = arith.addf %gather3A_1021, %max3A_1028 : vector<16xf32>
            %jit3A_1030 = arith.constant 0.000000e+00 : f32
            %broadcast_in_dim3A_1031 = vector.broadcast %jit3A_1030 : f32 to vector<16xf32>
            %select_n3A_1032 = arith.select %ne3A_1024, %add3A_1029, %broadcast_in_dim3A_1031 : vector<16xi1>, vector<16xf32>
            %add3A_1033 = arith.addf %add3A_1029, %select_n3A_1032 : vector<16xf32>
            %add3A_1034 = arith.constant 16 : i32
            %add3A_1035 = arith.addi %mul3A_991, %add3A_1034 : i32
            %get3A_1036 = arith.index_cast %add3A_1035 : i32 to index
            %get3A_1037 = tpu.vector_load %arg8[%get3A_1036] {strides = array<i32>} : memref<10000xf32, #tpu.memory_space<vmem>>, vector<16xf32>,
            %add3A_1038 = arith.constant 16 : i32
            %add3A_1039 = arith.addi %mul3A_991, %add3A_1038 : i32
            %get3A_1040 = arith.index_cast %add3A_1039 : i32 to index
            %get3A_1041 = tpu.vector_load %arg10[%get3A_1040] {strides = array<i32>} : memref<10000xi32, #tpu.memory_space<vmem>>, vector<16xi32>,
            %neg3A_1042 = arith.constant 0.000000e+00 : f32
            %neg3A_1043 = vector.broadcast %neg3A_1042 : f32 to vector<16xf32>
            %neg3A_1044 = arith.subf %neg3A_1043, %get3A_1037 : vector<16xf32>
            %abs3A_1045 = math.absf %get3A_1037 : vector<16xf32>
            %mul3A_1046 = arith.constant 2.560000e+02 : f32
            %mul3A_1047 = vector.broadcast %mul3A_1046 : f32 to vector<16xf32>
            %mul3A_1048 = arith.mulf %abs3A_1045, %mul3A_1047 : vector<16xf32>
            %min3A_1049 = arith.constant 4.095000e+03 : f32
            %min3A_1050 = vector.broadcast %min3A_1049 : f32 to vector<16xf32>
            %min3A_1051 = arith.minimumf %mul3A_1048, %min3A_1050 : vector<16xf32>
            %convert_element_type3A_1052 = arith.fptosi %min3A_1051 : vector<16xf32> to vector<16xi32>
            %gather3A_1053 = tpu.vector_load_idx %arg16[%convert_element_type3A_1052] : memref<4096xf32, #tpu.memory_space<vmem>>[vector<16xi32>], vector<16xf32>,
            %ne3A_1054 = arith.constant 0 : i32
            %ne3A_1055 = vector.broadcast %ne3A_1054 : i32 to vector<16xi32>
            %ne3A_1056 = arith.cmpi ne, %get3A_1041, %ne3A_1055 : vector<16xi32>
            %select_n3A_1057 = arith.select %ne3A_1056, %neg3A_1044, %get3A_1037 : vector<16xi1>, vector<16xf32>
            %max3A_1058 = arith.constant 0.000000e+00 : f32
            %max3A_1059 = vector.broadcast %max3A_1058 : f32 to vector<16xf32>
            %max3A_1060 = arith.maximumf %select_n3A_1057, %max3A_1059 : vector<16xf32>
            %add3A_1061 = arith.addf %gather3A_1053, %max3A_1060 : vector<16xf32>
            %jit3A_1062 = arith.constant 0.000000e+00 : f32
            %broadcast_in_dim3A_1063 = vector.broadcast %jit3A_1062 : f32 to vector<16xf32>
            %select_n3A_1064 = arith.select %ne3A_1056, %add3A_1061, %broadcast_in_dim3A_1063 : vector<16xi1>, vector<16xf32>
            %add3A_1065 = arith.addf %add3A_1061, %select_n3A_1064 : vector<16xf32>
            %add3A_1066 = arith.constant 32 : i32
            %add3A_1067 = arith.addi %mul3A_991, %add3A_1066 : i32
            %get3A_1068 = arith.index_cast %add3A_1067 : i32 to index
            %get3A_1069 = tpu.vector_load %arg8[%get3A_1068] {strides = array<i32>} : memref<10000xf32, #tpu.memory_space<vmem>>, vector<16xf32>,
            %add3A_1070 = arith.constant 32 : i32
            %add3A_1071 = arith.addi %mul3A_991, %add3A_1070 : i32
            %get3A_1072 = arith.index_cast %add3A_1071 : i32 to index
            %get3A_1073 = tpu.vector_load %arg10[%get3A_1072] {strides = array<i32>} : memref<10000xi32, #tpu.memory_space<vmem>>, vector<16xi32>,
            %neg3A_1074 = arith.constant 0.000000e+00 : f32
            %neg3A_1075 = vector.broadcast %neg3A_1074 : f32 to vector<16xf32>
            %neg3A_1076 = arith.subf %neg3A_1075, %get3A_1069 : vector<16xf32>
            %abs3A_1077 = math.absf %get3A_1069 : vector<16xf32>
            %mul3A_1078 = arith.constant 2.560000e+02 : f32
            %mul3A_1079 = vector.broadcast %mul3A_1078 : f32 to vector<16xf32>
            %mul3A_1080 = arith.mulf %abs3A_1077, %mul3A_1079 : vector<16xf32>
            %min3A_1081 = arith.constant 4.095000e+03 : f32
            %min3A_1082 = vector.broadcast %min3A_1081 : f32 to vector<16xf32>
            %min3A_1083 = arith.minimumf %mul3A_1080, %min3A_1082 : vector<16xf32>
            %convert_element_type3A_1084 = arith.fptosi %min3A_1083 : vector<16xf32> to vector<16xi32>
            %gather3A_1085 = tpu.vector_load_idx %arg16[%convert_element_type3A_1084] : memref<4096xf32, #tpu.memory_space<vmem>>[vector<16xi32>], vector<16xf32>,
            %ne3A_1086 = arith.constant 0 : i32
            %ne3A_1087 = vector.broadcast %ne3A_1086 : i32 to vector<16xi32>
            %ne3A_1088 = arith.cmpi ne, %get3A_1073, %ne3A_1087 : vector<16xi32>
            %select_n3A_1089 = arith.select %ne3A_1088, %neg3A_1076, %get3A_1069 : vector<16xi1>, vector<16xf32>
            %max3A_1090 = arith.constant 0.000000e+00 : f32
            %max3A_1091 = vector.broadcast %max3A_1090 : f32 to vector<16xf32>
            %max3A_1092 = arith.maximumf %select_n3A_1089, %max3A_1091 : vector<16xf32>
            %add3A_1093 = arith.addf %gather3A_1085, %max3A_1092 : vector<16xf32>
            %jit3A_1094 = arith.constant 0.000000e+00 : f32
            %broadcast_in_dim3A_1095 = vector.broadcast %jit3A_1094 : f32 to vector<16xf32>
            %select_n3A_1096 = arith.select %ne3A_1088, %add3A_1093, %broadcast_in_dim3A_1095 : vector<16xi1>, vector<16xf32>
            %add3A_1097 = arith.addf %add3A_1093, %select_n3A_1096 : vector<16xf32>
            %add3A_1098 = arith.constant 48 : i32
            %add3A_1099 = arith.addi %mul3A_991, %add3A_1098 : i32
            %get3A_1100 = arith.index_cast %add3A_1099 : i32 to index
            %get3A_1101 = tpu.vector_load %arg8[%get3A_1100] {strides = array<i32>} : memref<10000xf32, #tpu.memory_space<vmem>>, vector<16xf32>,
            %add3A_1102 = arith.constant 48 : i32
            %add3A_1103 = arith.addi %mul3A_991, %add3A_1102 : i32
            %get3A_1104 = arith.index_cast %add3A_1103 : i32 to index
            %get3A_1105 = tpu.vector_load %arg10[%get3A_1104] {strides = array<i32>} : memref<10000xi32, #tpu.memory_space<vmem>>, vector<16xi32>,
            %neg3A_1106 = arith.constant 0.000000e+00 : f32
            %neg3A_1107 = vector.broadcast %neg3A_1106 : f32 to vector<16xf32>
            %neg3A_1108 = arith.subf %neg3A_1107, %get3A_1101 : vector<16xf32>
            %abs3A_1109 = math.absf %get3A_1101 : vector<16xf32>
            %mul3A_1110 = arith.constant 2.560000e+02 : f32
            %mul3A_1111 = vector.broadcast %mul3A_1110 : f32 to vector<16xf32>
            %mul3A_1112 = arith.mulf %abs3A_1109, %mul3A_1111 : vector<16xf32>
            %min3A_1113 = arith.constant 4.095000e+03 : f32
            %min3A_1114 = vector.broadcast %min3A_1113 : f32 to vector<16xf32>
            %min3A_1115 = arith.minimumf %mul3A_1112, %min3A_1114 : vector<16xf32>
            %convert_element_type3A_1116 = arith.fptosi %min3A_1115 : vector<16xf32> to vector<16xi32>
            %gather3A_1117 = tpu.vector_load_idx %arg16[%convert_element_type3A_1116] : memref<4096xf32, #tpu.memory_space<vmem>>[vector<16xi32>], vector<16xf32>,
            %ne3A_1118 = arith.constant 0 : i32
            %ne3A_1119 = vector.broadcast %ne3A_1118 : i32 to vector<16xi32>
            %ne3A_1120 = arith.cmpi ne, %get3A_1105, %ne3A_1119 : vector<16xi32>
            %select_n3A_1121 = arith.select %ne3A_1120, %neg3A_1108, %get3A_1101 : vector<16xi1>, vector<16xf32>
            %max3A_1122 = arith.constant 0.000000e+00 : f32
            %max3A_1123 = vector.broadcast %max3A_1122 : f32 to vector<16xf32>
            %max3A_1124 = arith.maximumf %select_n3A_1121, %max3A_1123 : vector<16xf32>
            %add3A_1125 = arith.addf %gather3A_1117, %max3A_1124 : vector<16xf32>
            %jit3A_1126 = arith.constant 0.000000e+00 : f32
            %broadcast_in_dim3A_1127 = vector.broadcast %jit3A_1126 : f32 to vector<16xf32>
            %select_n3A_1128 = arith.select %ne3A_1120, %add3A_1125, %broadcast_in_dim3A_1127 : vector<16xi1>, vector<16xf32>
            %add3A_1129 = arith.addf %add3A_1125, %select_n3A_1128 : vector<16xf32>
            %add3A_1130 = arith.constant 64 : i32
            %add3A_1131 = arith.addi %mul3A_991, %add3A_1130 : i32
            %get3A_1132 = arith.index_cast %add3A_1131 : i32 to index
            %get3A_1133 = tpu.vector_load %arg8[%get3A_1132] {strides = array<i32>} : memref<10000xf32, #tpu.memory_space<vmem>>, vector<16xf32>,
            %add3A_1134 = arith.constant 64 : i32
            %add3A_1135 = arith.addi %mul3A_991, %add3A_1134 : i32
            %get3A_1136 = arith.index_cast %add3A_1135 : i32 to index
            %get3A_1137 = tpu.vector_load %arg10[%get3A_1136] {strides = array<i32>} : memref<10000xi32, #tpu.memory_space<vmem>>, vector<16xi32>,
            %neg3A_1138 = arith.constant 0.000000e+00 : f32
            %neg3A_1139 = vector.broadcast %neg3A_1138 : f32 to vector<16xf32>
            %neg3A_1140 = arith.subf %neg3A_1139, %get3A_1133 : vector<16xf32>
            %abs3A_1141 = math.absf %get3A_1133 : vector<16xf32>
            %mul3A_1142 = arith.constant 2.560000e+02 : f32
            %mul3A_1143 = vector.broadcast %mul3A_1142 : f32 to vector<16xf32>
            %mul3A_1144 = arith.mulf %abs3A_1141, %mul3A_1143 : vector<16xf32>
            %min3A_1145 = arith.constant 4.095000e+03 : f32
            %min3A_1146 = vector.broadcast %min3A_1145 : f32 to vector<16xf32>
            %min3A_1147 = arith.minimumf %mul3A_1144, %min3A_1146 : vector<16xf32>
            %convert_element_type3A_1148 = arith.fptosi %min3A_1147 : vector<16xf32> to vector<16xi32>
            %gather3A_1149 = tpu.vector_load_idx %arg16[%convert_element_type3A_1148] : memref<4096xf32, #tpu.memory_space<vmem>>[vector<16xi32>], vector<16xf32>,
            %ne3A_1150 = arith.constant 0 : i32
            %ne3A_1151 = vector.broadcast %ne3A_1150 : i32 to vector<16xi32>
            %ne3A_1152 = arith.cmpi ne, %get3A_1137, %ne3A_1151 : vector<16xi32>
            %select_n3A_1153 = arith.select %ne3A_1152, %neg3A_1140, %get3A_1133 : vector<16xi1>, vector<16xf32>
            %max3A_1154 = arith.constant 0.000000e+00 : f32
            %max3A_1155 = vector.broadcast %max3A_1154 : f32 to vector<16xf32>
            %max3A_1156 = arith.maximumf %select_n3A_1153, %max3A_1155 : vector<16xf32>
            %add3A_1157 = arith.addf %gather3A_1149, %max3A_1156 : vector<16xf32>
            %jit3A_1158 = arith.constant 0.000000e+00 : f32
            %broadcast_in_dim3A_1159 = vector.broadcast %jit3A_1158 : f32 to vector<16xf32>
            %select_n3A_1160 = arith.select %ne3A_1152, %add3A_1157, %broadcast_in_dim3A_1159 : vector<16xi1>, vector<16xf32>
            %add3A_1161 = arith.addf %add3A_1157, %select_n3A_1160 : vector<16xf32>
            %add3A_1162 = arith.addf %add3A_1033, %add3A_1065 : vector<16xf32>
            %add3A_1163 = arith.addf %add3A_1097, %add3A_1129 : vector<16xf32>
            %add3A_1164 = arith.addf %add3A_1162, %add3A_1163 : vector<16xf32>
            %add3A_1165 = arith.addf %add3A_1164, %add3A_1161 : vector<16xf32>
            %eq3A_1166 = arith.cmpi eq, %squeeze3A_995, %while3A_987 : i32
            %eq3A_1167 = arith.cmpi eq, %squeeze3A_1001, %while3A_987 : i32
            %and3A_1168 = arith.andi %eq3A_1166, %eq3A_1167 : i1
            %convert_element_type3A_1169 = arith.extui %and3A_1168 : i1 to i32
            %cond3A_1170 = arith.constant 0 : i32
            %cond3A_1171 = arith.cmpi ne, %convert_element_type3A_1169, %cond3A_1170 : i32
            %cond3A_1172:3 = scf.if %cond3A_1171 -> (i32, i32, vector<16xf32>) {
              %add3A_1173 = arith.constant 80 : i32
              %add3A_1174 = arith.addi %while3A_988, %add3A_1173 : i32
              %add3A_1175 = arith.addf %while3A_989, %add3A_1165 : vector<16xf32>
              scf.yield %while3A_987, %add3A_1174, %add3A_1175 : i32, i32, vector<16xf32>
            } else {
              %mul3A_1173 = arith.constant 5 : i32
              %mul3A_1174 = arith.muli %while3A_986, %mul3A_1173 : i32
              %add3A_1175 = arith.constant 1 : i32
              %add3A_1176 = arith.addi %while3A_986, %add3A_1175 : i32
              %mul3A_1177 = arith.constant 5 : i32
              %mul3A_1178 = arith.muli %add3A_1176, %mul3A_1177 : i32
              %while3A_1179 = arith.subi %mul3A_1178, %mul3A_1174 : i32
              %while3A_1180 = arith.addi %mul3A_1174, %while3A_1179 : i32
              %while3A_1181 = arith.constant 1 : i32
              %while3A_1182 = arith.divsi %while3A_1179, %while3A_1181 : i32
              %while3A_1183 = arith.muli %while3A_1182, %while3A_1181 : i32
              %while3A_1184 = arith.addi %mul3A_1174, %while3A_1183 : i32
              %while3A_1185 = arith.constant 1 : i32
              %while3A_1186:3 = scf.for %while3A_1189 = %mul3A_1174 to %while3A_1184 step %while3A_1185 iter_args(%while3A_1190 = %while3A_987, %while3A_1191 = %while3A_988, %while3A_1192 = %while3A_989) -> (i32, i32, vector<16xf32>)  : i32 {
                %mul3A_1193 = arith.constant 16 : i32
                %mul3A_1194 = arith.muli %while3A_1189, %mul3A_1193 : i32
                %get3A_1195 = arith.index_cast %mul3A_1194 : i32 to index
                %get3A_1196 = tpu.vector_load %arg12[%get3A_1195] {strides = array<i32>} : memref<10000xi32, #tpu.memory_space<vmem>>, vector<16xi32>,
                %get3A_1197 = arith.index_cast %mul3A_1194 : i32 to index
                %get3A_1198 = tpu.vector_load %arg8[%get3A_1197] {strides = array<i32>} : memref<10000xf32, #tpu.memory_space<vmem>>, vector<16xf32>,
                %get3A_1199 = arith.index_cast %mul3A_1194 : i32 to index
                %get3A_1200 = tpu.vector_load %arg10[%get3A_1199] {strides = array<i32>} : memref<10000xi32, #tpu.memory_space<vmem>>, vector<16xi32>,
                %neg3A_1201 = arith.constant 0.000000e+00 : f32
                %neg3A_1202 = vector.broadcast %neg3A_1201 : f32 to vector<16xf32>
                %neg3A_1203 = arith.subf %neg3A_1202, %get3A_1198 : vector<16xf32>
                %abs3A_1204 = math.absf %get3A_1198 : vector<16xf32>
                %mul3A_1205 = arith.constant 2.560000e+02 : f32
                %mul3A_1206 = vector.broadcast %mul3A_1205 : f32 to vector<16xf32>
                %mul3A_1207 = arith.mulf %abs3A_1204, %mul3A_1206 : vector<16xf32>
                %min3A_1208 = arith.constant 4.095000e+03 : f32
                %min3A_1209 = vector.broadcast %min3A_1208 : f32 to vector<16xf32>
                %min3A_1210 = arith.minimumf %mul3A_1207, %min3A_1209 : vector<16xf32>
                %convert_element_type3A_1211 = arith.fptosi %min3A_1210 : vector<16xf32> to vector<16xi32>
                %gather3A_1212 = tpu.vector_load_idx %arg16[%convert_element_type3A_1211] : memref<4096xf32, #tpu.memory_space<vmem>>[vector<16xi32>], vector<16xf32>,
                %ne3A_1213 = arith.constant 0 : i32
                %ne3A_1214 = vector.broadcast %ne3A_1213 : i32 to vector<16xi32>
                %ne3A_1215 = arith.cmpi ne, %get3A_1200, %ne3A_1214 : vector<16xi32>
                %select_n3A_1216 = arith.select %ne3A_1215, %neg3A_1203, %get3A_1198 : vector<16xi1>, vector<16xf32>
                %max3A_1217 = arith.constant 0.000000e+00 : f32
                %max3A_1218 = vector.broadcast %max3A_1217 : f32 to vector<16xf32>
                %max3A_1219 = arith.maximumf %select_n3A_1216, %max3A_1218 : vector<16xf32>
                %add3A_1220 = arith.addf %gather3A_1212, %max3A_1219 : vector<16xf32>
                %jit3A_1221 = arith.constant 0.000000e+00 : f32
                %broadcast_in_dim3A_1222 = vector.broadcast %jit3A_1221 : f32 to vector<16xf32>
                %select_n3A_1223 = arith.select %ne3A_1215, %add3A_1220, %broadcast_in_dim3A_1222 : vector<16xi1>, vector<16xf32>
                %add3A_1224 = arith.addf %add3A_1220, %select_n3A_1223 : vector<16xf32>
                %slice3A_1225 = vector.extract_strided_slice %get3A_1196 {offsets = [0], sizes = [1], strides = [1]} : vector<16xi32> to vector<1xi32>
                %squeeze3A_1226 = vector.extract %slice3A_1225[0] : i32 from vector<1xi32>
                %slice3A_1227 = vector.extract_strided_slice %get3A_1196 {offsets = [15], sizes = [1], strides = [1]} : vector<16xi32> to vector<1xi32>
                %squeeze3A_1228 = vector.extract %slice3A_1227[0] : i32 from vector<1xi32>
                %eq3A_1229 = arith.cmpi eq, %squeeze3A_1226, %while3A_1190 : i32
                %eq3A_1230 = arith.cmpi eq, %squeeze3A_1228, %while3A_1190 : i32
                %and3A_1231 = arith.andi %eq3A_1229, %eq3A_1230 : i1
                %not3A = arith.constant true
                %not3A_1232 = arith.xori %and3A_1231, %not3A : i1
                %convert_element_type3A_1233 = arith.extui %not3A_1232 : i1 to i32
                %cond3A_1234 = arith.constant 0 : i32
                %cond3A_1235 = arith.cmpi ne, %convert_element_type3A_1233, %cond3A_1234 : i32
                scf.if %cond3A_1235 {
                  %broadcast_in_dim3A_1243 = vector.broadcast %while3A_1190 : i32 to vector<16xi32>
                  %scan3A_1244 = arith.constant 0 : i32
                  %scan3A_1245 = arith.constant 0 : i32
                  %scan3A_1246 = arith.constant 16 : i32
                  %scan3A_1247 = arith.addi %scan3A_1245, %scan3A_1246 : i32
                  %scan3A_1248 = arith.constant 1 : i32
                  %scan3A_1249 = scf.for %scan3A_1260 = %scan3A_1245 to %scan3A_1247 step %scan3A_1248 iter_args(%scan3A_1261 = %scan3A_1244) -> (i32)  : i32 {
                    %eq3A_1262 = vector.broadcast %scan3A_1260 : i32 to vector<16xi32>
                    %eq3A_1263 = arith.cmpi eq, %iota3A, %eq3A_1262 : vector<16xi32>
                    tpu.vector_store_idx %arg14[%broadcast_in_dim3A_1243], %while3A_1192 masked %eq3A_1263 {add = true} : memref<1024xf32, #tpu.memory_space<vmem>>[vector<16xi32>], vector<16xf32>, vector<16xi1>
                    %scan3A_1264 = arith.constant 0 : i32
                    scf.yield %scan3A_1264 : i32
                  }
                  %scan3A_1250 = arith.constant 16 : i32
                  %convert_element_type3A_1251 = arith.sitofp %while3A_1191 : i32 to f32
                  %broadcast_in_dim3A_1252 = vector.broadcast %convert_element_type3A_1251 : f32 to vector<16xf32>
                  tpu.vector_store_idx %arg15[%broadcast_in_dim3A_1243], %broadcast_in_dim3A_1252 masked %eq3A_4 {add = true} : memref<1024xf32, #tpu.memory_space<vmem>>[vector<16xi32>], vector<16xf32>, vector<16xi1>
                  %scan3A_1253 = arith.constant 0 : i32
                  %scan3A_1254 = arith.constant 0 : i32
                  %scan3A_1255 = arith.constant 16 : i32
                  %scan3A_1256 = arith.addi %scan3A_1254, %scan3A_1255 : i32
                  %scan3A_1257 = arith.constant 1 : i32
                  %scan3A_1258 = scf.for %scan3A_1260 = %scan3A_1254 to %scan3A_1256 step %scan3A_1257 iter_args(%scan3A_1261 = %scan3A_1253) -> (i32)  : i32 {
                    %eq3A_1262 = vector.broadcast %scan3A_1260 : i32 to vector<16xi32>
                    %eq3A_1263 = arith.cmpi eq, %iota3A, %eq3A_1262 : vector<16xi32>
                    tpu.vector_store_idx %arg14[%get3A_1196], %add3A_1224 masked %eq3A_1263 {add = true} : memref<1024xf32, #tpu.memory_space<vmem>>[vector<16xi32>], vector<16xf32>, vector<16xi1>
                    tpu.vector_store_idx %arg15[%get3A_1196], %broadcast_in_dim3A_7 masked %eq3A_1263 {add = true} : memref<1024xf32, #tpu.memory_space<vmem>>[vector<16xi32>], vector<16xf32>, vector<16xi1>
                    %scan3A_1264 = arith.constant 0 : i32
                    scf.yield %scan3A_1264 : i32
                  }
                  %scan3A_1259 = arith.constant 16 : i32
                } else {
                }
                %select_n3A_1236 = arith.select %and3A_1231, %while3A_1190, %squeeze3A_1228 : i32
                %add3A_1237 = arith.constant 16 : i32
                %add3A_1238 = arith.addi %while3A_1191, %add3A_1237 : i32
                %jit3A_1239 = arith.constant 0 : i32
                %select_n3A_1240 = arith.select %and3A_1231, %add3A_1238, %jit3A_1239 : i32
                %add3A_1241 = arith.addf %while3A_1192, %add3A_1224 : vector<16xf32>
                %select_n3A_1242 = arith.select %and3A_1231, %add3A_1241, %broadcast_in_dim3A_5 : vector<16xf32>
                scf.yield %select_n3A_1236, %select_n3A_1240, %select_n3A_1242 : i32, i32, vector<16xf32>
              }
              %while3A_1187 = arith.constant 1 : i32
              %while3A_1188:3 = scf.for %while3A_1189 = %while3A_1184 to %while3A_1180 step %while3A_1187 iter_args(%while3A_1190 = %while3A_1186#0, %while3A_1191 = %while3A_1186#1, %while3A_1192 = %while3A_1186#2) -> (i32, i32, vector<16xf32>)  : i32 {
                %mul3A_1193 = arith.constant 16 : i32
                %mul3A_1194 = arith.muli %while3A_1189, %mul3A_1193 : i32
                %get3A_1195 = arith.index_cast %mul3A_1194 : i32 to index
                %get3A_1196 = tpu.vector_load %arg12[%get3A_1195] {strides = array<i32>} : memref<10000xi32, #tpu.memory_space<vmem>>, vector<16xi32>,
                %get3A_1197 = arith.index_cast %mul3A_1194 : i32 to index
                %get3A_1198 = tpu.vector_load %arg8[%get3A_1197] {strides = array<i32>} : memref<10000xf32, #tpu.memory_space<vmem>>, vector<16xf32>,
                %get3A_1199 = arith.index_cast %mul3A_1194 : i32 to index
                %get3A_1200 = tpu.vector_load %arg10[%get3A_1199] {strides = array<i32>} : memref<10000xi32, #tpu.memory_space<vmem>>, vector<16xi32>,
                %neg3A_1201 = arith.constant 0.000000e+00 : f32
                %neg3A_1202 = vector.broadcast %neg3A_1201 : f32 to vector<16xf32>
                %neg3A_1203 = arith.subf %neg3A_1202, %get3A_1198 : vector<16xf32>
                %abs3A_1204 = math.absf %get3A_1198 : vector<16xf32>
                %mul3A_1205 = arith.constant 2.560000e+02 : f32
                %mul3A_1206 = vector.broadcast %mul3A_1205 : f32 to vector<16xf32>
                %mul3A_1207 = arith.mulf %abs3A_1204, %mul3A_1206 : vector<16xf32>
                %min3A_1208 = arith.constant 4.095000e+03 : f32
                %min3A_1209 = vector.broadcast %min3A_1208 : f32 to vector<16xf32>
                %min3A_1210 = arith.minimumf %mul3A_1207, %min3A_1209 : vector<16xf32>
                %convert_element_type3A_1211 = arith.fptosi %min3A_1210 : vector<16xf32> to vector<16xi32>
                %gather3A_1212 = tpu.vector_load_idx %arg16[%convert_element_type3A_1211] : memref<4096xf32, #tpu.memory_space<vmem>>[vector<16xi32>], vector<16xf32>,
                %ne3A_1213 = arith.constant 0 : i32
                %ne3A_1214 = vector.broadcast %ne3A_1213 : i32 to vector<16xi32>
                %ne3A_1215 = arith.cmpi ne, %get3A_1200, %ne3A_1214 : vector<16xi32>
                %select_n3A_1216 = arith.select %ne3A_1215, %neg3A_1203, %get3A_1198 : vector<16xi1>, vector<16xf32>
                %max3A_1217 = arith.constant 0.000000e+00 : f32
                %max3A_1218 = vector.broadcast %max3A_1217 : f32 to vector<16xf32>
                %max3A_1219 = arith.maximumf %select_n3A_1216, %max3A_1218 : vector<16xf32>
                %add3A_1220 = arith.addf %gather3A_1212, %max3A_1219 : vector<16xf32>
                %jit3A_1221 = arith.constant 0.000000e+00 : f32
                %broadcast_in_dim3A_1222 = vector.broadcast %jit3A_1221 : f32 to vector<16xf32>
                %select_n3A_1223 = arith.select %ne3A_1215, %add3A_1220, %broadcast_in_dim3A_1222 : vector<16xi1>, vector<16xf32>
                %add3A_1224 = arith.addf %add3A_1220, %select_n3A_1223 : vector<16xf32>
                %slice3A_1225 = vector.extract_strided_slice %get3A_1196 {offsets = [0], sizes = [1], strides = [1]} : vector<16xi32> to vector<1xi32>
                %squeeze3A_1226 = vector.extract %slice3A_1225[0] : i32 from vector<1xi32>
                %slice3A_1227 = vector.extract_strided_slice %get3A_1196 {offsets = [15], sizes = [1], strides = [1]} : vector<16xi32> to vector<1xi32>
                %squeeze3A_1228 = vector.extract %slice3A_1227[0] : i32 from vector<1xi32>
                %eq3A_1229 = arith.cmpi eq, %squeeze3A_1226, %while3A_1190 : i32
                %eq3A_1230 = arith.cmpi eq, %squeeze3A_1228, %while3A_1190 : i32
                %and3A_1231 = arith.andi %eq3A_1229, %eq3A_1230 : i1
                %not3A = arith.constant true
                %not3A_1232 = arith.xori %and3A_1231, %not3A : i1
                %convert_element_type3A_1233 = arith.extui %not3A_1232 : i1 to i32
                %cond3A_1234 = arith.constant 0 : i32
                %cond3A_1235 = arith.cmpi ne, %convert_element_type3A_1233, %cond3A_1234 : i32
                scf.if %cond3A_1235 {
                  %broadcast_in_dim3A_1243 = vector.broadcast %while3A_1190 : i32 to vector<16xi32>
                  %scan3A_1244 = arith.constant 0 : i32
                  %scan3A_1245 = arith.constant 0 : i32
                  %scan3A_1246 = arith.constant 16 : i32
                  %scan3A_1247 = arith.addi %scan3A_1245, %scan3A_1246 : i32
                  %scan3A_1248 = arith.constant 1 : i32
                  %scan3A_1249 = scf.for %scan3A_1260 = %scan3A_1245 to %scan3A_1247 step %scan3A_1248 iter_args(%scan3A_1261 = %scan3A_1244) -> (i32)  : i32 {
                    %eq3A_1262 = vector.broadcast %scan3A_1260 : i32 to vector<16xi32>
                    %eq3A_1263 = arith.cmpi eq, %iota3A, %eq3A_1262 : vector<16xi32>
                    tpu.vector_store_idx %arg14[%broadcast_in_dim3A_1243], %while3A_1192 masked %eq3A_1263 {add = true} : memref<1024xf32, #tpu.memory_space<vmem>>[vector<16xi32>], vector<16xf32>, vector<16xi1>
                    %scan3A_1264 = arith.constant 0 : i32
                    scf.yield %scan3A_1264 : i32
                  }
                  %scan3A_1250 = arith.constant 16 : i32
                  %convert_element_type3A_1251 = arith.sitofp %while3A_1191 : i32 to f32
                  %broadcast_in_dim3A_1252 = vector.broadcast %convert_element_type3A_1251 : f32 to vector<16xf32>
                  tpu.vector_store_idx %arg15[%broadcast_in_dim3A_1243], %broadcast_in_dim3A_1252 masked %eq3A_4 {add = true} : memref<1024xf32, #tpu.memory_space<vmem>>[vector<16xi32>], vector<16xf32>, vector<16xi1>
                  %scan3A_1253 = arith.constant 0 : i32
                  %scan3A_1254 = arith.constant 0 : i32
                  %scan3A_1255 = arith.constant 16 : i32
                  %scan3A_1256 = arith.addi %scan3A_1254, %scan3A_1255 : i32
                  %scan3A_1257 = arith.constant 1 : i32
                  %scan3A_1258 = scf.for %scan3A_1260 = %scan3A_1254 to %scan3A_1256 step %scan3A_1257 iter_args(%scan3A_1261 = %scan3A_1253) -> (i32)  : i32 {
                    %eq3A_1262 = vector.broadcast %scan3A_1260 : i32 to vector<16xi32>
                    %eq3A_1263 = arith.cmpi eq, %iota3A, %eq3A_1262 : vector<16xi32>
                    tpu.vector_store_idx %arg14[%get3A_1196], %add3A_1224 masked %eq3A_1263 {add = true} : memref<1024xf32, #tpu.memory_space<vmem>>[vector<16xi32>], vector<16xf32>, vector<16xi1>
                    tpu.vector_store_idx %arg15[%get3A_1196], %broadcast_in_dim3A_7 masked %eq3A_1263 {add = true} : memref<1024xf32, #tpu.memory_space<vmem>>[vector<16xi32>], vector<16xf32>, vector<16xi1>
                    %scan3A_1264 = arith.constant 0 : i32
                    scf.yield %scan3A_1264 : i32
                  }
                  %scan3A_1259 = arith.constant 16 : i32
                } else {
                }
                %select_n3A_1236 = arith.select %and3A_1231, %while3A_1190, %squeeze3A_1228 : i32
                %add3A_1237 = arith.constant 16 : i32
                %add3A_1238 = arith.addi %while3A_1191, %add3A_1237 : i32
                %jit3A_1239 = arith.constant 0 : i32
                %select_n3A_1240 = arith.select %and3A_1231, %add3A_1238, %jit3A_1239 : i32
                %add3A_1241 = arith.addf %while3A_1192, %add3A_1224 : vector<16xf32>
                %select_n3A_1242 = arith.select %and3A_1231, %add3A_1241, %broadcast_in_dim3A_5 : vector<16xf32>
                scf.yield %select_n3A_1236, %select_n3A_1240, %select_n3A_1242 : i32, i32, vector<16xf32>
              }
              scf.yield %while3A_1188#0, %while3A_1188#1, %while3A_1188#2 : i32, i32, vector<16xf32>
            }
            scf.yield %cond3A_1172#0, %cond3A_1172#1, %cond3A_1172#2 : i32, i32, vector<16xf32>
          }
          scf.yield %while3A_985#0, %while3A_985#1, %while3A_985#2 : i32, i32, vector<16xf32>
        }
        scf.yield %cond3A_970#0, %cond3A_970#1, %cond3A_970#2, %squeeze3A_142, %squeeze3A_148 : i32, i32, vector<16xf32>, i32, i32
      }
      %scan3A_84 = arith.constant 25 : i32
      %mul3A_85 = arith.constant 2 : i32
      %mul3A_86 = arith.muli %mul3A_85, %scan3A_45 : i32
      %add3A_87 = arith.constant 1 : i32
      %add3A_88 = arith.addi %mul3A_86, %add3A_87 : i32
      %mul3A_89 = arith.constant 10000 : i32
      %mul3A_90 = arith.muli %add3A_88, %mul3A_89 : i32
      %add3A_91 = arith.addi %mul3A_2, %mul3A_90 : i32
      %dma_wait3A_92 = tpu.memref_slice %arg2[%add3A_91] : memref<6400000xf32, #tpu.memory_space<hbm>> -> memref<10000xf32, #tpu.memory_space<hbm>>
      %dma_wait3A_93 = tpu.memref_slice %arg2[%add3A_91] : memref<6400000xf32, #tpu.memory_space<hbm>> -> memref<10000xf32, #tpu.memory_space<hbm>>
      tpu.wait_dma2 semaphore(%arg18 : memref<!tpu.dma_semaphore, #tpu.memory_space<semaphore_mem>>) src(%dma_wait3A_93 : memref<10000xf32, #tpu.memory_space<hbm>>) dst(%arg9 : memref<10000xf32, #tpu.memory_space<vmem>>)
      %dma_wait3A_94 = tpu.memref_slice %arg3[%add3A_91] : memref<6400000xi32, #tpu.memory_space<hbm>> -> memref<10000xi32, #tpu.memory_space<hbm>>
      %dma_wait3A_95 = tpu.memref_slice %arg3[%add3A_91] : memref<6400000xi32, #tpu.memory_space<hbm>> -> memref<10000xi32, #tpu.memory_space<hbm>>
      tpu.wait_dma2 semaphore(%arg18 : memref<!tpu.dma_semaphore, #tpu.memory_space<semaphore_mem>>) src(%dma_wait3A_95 : memref<10000xi32, #tpu.memory_space<hbm>>) dst(%arg11 : memref<10000xi32, #tpu.memory_space<vmem>>)
      %dma_wait3A_96 = tpu.memref_slice %arg4[%add3A_91] : memref<6400000xi32, #tpu.memory_space<hbm>> -> memref<10000xi32, #tpu.memory_space<hbm>>
      %dma_wait3A_97 = tpu.memref_slice %arg4[%add3A_91] : memref<6400000xi32, #tpu.memory_space<hbm>> -> memref<10000xi32, #tpu.memory_space<hbm>>
      tpu.wait_dma2 semaphore(%arg18 : memref<!tpu.dma_semaphore, #tpu.memory_space<semaphore_mem>>) src(%dma_wait3A_97 : memref<10000xi32, #tpu.memory_space<hbm>>) dst(%arg13 : memref<10000xi32, #tpu.memory_space<vmem>>)
      %add3A_98 = arith.constant 1 : i32
      %add3A_99 = arith.addi %add3A_88, %add3A_98 : i32
      %min3A_100 = arith.constant 19 : i32
      %min3A_101 = arith.minsi %add3A_99, %min3A_100 : i32
      %mul3A_102 = arith.constant 10000 : i32
      %mul3A_103 = arith.muli %min3A_101, %mul3A_102 : i32
      %add3A_104 = arith.addi %mul3A_2, %mul3A_103 : i32
      %dma_start3A_105 = tpu.memref_slice %arg2[%add3A_104] : memref<6400000xf32, #tpu.memory_space<hbm>> -> memref<10000xf32, #tpu.memory_space<hbm>>
      %dma_start3A_106 = tpu.memref_slice %arg2[%add3A_104] : memref<6400000xf32, #tpu.memory_space<hbm>> -> memref<10000xf32, #tpu.memory_space<hbm>>
      tpu.enqueue_dma source(%dma_start3A_106 : memref<10000xf32, #tpu.memory_space<hbm>>) target(%arg8 : memref<10000xf32, #tpu.memory_space<vmem>>) target_semaphore(%arg17 : memref<!tpu.dma_semaphore, #tpu.memory_space<semaphore_mem>>)
      %dma_start3A_107 = tpu.memref_slice %arg3[%add3A_104] : memref<6400000xi32, #tpu.memory_space<hbm>> -> memref<10000xi32, #tpu.memory_space<hbm>>
      %dma_start3A_108 = tpu.memref_slice %arg3[%add3A_104] : memref<6400000xi32, #tpu.memory_space<hbm>> -> memref<10000xi32, #tpu.memory_space<hbm>>
      tpu.enqueue_dma source(%dma_start3A_108 : memref<10000xi32, #tpu.memory_space<hbm>>) target(%arg10 : memref<10000xi32, #tpu.memory_space<vmem>>) target_semaphore(%arg17 : memref<!tpu.dma_semaphore, #tpu.memory_space<semaphore_mem>>)
      %dma_start3A_109 = tpu.memref_slice %arg4[%add3A_104] : memref<6400000xi32, #tpu.memory_space<hbm>> -> memref<10000xi32, #tpu.memory_space<hbm>>
      %dma_start3A_110 = tpu.memref_slice %arg4[%add3A_104] : memref<6400000xi32, #tpu.memory_space<hbm>> -> memref<10000xi32, #tpu.memory_space<hbm>>
      tpu.enqueue_dma source(%dma_start3A_110 : memref<10000xi32, #tpu.memory_space<hbm>>) target(%arg12 : memref<10000xi32, #tpu.memory_space<vmem>>) target_semaphore(%arg17 : memref<!tpu.dma_semaphore, #tpu.memory_space<semaphore_mem>>)
      %get3A_111 = arith.constant 0 : index
      %get3A_112 = tpu.vector_load %arg13[%get3A_111] {strides = array<i32>} : memref<10000xi32, #tpu.memory_space<vmem>>, vector<16xi32>,
      %slice3A_113 = vector.extract_strided_slice %get3A_112 {offsets = [0], sizes = [1], strides = [1]} : vector<16xi32> to vector<1xi32>
      %squeeze3A_114 = vector.extract %slice3A_113[0] : i32 from vector<1xi32>
      %get3A_115 = arith.constant 384 : index
      %get3A_116 = tpu.vector_load %arg13[%get3A_115] {strides = array<i32>} : memref<10000xi32, #tpu.memory_space<vmem>>, vector<16xi32>,
      %slice3A_117 = vector.extract_strided_slice %get3A_116 {offsets = [15], sizes = [1], strides = [1]} : vector<16xi32> to vector<1xi32>
      %squeeze3A_118 = vector.extract %slice3A_117[0] : i32 from vector<1xi32>
      %scan3A_119 = arith.constant 0 : i32
      %scan3A_120 = arith.constant 25 : i32
      %scan3A_121 = arith.addi %scan3A_119, %scan3A_120 : i32
      %scan3A_122 = arith.constant 1 : i32
      %scan3A_123:5 = scf.for %scan3A_125 = %scan3A_119 to %scan3A_121 step %scan3A_122 iter_args(%scan3A_126 = %scan3A_83#0, %scan3A_127 = %scan3A_83#1, %scan3A_128 = %scan3A_83#2, %scan3A_129 = %squeeze3A_114, %scan3A_130 = %squeeze3A_118) -> (i32, i32, vector<16xf32>, i32, i32)  : i32 {
        %mul3A_131 = arith.constant 400 : i32
        %mul3A_132 = arith.muli %scan3A_125, %mul3A_131 : i32
        %add3A_133 = arith.constant 1 : i32
        %add3A_134 = arith.addi %scan3A_125, %add3A_133 : i32
        %min3A_135 = arith.constant 24 : i32
        %min3A_136 = arith.minsi %add3A_134, %min3A_135 : i32
        %mul3A_137 = arith.constant 400 : i32
        %mul3A_138 = arith.muli %min3A_136, %mul3A_137 : i32
        %get3A_139 = arith.index_cast %mul3A_138 : i32 to index
        %get3A_140 = tpu.vector_load %arg13[%get3A_139] {strides = array<i32>} : memref<10000xi32, #tpu.memory_space<vmem>>, vector<16xi32>,
        %slice3A_141 = vector.extract_strided_slice %get3A_140 {offsets = [0], sizes = [1], strides = [1]} : vector<16xi32> to vector<1xi32>
        %squeeze3A_142 = vector.extract %slice3A_141[0] : i32 from vector<1xi32>
        %add3A_143 = arith.constant 384 : i32
        %add3A_144 = arith.addi %mul3A_138, %add3A_143 : i32
        %get3A_145 = arith.index_cast %add3A_144 : i32 to index
        %get3A_146 = tpu.vector_load %arg13[%get3A_145] {strides = array<i32>} : memref<10000xi32, #tpu.memory_space<vmem>>, vector<16xi32>,
        %slice3A_147 = vector.extract_strided_slice %get3A_146 {offsets = [15], sizes = [1], strides = [1]} : vector<16xi32> to vector<1xi32>
        %squeeze3A_148 = vector.extract %slice3A_147[0] : i32 from vector<1xi32>
        %add3A_149 = arith.constant 0 : i32
        %add3A_150 = arith.addi %mul3A_132, %add3A_149 : i32
        %get3A_151 = arith.index_cast %add3A_150 : i32 to index
        %get3A_152 = tpu.vector_load %arg9[%get3A_151] {strides = array<i32>} : memref<10000xf32, #tpu.memory_space<vmem>>, vector<16xf32>,
        %add3A_153 = arith.constant 0 : i32
        %add3A_154 = arith.addi %mul3A_132, %add3A_153 : i32
        %get3A_155 = arith.index_cast %add3A_154 : i32 to index
        %get3A_156 = tpu.vector_load %arg11[%get3A_155] {strides = array<i32>} : memref<10000xi32, #tpu.memory_space<vmem>>, vector<16xi32>,
        %neg3A = arith.constant 0.000000e+00 : f32
        %neg3A_157 = vector.broadcast %neg3A : f32 to vector<16xf32>
        %neg3A_158 = arith.subf %neg3A_157, %get3A_152 : vector<16xf32>
        %abs3A = math.absf %get3A_152 : vector<16xf32>
        %mul3A_159 = arith.constant 2.560000e+02 : f32
        %mul3A_160 = vector.broadcast %mul3A_159 : f32 to vector<16xf32>
        %mul3A_161 = arith.mulf %abs3A, %mul3A_160 : vector<16xf32>
        %min3A_162 = arith.constant 4.095000e+03 : f32
        %min3A_163 = vector.broadcast %min3A_162 : f32 to vector<16xf32>
        %min3A_164 = arith.minimumf %mul3A_161, %min3A_163 : vector<16xf32>
        %convert_element_type3A_165 = arith.fptosi %min3A_164 : vector<16xf32> to vector<16xi32>
        %gather3A = tpu.vector_load_idx %arg16[%convert_element_type3A_165] : memref<4096xf32, #tpu.memory_space<vmem>>[vector<16xi32>], vector<16xf32>,
        %ne3A = arith.constant 0 : i32
        %ne3A_166 = vector.broadcast %ne3A : i32 to vector<16xi32>
        %ne3A_167 = arith.cmpi ne, %get3A_156, %ne3A_166 : vector<16xi32>
        %select_n3A = arith.select %ne3A_167, %neg3A_158, %get3A_152 : vector<16xi1>, vector<16xf32>
        %max3A = arith.constant 0.000000e+00 : f32
        %max3A_168 = vector.broadcast %max3A : f32 to vector<16xf32>
        %max3A_169 = arith.maximumf %select_n3A, %max3A_168 : vector<16xf32>
        %add3A_170 = arith.addf %gather3A, %max3A_169 : vector<16xf32>
        %jit3A = arith.constant 0.000000e+00 : f32
        %broadcast_in_dim3A_171 = vector.broadcast %jit3A : f32 to vector<16xf32>
        %select_n3A_172 = arith.select %ne3A_167, %add3A_170, %broadcast_in_dim3A_171 : vector<16xi1>, vector<16xf32>
        %add3A_173 = arith.addf %add3A_170, %select_n3A_172 : vector<16xf32>
        %add3A_174 = arith.constant 16 : i32
        %add3A_175 = arith.addi %mul3A_132, %add3A_174 : i32
        %get3A_176 = arith.index_cast %add3A_175 : i32 to index
        %get3A_177 = tpu.vector_load %arg9[%get3A_176] {strides = array<i32>} : memref<10000xf32, #tpu.memory_space<vmem>>, vector<16xf32>,
        %add3A_178 = arith.constant 16 : i32
        %add3A_179 = arith.addi %mul3A_132, %add3A_178 : i32
        %get3A_180 = arith.index_cast %add3A_179 : i32 to index
        %get3A_181 = tpu.vector_load %arg11[%get3A_180] {strides = array<i32>} : memref<10000xi32, #tpu.memory_space<vmem>>, vector<16xi32>,
        %neg3A_182 = arith.constant 0.000000e+00 : f32
        %neg3A_183 = vector.broadcast %neg3A_182 : f32 to vector<16xf32>
        %neg3A_184 = arith.subf %neg3A_183, %get3A_177 : vector<16xf32>
        %abs3A_185 = math.absf %get3A_177 : vector<16xf32>
        %mul3A_186 = arith.constant 2.560000e+02 : f32
        %mul3A_187 = vector.broadcast %mul3A_186 : f32 to vector<16xf32>
        %mul3A_188 = arith.mulf %abs3A_185, %mul3A_187 : vector<16xf32>
        %min3A_189 = arith.constant 4.095000e+03 : f32
        %min3A_190 = vector.broadcast %min3A_189 : f32 to vector<16xf32>
        %min3A_191 = arith.minimumf %mul3A_188, %min3A_190 : vector<16xf32>
        %convert_element_type3A_192 = arith.fptosi %min3A_191 : vector<16xf32> to vector<16xi32>
        %gather3A_193 = tpu.vector_load_idx %arg16[%convert_element_type3A_192] : memref<4096xf32, #tpu.memory_space<vmem>>[vector<16xi32>], vector<16xf32>,
        %ne3A_194 = arith.constant 0 : i32
        %ne3A_195 = vector.broadcast %ne3A_194 : i32 to vector<16xi32>
        %ne3A_196 = arith.cmpi ne, %get3A_181, %ne3A_195 : vector<16xi32>
        %select_n3A_197 = arith.select %ne3A_196, %neg3A_184, %get3A_177 : vector<16xi1>, vector<16xf32>
        %max3A_198 = arith.constant 0.000000e+00 : f32
        %max3A_199 = vector.broadcast %max3A_198 : f32 to vector<16xf32>
        %max3A_200 = arith.maximumf %select_n3A_197, %max3A_199 : vector<16xf32>
        %add3A_201 = arith.addf %gather3A_193, %max3A_200 : vector<16xf32>
        %jit3A_202 = arith.constant 0.000000e+00 : f32
        %broadcast_in_dim3A_203 = vector.broadcast %jit3A_202 : f32 to vector<16xf32>
        %select_n3A_204 = arith.select %ne3A_196, %add3A_201, %broadcast_in_dim3A_203 : vector<16xi1>, vector<16xf32>
        %add3A_205 = arith.addf %add3A_201, %select_n3A_204 : vector<16xf32>
        %add3A_206 = arith.constant 32 : i32
        %add3A_207 = arith.addi %mul3A_132, %add3A_206 : i32
        %get3A_208 = arith.index_cast %add3A_207 : i32 to index
        %get3A_209 = tpu.vector_load %arg9[%get3A_208] {strides = array<i32>} : memref<10000xf32, #tpu.memory_space<vmem>>, vector<16xf32>,
        %add3A_210 = arith.constant 32 : i32
        %add3A_211 = arith.addi %mul3A_132, %add3A_210 : i32
        %get3A_212 = arith.index_cast %add3A_211 : i32 to index
        %get3A_213 = tpu.vector_load %arg11[%get3A_212] {strides = array<i32>} : memref<10000xi32, #tpu.memory_space<vmem>>, vector<16xi32>,
        %neg3A_214 = arith.constant 0.000000e+00 : f32
        %neg3A_215 = vector.broadcast %neg3A_214 : f32 to vector<16xf32>
        %neg3A_216 = arith.subf %neg3A_215, %get3A_209 : vector<16xf32>
        %abs3A_217 = math.absf %get3A_209 : vector<16xf32>
        %mul3A_218 = arith.constant 2.560000e+02 : f32
        %mul3A_219 = vector.broadcast %mul3A_218 : f32 to vector<16xf32>
        %mul3A_220 = arith.mulf %abs3A_217, %mul3A_219 : vector<16xf32>
        %min3A_221 = arith.constant 4.095000e+03 : f32
        %min3A_222 = vector.broadcast %min3A_221 : f32 to vector<16xf32>
        %min3A_223 = arith.minimumf %mul3A_220, %min3A_222 : vector<16xf32>
        %convert_element_type3A_224 = arith.fptosi %min3A_223 : vector<16xf32> to vector<16xi32>
        %gather3A_225 = tpu.vector_load_idx %arg16[%convert_element_type3A_224] : memref<4096xf32, #tpu.memory_space<vmem>>[vector<16xi32>], vector<16xf32>,
        %ne3A_226 = arith.constant 0 : i32
        %ne3A_227 = vector.broadcast %ne3A_226 : i32 to vector<16xi32>
        %ne3A_228 = arith.cmpi ne, %get3A_213, %ne3A_227 : vector<16xi32>
        %select_n3A_229 = arith.select %ne3A_228, %neg3A_216, %get3A_209 : vector<16xi1>, vector<16xf32>
        %max3A_230 = arith.constant 0.000000e+00 : f32
        %max3A_231 = vector.broadcast %max3A_230 : f32 to vector<16xf32>
        %max3A_232 = arith.maximumf %select_n3A_229, %max3A_231 : vector<16xf32>
        %add3A_233 = arith.addf %gather3A_225, %max3A_232 : vector<16xf32>
        %jit3A_234 = arith.constant 0.000000e+00 : f32
        %broadcast_in_dim3A_235 = vector.broadcast %jit3A_234 : f32 to vector<16xf32>
        %select_n3A_236 = arith.select %ne3A_228, %add3A_233, %broadcast_in_dim3A_235 : vector<16xi1>, vector<16xf32>
        %add3A_237 = arith.addf %add3A_233, %select_n3A_236 : vector<16xf32>
        %add3A_238 = arith.constant 48 : i32
        %add3A_239 = arith.addi %mul3A_132, %add3A_238 : i32
        %get3A_240 = arith.index_cast %add3A_239 : i32 to index
        %get3A_241 = tpu.vector_load %arg9[%get3A_240] {strides = array<i32>} : memref<10000xf32, #tpu.memory_space<vmem>>, vector<16xf32>,
        %add3A_242 = arith.constant 48 : i32
        %add3A_243 = arith.addi %mul3A_132, %add3A_242 : i32
        %get3A_244 = arith.index_cast %add3A_243 : i32 to index
        %get3A_245 = tpu.vector_load %arg11[%get3A_244] {strides = array<i32>} : memref<10000xi32, #tpu.memory_space<vmem>>, vector<16xi32>,
        %neg3A_246 = arith.constant 0.000000e+00 : f32
        %neg3A_247 = vector.broadcast %neg3A_246 : f32 to vector<16xf32>
        %neg3A_248 = arith.subf %neg3A_247, %get3A_241 : vector<16xf32>
        %abs3A_249 = math.absf %get3A_241 : vector<16xf32>
        %mul3A_250 = arith.constant 2.560000e+02 : f32
        %mul3A_251 = vector.broadcast %mul3A_250 : f32 to vector<16xf32>
        %mul3A_252 = arith.mulf %abs3A_249, %mul3A_251 : vector<16xf32>
        %min3A_253 = arith.constant 4.095000e+03 : f32
        %min3A_254 = vector.broadcast %min3A_253 : f32 to vector<16xf32>
        %min3A_255 = arith.minimumf %mul3A_252, %min3A_254 : vector<16xf32>
        %convert_element_type3A_256 = arith.fptosi %min3A_255 : vector<16xf32> to vector<16xi32>
        %gather3A_257 = tpu.vector_load_idx %arg16[%convert_element_type3A_256] : memref<4096xf32, #tpu.memory_space<vmem>>[vector<16xi32>], vector<16xf32>,
        %ne3A_258 = arith.constant 0 : i32
        %ne3A_259 = vector.broadcast %ne3A_258 : i32 to vector<16xi32>
        %ne3A_260 = arith.cmpi ne, %get3A_245, %ne3A_259 : vector<16xi32>
        %select_n3A_261 = arith.select %ne3A_260, %neg3A_248, %get3A_241 : vector<16xi1>, vector<16xf32>
        %max3A_262 = arith.constant 0.000000e+00 : f32
        %max3A_263 = vector.broadcast %max3A_262 : f32 to vector<16xf32>
        %max3A_264 = arith.maximumf %select_n3A_261, %max3A_263 : vector<16xf32>
        %add3A_265 = arith.addf %gather3A_257, %max3A_264 : vector<16xf32>
        %jit3A_266 = arith.constant 0.000000e+00 : f32
        %broadcast_in_dim3A_267 = vector.broadcast %jit3A_266 : f32 to vector<16xf32>
        %select_n3A_268 = arith.select %ne3A_260, %add3A_265, %broadcast_in_dim3A_267 : vector<16xi1>, vector<16xf32>
        %add3A_269 = arith.addf %add3A_265, %select_n3A_268 : vector<16xf32>
        %add3A_270 = arith.constant 64 : i32
        %add3A_271 = arith.addi %mul3A_132, %add3A_270 : i32
        %get3A_272 = arith.index_cast %add3A_271 : i32 to index
        %get3A_273 = tpu.vector_load %arg9[%get3A_272] {strides = array<i32>} : memref<10000xf32, #tpu.memory_space<vmem>>, vector<16xf32>,
        %add3A_274 = arith.constant 64 : i32
        %add3A_275 = arith.addi %mul3A_132, %add3A_274 : i32
        %get3A_276 = arith.index_cast %add3A_275 : i32 to index
        %get3A_277 = tpu.vector_load %arg11[%get3A_276] {strides = array<i32>} : memref<10000xi32, #tpu.memory_space<vmem>>, vector<16xi32>,
        %neg3A_278 = arith.constant 0.000000e+00 : f32
        %neg3A_279 = vector.broadcast %neg3A_278 : f32 to vector<16xf32>
        %neg3A_280 = arith.subf %neg3A_279, %get3A_273 : vector<16xf32>
        %abs3A_281 = math.absf %get3A_273 : vector<16xf32>
        %mul3A_282 = arith.constant 2.560000e+02 : f32
        %mul3A_283 = vector.broadcast %mul3A_282 : f32 to vector<16xf32>
        %mul3A_284 = arith.mulf %abs3A_281, %mul3A_283 : vector<16xf32>
        %min3A_285 = arith.constant 4.095000e+03 : f32
        %min3A_286 = vector.broadcast %min3A_285 : f32 to vector<16xf32>
        %min3A_287 = arith.minimumf %mul3A_284, %min3A_286 : vector<16xf32>
        %convert_element_type3A_288 = arith.fptosi %min3A_287 : vector<16xf32> to vector<16xi32>
        %gather3A_289 = tpu.vector_load_idx %arg16[%convert_element_type3A_288] : memref<4096xf32, #tpu.memory_space<vmem>>[vector<16xi32>], vector<16xf32>,
        %ne3A_290 = arith.constant 0 : i32
        %ne3A_291 = vector.broadcast %ne3A_290 : i32 to vector<16xi32>
        %ne3A_292 = arith.cmpi ne, %get3A_277, %ne3A_291 : vector<16xi32>
        %select_n3A_293 = arith.select %ne3A_292, %neg3A_280, %get3A_273 : vector<16xi1>, vector<16xf32>
        %max3A_294 = arith.constant 0.000000e+00 : f32
        %max3A_295 = vector.broadcast %max3A_294 : f32 to vector<16xf32>
        %max3A_296 = arith.maximumf %select_n3A_293, %max3A_295 : vector<16xf32>
        %add3A_297 = arith.addf %gather3A_289, %max3A_296 : vector<16xf32>
        %jit3A_298 = arith.constant 0.000000e+00 : f32
        %broadcast_in_dim3A_299 = vector.broadcast %jit3A_298 : f32 to vector<16xf32>
        %select_n3A_300 = arith.select %ne3A_292, %add3A_297, %broadcast_in_dim3A_299 : vector<16xi1>, vector<16xf32>
        %add3A_301 = arith.addf %add3A_297, %select_n3A_300 : vector<16xf32>
        %add3A_302 = arith.constant 80 : i32
        %add3A_303 = arith.addi %mul3A_132, %add3A_302 : i32
        %get3A_304 = arith.index_cast %add3A_303 : i32 to index
        %get3A_305 = tpu.vector_load %arg9[%get3A_304] {strides = array<i32>} : memref<10000xf32, #tpu.memory_space<vmem>>, vector<16xf32>,
        %add3A_306 = arith.constant 80 : i32
        %add3A_307 = arith.addi %mul3A_132, %add3A_306 : i32
        %get3A_308 = arith.index_cast %add3A_307 : i32 to index
        %get3A_309 = tpu.vector_load %arg11[%get3A_308] {strides = array<i32>} : memref<10000xi32, #tpu.memory_space<vmem>>, vector<16xi32>,
        %neg3A_310 = arith.constant 0.000000e+00 : f32
        %neg3A_311 = vector.broadcast %neg3A_310 : f32 to vector<16xf32>
        %neg3A_312 = arith.subf %neg3A_311, %get3A_305 : vector<16xf32>
        %abs3A_313 = math.absf %get3A_305 : vector<16xf32>
        %mul3A_314 = arith.constant 2.560000e+02 : f32
        %mul3A_315 = vector.broadcast %mul3A_314 : f32 to vector<16xf32>
        %mul3A_316 = arith.mulf %abs3A_313, %mul3A_315 : vector<16xf32>
        %min3A_317 = arith.constant 4.095000e+03 : f32
        %min3A_318 = vector.broadcast %min3A_317 : f32 to vector<16xf32>
        %min3A_319 = arith.minimumf %mul3A_316, %min3A_318 : vector<16xf32>
        %convert_element_type3A_320 = arith.fptosi %min3A_319 : vector<16xf32> to vector<16xi32>
        %gather3A_321 = tpu.vector_load_idx %arg16[%convert_element_type3A_320] : memref<4096xf32, #tpu.memory_space<vmem>>[vector<16xi32>], vector<16xf32>,
        %ne3A_322 = arith.constant 0 : i32
        %ne3A_323 = vector.broadcast %ne3A_322 : i32 to vector<16xi32>
        %ne3A_324 = arith.cmpi ne, %get3A_309, %ne3A_323 : vector<16xi32>
        %select_n3A_325 = arith.select %ne3A_324, %neg3A_312, %get3A_305 : vector<16xi1>, vector<16xf32>
        %max3A_326 = arith.constant 0.000000e+00 : f32
        %max3A_327 = vector.broadcast %max3A_326 : f32 to vector<16xf32>
        %max3A_328 = arith.maximumf %select_n3A_325, %max3A_327 : vector<16xf32>
        %add3A_329 = arith.addf %gather3A_321, %max3A_328 : vector<16xf32>
        %jit3A_330 = arith.constant 0.000000e+00 : f32
        %broadcast_in_dim3A_331 = vector.broadcast %jit3A_330 : f32 to vector<16xf32>
        %select_n3A_332 = arith.select %ne3A_324, %add3A_329, %broadcast_in_dim3A_331 : vector<16xi1>, vector<16xf32>
        %add3A_333 = arith.addf %add3A_329, %select_n3A_332 : vector<16xf32>
        %add3A_334 = arith.constant 96 : i32
        %add3A_335 = arith.addi %mul3A_132, %add3A_334 : i32
        %get3A_336 = arith.index_cast %add3A_335 : i32 to index
        %get3A_337 = tpu.vector_load %arg9[%get3A_336] {strides = array<i32>} : memref<10000xf32, #tpu.memory_space<vmem>>, vector<16xf32>,
        %add3A_338 = arith.constant 96 : i32
        %add3A_339 = arith.addi %mul3A_132, %add3A_338 : i32
        %get3A_340 = arith.index_cast %add3A_339 : i32 to index
        %get3A_341 = tpu.vector_load %arg11[%get3A_340] {strides = array<i32>} : memref<10000xi32, #tpu.memory_space<vmem>>, vector<16xi32>,
        %neg3A_342 = arith.constant 0.000000e+00 : f32
        %neg3A_343 = vector.broadcast %neg3A_342 : f32 to vector<16xf32>
        %neg3A_344 = arith.subf %neg3A_343, %get3A_337 : vector<16xf32>
        %abs3A_345 = math.absf %get3A_337 : vector<16xf32>
        %mul3A_346 = arith.constant 2.560000e+02 : f32
        %mul3A_347 = vector.broadcast %mul3A_346 : f32 to vector<16xf32>
        %mul3A_348 = arith.mulf %abs3A_345, %mul3A_347 : vector<16xf32>
        %min3A_349 = arith.constant 4.095000e+03 : f32
        %min3A_350 = vector.broadcast %min3A_349 : f32 to vector<16xf32>
        %min3A_351 = arith.minimumf %mul3A_348, %min3A_350 : vector<16xf32>
        %convert_element_type3A_352 = arith.fptosi %min3A_351 : vector<16xf32> to vector<16xi32>
        %gather3A_353 = tpu.vector_load_idx %arg16[%convert_element_type3A_352] : memref<4096xf32, #tpu.memory_space<vmem>>[vector<16xi32>], vector<16xf32>,
        %ne3A_354 = arith.constant 0 : i32
        %ne3A_355 = vector.broadcast %ne3A_354 : i32 to vector<16xi32>
        %ne3A_356 = arith.cmpi ne, %get3A_341, %ne3A_355 : vector<16xi32>
        %select_n3A_357 = arith.select %ne3A_356, %neg3A_344, %get3A_337 : vector<16xi1>, vector<16xf32>
        %max3A_358 = arith.constant 0.000000e+00 : f32
        %max3A_359 = vector.broadcast %max3A_358 : f32 to vector<16xf32>
        %max3A_360 = arith.maximumf %select_n3A_357, %max3A_359 : vector<16xf32>
        %add3A_361 = arith.addf %gather3A_353, %max3A_360 : vector<16xf32>
        %jit3A_362 = arith.constant 0.000000e+00 : f32
        %broadcast_in_dim3A_363 = vector.broadcast %jit3A_362 : f32 to vector<16xf32>
        %select_n3A_364 = arith.select %ne3A_356, %add3A_361, %broadcast_in_dim3A_363 : vector<16xi1>, vector<16xf32>
        %add3A_365 = arith.addf %add3A_361, %select_n3A_364 : vector<16xf32>
        %add3A_366 = arith.constant 112 : i32
        %add3A_367 = arith.addi %mul3A_132, %add3A_366 : i32
        %get3A_368 = arith.index_cast %add3A_367 : i32 to index
        %get3A_369 = tpu.vector_load %arg9[%get3A_368] {strides = array<i32>} : memref<10000xf32, #tpu.memory_space<vmem>>, vector<16xf32>,
        %add3A_370 = arith.constant 112 : i32
        %add3A_371 = arith.addi %mul3A_132, %add3A_370 : i32
        %get3A_372 = arith.index_cast %add3A_371 : i32 to index
        %get3A_373 = tpu.vector_load %arg11[%get3A_372] {strides = array<i32>} : memref<10000xi32, #tpu.memory_space<vmem>>, vector<16xi32>,
        %neg3A_374 = arith.constant 0.000000e+00 : f32
        %neg3A_375 = vector.broadcast %neg3A_374 : f32 to vector<16xf32>
        %neg3A_376 = arith.subf %neg3A_375, %get3A_369 : vector<16xf32>
        %abs3A_377 = math.absf %get3A_369 : vector<16xf32>
        %mul3A_378 = arith.constant 2.560000e+02 : f32
        %mul3A_379 = vector.broadcast %mul3A_378 : f32 to vector<16xf32>
        %mul3A_380 = arith.mulf %abs3A_377, %mul3A_379 : vector<16xf32>
        %min3A_381 = arith.constant 4.095000e+03 : f32
        %min3A_382 = vector.broadcast %min3A_381 : f32 to vector<16xf32>
        %min3A_383 = arith.minimumf %mul3A_380, %min3A_382 : vector<16xf32>
        %convert_element_type3A_384 = arith.fptosi %min3A_383 : vector<16xf32> to vector<16xi32>
        %gather3A_385 = tpu.vector_load_idx %arg16[%convert_element_type3A_384] : memref<4096xf32, #tpu.memory_space<vmem>>[vector<16xi32>], vector<16xf32>,
        %ne3A_386 = arith.constant 0 : i32
        %ne3A_387 = vector.broadcast %ne3A_386 : i32 to vector<16xi32>
        %ne3A_388 = arith.cmpi ne, %get3A_373, %ne3A_387 : vector<16xi32>
        %select_n3A_389 = arith.select %ne3A_388, %neg3A_376, %get3A_369 : vector<16xi1>, vector<16xf32>
        %max3A_390 = arith.constant 0.000000e+00 : f32
        %max3A_391 = vector.broadcast %max3A_390 : f32 to vector<16xf32>
        %max3A_392 = arith.maximumf %select_n3A_389, %max3A_391 : vector<16xf32>
        %add3A_393 = arith.addf %gather3A_385, %max3A_392 : vector<16xf32>
        %jit3A_394 = arith.constant 0.000000e+00 : f32
        %broadcast_in_dim3A_395 = vector.broadcast %jit3A_394 : f32 to vector<16xf32>
        %select_n3A_396 = arith.select %ne3A_388, %add3A_393, %broadcast_in_dim3A_395 : vector<16xi1>, vector<16xf32>
        %add3A_397 = arith.addf %add3A_393, %select_n3A_396 : vector<16xf32>
        %add3A_398 = arith.constant 128 : i32
        %add3A_399 = arith.addi %mul3A_132, %add3A_398 : i32
        %get3A_400 = arith.index_cast %add3A_399 : i32 to index
        %get3A_401 = tpu.vector_load %arg9[%get3A_400] {strides = array<i32>} : memref<10000xf32, #tpu.memory_space<vmem>>, vector<16xf32>,
        %add3A_402 = arith.constant 128 : i32
        %add3A_403 = arith.addi %mul3A_132, %add3A_402 : i32
        %get3A_404 = arith.index_cast %add3A_403 : i32 to index
        %get3A_405 = tpu.vector_load %arg11[%get3A_404] {strides = array<i32>} : memref<10000xi32, #tpu.memory_space<vmem>>, vector<16xi32>,
        %neg3A_406 = arith.constant 0.000000e+00 : f32
        %neg3A_407 = vector.broadcast %neg3A_406 : f32 to vector<16xf32>
        %neg3A_408 = arith.subf %neg3A_407, %get3A_401 : vector<16xf32>
        %abs3A_409 = math.absf %get3A_401 : vector<16xf32>
        %mul3A_410 = arith.constant 2.560000e+02 : f32
        %mul3A_411 = vector.broadcast %mul3A_410 : f32 to vector<16xf32>
        %mul3A_412 = arith.mulf %abs3A_409, %mul3A_411 : vector<16xf32>
        %min3A_413 = arith.constant 4.095000e+03 : f32
        %min3A_414 = vector.broadcast %min3A_413 : f32 to vector<16xf32>
        %min3A_415 = arith.minimumf %mul3A_412, %min3A_414 : vector<16xf32>
        %convert_element_type3A_416 = arith.fptosi %min3A_415 : vector<16xf32> to vector<16xi32>
        %gather3A_417 = tpu.vector_load_idx %arg16[%convert_element_type3A_416] : memref<4096xf32, #tpu.memory_space<vmem>>[vector<16xi32>], vector<16xf32>,
        %ne3A_418 = arith.constant 0 : i32
        %ne3A_419 = vector.broadcast %ne3A_418 : i32 to vector<16xi32>
        %ne3A_420 = arith.cmpi ne, %get3A_405, %ne3A_419 : vector<16xi32>
        %select_n3A_421 = arith.select %ne3A_420, %neg3A_408, %get3A_401 : vector<16xi1>, vector<16xf32>
        %max3A_422 = arith.constant 0.000000e+00 : f32
        %max3A_423 = vector.broadcast %max3A_422 : f32 to vector<16xf32>
        %max3A_424 = arith.maximumf %select_n3A_421, %max3A_423 : vector<16xf32>
        %add3A_425 = arith.addf %gather3A_417, %max3A_424 : vector<16xf32>
        %jit3A_426 = arith.constant 0.000000e+00 : f32
        %broadcast_in_dim3A_427 = vector.broadcast %jit3A_426 : f32 to vector<16xf32>
        %select_n3A_428 = arith.select %ne3A_420, %add3A_425, %broadcast_in_dim3A_427 : vector<16xi1>, vector<16xf32>
        %add3A_429 = arith.addf %add3A_425, %select_n3A_428 : vector<16xf32>
        %add3A_430 = arith.constant 144 : i32
        %add3A_431 = arith.addi %mul3A_132, %add3A_430 : i32
        %get3A_432 = arith.index_cast %add3A_431 : i32 to index
        %get3A_433 = tpu.vector_load %arg9[%get3A_432] {strides = array<i32>} : memref<10000xf32, #tpu.memory_space<vmem>>, vector<16xf32>,
        %add3A_434 = arith.constant 144 : i32
        %add3A_435 = arith.addi %mul3A_132, %add3A_434 : i32
        %get3A_436 = arith.index_cast %add3A_435 : i32 to index
        %get3A_437 = tpu.vector_load %arg11[%get3A_436] {strides = array<i32>} : memref<10000xi32, #tpu.memory_space<vmem>>, vector<16xi32>,
        %neg3A_438 = arith.constant 0.000000e+00 : f32
        %neg3A_439 = vector.broadcast %neg3A_438 : f32 to vector<16xf32>
        %neg3A_440 = arith.subf %neg3A_439, %get3A_433 : vector<16xf32>
        %abs3A_441 = math.absf %get3A_433 : vector<16xf32>
        %mul3A_442 = arith.constant 2.560000e+02 : f32
        %mul3A_443 = vector.broadcast %mul3A_442 : f32 to vector<16xf32>
        %mul3A_444 = arith.mulf %abs3A_441, %mul3A_443 : vector<16xf32>
        %min3A_445 = arith.constant 4.095000e+03 : f32
        %min3A_446 = vector.broadcast %min3A_445 : f32 to vector<16xf32>
        %min3A_447 = arith.minimumf %mul3A_444, %min3A_446 : vector<16xf32>
        %convert_element_type3A_448 = arith.fptosi %min3A_447 : vector<16xf32> to vector<16xi32>
        %gather3A_449 = tpu.vector_load_idx %arg16[%convert_element_type3A_448] : memref<4096xf32, #tpu.memory_space<vmem>>[vector<16xi32>], vector<16xf32>,
        %ne3A_450 = arith.constant 0 : i32
        %ne3A_451 = vector.broadcast %ne3A_450 : i32 to vector<16xi32>
        %ne3A_452 = arith.cmpi ne, %get3A_437, %ne3A_451 : vector<16xi32>
        %select_n3A_453 = arith.select %ne3A_452, %neg3A_440, %get3A_433 : vector<16xi1>, vector<16xf32>
        %max3A_454 = arith.constant 0.000000e+00 : f32
        %max3A_455 = vector.broadcast %max3A_454 : f32 to vector<16xf32>
        %max3A_456 = arith.maximumf %select_n3A_453, %max3A_455 : vector<16xf32>
        %add3A_457 = arith.addf %gather3A_449, %max3A_456 : vector<16xf32>
        %jit3A_458 = arith.constant 0.000000e+00 : f32
        %broadcast_in_dim3A_459 = vector.broadcast %jit3A_458 : f32 to vector<16xf32>
        %select_n3A_460 = arith.select %ne3A_452, %add3A_457, %broadcast_in_dim3A_459 : vector<16xi1>, vector<16xf32>
        %add3A_461 = arith.addf %add3A_457, %select_n3A_460 : vector<16xf32>
        %add3A_462 = arith.constant 160 : i32
        %add3A_463 = arith.addi %mul3A_132, %add3A_462 : i32
        %get3A_464 = arith.index_cast %add3A_463 : i32 to index
        %get3A_465 = tpu.vector_load %arg9[%get3A_464] {strides = array<i32>} : memref<10000xf32, #tpu.memory_space<vmem>>, vector<16xf32>,
        %add3A_466 = arith.constant 160 : i32
        %add3A_467 = arith.addi %mul3A_132, %add3A_466 : i32
        %get3A_468 = arith.index_cast %add3A_467 : i32 to index
        %get3A_469 = tpu.vector_load %arg11[%get3A_468] {strides = array<i32>} : memref<10000xi32, #tpu.memory_space<vmem>>, vector<16xi32>,
        %neg3A_470 = arith.constant 0.000000e+00 : f32
        %neg3A_471 = vector.broadcast %neg3A_470 : f32 to vector<16xf32>
        %neg3A_472 = arith.subf %neg3A_471, %get3A_465 : vector<16xf32>
        %abs3A_473 = math.absf %get3A_465 : vector<16xf32>
        %mul3A_474 = arith.constant 2.560000e+02 : f32
        %mul3A_475 = vector.broadcast %mul3A_474 : f32 to vector<16xf32>
        %mul3A_476 = arith.mulf %abs3A_473, %mul3A_475 : vector<16xf32>
        %min3A_477 = arith.constant 4.095000e+03 : f32
        %min3A_478 = vector.broadcast %min3A_477 : f32 to vector<16xf32>
        %min3A_479 = arith.minimumf %mul3A_476, %min3A_478 : vector<16xf32>
        %convert_element_type3A_480 = arith.fptosi %min3A_479 : vector<16xf32> to vector<16xi32>
        %gather3A_481 = tpu.vector_load_idx %arg16[%convert_element_type3A_480] : memref<4096xf32, #tpu.memory_space<vmem>>[vector<16xi32>], vector<16xf32>,
        %ne3A_482 = arith.constant 0 : i32
        %ne3A_483 = vector.broadcast %ne3A_482 : i32 to vector<16xi32>
        %ne3A_484 = arith.cmpi ne, %get3A_469, %ne3A_483 : vector<16xi32>
        %select_n3A_485 = arith.select %ne3A_484, %neg3A_472, %get3A_465 : vector<16xi1>, vector<16xf32>
        %max3A_486 = arith.constant 0.000000e+00 : f32
        %max3A_487 = vector.broadcast %max3A_486 : f32 to vector<16xf32>
        %max3A_488 = arith.maximumf %select_n3A_485, %max3A_487 : vector<16xf32>
        %add3A_489 = arith.addf %gather3A_481, %max3A_488 : vector<16xf32>
        %jit3A_490 = arith.constant 0.000000e+00 : f32
        %broadcast_in_dim3A_491 = vector.broadcast %jit3A_490 : f32 to vector<16xf32>
        %select_n3A_492 = arith.select %ne3A_484, %add3A_489, %broadcast_in_dim3A_491 : vector<16xi1>, vector<16xf32>
        %add3A_493 = arith.addf %add3A_489, %select_n3A_492 : vector<16xf32>
        %add3A_494 = arith.constant 176 : i32
        %add3A_495 = arith.addi %mul3A_132, %add3A_494 : i32
        %get3A_496 = arith.index_cast %add3A_495 : i32 to index
        %get3A_497 = tpu.vector_load %arg9[%get3A_496] {strides = array<i32>} : memref<10000xf32, #tpu.memory_space<vmem>>, vector<16xf32>,
        %add3A_498 = arith.constant 176 : i32
        %add3A_499 = arith.addi %mul3A_132, %add3A_498 : i32
        %get3A_500 = arith.index_cast %add3A_499 : i32 to index
        %get3A_501 = tpu.vector_load %arg11[%get3A_500] {strides = array<i32>} : memref<10000xi32, #tpu.memory_space<vmem>>, vector<16xi32>,
        %neg3A_502 = arith.constant 0.000000e+00 : f32
        %neg3A_503 = vector.broadcast %neg3A_502 : f32 to vector<16xf32>
        %neg3A_504 = arith.subf %neg3A_503, %get3A_497 : vector<16xf32>
        %abs3A_505 = math.absf %get3A_497 : vector<16xf32>
        %mul3A_506 = arith.constant 2.560000e+02 : f32
        %mul3A_507 = vector.broadcast %mul3A_506 : f32 to vector<16xf32>
        %mul3A_508 = arith.mulf %abs3A_505, %mul3A_507 : vector<16xf32>
        %min3A_509 = arith.constant 4.095000e+03 : f32
        %min3A_510 = vector.broadcast %min3A_509 : f32 to vector<16xf32>
        %min3A_511 = arith.minimumf %mul3A_508, %min3A_510 : vector<16xf32>
        %convert_element_type3A_512 = arith.fptosi %min3A_511 : vector<16xf32> to vector<16xi32>
        %gather3A_513 = tpu.vector_load_idx %arg16[%convert_element_type3A_512] : memref<4096xf32, #tpu.memory_space<vmem>>[vector<16xi32>], vector<16xf32>,
        %ne3A_514 = arith.constant 0 : i32
        %ne3A_515 = vector.broadcast %ne3A_514 : i32 to vector<16xi32>
        %ne3A_516 = arith.cmpi ne, %get3A_501, %ne3A_515 : vector<16xi32>
        %select_n3A_517 = arith.select %ne3A_516, %neg3A_504, %get3A_497 : vector<16xi1>, vector<16xf32>
        %max3A_518 = arith.constant 0.000000e+00 : f32
        %max3A_519 = vector.broadcast %max3A_518 : f32 to vector<16xf32>
        %max3A_520 = arith.maximumf %select_n3A_517, %max3A_519 : vector<16xf32>
        %add3A_521 = arith.addf %gather3A_513, %max3A_520 : vector<16xf32>
        %jit3A_522 = arith.constant 0.000000e+00 : f32
        %broadcast_in_dim3A_523 = vector.broadcast %jit3A_522 : f32 to vector<16xf32>
        %select_n3A_524 = arith.select %ne3A_516, %add3A_521, %broadcast_in_dim3A_523 : vector<16xi1>, vector<16xf32>
        %add3A_525 = arith.addf %add3A_521, %select_n3A_524 : vector<16xf32>
        %add3A_526 = arith.constant 192 : i32
        %add3A_527 = arith.addi %mul3A_132, %add3A_526 : i32
        %get3A_528 = arith.index_cast %add3A_527 : i32 to index
        %get3A_529 = tpu.vector_load %arg9[%get3A_528] {strides = array<i32>} : memref<10000xf32, #tpu.memory_space<vmem>>, vector<16xf32>,
        %add3A_530 = arith.constant 192 : i32
        %add3A_531 = arith.addi %mul3A_132, %add3A_530 : i32
        %get3A_532 = arith.index_cast %add3A_531 : i32 to index
        %get3A_533 = tpu.vector_load %arg11[%get3A_532] {strides = array<i32>} : memref<10000xi32, #tpu.memory_space<vmem>>, vector<16xi32>,
        %neg3A_534 = arith.constant 0.000000e+00 : f32
        %neg3A_535 = vector.broadcast %neg3A_534 : f32 to vector<16xf32>
        %neg3A_536 = arith.subf %neg3A_535, %get3A_529 : vector<16xf32>
        %abs3A_537 = math.absf %get3A_529 : vector<16xf32>
        %mul3A_538 = arith.constant 2.560000e+02 : f32
        %mul3A_539 = vector.broadcast %mul3A_538 : f32 to vector<16xf32>
        %mul3A_540 = arith.mulf %abs3A_537, %mul3A_539 : vector<16xf32>
        %min3A_541 = arith.constant 4.095000e+03 : f32
        %min3A_542 = vector.broadcast %min3A_541 : f32 to vector<16xf32>
        %min3A_543 = arith.minimumf %mul3A_540, %min3A_542 : vector<16xf32>
        %convert_element_type3A_544 = arith.fptosi %min3A_543 : vector<16xf32> to vector<16xi32>
        %gather3A_545 = tpu.vector_load_idx %arg16[%convert_element_type3A_544] : memref<4096xf32, #tpu.memory_space<vmem>>[vector<16xi32>], vector<16xf32>,
        %ne3A_546 = arith.constant 0 : i32
        %ne3A_547 = vector.broadcast %ne3A_546 : i32 to vector<16xi32>
        %ne3A_548 = arith.cmpi ne, %get3A_533, %ne3A_547 : vector<16xi32>
        %select_n3A_549 = arith.select %ne3A_548, %neg3A_536, %get3A_529 : vector<16xi1>, vector<16xf32>
        %max3A_550 = arith.constant 0.000000e+00 : f32
        %max3A_551 = vector.broadcast %max3A_550 : f32 to vector<16xf32>
        %max3A_552 = arith.maximumf %select_n3A_549, %max3A_551 : vector<16xf32>
        %add3A_553 = arith.addf %gather3A_545, %max3A_552 : vector<16xf32>
        %jit3A_554 = arith.constant 0.000000e+00 : f32
        %broadcast_in_dim3A_555 = vector.broadcast %jit3A_554 : f32 to vector<16xf32>
        %select_n3A_556 = arith.select %ne3A_548, %add3A_553, %broadcast_in_dim3A_555 : vector<16xi1>, vector<16xf32>
        %add3A_557 = arith.addf %add3A_553, %select_n3A_556 : vector<16xf32>
        %add3A_558 = arith.constant 208 : i32
        %add3A_559 = arith.addi %mul3A_132, %add3A_558 : i32
        %get3A_560 = arith.index_cast %add3A_559 : i32 to index
        %get3A_561 = tpu.vector_load %arg9[%get3A_560] {strides = array<i32>} : memref<10000xf32, #tpu.memory_space<vmem>>, vector<16xf32>,
        %add3A_562 = arith.constant 208 : i32
        %add3A_563 = arith.addi %mul3A_132, %add3A_562 : i32
        %get3A_564 = arith.index_cast %add3A_563 : i32 to index
        %get3A_565 = tpu.vector_load %arg11[%get3A_564] {strides = array<i32>} : memref<10000xi32, #tpu.memory_space<vmem>>, vector<16xi32>,
        %neg3A_566 = arith.constant 0.000000e+00 : f32
        %neg3A_567 = vector.broadcast %neg3A_566 : f32 to vector<16xf32>
        %neg3A_568 = arith.subf %neg3A_567, %get3A_561 : vector<16xf32>
        %abs3A_569 = math.absf %get3A_561 : vector<16xf32>
        %mul3A_570 = arith.constant 2.560000e+02 : f32
        %mul3A_571 = vector.broadcast %mul3A_570 : f32 to vector<16xf32>
        %mul3A_572 = arith.mulf %abs3A_569, %mul3A_571 : vector<16xf32>
        %min3A_573 = arith.constant 4.095000e+03 : f32
        %min3A_574 = vector.broadcast %min3A_573 : f32 to vector<16xf32>
        %min3A_575 = arith.minimumf %mul3A_572, %min3A_574 : vector<16xf32>
        %convert_element_type3A_576 = arith.fptosi %min3A_575 : vector<16xf32> to vector<16xi32>
        %gather3A_577 = tpu.vector_load_idx %arg16[%convert_element_type3A_576] : memref<4096xf32, #tpu.memory_space<vmem>>[vector<16xi32>], vector<16xf32>,
        %ne3A_578 = arith.constant 0 : i32
        %ne3A_579 = vector.broadcast %ne3A_578 : i32 to vector<16xi32>
        %ne3A_580 = arith.cmpi ne, %get3A_565, %ne3A_579 : vector<16xi32>
        %select_n3A_581 = arith.select %ne3A_580, %neg3A_568, %get3A_561 : vector<16xi1>, vector<16xf32>
        %max3A_582 = arith.constant 0.000000e+00 : f32
        %max3A_583 = vector.broadcast %max3A_582 : f32 to vector<16xf32>
        %max3A_584 = arith.maximumf %select_n3A_581, %max3A_583 : vector<16xf32>
        %add3A_585 = arith.addf %gather3A_577, %max3A_584 : vector<16xf32>
        %jit3A_586 = arith.constant 0.000000e+00 : f32
        %broadcast_in_dim3A_587 = vector.broadcast %jit3A_586 : f32 to vector<16xf32>
        %select_n3A_588 = arith.select %ne3A_580, %add3A_585, %broadcast_in_dim3A_587 : vector<16xi1>, vector<16xf32>
        %add3A_589 = arith.addf %add3A_585, %select_n3A_588 : vector<16xf32>
        %add3A_590 = arith.constant 224 : i32
        %add3A_591 = arith.addi %mul3A_132, %add3A_590 : i32
        %get3A_592 = arith.index_cast %add3A_591 : i32 to index
        %get3A_593 = tpu.vector_load %arg9[%get3A_592] {strides = array<i32>} : memref<10000xf32, #tpu.memory_space<vmem>>, vector<16xf32>,
        %add3A_594 = arith.constant 224 : i32
        %add3A_595 = arith.addi %mul3A_132, %add3A_594 : i32
        %get3A_596 = arith.index_cast %add3A_595 : i32 to index
        %get3A_597 = tpu.vector_load %arg11[%get3A_596] {strides = array<i32>} : memref<10000xi32, #tpu.memory_space<vmem>>, vector<16xi32>,
        %neg3A_598 = arith.constant 0.000000e+00 : f32
        %neg3A_599 = vector.broadcast %neg3A_598 : f32 to vector<16xf32>
        %neg3A_600 = arith.subf %neg3A_599, %get3A_593 : vector<16xf32>
        %abs3A_601 = math.absf %get3A_593 : vector<16xf32>
        %mul3A_602 = arith.constant 2.560000e+02 : f32
        %mul3A_603 = vector.broadcast %mul3A_602 : f32 to vector<16xf32>
        %mul3A_604 = arith.mulf %abs3A_601, %mul3A_603 : vector<16xf32>
        %min3A_605 = arith.constant 4.095000e+03 : f32
        %min3A_606 = vector.broadcast %min3A_605 : f32 to vector<16xf32>
        %min3A_607 = arith.minimumf %mul3A_604, %min3A_606 : vector<16xf32>
        %convert_element_type3A_608 = arith.fptosi %min3A_607 : vector<16xf32> to vector<16xi32>
        %gather3A_609 = tpu.vector_load_idx %arg16[%convert_element_type3A_608] : memref<4096xf32, #tpu.memory_space<vmem>>[vector<16xi32>], vector<16xf32>,
        %ne3A_610 = arith.constant 0 : i32
        %ne3A_611 = vector.broadcast %ne3A_610 : i32 to vector<16xi32>
        %ne3A_612 = arith.cmpi ne, %get3A_597, %ne3A_611 : vector<16xi32>
        %select_n3A_613 = arith.select %ne3A_612, %neg3A_600, %get3A_593 : vector<16xi1>, vector<16xf32>
        %max3A_614 = arith.constant 0.000000e+00 : f32
        %max3A_615 = vector.broadcast %max3A_614 : f32 to vector<16xf32>
        %max3A_616 = arith.maximumf %select_n3A_613, %max3A_615 : vector<16xf32>
        %add3A_617 = arith.addf %gather3A_609, %max3A_616 : vector<16xf32>
        %jit3A_618 = arith.constant 0.000000e+00 : f32
        %broadcast_in_dim3A_619 = vector.broadcast %jit3A_618 : f32 to vector<16xf32>
        %select_n3A_620 = arith.select %ne3A_612, %add3A_617, %broadcast_in_dim3A_619 : vector<16xi1>, vector<16xf32>
        %add3A_621 = arith.addf %add3A_617, %select_n3A_620 : vector<16xf32>
        %add3A_622 = arith.constant 240 : i32
        %add3A_623 = arith.addi %mul3A_132, %add3A_622 : i32
        %get3A_624 = arith.index_cast %add3A_623 : i32 to index
        %get3A_625 = tpu.vector_load %arg9[%get3A_624] {strides = array<i32>} : memref<10000xf32, #tpu.memory_space<vmem>>, vector<16xf32>,
        %add3A_626 = arith.constant 240 : i32
        %add3A_627 = arith.addi %mul3A_132, %add3A_626 : i32
        %get3A_628 = arith.index_cast %add3A_627 : i32 to index
        %get3A_629 = tpu.vector_load %arg11[%get3A_628] {strides = array<i32>} : memref<10000xi32, #tpu.memory_space<vmem>>, vector<16xi32>,
        %neg3A_630 = arith.constant 0.000000e+00 : f32
        %neg3A_631 = vector.broadcast %neg3A_630 : f32 to vector<16xf32>
        %neg3A_632 = arith.subf %neg3A_631, %get3A_625 : vector<16xf32>
        %abs3A_633 = math.absf %get3A_625 : vector<16xf32>
        %mul3A_634 = arith.constant 2.560000e+02 : f32
        %mul3A_635 = vector.broadcast %mul3A_634 : f32 to vector<16xf32>
        %mul3A_636 = arith.mulf %abs3A_633, %mul3A_635 : vector<16xf32>
        %min3A_637 = arith.constant 4.095000e+03 : f32
        %min3A_638 = vector.broadcast %min3A_637 : f32 to vector<16xf32>
        %min3A_639 = arith.minimumf %mul3A_636, %min3A_638 : vector<16xf32>
        %convert_element_type3A_640 = arith.fptosi %min3A_639 : vector<16xf32> to vector<16xi32>
        %gather3A_641 = tpu.vector_load_idx %arg16[%convert_element_type3A_640] : memref<4096xf32, #tpu.memory_space<vmem>>[vector<16xi32>], vector<16xf32>,
        %ne3A_642 = arith.constant 0 : i32
        %ne3A_643 = vector.broadcast %ne3A_642 : i32 to vector<16xi32>
        %ne3A_644 = arith.cmpi ne, %get3A_629, %ne3A_643 : vector<16xi32>
        %select_n3A_645 = arith.select %ne3A_644, %neg3A_632, %get3A_625 : vector<16xi1>, vector<16xf32>
        %max3A_646 = arith.constant 0.000000e+00 : f32
        %max3A_647 = vector.broadcast %max3A_646 : f32 to vector<16xf32>
        %max3A_648 = arith.maximumf %select_n3A_645, %max3A_647 : vector<16xf32>
        %add3A_649 = arith.addf %gather3A_641, %max3A_648 : vector<16xf32>
        %jit3A_650 = arith.constant 0.000000e+00 : f32
        %broadcast_in_dim3A_651 = vector.broadcast %jit3A_650 : f32 to vector<16xf32>
        %select_n3A_652 = arith.select %ne3A_644, %add3A_649, %broadcast_in_dim3A_651 : vector<16xi1>, vector<16xf32>
        %add3A_653 = arith.addf %add3A_649, %select_n3A_652 : vector<16xf32>
        %add3A_654 = arith.constant 256 : i32
        %add3A_655 = arith.addi %mul3A_132, %add3A_654 : i32
        %get3A_656 = arith.index_cast %add3A_655 : i32 to index
        %get3A_657 = tpu.vector_load %arg9[%get3A_656] {strides = array<i32>} : memref<10000xf32, #tpu.memory_space<vmem>>, vector<16xf32>,
        %add3A_658 = arith.constant 256 : i32
        %add3A_659 = arith.addi %mul3A_132, %add3A_658 : i32
        %get3A_660 = arith.index_cast %add3A_659 : i32 to index
        %get3A_661 = tpu.vector_load %arg11[%get3A_660] {strides = array<i32>} : memref<10000xi32, #tpu.memory_space<vmem>>, vector<16xi32>,
        %neg3A_662 = arith.constant 0.000000e+00 : f32
        %neg3A_663 = vector.broadcast %neg3A_662 : f32 to vector<16xf32>
        %neg3A_664 = arith.subf %neg3A_663, %get3A_657 : vector<16xf32>
        %abs3A_665 = math.absf %get3A_657 : vector<16xf32>
        %mul3A_666 = arith.constant 2.560000e+02 : f32
        %mul3A_667 = vector.broadcast %mul3A_666 : f32 to vector<16xf32>
        %mul3A_668 = arith.mulf %abs3A_665, %mul3A_667 : vector<16xf32>
        %min3A_669 = arith.constant 4.095000e+03 : f32
        %min3A_670 = vector.broadcast %min3A_669 : f32 to vector<16xf32>
        %min3A_671 = arith.minimumf %mul3A_668, %min3A_670 : vector<16xf32>
        %convert_element_type3A_672 = arith.fptosi %min3A_671 : vector<16xf32> to vector<16xi32>
        %gather3A_673 = tpu.vector_load_idx %arg16[%convert_element_type3A_672] : memref<4096xf32, #tpu.memory_space<vmem>>[vector<16xi32>], vector<16xf32>,
        %ne3A_674 = arith.constant 0 : i32
        %ne3A_675 = vector.broadcast %ne3A_674 : i32 to vector<16xi32>
        %ne3A_676 = arith.cmpi ne, %get3A_661, %ne3A_675 : vector<16xi32>
        %select_n3A_677 = arith.select %ne3A_676, %neg3A_664, %get3A_657 : vector<16xi1>, vector<16xf32>
        %max3A_678 = arith.constant 0.000000e+00 : f32
        %max3A_679 = vector.broadcast %max3A_678 : f32 to vector<16xf32>
        %max3A_680 = arith.maximumf %select_n3A_677, %max3A_679 : vector<16xf32>
        %add3A_681 = arith.addf %gather3A_673, %max3A_680 : vector<16xf32>
        %jit3A_682 = arith.constant 0.000000e+00 : f32
        %broadcast_in_dim3A_683 = vector.broadcast %jit3A_682 : f32 to vector<16xf32>
        %select_n3A_684 = arith.select %ne3A_676, %add3A_681, %broadcast_in_dim3A_683 : vector<16xi1>, vector<16xf32>
        %add3A_685 = arith.addf %add3A_681, %select_n3A_684 : vector<16xf32>
        %add3A_686 = arith.constant 272 : i32
        %add3A_687 = arith.addi %mul3A_132, %add3A_686 : i32
        %get3A_688 = arith.index_cast %add3A_687 : i32 to index
        %get3A_689 = tpu.vector_load %arg9[%get3A_688] {strides = array<i32>} : memref<10000xf32, #tpu.memory_space<vmem>>, vector<16xf32>,
        %add3A_690 = arith.constant 272 : i32
        %add3A_691 = arith.addi %mul3A_132, %add3A_690 : i32
        %get3A_692 = arith.index_cast %add3A_691 : i32 to index
        %get3A_693 = tpu.vector_load %arg11[%get3A_692] {strides = array<i32>} : memref<10000xi32, #tpu.memory_space<vmem>>, vector<16xi32>,
        %neg3A_694 = arith.constant 0.000000e+00 : f32
        %neg3A_695 = vector.broadcast %neg3A_694 : f32 to vector<16xf32>
        %neg3A_696 = arith.subf %neg3A_695, %get3A_689 : vector<16xf32>
        %abs3A_697 = math.absf %get3A_689 : vector<16xf32>
        %mul3A_698 = arith.constant 2.560000e+02 : f32
        %mul3A_699 = vector.broadcast %mul3A_698 : f32 to vector<16xf32>
        %mul3A_700 = arith.mulf %abs3A_697, %mul3A_699 : vector<16xf32>
        %min3A_701 = arith.constant 4.095000e+03 : f32
        %min3A_702 = vector.broadcast %min3A_701 : f32 to vector<16xf32>
        %min3A_703 = arith.minimumf %mul3A_700, %min3A_702 : vector<16xf32>
        %convert_element_type3A_704 = arith.fptosi %min3A_703 : vector<16xf32> to vector<16xi32>
        %gather3A_705 = tpu.vector_load_idx %arg16[%convert_element_type3A_704] : memref<4096xf32, #tpu.memory_space<vmem>>[vector<16xi32>], vector<16xf32>,
        %ne3A_706 = arith.constant 0 : i32
        %ne3A_707 = vector.broadcast %ne3A_706 : i32 to vector<16xi32>
        %ne3A_708 = arith.cmpi ne, %get3A_693, %ne3A_707 : vector<16xi32>
        %select_n3A_709 = arith.select %ne3A_708, %neg3A_696, %get3A_689 : vector<16xi1>, vector<16xf32>
        %max3A_710 = arith.constant 0.000000e+00 : f32
        %max3A_711 = vector.broadcast %max3A_710 : f32 to vector<16xf32>
        %max3A_712 = arith.maximumf %select_n3A_709, %max3A_711 : vector<16xf32>
        %add3A_713 = arith.addf %gather3A_705, %max3A_712 : vector<16xf32>
        %jit3A_714 = arith.constant 0.000000e+00 : f32
        %broadcast_in_dim3A_715 = vector.broadcast %jit3A_714 : f32 to vector<16xf32>
        %select_n3A_716 = arith.select %ne3A_708, %add3A_713, %broadcast_in_dim3A_715 : vector<16xi1>, vector<16xf32>
        %add3A_717 = arith.addf %add3A_713, %select_n3A_716 : vector<16xf32>
        %add3A_718 = arith.constant 288 : i32
        %add3A_719 = arith.addi %mul3A_132, %add3A_718 : i32
        %get3A_720 = arith.index_cast %add3A_719 : i32 to index
        %get3A_721 = tpu.vector_load %arg9[%get3A_720] {strides = array<i32>} : memref<10000xf32, #tpu.memory_space<vmem>>, vector<16xf32>,
        %add3A_722 = arith.constant 288 : i32
        %add3A_723 = arith.addi %mul3A_132, %add3A_722 : i32
        %get3A_724 = arith.index_cast %add3A_723 : i32 to index
        %get3A_725 = tpu.vector_load %arg11[%get3A_724] {strides = array<i32>} : memref<10000xi32, #tpu.memory_space<vmem>>, vector<16xi32>,
        %neg3A_726 = arith.constant 0.000000e+00 : f32
        %neg3A_727 = vector.broadcast %neg3A_726 : f32 to vector<16xf32>
        %neg3A_728 = arith.subf %neg3A_727, %get3A_721 : vector<16xf32>
        %abs3A_729 = math.absf %get3A_721 : vector<16xf32>
        %mul3A_730 = arith.constant 2.560000e+02 : f32
        %mul3A_731 = vector.broadcast %mul3A_730 : f32 to vector<16xf32>
        %mul3A_732 = arith.mulf %abs3A_729, %mul3A_731 : vector<16xf32>
        %min3A_733 = arith.constant 4.095000e+03 : f32
        %min3A_734 = vector.broadcast %min3A_733 : f32 to vector<16xf32>
        %min3A_735 = arith.minimumf %mul3A_732, %min3A_734 : vector<16xf32>
        %convert_element_type3A_736 = arith.fptosi %min3A_735 : vector<16xf32> to vector<16xi32>
        %gather3A_737 = tpu.vector_load_idx %arg16[%convert_element_type3A_736] : memref<4096xf32, #tpu.memory_space<vmem>>[vector<16xi32>], vector<16xf32>,
        %ne3A_738 = arith.constant 0 : i32
        %ne3A_739 = vector.broadcast %ne3A_738 : i32 to vector<16xi32>
        %ne3A_740 = arith.cmpi ne, %get3A_725, %ne3A_739 : vector<16xi32>
        %select_n3A_741 = arith.select %ne3A_740, %neg3A_728, %get3A_721 : vector<16xi1>, vector<16xf32>
        %max3A_742 = arith.constant 0.000000e+00 : f32
        %max3A_743 = vector.broadcast %max3A_742 : f32 to vector<16xf32>
        %max3A_744 = arith.maximumf %select_n3A_741, %max3A_743 : vector<16xf32>
        %add3A_745 = arith.addf %gather3A_737, %max3A_744 : vector<16xf32>
        %jit3A_746 = arith.constant 0.000000e+00 : f32
        %broadcast_in_dim3A_747 = vector.broadcast %jit3A_746 : f32 to vector<16xf32>
        %select_n3A_748 = arith.select %ne3A_740, %add3A_745, %broadcast_in_dim3A_747 : vector<16xi1>, vector<16xf32>
        %add3A_749 = arith.addf %add3A_745, %select_n3A_748 : vector<16xf32>
        %add3A_750 = arith.constant 304 : i32
        %add3A_751 = arith.addi %mul3A_132, %add3A_750 : i32
        %get3A_752 = arith.index_cast %add3A_751 : i32 to index
        %get3A_753 = tpu.vector_load %arg9[%get3A_752] {strides = array<i32>} : memref<10000xf32, #tpu.memory_space<vmem>>, vector<16xf32>,
        %add3A_754 = arith.constant 304 : i32
        %add3A_755 = arith.addi %mul3A_132, %add3A_754 : i32
        %get3A_756 = arith.index_cast %add3A_755 : i32 to index
        %get3A_757 = tpu.vector_load %arg11[%get3A_756] {strides = array<i32>} : memref<10000xi32, #tpu.memory_space<vmem>>, vector<16xi32>,
        %neg3A_758 = arith.constant 0.000000e+00 : f32
        %neg3A_759 = vector.broadcast %neg3A_758 : f32 to vector<16xf32>
        %neg3A_760 = arith.subf %neg3A_759, %get3A_753 : vector<16xf32>
        %abs3A_761 = math.absf %get3A_753 : vector<16xf32>
        %mul3A_762 = arith.constant 2.560000e+02 : f32
        %mul3A_763 = vector.broadcast %mul3A_762 : f32 to vector<16xf32>
        %mul3A_764 = arith.mulf %abs3A_761, %mul3A_763 : vector<16xf32>
        %min3A_765 = arith.constant 4.095000e+03 : f32
        %min3A_766 = vector.broadcast %min3A_765 : f32 to vector<16xf32>
        %min3A_767 = arith.minimumf %mul3A_764, %min3A_766 : vector<16xf32>
        %convert_element_type3A_768 = arith.fptosi %min3A_767 : vector<16xf32> to vector<16xi32>
        %gather3A_769 = tpu.vector_load_idx %arg16[%convert_element_type3A_768] : memref<4096xf32, #tpu.memory_space<vmem>>[vector<16xi32>], vector<16xf32>,
        %ne3A_770 = arith.constant 0 : i32
        %ne3A_771 = vector.broadcast %ne3A_770 : i32 to vector<16xi32>
        %ne3A_772 = arith.cmpi ne, %get3A_757, %ne3A_771 : vector<16xi32>
        %select_n3A_773 = arith.select %ne3A_772, %neg3A_760, %get3A_753 : vector<16xi1>, vector<16xf32>
        %max3A_774 = arith.constant 0.000000e+00 : f32
        %max3A_775 = vector.broadcast %max3A_774 : f32 to vector<16xf32>
        %max3A_776 = arith.maximumf %select_n3A_773, %max3A_775 : vector<16xf32>
        %add3A_777 = arith.addf %gather3A_769, %max3A_776 : vector<16xf32>
        %jit3A_778 = arith.constant 0.000000e+00 : f32
        %broadcast_in_dim3A_779 = vector.broadcast %jit3A_778 : f32 to vector<16xf32>
        %select_n3A_780 = arith.select %ne3A_772, %add3A_777, %broadcast_in_dim3A_779 : vector<16xi1>, vector<16xf32>
        %add3A_781 = arith.addf %add3A_777, %select_n3A_780 : vector<16xf32>
        %add3A_782 = arith.constant 320 : i32
        %add3A_783 = arith.addi %mul3A_132, %add3A_782 : i32
        %get3A_784 = arith.index_cast %add3A_783 : i32 to index
        %get3A_785 = tpu.vector_load %arg9[%get3A_784] {strides = array<i32>} : memref<10000xf32, #tpu.memory_space<vmem>>, vector<16xf32>,
        %add3A_786 = arith.constant 320 : i32
        %add3A_787 = arith.addi %mul3A_132, %add3A_786 : i32
        %get3A_788 = arith.index_cast %add3A_787 : i32 to index
        %get3A_789 = tpu.vector_load %arg11[%get3A_788] {strides = array<i32>} : memref<10000xi32, #tpu.memory_space<vmem>>, vector<16xi32>,
        %neg3A_790 = arith.constant 0.000000e+00 : f32
        %neg3A_791 = vector.broadcast %neg3A_790 : f32 to vector<16xf32>
        %neg3A_792 = arith.subf %neg3A_791, %get3A_785 : vector<16xf32>
        %abs3A_793 = math.absf %get3A_785 : vector<16xf32>
        %mul3A_794 = arith.constant 2.560000e+02 : f32
        %mul3A_795 = vector.broadcast %mul3A_794 : f32 to vector<16xf32>
        %mul3A_796 = arith.mulf %abs3A_793, %mul3A_795 : vector<16xf32>
        %min3A_797 = arith.constant 4.095000e+03 : f32
        %min3A_798 = vector.broadcast %min3A_797 : f32 to vector<16xf32>
        %min3A_799 = arith.minimumf %mul3A_796, %min3A_798 : vector<16xf32>
        %convert_element_type3A_800 = arith.fptosi %min3A_799 : vector<16xf32> to vector<16xi32>
        %gather3A_801 = tpu.vector_load_idx %arg16[%convert_element_type3A_800] : memref<4096xf32, #tpu.memory_space<vmem>>[vector<16xi32>], vector<16xf32>,
        %ne3A_802 = arith.constant 0 : i32
        %ne3A_803 = vector.broadcast %ne3A_802 : i32 to vector<16xi32>
        %ne3A_804 = arith.cmpi ne, %get3A_789, %ne3A_803 : vector<16xi32>
        %select_n3A_805 = arith.select %ne3A_804, %neg3A_792, %get3A_785 : vector<16xi1>, vector<16xf32>
        %max3A_806 = arith.constant 0.000000e+00 : f32
        %max3A_807 = vector.broadcast %max3A_806 : f32 to vector<16xf32>
        %max3A_808 = arith.maximumf %select_n3A_805, %max3A_807 : vector<16xf32>
        %add3A_809 = arith.addf %gather3A_801, %max3A_808 : vector<16xf32>
        %jit3A_810 = arith.constant 0.000000e+00 : f32
        %broadcast_in_dim3A_811 = vector.broadcast %jit3A_810 : f32 to vector<16xf32>
        %select_n3A_812 = arith.select %ne3A_804, %add3A_809, %broadcast_in_dim3A_811 : vector<16xi1>, vector<16xf32>
        %add3A_813 = arith.addf %add3A_809, %select_n3A_812 : vector<16xf32>
        %add3A_814 = arith.constant 336 : i32
        %add3A_815 = arith.addi %mul3A_132, %add3A_814 : i32
        %get3A_816 = arith.index_cast %add3A_815 : i32 to index
        %get3A_817 = tpu.vector_load %arg9[%get3A_816] {strides = array<i32>} : memref<10000xf32, #tpu.memory_space<vmem>>, vector<16xf32>,
        %add3A_818 = arith.constant 336 : i32
        %add3A_819 = arith.addi %mul3A_132, %add3A_818 : i32
        %get3A_820 = arith.index_cast %add3A_819 : i32 to index
        %get3A_821 = tpu.vector_load %arg11[%get3A_820] {strides = array<i32>} : memref<10000xi32, #tpu.memory_space<vmem>>, vector<16xi32>,
        %neg3A_822 = arith.constant 0.000000e+00 : f32
        %neg3A_823 = vector.broadcast %neg3A_822 : f32 to vector<16xf32>
        %neg3A_824 = arith.subf %neg3A_823, %get3A_817 : vector<16xf32>
        %abs3A_825 = math.absf %get3A_817 : vector<16xf32>
        %mul3A_826 = arith.constant 2.560000e+02 : f32
        %mul3A_827 = vector.broadcast %mul3A_826 : f32 to vector<16xf32>
        %mul3A_828 = arith.mulf %abs3A_825, %mul3A_827 : vector<16xf32>
        %min3A_829 = arith.constant 4.095000e+03 : f32
        %min3A_830 = vector.broadcast %min3A_829 : f32 to vector<16xf32>
        %min3A_831 = arith.minimumf %mul3A_828, %min3A_830 : vector<16xf32>
        %convert_element_type3A_832 = arith.fptosi %min3A_831 : vector<16xf32> to vector<16xi32>
        %gather3A_833 = tpu.vector_load_idx %arg16[%convert_element_type3A_832] : memref<4096xf32, #tpu.memory_space<vmem>>[vector<16xi32>], vector<16xf32>,
        %ne3A_834 = arith.constant 0 : i32
        %ne3A_835 = vector.broadcast %ne3A_834 : i32 to vector<16xi32>
        %ne3A_836 = arith.cmpi ne, %get3A_821, %ne3A_835 : vector<16xi32>
        %select_n3A_837 = arith.select %ne3A_836, %neg3A_824, %get3A_817 : vector<16xi1>, vector<16xf32>
        %max3A_838 = arith.constant 0.000000e+00 : f32
        %max3A_839 = vector.broadcast %max3A_838 : f32 to vector<16xf32>
        %max3A_840 = arith.maximumf %select_n3A_837, %max3A_839 : vector<16xf32>
        %add3A_841 = arith.addf %gather3A_833, %max3A_840 : vector<16xf32>
        %jit3A_842 = arith.constant 0.000000e+00 : f32
        %broadcast_in_dim3A_843 = vector.broadcast %jit3A_842 : f32 to vector<16xf32>
        %select_n3A_844 = arith.select %ne3A_836, %add3A_841, %broadcast_in_dim3A_843 : vector<16xi1>, vector<16xf32>
        %add3A_845 = arith.addf %add3A_841, %select_n3A_844 : vector<16xf32>
        %add3A_846 = arith.constant 352 : i32
        %add3A_847 = arith.addi %mul3A_132, %add3A_846 : i32
        %get3A_848 = arith.index_cast %add3A_847 : i32 to index
        %get3A_849 = tpu.vector_load %arg9[%get3A_848] {strides = array<i32>} : memref<10000xf32, #tpu.memory_space<vmem>>, vector<16xf32>,
        %add3A_850 = arith.constant 352 : i32
        %add3A_851 = arith.addi %mul3A_132, %add3A_850 : i32
        %get3A_852 = arith.index_cast %add3A_851 : i32 to index
        %get3A_853 = tpu.vector_load %arg11[%get3A_852] {strides = array<i32>} : memref<10000xi32, #tpu.memory_space<vmem>>, vector<16xi32>,
        %neg3A_854 = arith.constant 0.000000e+00 : f32
        %neg3A_855 = vector.broadcast %neg3A_854 : f32 to vector<16xf32>
        %neg3A_856 = arith.subf %neg3A_855, %get3A_849 : vector<16xf32>
        %abs3A_857 = math.absf %get3A_849 : vector<16xf32>
        %mul3A_858 = arith.constant 2.560000e+02 : f32
        %mul3A_859 = vector.broadcast %mul3A_858 : f32 to vector<16xf32>
        %mul3A_860 = arith.mulf %abs3A_857, %mul3A_859 : vector<16xf32>
        %min3A_861 = arith.constant 4.095000e+03 : f32
        %min3A_862 = vector.broadcast %min3A_861 : f32 to vector<16xf32>
        %min3A_863 = arith.minimumf %mul3A_860, %min3A_862 : vector<16xf32>
        %convert_element_type3A_864 = arith.fptosi %min3A_863 : vector<16xf32> to vector<16xi32>
        %gather3A_865 = tpu.vector_load_idx %arg16[%convert_element_type3A_864] : memref<4096xf32, #tpu.memory_space<vmem>>[vector<16xi32>], vector<16xf32>,
        %ne3A_866 = arith.constant 0 : i32
        %ne3A_867 = vector.broadcast %ne3A_866 : i32 to vector<16xi32>
        %ne3A_868 = arith.cmpi ne, %get3A_853, %ne3A_867 : vector<16xi32>
        %select_n3A_869 = arith.select %ne3A_868, %neg3A_856, %get3A_849 : vector<16xi1>, vector<16xf32>
        %max3A_870 = arith.constant 0.000000e+00 : f32
        %max3A_871 = vector.broadcast %max3A_870 : f32 to vector<16xf32>
        %max3A_872 = arith.maximumf %select_n3A_869, %max3A_871 : vector<16xf32>
        %add3A_873 = arith.addf %gather3A_865, %max3A_872 : vector<16xf32>
        %jit3A_874 = arith.constant 0.000000e+00 : f32
        %broadcast_in_dim3A_875 = vector.broadcast %jit3A_874 : f32 to vector<16xf32>
        %select_n3A_876 = arith.select %ne3A_868, %add3A_873, %broadcast_in_dim3A_875 : vector<16xi1>, vector<16xf32>
        %add3A_877 = arith.addf %add3A_873, %select_n3A_876 : vector<16xf32>
        %add3A_878 = arith.constant 368 : i32
        %add3A_879 = arith.addi %mul3A_132, %add3A_878 : i32
        %get3A_880 = arith.index_cast %add3A_879 : i32 to index
        %get3A_881 = tpu.vector_load %arg9[%get3A_880] {strides = array<i32>} : memref<10000xf32, #tpu.memory_space<vmem>>, vector<16xf32>,
        %add3A_882 = arith.constant 368 : i32
        %add3A_883 = arith.addi %mul3A_132, %add3A_882 : i32
        %get3A_884 = arith.index_cast %add3A_883 : i32 to index
        %get3A_885 = tpu.vector_load %arg11[%get3A_884] {strides = array<i32>} : memref<10000xi32, #tpu.memory_space<vmem>>, vector<16xi32>,
        %neg3A_886 = arith.constant 0.000000e+00 : f32
        %neg3A_887 = vector.broadcast %neg3A_886 : f32 to vector<16xf32>
        %neg3A_888 = arith.subf %neg3A_887, %get3A_881 : vector<16xf32>
        %abs3A_889 = math.absf %get3A_881 : vector<16xf32>
        %mul3A_890 = arith.constant 2.560000e+02 : f32
        %mul3A_891 = vector.broadcast %mul3A_890 : f32 to vector<16xf32>
        %mul3A_892 = arith.mulf %abs3A_889, %mul3A_891 : vector<16xf32>
        %min3A_893 = arith.constant 4.095000e+03 : f32
        %min3A_894 = vector.broadcast %min3A_893 : f32 to vector<16xf32>
        %min3A_895 = arith.minimumf %mul3A_892, %min3A_894 : vector<16xf32>
        %convert_element_type3A_896 = arith.fptosi %min3A_895 : vector<16xf32> to vector<16xi32>
        %gather3A_897 = tpu.vector_load_idx %arg16[%convert_element_type3A_896] : memref<4096xf32, #tpu.memory_space<vmem>>[vector<16xi32>], vector<16xf32>,
        %ne3A_898 = arith.constant 0 : i32
        %ne3A_899 = vector.broadcast %ne3A_898 : i32 to vector<16xi32>
        %ne3A_900 = arith.cmpi ne, %get3A_885, %ne3A_899 : vector<16xi32>
        %select_n3A_901 = arith.select %ne3A_900, %neg3A_888, %get3A_881 : vector<16xi1>, vector<16xf32>
        %max3A_902 = arith.constant 0.000000e+00 : f32
        %max3A_903 = vector.broadcast %max3A_902 : f32 to vector<16xf32>
        %max3A_904 = arith.maximumf %select_n3A_901, %max3A_903 : vector<16xf32>
        %add3A_905 = arith.addf %gather3A_897, %max3A_904 : vector<16xf32>
        %jit3A_906 = arith.constant 0.000000e+00 : f32
        %broadcast_in_dim3A_907 = vector.broadcast %jit3A_906 : f32 to vector<16xf32>
        %select_n3A_908 = arith.select %ne3A_900, %add3A_905, %broadcast_in_dim3A_907 : vector<16xi1>, vector<16xf32>
        %add3A_909 = arith.addf %add3A_905, %select_n3A_908 : vector<16xf32>
        %add3A_910 = arith.constant 384 : i32
        %add3A_911 = arith.addi %mul3A_132, %add3A_910 : i32
        %get3A_912 = arith.index_cast %add3A_911 : i32 to index
        %get3A_913 = tpu.vector_load %arg9[%get3A_912] {strides = array<i32>} : memref<10000xf32, #tpu.memory_space<vmem>>, vector<16xf32>,
        %add3A_914 = arith.constant 384 : i32
        %add3A_915 = arith.addi %mul3A_132, %add3A_914 : i32
        %get3A_916 = arith.index_cast %add3A_915 : i32 to index
        %get3A_917 = tpu.vector_load %arg11[%get3A_916] {strides = array<i32>} : memref<10000xi32, #tpu.memory_space<vmem>>, vector<16xi32>,
        %neg3A_918 = arith.constant 0.000000e+00 : f32
        %neg3A_919 = vector.broadcast %neg3A_918 : f32 to vector<16xf32>
        %neg3A_920 = arith.subf %neg3A_919, %get3A_913 : vector<16xf32>
        %abs3A_921 = math.absf %get3A_913 : vector<16xf32>
        %mul3A_922 = arith.constant 2.560000e+02 : f32
        %mul3A_923 = vector.broadcast %mul3A_922 : f32 to vector<16xf32>
        %mul3A_924 = arith.mulf %abs3A_921, %mul3A_923 : vector<16xf32>
        %min3A_925 = arith.constant 4.095000e+03 : f32
        %min3A_926 = vector.broadcast %min3A_925 : f32 to vector<16xf32>
        %min3A_927 = arith.minimumf %mul3A_924, %min3A_926 : vector<16xf32>
        %convert_element_type3A_928 = arith.fptosi %min3A_927 : vector<16xf32> to vector<16xi32>
        %gather3A_929 = tpu.vector_load_idx %arg16[%convert_element_type3A_928] : memref<4096xf32, #tpu.memory_space<vmem>>[vector<16xi32>], vector<16xf32>,
        %ne3A_930 = arith.constant 0 : i32
        %ne3A_931 = vector.broadcast %ne3A_930 : i32 to vector<16xi32>
        %ne3A_932 = arith.cmpi ne, %get3A_917, %ne3A_931 : vector<16xi32>
        %select_n3A_933 = arith.select %ne3A_932, %neg3A_920, %get3A_913 : vector<16xi1>, vector<16xf32>
        %max3A_934 = arith.constant 0.000000e+00 : f32
        %max3A_935 = vector.broadcast %max3A_934 : f32 to vector<16xf32>
        %max3A_936 = arith.maximumf %select_n3A_933, %max3A_935 : vector<16xf32>
        %add3A_937 = arith.addf %gather3A_929, %max3A_936 : vector<16xf32>
        %jit3A_938 = arith.constant 0.000000e+00 : f32
        %broadcast_in_dim3A_939 = vector.broadcast %jit3A_938 : f32 to vector<16xf32>
        %select_n3A_940 = arith.select %ne3A_932, %add3A_937, %broadcast_in_dim3A_939 : vector<16xi1>, vector<16xf32>
        %add3A_941 = arith.addf %add3A_937, %select_n3A_940 : vector<16xf32>
        %add3A_942 = arith.addf %add3A_173, %add3A_205 : vector<16xf32>
        %add3A_943 = arith.addf %add3A_237, %add3A_269 : vector<16xf32>
        %add3A_944 = arith.addf %add3A_301, %add3A_333 : vector<16xf32>
        %add3A_945 = arith.addf %add3A_365, %add3A_397 : vector<16xf32>
        %add3A_946 = arith.addf %add3A_429, %add3A_461 : vector<16xf32>
        %add3A_947 = arith.addf %add3A_493, %add3A_525 : vector<16xf32>
        %add3A_948 = arith.addf %add3A_557, %add3A_589 : vector<16xf32>
        %add3A_949 = arith.addf %add3A_621, %add3A_653 : vector<16xf32>
        %add3A_950 = arith.addf %add3A_685, %add3A_717 : vector<16xf32>
        %add3A_951 = arith.addf %add3A_749, %add3A_781 : vector<16xf32>
        %add3A_952 = arith.addf %add3A_813, %add3A_845 : vector<16xf32>
        %add3A_953 = arith.addf %add3A_877, %add3A_909 : vector<16xf32>
        %add3A_954 = arith.addf %add3A_942, %add3A_943 : vector<16xf32>
        %add3A_955 = arith.addf %add3A_944, %add3A_945 : vector<16xf32>
        %add3A_956 = arith.addf %add3A_946, %add3A_947 : vector<16xf32>
        %add3A_957 = arith.addf %add3A_948, %add3A_949 : vector<16xf32>
        %add3A_958 = arith.addf %add3A_950, %add3A_951 : vector<16xf32>
        %add3A_959 = arith.addf %add3A_952, %add3A_953 : vector<16xf32>
        %add3A_960 = arith.addf %add3A_954, %add3A_955 : vector<16xf32>
        %add3A_961 = arith.addf %add3A_956, %add3A_957 : vector<16xf32>
        %add3A_962 = arith.addf %add3A_958, %add3A_959 : vector<16xf32>
        %add3A_963 = arith.addf %add3A_960, %add3A_961 : vector<16xf32>
        %add3A_964 = arith.addf %add3A_962, %add3A_941 : vector<16xf32>
        %add3A_965 = arith.addf %add3A_963, %add3A_964 : vector<16xf32>
        %eq3A_966 = arith.cmpi eq, %scan3A_129, %scan3A_126 : i32
        %eq3A_967 = arith.cmpi eq, %scan3A_130, %scan3A_126 : i32
        %and3A = arith.andi %eq3A_966, %eq3A_967 : i1
        %convert_element_type3A_968 = arith.extui %and3A : i1 to i32
        %cond3A = arith.constant 0 : i32
        %cond3A_969 = arith.cmpi ne, %convert_element_type3A_968, %cond3A : i32
        %cond3A_970:3 = scf.if %cond3A_969 -> (i32, i32, vector<16xf32>) {
          %add3A_971 = arith.constant 400 : i32
          %add3A_972 = arith.addi %scan3A_127, %add3A_971 : i32
          %add3A_973 = arith.addf %scan3A_128, %add3A_965 : vector<16xf32>
          scf.yield %scan3A_126, %add3A_972, %add3A_973 : i32, i32, vector<16xf32>
        } else {
          %mul3A_971 = arith.constant 5 : i32
          %mul3A_972 = arith.muli %scan3A_125, %mul3A_971 : i32
          %add3A_973 = arith.constant 1 : i32
          %add3A_974 = arith.addi %scan3A_125, %add3A_973 : i32
          %mul3A_975 = arith.constant 5 : i32
          %mul3A_976 = arith.muli %add3A_974, %mul3A_975 : i32
          %while3A = arith.subi %mul3A_976, %mul3A_972 : i32
          %while3A_977 = arith.addi %mul3A_972, %while3A : i32
          %while3A_978 = arith.constant 1 : i32
          %while3A_979 = arith.divsi %while3A, %while3A_978 : i32
          %while3A_980 = arith.muli %while3A_979, %while3A_978 : i32
          %while3A_981 = arith.addi %mul3A_972, %while3A_980 : i32
          %while3A_982 = arith.constant 1 : i32
          %while3A_983:3 = scf.for %while3A_986 = %mul3A_972 to %while3A_981 step %while3A_982 iter_args(%while3A_987 = %scan3A_126, %while3A_988 = %scan3A_127, %while3A_989 = %scan3A_128) -> (i32, i32, vector<16xf32>)  : i32 {
            %mul3A_990 = arith.constant 80 : i32
            %mul3A_991 = arith.muli %while3A_986, %mul3A_990 : i32
            %get3A_992 = arith.index_cast %mul3A_991 : i32 to index
            %get3A_993 = tpu.vector_load %arg13[%get3A_992] {strides = array<i32>} : memref<10000xi32, #tpu.memory_space<vmem>>, vector<16xi32>,
            %slice3A_994 = vector.extract_strided_slice %get3A_993 {offsets = [0], sizes = [1], strides = [1]} : vector<16xi32> to vector<1xi32>
            %squeeze3A_995 = vector.extract %slice3A_994[0] : i32 from vector<1xi32>
            %add3A_996 = arith.constant 64 : i32
            %add3A_997 = arith.addi %mul3A_991, %add3A_996 : i32
            %get3A_998 = arith.index_cast %add3A_997 : i32 to index
            %get3A_999 = tpu.vector_load %arg13[%get3A_998] {strides = array<i32>} : memref<10000xi32, #tpu.memory_space<vmem>>, vector<16xi32>,
            %slice3A_1000 = vector.extract_strided_slice %get3A_999 {offsets = [15], sizes = [1], strides = [1]} : vector<16xi32> to vector<1xi32>
            %squeeze3A_1001 = vector.extract %slice3A_1000[0] : i32 from vector<1xi32>
            %add3A_1002 = arith.constant 0 : i32
            %add3A_1003 = arith.addi %mul3A_991, %add3A_1002 : i32
            %get3A_1004 = arith.index_cast %add3A_1003 : i32 to index
            %get3A_1005 = tpu.vector_load %arg9[%get3A_1004] {strides = array<i32>} : memref<10000xf32, #tpu.memory_space<vmem>>, vector<16xf32>,
            %add3A_1006 = arith.constant 0 : i32
            %add3A_1007 = arith.addi %mul3A_991, %add3A_1006 : i32
            %get3A_1008 = arith.index_cast %add3A_1007 : i32 to index
            %get3A_1009 = tpu.vector_load %arg11[%get3A_1008] {strides = array<i32>} : memref<10000xi32, #tpu.memory_space<vmem>>, vector<16xi32>,
            %neg3A_1010 = arith.constant 0.000000e+00 : f32
            %neg3A_1011 = vector.broadcast %neg3A_1010 : f32 to vector<16xf32>
            %neg3A_1012 = arith.subf %neg3A_1011, %get3A_1005 : vector<16xf32>
            %abs3A_1013 = math.absf %get3A_1005 : vector<16xf32>
            %mul3A_1014 = arith.constant 2.560000e+02 : f32
            %mul3A_1015 = vector.broadcast %mul3A_1014 : f32 to vector<16xf32>
            %mul3A_1016 = arith.mulf %abs3A_1013, %mul3A_1015 : vector<16xf32>
            %min3A_1017 = arith.constant 4.095000e+03 : f32
            %min3A_1018 = vector.broadcast %min3A_1017 : f32 to vector<16xf32>
            %min3A_1019 = arith.minimumf %mul3A_1016, %min3A_1018 : vector<16xf32>
            %convert_element_type3A_1020 = arith.fptosi %min3A_1019 : vector<16xf32> to vector<16xi32>
            %gather3A_1021 = tpu.vector_load_idx %arg16[%convert_element_type3A_1020] : memref<4096xf32, #tpu.memory_space<vmem>>[vector<16xi32>], vector<16xf32>,
            %ne3A_1022 = arith.constant 0 : i32
            %ne3A_1023 = vector.broadcast %ne3A_1022 : i32 to vector<16xi32>
            %ne3A_1024 = arith.cmpi ne, %get3A_1009, %ne3A_1023 : vector<16xi32>
            %select_n3A_1025 = arith.select %ne3A_1024, %neg3A_1012, %get3A_1005 : vector<16xi1>, vector<16xf32>
            %max3A_1026 = arith.constant 0.000000e+00 : f32
            %max3A_1027 = vector.broadcast %max3A_1026 : f32 to vector<16xf32>
            %max3A_1028 = arith.maximumf %select_n3A_1025, %max3A_1027 : vector<16xf32>
            %add3A_1029 = arith.addf %gather3A_1021, %max3A_1028 : vector<16xf32>
            %jit3A_1030 = arith.constant 0.000000e+00 : f32
            %broadcast_in_dim3A_1031 = vector.broadcast %jit3A_1030 : f32 to vector<16xf32>
            %select_n3A_1032 = arith.select %ne3A_1024, %add3A_1029, %broadcast_in_dim3A_1031 : vector<16xi1>, vector<16xf32>
            %add3A_1033 = arith.addf %add3A_1029, %select_n3A_1032 : vector<16xf32>
            %add3A_1034 = arith.constant 16 : i32
            %add3A_1035 = arith.addi %mul3A_991, %add3A_1034 : i32
            %get3A_1036 = arith.index_cast %add3A_1035 : i32 to index
            %get3A_1037 = tpu.vector_load %arg9[%get3A_1036] {strides = array<i32>} : memref<10000xf32, #tpu.memory_space<vmem>>, vector<16xf32>,
            %add3A_1038 = arith.constant 16 : i32
            %add3A_1039 = arith.addi %mul3A_991, %add3A_1038 : i32
            %get3A_1040 = arith.index_cast %add3A_1039 : i32 to index
            %get3A_1041 = tpu.vector_load %arg11[%get3A_1040] {strides = array<i32>} : memref<10000xi32, #tpu.memory_space<vmem>>, vector<16xi32>,
            %neg3A_1042 = arith.constant 0.000000e+00 : f32
            %neg3A_1043 = vector.broadcast %neg3A_1042 : f32 to vector<16xf32>
            %neg3A_1044 = arith.subf %neg3A_1043, %get3A_1037 : vector<16xf32>
            %abs3A_1045 = math.absf %get3A_1037 : vector<16xf32>
            %mul3A_1046 = arith.constant 2.560000e+02 : f32
            %mul3A_1047 = vector.broadcast %mul3A_1046 : f32 to vector<16xf32>
            %mul3A_1048 = arith.mulf %abs3A_1045, %mul3A_1047 : vector<16xf32>
            %min3A_1049 = arith.constant 4.095000e+03 : f32
            %min3A_1050 = vector.broadcast %min3A_1049 : f32 to vector<16xf32>
            %min3A_1051 = arith.minimumf %mul3A_1048, %min3A_1050 : vector<16xf32>
            %convert_element_type3A_1052 = arith.fptosi %min3A_1051 : vector<16xf32> to vector<16xi32>
            %gather3A_1053 = tpu.vector_load_idx %arg16[%convert_element_type3A_1052] : memref<4096xf32, #tpu.memory_space<vmem>>[vector<16xi32>], vector<16xf32>,
            %ne3A_1054 = arith.constant 0 : i32
            %ne3A_1055 = vector.broadcast %ne3A_1054 : i32 to vector<16xi32>
            %ne3A_1056 = arith.cmpi ne, %get3A_1041, %ne3A_1055 : vector<16xi32>
            %select_n3A_1057 = arith.select %ne3A_1056, %neg3A_1044, %get3A_1037 : vector<16xi1>, vector<16xf32>
            %max3A_1058 = arith.constant 0.000000e+00 : f32
            %max3A_1059 = vector.broadcast %max3A_1058 : f32 to vector<16xf32>
            %max3A_1060 = arith.maximumf %select_n3A_1057, %max3A_1059 : vector<16xf32>
            %add3A_1061 = arith.addf %gather3A_1053, %max3A_1060 : vector<16xf32>
            %jit3A_1062 = arith.constant 0.000000e+00 : f32
            %broadcast_in_dim3A_1063 = vector.broadcast %jit3A_1062 : f32 to vector<16xf32>
            %select_n3A_1064 = arith.select %ne3A_1056, %add3A_1061, %broadcast_in_dim3A_1063 : vector<16xi1>, vector<16xf32>
            %add3A_1065 = arith.addf %add3A_1061, %select_n3A_1064 : vector<16xf32>
            %add3A_1066 = arith.constant 32 : i32
            %add3A_1067 = arith.addi %mul3A_991, %add3A_1066 : i32
            %get3A_1068 = arith.index_cast %add3A_1067 : i32 to index
            %get3A_1069 = tpu.vector_load %arg9[%get3A_1068] {strides = array<i32>} : memref<10000xf32, #tpu.memory_space<vmem>>, vector<16xf32>,
            %add3A_1070 = arith.constant 32 : i32
            %add3A_1071 = arith.addi %mul3A_991, %add3A_1070 : i32
            %get3A_1072 = arith.index_cast %add3A_1071 : i32 to index
            %get3A_1073 = tpu.vector_load %arg11[%get3A_1072] {strides = array<i32>} : memref<10000xi32, #tpu.memory_space<vmem>>, vector<16xi32>,
            %neg3A_1074 = arith.constant 0.000000e+00 : f32
            %neg3A_1075 = vector.broadcast %neg3A_1074 : f32 to vector<16xf32>
            %neg3A_1076 = arith.subf %neg3A_1075, %get3A_1069 : vector<16xf32>
            %abs3A_1077 = math.absf %get3A_1069 : vector<16xf32>
            %mul3A_1078 = arith.constant 2.560000e+02 : f32
            %mul3A_1079 = vector.broadcast %mul3A_1078 : f32 to vector<16xf32>
            %mul3A_1080 = arith.mulf %abs3A_1077, %mul3A_1079 : vector<16xf32>
            %min3A_1081 = arith.constant 4.095000e+03 : f32
            %min3A_1082 = vector.broadcast %min3A_1081 : f32 to vector<16xf32>
            %min3A_1083 = arith.minimumf %mul3A_1080, %min3A_1082 : vector<16xf32>
            %convert_element_type3A_1084 = arith.fptosi %min3A_1083 : vector<16xf32> to vector<16xi32>
            %gather3A_1085 = tpu.vector_load_idx %arg16[%convert_element_type3A_1084] : memref<4096xf32, #tpu.memory_space<vmem>>[vector<16xi32>], vector<16xf32>,
            %ne3A_1086 = arith.constant 0 : i32
            %ne3A_1087 = vector.broadcast %ne3A_1086 : i32 to vector<16xi32>
            %ne3A_1088 = arith.cmpi ne, %get3A_1073, %ne3A_1087 : vector<16xi32>
            %select_n3A_1089 = arith.select %ne3A_1088, %neg3A_1076, %get3A_1069 : vector<16xi1>, vector<16xf32>
            %max3A_1090 = arith.constant 0.000000e+00 : f32
            %max3A_1091 = vector.broadcast %max3A_1090 : f32 to vector<16xf32>
            %max3A_1092 = arith.maximumf %select_n3A_1089, %max3A_1091 : vector<16xf32>
            %add3A_1093 = arith.addf %gather3A_1085, %max3A_1092 : vector<16xf32>
            %jit3A_1094 = arith.constant 0.000000e+00 : f32
            %broadcast_in_dim3A_1095 = vector.broadcast %jit3A_1094 : f32 to vector<16xf32>
            %select_n3A_1096 = arith.select %ne3A_1088, %add3A_1093, %broadcast_in_dim3A_1095 : vector<16xi1>, vector<16xf32>
            %add3A_1097 = arith.addf %add3A_1093, %select_n3A_1096 : vector<16xf32>
            %add3A_1098 = arith.constant 48 : i32
            %add3A_1099 = arith.addi %mul3A_991, %add3A_1098 : i32
            %get3A_1100 = arith.index_cast %add3A_1099 : i32 to index
            %get3A_1101 = tpu.vector_load %arg9[%get3A_1100] {strides = array<i32>} : memref<10000xf32, #tpu.memory_space<vmem>>, vector<16xf32>,
            %add3A_1102 = arith.constant 48 : i32
            %add3A_1103 = arith.addi %mul3A_991, %add3A_1102 : i32
            %get3A_1104 = arith.index_cast %add3A_1103 : i32 to index
            %get3A_1105 = tpu.vector_load %arg11[%get3A_1104] {strides = array<i32>} : memref<10000xi32, #tpu.memory_space<vmem>>, vector<16xi32>,
            %neg3A_1106 = arith.constant 0.000000e+00 : f32
            %neg3A_1107 = vector.broadcast %neg3A_1106 : f32 to vector<16xf32>
            %neg3A_1108 = arith.subf %neg3A_1107, %get3A_1101 : vector<16xf32>
            %abs3A_1109 = math.absf %get3A_1101 : vector<16xf32>
            %mul3A_1110 = arith.constant 2.560000e+02 : f32
            %mul3A_1111 = vector.broadcast %mul3A_1110 : f32 to vector<16xf32>
            %mul3A_1112 = arith.mulf %abs3A_1109, %mul3A_1111 : vector<16xf32>
            %min3A_1113 = arith.constant 4.095000e+03 : f32
            %min3A_1114 = vector.broadcast %min3A_1113 : f32 to vector<16xf32>
            %min3A_1115 = arith.minimumf %mul3A_1112, %min3A_1114 : vector<16xf32>
            %convert_element_type3A_1116 = arith.fptosi %min3A_1115 : vector<16xf32> to vector<16xi32>
            %gather3A_1117 = tpu.vector_load_idx %arg16[%convert_element_type3A_1116] : memref<4096xf32, #tpu.memory_space<vmem>>[vector<16xi32>], vector<16xf32>,
            %ne3A_1118 = arith.constant 0 : i32
            %ne3A_1119 = vector.broadcast %ne3A_1118 : i32 to vector<16xi32>
            %ne3A_1120 = arith.cmpi ne, %get3A_1105, %ne3A_1119 : vector<16xi32>
            %select_n3A_1121 = arith.select %ne3A_1120, %neg3A_1108, %get3A_1101 : vector<16xi1>, vector<16xf32>
            %max3A_1122 = arith.constant 0.000000e+00 : f32
            %max3A_1123 = vector.broadcast %max3A_1122 : f32 to vector<16xf32>
            %max3A_1124 = arith.maximumf %select_n3A_1121, %max3A_1123 : vector<16xf32>
            %add3A_1125 = arith.addf %gather3A_1117, %max3A_1124 : vector<16xf32>
            %jit3A_1126 = arith.constant 0.000000e+00 : f32
            %broadcast_in_dim3A_1127 = vector.broadcast %jit3A_1126 : f32 to vector<16xf32>
            %select_n3A_1128 = arith.select %ne3A_1120, %add3A_1125, %broadcast_in_dim3A_1127 : vector<16xi1>, vector<16xf32>
            %add3A_1129 = arith.addf %add3A_1125, %select_n3A_1128 : vector<16xf32>
            %add3A_1130 = arith.constant 64 : i32
            %add3A_1131 = arith.addi %mul3A_991, %add3A_1130 : i32
            %get3A_1132 = arith.index_cast %add3A_1131 : i32 to index
            %get3A_1133 = tpu.vector_load %arg9[%get3A_1132] {strides = array<i32>} : memref<10000xf32, #tpu.memory_space<vmem>>, vector<16xf32>,
            %add3A_1134 = arith.constant 64 : i32
            %add3A_1135 = arith.addi %mul3A_991, %add3A_1134 : i32
            %get3A_1136 = arith.index_cast %add3A_1135 : i32 to index
            %get3A_1137 = tpu.vector_load %arg11[%get3A_1136] {strides = array<i32>} : memref<10000xi32, #tpu.memory_space<vmem>>, vector<16xi32>,
            %neg3A_1138 = arith.constant 0.000000e+00 : f32
            %neg3A_1139 = vector.broadcast %neg3A_1138 : f32 to vector<16xf32>
            %neg3A_1140 = arith.subf %neg3A_1139, %get3A_1133 : vector<16xf32>
            %abs3A_1141 = math.absf %get3A_1133 : vector<16xf32>
            %mul3A_1142 = arith.constant 2.560000e+02 : f32
            %mul3A_1143 = vector.broadcast %mul3A_1142 : f32 to vector<16xf32>
            %mul3A_1144 = arith.mulf %abs3A_1141, %mul3A_1143 : vector<16xf32>
            %min3A_1145 = arith.constant 4.095000e+03 : f32
            %min3A_1146 = vector.broadcast %min3A_1145 : f32 to vector<16xf32>
            %min3A_1147 = arith.minimumf %mul3A_1144, %min3A_1146 : vector<16xf32>
            %convert_element_type3A_1148 = arith.fptosi %min3A_1147 : vector<16xf32> to vector<16xi32>
            %gather3A_1149 = tpu.vector_load_idx %arg16[%convert_element_type3A_1148] : memref<4096xf32, #tpu.memory_space<vmem>>[vector<16xi32>], vector<16xf32>,
            %ne3A_1150 = arith.constant 0 : i32
            %ne3A_1151 = vector.broadcast %ne3A_1150 : i32 to vector<16xi32>
            %ne3A_1152 = arith.cmpi ne, %get3A_1137, %ne3A_1151 : vector<16xi32>
            %select_n3A_1153 = arith.select %ne3A_1152, %neg3A_1140, %get3A_1133 : vector<16xi1>, vector<16xf32>
            %max3A_1154 = arith.constant 0.000000e+00 : f32
            %max3A_1155 = vector.broadcast %max3A_1154 : f32 to vector<16xf32>
            %max3A_1156 = arith.maximumf %select_n3A_1153, %max3A_1155 : vector<16xf32>
            %add3A_1157 = arith.addf %gather3A_1149, %max3A_1156 : vector<16xf32>
            %jit3A_1158 = arith.constant 0.000000e+00 : f32
            %broadcast_in_dim3A_1159 = vector.broadcast %jit3A_1158 : f32 to vector<16xf32>
            %select_n3A_1160 = arith.select %ne3A_1152, %add3A_1157, %broadcast_in_dim3A_1159 : vector<16xi1>, vector<16xf32>
            %add3A_1161 = arith.addf %add3A_1157, %select_n3A_1160 : vector<16xf32>
            %add3A_1162 = arith.addf %add3A_1033, %add3A_1065 : vector<16xf32>
            %add3A_1163 = arith.addf %add3A_1097, %add3A_1129 : vector<16xf32>
            %add3A_1164 = arith.addf %add3A_1162, %add3A_1163 : vector<16xf32>
            %add3A_1165 = arith.addf %add3A_1164, %add3A_1161 : vector<16xf32>
            %eq3A_1166 = arith.cmpi eq, %squeeze3A_995, %while3A_987 : i32
            %eq3A_1167 = arith.cmpi eq, %squeeze3A_1001, %while3A_987 : i32
            %and3A_1168 = arith.andi %eq3A_1166, %eq3A_1167 : i1
            %convert_element_type3A_1169 = arith.extui %and3A_1168 : i1 to i32
            %cond3A_1170 = arith.constant 0 : i32
            %cond3A_1171 = arith.cmpi ne, %convert_element_type3A_1169, %cond3A_1170 : i32
            %cond3A_1172:3 = scf.if %cond3A_1171 -> (i32, i32, vector<16xf32>) {
              %add3A_1173 = arith.constant 80 : i32
              %add3A_1174 = arith.addi %while3A_988, %add3A_1173 : i32
              %add3A_1175 = arith.addf %while3A_989, %add3A_1165 : vector<16xf32>
              scf.yield %while3A_987, %add3A_1174, %add3A_1175 : i32, i32, vector<16xf32>
            } else {
              %mul3A_1173 = arith.constant 5 : i32
              %mul3A_1174 = arith.muli %while3A_986, %mul3A_1173 : i32
              %add3A_1175 = arith.constant 1 : i32
              %add3A_1176 = arith.addi %while3A_986, %add3A_1175 : i32
              %mul3A_1177 = arith.constant 5 : i32
              %mul3A_1178 = arith.muli %add3A_1176, %mul3A_1177 : i32
              %while3A_1179 = arith.subi %mul3A_1178, %mul3A_1174 : i32
              %while3A_1180 = arith.addi %mul3A_1174, %while3A_1179 : i32
              %while3A_1181 = arith.constant 1 : i32
              %while3A_1182 = arith.divsi %while3A_1179, %while3A_1181 : i32
              %while3A_1183 = arith.muli %while3A_1182, %while3A_1181 : i32
              %while3A_1184 = arith.addi %mul3A_1174, %while3A_1183 : i32
              %while3A_1185 = arith.constant 1 : i32
              %while3A_1186:3 = scf.for %while3A_1189 = %mul3A_1174 to %while3A_1184 step %while3A_1185 iter_args(%while3A_1190 = %while3A_987, %while3A_1191 = %while3A_988, %while3A_1192 = %while3A_989) -> (i32, i32, vector<16xf32>)  : i32 {
                %mul3A_1193 = arith.constant 16 : i32
                %mul3A_1194 = arith.muli %while3A_1189, %mul3A_1193 : i32
                %get3A_1195 = arith.index_cast %mul3A_1194 : i32 to index
                %get3A_1196 = tpu.vector_load %arg13[%get3A_1195] {strides = array<i32>} : memref<10000xi32, #tpu.memory_space<vmem>>, vector<16xi32>,
                %get3A_1197 = arith.index_cast %mul3A_1194 : i32 to index
                %get3A_1198 = tpu.vector_load %arg9[%get3A_1197] {strides = array<i32>} : memref<10000xf32, #tpu.memory_space<vmem>>, vector<16xf32>,
                %get3A_1199 = arith.index_cast %mul3A_1194 : i32 to index
                %get3A_1200 = tpu.vector_load %arg11[%get3A_1199] {strides = array<i32>} : memref<10000xi32, #tpu.memory_space<vmem>>, vector<16xi32>,
                %neg3A_1201 = arith.constant 0.000000e+00 : f32
                %neg3A_1202 = vector.broadcast %neg3A_1201 : f32 to vector<16xf32>
                %neg3A_1203 = arith.subf %neg3A_1202, %get3A_1198 : vector<16xf32>
                %abs3A_1204 = math.absf %get3A_1198 : vector<16xf32>
                %mul3A_1205 = arith.constant 2.560000e+02 : f32
                %mul3A_1206 = vector.broadcast %mul3A_1205 : f32 to vector<16xf32>
                %mul3A_1207 = arith.mulf %abs3A_1204, %mul3A_1206 : vector<16xf32>
                %min3A_1208 = arith.constant 4.095000e+03 : f32
                %min3A_1209 = vector.broadcast %min3A_1208 : f32 to vector<16xf32>
                %min3A_1210 = arith.minimumf %mul3A_1207, %min3A_1209 : vector<16xf32>
                %convert_element_type3A_1211 = arith.fptosi %min3A_1210 : vector<16xf32> to vector<16xi32>
                %gather3A_1212 = tpu.vector_load_idx %arg16[%convert_element_type3A_1211] : memref<4096xf32, #tpu.memory_space<vmem>>[vector<16xi32>], vector<16xf32>,
                %ne3A_1213 = arith.constant 0 : i32
                %ne3A_1214 = vector.broadcast %ne3A_1213 : i32 to vector<16xi32>
                %ne3A_1215 = arith.cmpi ne, %get3A_1200, %ne3A_1214 : vector<16xi32>
                %select_n3A_1216 = arith.select %ne3A_1215, %neg3A_1203, %get3A_1198 : vector<16xi1>, vector<16xf32>
                %max3A_1217 = arith.constant 0.000000e+00 : f32
                %max3A_1218 = vector.broadcast %max3A_1217 : f32 to vector<16xf32>
                %max3A_1219 = arith.maximumf %select_n3A_1216, %max3A_1218 : vector<16xf32>
                %add3A_1220 = arith.addf %gather3A_1212, %max3A_1219 : vector<16xf32>
                %jit3A_1221 = arith.constant 0.000000e+00 : f32
                %broadcast_in_dim3A_1222 = vector.broadcast %jit3A_1221 : f32 to vector<16xf32>
                %select_n3A_1223 = arith.select %ne3A_1215, %add3A_1220, %broadcast_in_dim3A_1222 : vector<16xi1>, vector<16xf32>
                %add3A_1224 = arith.addf %add3A_1220, %select_n3A_1223 : vector<16xf32>
                %slice3A_1225 = vector.extract_strided_slice %get3A_1196 {offsets = [0], sizes = [1], strides = [1]} : vector<16xi32> to vector<1xi32>
                %squeeze3A_1226 = vector.extract %slice3A_1225[0] : i32 from vector<1xi32>
                %slice3A_1227 = vector.extract_strided_slice %get3A_1196 {offsets = [15], sizes = [1], strides = [1]} : vector<16xi32> to vector<1xi32>
                %squeeze3A_1228 = vector.extract %slice3A_1227[0] : i32 from vector<1xi32>
                %eq3A_1229 = arith.cmpi eq, %squeeze3A_1226, %while3A_1190 : i32
                %eq3A_1230 = arith.cmpi eq, %squeeze3A_1228, %while3A_1190 : i32
                %and3A_1231 = arith.andi %eq3A_1229, %eq3A_1230 : i1
                %not3A = arith.constant true
                %not3A_1232 = arith.xori %and3A_1231, %not3A : i1
                %convert_element_type3A_1233 = arith.extui %not3A_1232 : i1 to i32
                %cond3A_1234 = arith.constant 0 : i32
                %cond3A_1235 = arith.cmpi ne, %convert_element_type3A_1233, %cond3A_1234 : i32
                scf.if %cond3A_1235 {
                  %broadcast_in_dim3A_1243 = vector.broadcast %while3A_1190 : i32 to vector<16xi32>
                  %scan3A_1244 = arith.constant 0 : i32
                  %scan3A_1245 = arith.constant 0 : i32
                  %scan3A_1246 = arith.constant 16 : i32
                  %scan3A_1247 = arith.addi %scan3A_1245, %scan3A_1246 : i32
                  %scan3A_1248 = arith.constant 1 : i32
                  %scan3A_1249 = scf.for %scan3A_1260 = %scan3A_1245 to %scan3A_1247 step %scan3A_1248 iter_args(%scan3A_1261 = %scan3A_1244) -> (i32)  : i32 {
                    %eq3A_1262 = vector.broadcast %scan3A_1260 : i32 to vector<16xi32>
                    %eq3A_1263 = arith.cmpi eq, %iota3A, %eq3A_1262 : vector<16xi32>
                    tpu.vector_store_idx %arg14[%broadcast_in_dim3A_1243], %while3A_1192 masked %eq3A_1263 {add = true} : memref<1024xf32, #tpu.memory_space<vmem>>[vector<16xi32>], vector<16xf32>, vector<16xi1>
                    %scan3A_1264 = arith.constant 0 : i32
                    scf.yield %scan3A_1264 : i32
                  }
                  %scan3A_1250 = arith.constant 16 : i32
                  %convert_element_type3A_1251 = arith.sitofp %while3A_1191 : i32 to f32
                  %broadcast_in_dim3A_1252 = vector.broadcast %convert_element_type3A_1251 : f32 to vector<16xf32>
                  tpu.vector_store_idx %arg15[%broadcast_in_dim3A_1243], %broadcast_in_dim3A_1252 masked %eq3A_4 {add = true} : memref<1024xf32, #tpu.memory_space<vmem>>[vector<16xi32>], vector<16xf32>, vector<16xi1>
                  %scan3A_1253 = arith.constant 0 : i32
                  %scan3A_1254 = arith.constant 0 : i32
                  %scan3A_1255 = arith.constant 16 : i32
                  %scan3A_1256 = arith.addi %scan3A_1254, %scan3A_1255 : i32
                  %scan3A_1257 = arith.constant 1 : i32
                  %scan3A_1258 = scf.for %scan3A_1260 = %scan3A_1254 to %scan3A_1256 step %scan3A_1257 iter_args(%scan3A_1261 = %scan3A_1253) -> (i32)  : i32 {
                    %eq3A_1262 = vector.broadcast %scan3A_1260 : i32 to vector<16xi32>
                    %eq3A_1263 = arith.cmpi eq, %iota3A, %eq3A_1262 : vector<16xi32>
                    tpu.vector_store_idx %arg14[%get3A_1196], %add3A_1224 masked %eq3A_1263 {add = true} : memref<1024xf32, #tpu.memory_space<vmem>>[vector<16xi32>], vector<16xf32>, vector<16xi1>
                    tpu.vector_store_idx %arg15[%get3A_1196], %broadcast_in_dim3A_7 masked %eq3A_1263 {add = true} : memref<1024xf32, #tpu.memory_space<vmem>>[vector<16xi32>], vector<16xf32>, vector<16xi1>
                    %scan3A_1264 = arith.constant 0 : i32
                    scf.yield %scan3A_1264 : i32
                  }
                  %scan3A_1259 = arith.constant 16 : i32
                } else {
                }
                %select_n3A_1236 = arith.select %and3A_1231, %while3A_1190, %squeeze3A_1228 : i32
                %add3A_1237 = arith.constant 16 : i32
                %add3A_1238 = arith.addi %while3A_1191, %add3A_1237 : i32
                %jit3A_1239 = arith.constant 0 : i32
                %select_n3A_1240 = arith.select %and3A_1231, %add3A_1238, %jit3A_1239 : i32
                %add3A_1241 = arith.addf %while3A_1192, %add3A_1224 : vector<16xf32>
                %select_n3A_1242 = arith.select %and3A_1231, %add3A_1241, %broadcast_in_dim3A_5 : vector<16xf32>
                scf.yield %select_n3A_1236, %select_n3A_1240, %select_n3A_1242 : i32, i32, vector<16xf32>
              }
              %while3A_1187 = arith.constant 1 : i32
              %while3A_1188:3 = scf.for %while3A_1189 = %while3A_1184 to %while3A_1180 step %while3A_1187 iter_args(%while3A_1190 = %while3A_1186#0, %while3A_1191 = %while3A_1186#1, %while3A_1192 = %while3A_1186#2) -> (i32, i32, vector<16xf32>)  : i32 {
                %mul3A_1193 = arith.constant 16 : i32
                %mul3A_1194 = arith.muli %while3A_1189, %mul3A_1193 : i32
                %get3A_1195 = arith.index_cast %mul3A_1194 : i32 to index
                %get3A_1196 = tpu.vector_load %arg13[%get3A_1195] {strides = array<i32>} : memref<10000xi32, #tpu.memory_space<vmem>>, vector<16xi32>,
                %get3A_1197 = arith.index_cast %mul3A_1194 : i32 to index
                %get3A_1198 = tpu.vector_load %arg9[%get3A_1197] {strides = array<i32>} : memref<10000xf32, #tpu.memory_space<vmem>>, vector<16xf32>,
                %get3A_1199 = arith.index_cast %mul3A_1194 : i32 to index
                %get3A_1200 = tpu.vector_load %arg11[%get3A_1199] {strides = array<i32>} : memref<10000xi32, #tpu.memory_space<vmem>>, vector<16xi32>,
                %neg3A_1201 = arith.constant 0.000000e+00 : f32
                %neg3A_1202 = vector.broadcast %neg3A_1201 : f32 to vector<16xf32>
                %neg3A_1203 = arith.subf %neg3A_1202, %get3A_1198 : vector<16xf32>
                %abs3A_1204 = math.absf %get3A_1198 : vector<16xf32>
                %mul3A_1205 = arith.constant 2.560000e+02 : f32
                %mul3A_1206 = vector.broadcast %mul3A_1205 : f32 to vector<16xf32>
                %mul3A_1207 = arith.mulf %abs3A_1204, %mul3A_1206 : vector<16xf32>
                %min3A_1208 = arith.constant 4.095000e+03 : f32
                %min3A_1209 = vector.broadcast %min3A_1208 : f32 to vector<16xf32>
                %min3A_1210 = arith.minimumf %mul3A_1207, %min3A_1209 : vector<16xf32>
                %convert_element_type3A_1211 = arith.fptosi %min3A_1210 : vector<16xf32> to vector<16xi32>
                %gather3A_1212 = tpu.vector_load_idx %arg16[%convert_element_type3A_1211] : memref<4096xf32, #tpu.memory_space<vmem>>[vector<16xi32>], vector<16xf32>,
                %ne3A_1213 = arith.constant 0 : i32
                %ne3A_1214 = vector.broadcast %ne3A_1213 : i32 to vector<16xi32>
                %ne3A_1215 = arith.cmpi ne, %get3A_1200, %ne3A_1214 : vector<16xi32>
                %select_n3A_1216 = arith.select %ne3A_1215, %neg3A_1203, %get3A_1198 : vector<16xi1>, vector<16xf32>
                %max3A_1217 = arith.constant 0.000000e+00 : f32
                %max3A_1218 = vector.broadcast %max3A_1217 : f32 to vector<16xf32>
                %max3A_1219 = arith.maximumf %select_n3A_1216, %max3A_1218 : vector<16xf32>
                %add3A_1220 = arith.addf %gather3A_1212, %max3A_1219 : vector<16xf32>
                %jit3A_1221 = arith.constant 0.000000e+00 : f32
                %broadcast_in_dim3A_1222 = vector.broadcast %jit3A_1221 : f32 to vector<16xf32>
                %select_n3A_1223 = arith.select %ne3A_1215, %add3A_1220, %broadcast_in_dim3A_1222 : vector<16xi1>, vector<16xf32>
                %add3A_1224 = arith.addf %add3A_1220, %select_n3A_1223 : vector<16xf32>
                %slice3A_1225 = vector.extract_strided_slice %get3A_1196 {offsets = [0], sizes = [1], strides = [1]} : vector<16xi32> to vector<1xi32>
                %squeeze3A_1226 = vector.extract %slice3A_1225[0] : i32 from vector<1xi32>
                %slice3A_1227 = vector.extract_strided_slice %get3A_1196 {offsets = [15], sizes = [1], strides = [1]} : vector<16xi32> to vector<1xi32>
                %squeeze3A_1228 = vector.extract %slice3A_1227[0] : i32 from vector<1xi32>
                %eq3A_1229 = arith.cmpi eq, %squeeze3A_1226, %while3A_1190 : i32
                %eq3A_1230 = arith.cmpi eq, %squeeze3A_1228, %while3A_1190 : i32
                %and3A_1231 = arith.andi %eq3A_1229, %eq3A_1230 : i1
                %not3A = arith.constant true
                %not3A_1232 = arith.xori %and3A_1231, %not3A : i1
                %convert_element_type3A_1233 = arith.extui %not3A_1232 : i1 to i32
                %cond3A_1234 = arith.constant 0 : i32
                %cond3A_1235 = arith.cmpi ne, %convert_element_type3A_1233, %cond3A_1234 : i32
                scf.if %cond3A_1235 {
                  %broadcast_in_dim3A_1243 = vector.broadcast %while3A_1190 : i32 to vector<16xi32>
                  %scan3A_1244 = arith.constant 0 : i32
                  %scan3A_1245 = arith.constant 0 : i32
                  %scan3A_1246 = arith.constant 16 : i32
                  %scan3A_1247 = arith.addi %scan3A_1245, %scan3A_1246 : i32
                  %scan3A_1248 = arith.constant 1 : i32
                  %scan3A_1249 = scf.for %scan3A_1260 = %scan3A_1245 to %scan3A_1247 step %scan3A_1248 iter_args(%scan3A_1261 = %scan3A_1244) -> (i32)  : i32 {
                    %eq3A_1262 = vector.broadcast %scan3A_1260 : i32 to vector<16xi32>
                    %eq3A_1263 = arith.cmpi eq, %iota3A, %eq3A_1262 : vector<16xi32>
                    tpu.vector_store_idx %arg14[%broadcast_in_dim3A_1243], %while3A_1192 masked %eq3A_1263 {add = true} : memref<1024xf32, #tpu.memory_space<vmem>>[vector<16xi32>], vector<16xf32>, vector<16xi1>
                    %scan3A_1264 = arith.constant 0 : i32
                    scf.yield %scan3A_1264 : i32
                  }
                  %scan3A_1250 = arith.constant 16 : i32
                  %convert_element_type3A_1251 = arith.sitofp %while3A_1191 : i32 to f32
                  %broadcast_in_dim3A_1252 = vector.broadcast %convert_element_type3A_1251 : f32 to vector<16xf32>
                  tpu.vector_store_idx %arg15[%broadcast_in_dim3A_1243], %broadcast_in_dim3A_1252 masked %eq3A_4 {add = true} : memref<1024xf32, #tpu.memory_space<vmem>>[vector<16xi32>], vector<16xf32>, vector<16xi1>
                  %scan3A_1253 = arith.constant 0 : i32
                  %scan3A_1254 = arith.constant 0 : i32
                  %scan3A_1255 = arith.constant 16 : i32
                  %scan3A_1256 = arith.addi %scan3A_1254, %scan3A_1255 : i32
                  %scan3A_1257 = arith.constant 1 : i32
                  %scan3A_1258 = scf.for %scan3A_1260 = %scan3A_1254 to %scan3A_1256 step %scan3A_1257 iter_args(%scan3A_1261 = %scan3A_1253) -> (i32)  : i32 {
                    %eq3A_1262 = vector.broadcast %scan3A_1260 : i32 to vector<16xi32>
                    %eq3A_1263 = arith.cmpi eq, %iota3A, %eq3A_1262 : vector<16xi32>
                    tpu.vector_store_idx %arg14[%get3A_1196], %add3A_1224 masked %eq3A_1263 {add = true} : memref<1024xf32, #tpu.memory_space<vmem>>[vector<16xi32>], vector<16xf32>, vector<16xi1>
                    tpu.vector_store_idx %arg15[%get3A_1196], %broadcast_in_dim3A_7 masked %eq3A_1263 {add = true} : memref<1024xf32, #tpu.memory_space<vmem>>[vector<16xi32>], vector<16xf32>, vector<16xi1>
                    %scan3A_1264 = arith.constant 0 : i32
                    scf.yield %scan3A_1264 : i32
                  }
                  %scan3A_1259 = arith.constant 16 : i32
                } else {
                }
                %select_n3A_1236 = arith.select %and3A_1231, %while3A_1190, %squeeze3A_1228 : i32
                %add3A_1237 = arith.constant 16 : i32
                %add3A_1238 = arith.addi %while3A_1191, %add3A_1237 : i32
                %jit3A_1239 = arith.constant 0 : i32
                %select_n3A_1240 = arith.select %and3A_1231, %add3A_1238, %jit3A_1239 : i32
                %add3A_1241 = arith.addf %while3A_1192, %add3A_1224 : vector<16xf32>
                %select_n3A_1242 = arith.select %and3A_1231, %add3A_1241, %broadcast_in_dim3A_5 : vector<16xf32>
                scf.yield %select_n3A_1236, %select_n3A_1240, %select_n3A_1242 : i32, i32, vector<16xf32>
              }
              scf.yield %while3A_1188#0, %while3A_1188#1, %while3A_1188#2 : i32, i32, vector<16xf32>
            }
            scf.yield %cond3A_1172#0, %cond3A_1172#1, %cond3A_1172#2 : i32, i32, vector<16xf32>
          }
          %while3A_984 = arith.constant 1 : i32
          %while3A_985:3 = scf.for %while3A_986 = %while3A_981 to %while3A_977 step %while3A_984 iter_args(%while3A_987 = %while3A_983#0, %while3A_988 = %while3A_983#1, %while3A_989 = %while3A_983#2) -> (i32, i32, vector<16xf32>)  : i32 {
            %mul3A_990 = arith.constant 80 : i32
            %mul3A_991 = arith.muli %while3A_986, %mul3A_990 : i32
            %get3A_992 = arith.index_cast %mul3A_991 : i32 to index
            %get3A_993 = tpu.vector_load %arg13[%get3A_992] {strides = array<i32>} : memref<10000xi32, #tpu.memory_space<vmem>>, vector<16xi32>,
            %slice3A_994 = vector.extract_strided_slice %get3A_993 {offsets = [0], sizes = [1], strides = [1]} : vector<16xi32> to vector<1xi32>
            %squeeze3A_995 = vector.extract %slice3A_994[0] : i32 from vector<1xi32>
            %add3A_996 = arith.constant 64 : i32
            %add3A_997 = arith.addi %mul3A_991, %add3A_996 : i32
            %get3A_998 = arith.index_cast %add3A_997 : i32 to index
            %get3A_999 = tpu.vector_load %arg13[%get3A_998] {strides = array<i32>} : memref<10000xi32, #tpu.memory_space<vmem>>, vector<16xi32>,
            %slice3A_1000 = vector.extract_strided_slice %get3A_999 {offsets = [15], sizes = [1], strides = [1]} : vector<16xi32> to vector<1xi32>
            %squeeze3A_1001 = vector.extract %slice3A_1000[0] : i32 from vector<1xi32>
            %add3A_1002 = arith.constant 0 : i32
            %add3A_1003 = arith.addi %mul3A_991, %add3A_1002 : i32
            %get3A_1004 = arith.index_cast %add3A_1003 : i32 to index
            %get3A_1005 = tpu.vector_load %arg9[%get3A_1004] {strides = array<i32>} : memref<10000xf32, #tpu.memory_space<vmem>>, vector<16xf32>,
            %add3A_1006 = arith.constant 0 : i32
            %add3A_1007 = arith.addi %mul3A_991, %add3A_1006 : i32
            %get3A_1008 = arith.index_cast %add3A_1007 : i32 to index
            %get3A_1009 = tpu.vector_load %arg11[%get3A_1008] {strides = array<i32>} : memref<10000xi32, #tpu.memory_space<vmem>>, vector<16xi32>,
            %neg3A_1010 = arith.constant 0.000000e+00 : f32
            %neg3A_1011 = vector.broadcast %neg3A_1010 : f32 to vector<16xf32>
            %neg3A_1012 = arith.subf %neg3A_1011, %get3A_1005 : vector<16xf32>
            %abs3A_1013 = math.absf %get3A_1005 : vector<16xf32>
            %mul3A_1014 = arith.constant 2.560000e+02 : f32
            %mul3A_1015 = vector.broadcast %mul3A_1014 : f32 to vector<16xf32>
            %mul3A_1016 = arith.mulf %abs3A_1013, %mul3A_1015 : vector<16xf32>
            %min3A_1017 = arith.constant 4.095000e+03 : f32
            %min3A_1018 = vector.broadcast %min3A_1017 : f32 to vector<16xf32>
            %min3A_1019 = arith.minimumf %mul3A_1016, %min3A_1018 : vector<16xf32>
            %convert_element_type3A_1020 = arith.fptosi %min3A_1019 : vector<16xf32> to vector<16xi32>
            %gather3A_1021 = tpu.vector_load_idx %arg16[%convert_element_type3A_1020] : memref<4096xf32, #tpu.memory_space<vmem>>[vector<16xi32>], vector<16xf32>,
            %ne3A_1022 = arith.constant 0 : i32
            %ne3A_1023 = vector.broadcast %ne3A_1022 : i32 to vector<16xi32>
            %ne3A_1024 = arith.cmpi ne, %get3A_1009, %ne3A_1023 : vector<16xi32>
            %select_n3A_1025 = arith.select %ne3A_1024, %neg3A_1012, %get3A_1005 : vector<16xi1>, vector<16xf32>
            %max3A_1026 = arith.constant 0.000000e+00 : f32
            %max3A_1027 = vector.broadcast %max3A_1026 : f32 to vector<16xf32>
            %max3A_1028 = arith.maximumf %select_n3A_1025, %max3A_1027 : vector<16xf32>
            %add3A_1029 = arith.addf %gather3A_1021, %max3A_1028 : vector<16xf32>
            %jit3A_1030 = arith.constant 0.000000e+00 : f32
            %broadcast_in_dim3A_1031 = vector.broadcast %jit3A_1030 : f32 to vector<16xf32>
            %select_n3A_1032 = arith.select %ne3A_1024, %add3A_1029, %broadcast_in_dim3A_1031 : vector<16xi1>, vector<16xf32>
            %add3A_1033 = arith.addf %add3A_1029, %select_n3A_1032 : vector<16xf32>
            %add3A_1034 = arith.constant 16 : i32
            %add3A_1035 = arith.addi %mul3A_991, %add3A_1034 : i32
            %get3A_1036 = arith.index_cast %add3A_1035 : i32 to index
            %get3A_1037 = tpu.vector_load %arg9[%get3A_1036] {strides = array<i32>} : memref<10000xf32, #tpu.memory_space<vmem>>, vector<16xf32>,
            %add3A_1038 = arith.constant 16 : i32
            %add3A_1039 = arith.addi %mul3A_991, %add3A_1038 : i32
            %get3A_1040 = arith.index_cast %add3A_1039 : i32 to index
            %get3A_1041 = tpu.vector_load %arg11[%get3A_1040] {strides = array<i32>} : memref<10000xi32, #tpu.memory_space<vmem>>, vector<16xi32>,
            %neg3A_1042 = arith.constant 0.000000e+00 : f32
            %neg3A_1043 = vector.broadcast %neg3A_1042 : f32 to vector<16xf32>
            %neg3A_1044 = arith.subf %neg3A_1043, %get3A_1037 : vector<16xf32>
            %abs3A_1045 = math.absf %get3A_1037 : vector<16xf32>
            %mul3A_1046 = arith.constant 2.560000e+02 : f32
            %mul3A_1047 = vector.broadcast %mul3A_1046 : f32 to vector<16xf32>
            %mul3A_1048 = arith.mulf %abs3A_1045, %mul3A_1047 : vector<16xf32>
            %min3A_1049 = arith.constant 4.095000e+03 : f32
            %min3A_1050 = vector.broadcast %min3A_1049 : f32 to vector<16xf32>
            %min3A_1051 = arith.minimumf %mul3A_1048, %min3A_1050 : vector<16xf32>
            %convert_element_type3A_1052 = arith.fptosi %min3A_1051 : vector<16xf32> to vector<16xi32>
            %gather3A_1053 = tpu.vector_load_idx %arg16[%convert_element_type3A_1052] : memref<4096xf32, #tpu.memory_space<vmem>>[vector<16xi32>], vector<16xf32>,
            %ne3A_1054 = arith.constant 0 : i32
            %ne3A_1055 = vector.broadcast %ne3A_1054 : i32 to vector<16xi32>
            %ne3A_1056 = arith.cmpi ne, %get3A_1041, %ne3A_1055 : vector<16xi32>
            %select_n3A_1057 = arith.select %ne3A_1056, %neg3A_1044, %get3A_1037 : vector<16xi1>, vector<16xf32>
            %max3A_1058 = arith.constant 0.000000e+00 : f32
            %max3A_1059 = vector.broadcast %max3A_1058 : f32 to vector<16xf32>
            %max3A_1060 = arith.maximumf %select_n3A_1057, %max3A_1059 : vector<16xf32>
            %add3A_1061 = arith.addf %gather3A_1053, %max3A_1060 : vector<16xf32>
            %jit3A_1062 = arith.constant 0.000000e+00 : f32
            %broadcast_in_dim3A_1063 = vector.broadcast %jit3A_1062 : f32 to vector<16xf32>
            %select_n3A_1064 = arith.select %ne3A_1056, %add3A_1061, %broadcast_in_dim3A_1063 : vector<16xi1>, vector<16xf32>
            %add3A_1065 = arith.addf %add3A_1061, %select_n3A_1064 : vector<16xf32>
            %add3A_1066 = arith.constant 32 : i32
            %add3A_1067 = arith.addi %mul3A_991, %add3A_1066 : i32
            %get3A_1068 = arith.index_cast %add3A_1067 : i32 to index
            %get3A_1069 = tpu.vector_load %arg9[%get3A_1068] {strides = array<i32>} : memref<10000xf32, #tpu.memory_space<vmem>>, vector<16xf32>,
            %add3A_1070 = arith.constant 32 : i32
            %add3A_1071 = arith.addi %mul3A_991, %add3A_1070 : i32
            %get3A_1072 = arith.index_cast %add3A_1071 : i32 to index
            %get3A_1073 = tpu.vector_load %arg11[%get3A_1072] {strides = array<i32>} : memref<10000xi32, #tpu.memory_space<vmem>>, vector<16xi32>,
            %neg3A_1074 = arith.constant 0.000000e+00 : f32
            %neg3A_1075 = vector.broadcast %neg3A_1074 : f32 to vector<16xf32>
            %neg3A_1076 = arith.subf %neg3A_1075, %get3A_1069 : vector<16xf32>
            %abs3A_1077 = math.absf %get3A_1069 : vector<16xf32>
            %mul3A_1078 = arith.constant 2.560000e+02 : f32
            %mul3A_1079 = vector.broadcast %mul3A_1078 : f32 to vector<16xf32>
            %mul3A_1080 = arith.mulf %abs3A_1077, %mul3A_1079 : vector<16xf32>
            %min3A_1081 = arith.constant 4.095000e+03 : f32
            %min3A_1082 = vector.broadcast %min3A_1081 : f32 to vector<16xf32>
            %min3A_1083 = arith.minimumf %mul3A_1080, %min3A_1082 : vector<16xf32>
            %convert_element_type3A_1084 = arith.fptosi %min3A_1083 : vector<16xf32> to vector<16xi32>
            %gather3A_1085 = tpu.vector_load_idx %arg16[%convert_element_type3A_1084] : memref<4096xf32, #tpu.memory_space<vmem>>[vector<16xi32>], vector<16xf32>,
            %ne3A_1086 = arith.constant 0 : i32
            %ne3A_1087 = vector.broadcast %ne3A_1086 : i32 to vector<16xi32>
            %ne3A_1088 = arith.cmpi ne, %get3A_1073, %ne3A_1087 : vector<16xi32>
            %select_n3A_1089 = arith.select %ne3A_1088, %neg3A_1076, %get3A_1069 : vector<16xi1>, vector<16xf32>
            %max3A_1090 = arith.constant 0.000000e+00 : f32
            %max3A_1091 = vector.broadcast %max3A_1090 : f32 to vector<16xf32>
            %max3A_1092 = arith.maximumf %select_n3A_1089, %max3A_1091 : vector<16xf32>
            %add3A_1093 = arith.addf %gather3A_1085, %max3A_1092 : vector<16xf32>
            %jit3A_1094 = arith.constant 0.000000e+00 : f32
            %broadcast_in_dim3A_1095 = vector.broadcast %jit3A_1094 : f32 to vector<16xf32>
            %select_n3A_1096 = arith.select %ne3A_1088, %add3A_1093, %broadcast_in_dim3A_1095 : vector<16xi1>, vector<16xf32>
            %add3A_1097 = arith.addf %add3A_1093, %select_n3A_1096 : vector<16xf32>
            %add3A_1098 = arith.constant 48 : i32
            %add3A_1099 = arith.addi %mul3A_991, %add3A_1098 : i32
            %get3A_1100 = arith.index_cast %add3A_1099 : i32 to index
            %get3A_1101 = tpu.vector_load %arg9[%get3A_1100] {strides = array<i32>} : memref<10000xf32, #tpu.memory_space<vmem>>, vector<16xf32>,
            %add3A_1102 = arith.constant 48 : i32
            %add3A_1103 = arith.addi %mul3A_991, %add3A_1102 : i32
            %get3A_1104 = arith.index_cast %add3A_1103 : i32 to index
            %get3A_1105 = tpu.vector_load %arg11[%get3A_1104] {strides = array<i32>} : memref<10000xi32, #tpu.memory_space<vmem>>, vector<16xi32>,
            %neg3A_1106 = arith.constant 0.000000e+00 : f32
            %neg3A_1107 = vector.broadcast %neg3A_1106 : f32 to vector<16xf32>
            %neg3A_1108 = arith.subf %neg3A_1107, %get3A_1101 : vector<16xf32>
            %abs3A_1109 = math.absf %get3A_1101 : vector<16xf32>
            %mul3A_1110 = arith.constant 2.560000e+02 : f32
            %mul3A_1111 = vector.broadcast %mul3A_1110 : f32 to vector<16xf32>
            %mul3A_1112 = arith.mulf %abs3A_1109, %mul3A_1111 : vector<16xf32>
            %min3A_1113 = arith.constant 4.095000e+03 : f32
            %min3A_1114 = vector.broadcast %min3A_1113 : f32 to vector<16xf32>
            %min3A_1115 = arith.minimumf %mul3A_1112, %min3A_1114 : vector<16xf32>
            %convert_element_type3A_1116 = arith.fptosi %min3A_1115 : vector<16xf32> to vector<16xi32>
            %gather3A_1117 = tpu.vector_load_idx %arg16[%convert_element_type3A_1116] : memref<4096xf32, #tpu.memory_space<vmem>>[vector<16xi32>], vector<16xf32>,
            %ne3A_1118 = arith.constant 0 : i32
            %ne3A_1119 = vector.broadcast %ne3A_1118 : i32 to vector<16xi32>
            %ne3A_1120 = arith.cmpi ne, %get3A_1105, %ne3A_1119 : vector<16xi32>
            %select_n3A_1121 = arith.select %ne3A_1120, %neg3A_1108, %get3A_1101 : vector<16xi1>, vector<16xf32>
            %max3A_1122 = arith.constant 0.000000e+00 : f32
            %max3A_1123 = vector.broadcast %max3A_1122 : f32 to vector<16xf32>
            %max3A_1124 = arith.maximumf %select_n3A_1121, %max3A_1123 : vector<16xf32>
            %add3A_1125 = arith.addf %gather3A_1117, %max3A_1124 : vector<16xf32>
            %jit3A_1126 = arith.constant 0.000000e+00 : f32
            %broadcast_in_dim3A_1127 = vector.broadcast %jit3A_1126 : f32 to vector<16xf32>
            %select_n3A_1128 = arith.select %ne3A_1120, %add3A_1125, %broadcast_in_dim3A_1127 : vector<16xi1>, vector<16xf32>
            %add3A_1129 = arith.addf %add3A_1125, %select_n3A_1128 : vector<16xf32>
            %add3A_1130 = arith.constant 64 : i32
            %add3A_1131 = arith.addi %mul3A_991, %add3A_1130 : i32
            %get3A_1132 = arith.index_cast %add3A_1131 : i32 to index
            %get3A_1133 = tpu.vector_load %arg9[%get3A_1132] {strides = array<i32>} : memref<10000xf32, #tpu.memory_space<vmem>>, vector<16xf32>,
            %add3A_1134 = arith.constant 64 : i32
            %add3A_1135 = arith.addi %mul3A_991, %add3A_1134 : i32
            %get3A_1136 = arith.index_cast %add3A_1135 : i32 to index
            %get3A_1137 = tpu.vector_load %arg11[%get3A_1136] {strides = array<i32>} : memref<10000xi32, #tpu.memory_space<vmem>>, vector<16xi32>,
            %neg3A_1138 = arith.constant 0.000000e+00 : f32
            %neg3A_1139 = vector.broadcast %neg3A_1138 : f32 to vector<16xf32>
            %neg3A_1140 = arith.subf %neg3A_1139, %get3A_1133 : vector<16xf32>
            %abs3A_1141 = math.absf %get3A_1133 : vector<16xf32>
            %mul3A_1142 = arith.constant 2.560000e+02 : f32
            %mul3A_1143 = vector.broadcast %mul3A_1142 : f32 to vector<16xf32>
            %mul3A_1144 = arith.mulf %abs3A_1141, %mul3A_1143 : vector<16xf32>
            %min3A_1145 = arith.constant 4.095000e+03 : f32
            %min3A_1146 = vector.broadcast %min3A_1145 : f32 to vector<16xf32>
            %min3A_1147 = arith.minimumf %mul3A_1144, %min3A_1146 : vector<16xf32>
            %convert_element_type3A_1148 = arith.fptosi %min3A_1147 : vector<16xf32> to vector<16xi32>
            %gather3A_1149 = tpu.vector_load_idx %arg16[%convert_element_type3A_1148] : memref<4096xf32, #tpu.memory_space<vmem>>[vector<16xi32>], vector<16xf32>,
            %ne3A_1150 = arith.constant 0 : i32
            %ne3A_1151 = vector.broadcast %ne3A_1150 : i32 to vector<16xi32>
            %ne3A_1152 = arith.cmpi ne, %get3A_1137, %ne3A_1151 : vector<16xi32>
            %select_n3A_1153 = arith.select %ne3A_1152, %neg3A_1140, %get3A_1133 : vector<16xi1>, vector<16xf32>
            %max3A_1154 = arith.constant 0.000000e+00 : f32
            %max3A_1155 = vector.broadcast %max3A_1154 : f32 to vector<16xf32>
            %max3A_1156 = arith.maximumf %select_n3A_1153, %max3A_1155 : vector<16xf32>
            %add3A_1157 = arith.addf %gather3A_1149, %max3A_1156 : vector<16xf32>
            %jit3A_1158 = arith.constant 0.000000e+00 : f32
            %broadcast_in_dim3A_1159 = vector.broadcast %jit3A_1158 : f32 to vector<16xf32>
            %select_n3A_1160 = arith.select %ne3A_1152, %add3A_1157, %broadcast_in_dim3A_1159 : vector<16xi1>, vector<16xf32>
            %add3A_1161 = arith.addf %add3A_1157, %select_n3A_1160 : vector<16xf32>
            %add3A_1162 = arith.addf %add3A_1033, %add3A_1065 : vector<16xf32>
            %add3A_1163 = arith.addf %add3A_1097, %add3A_1129 : vector<16xf32>
            %add3A_1164 = arith.addf %add3A_1162, %add3A_1163 : vector<16xf32>
            %add3A_1165 = arith.addf %add3A_1164, %add3A_1161 : vector<16xf32>
            %eq3A_1166 = arith.cmpi eq, %squeeze3A_995, %while3A_987 : i32
            %eq3A_1167 = arith.cmpi eq, %squeeze3A_1001, %while3A_987 : i32
            %and3A_1168 = arith.andi %eq3A_1166, %eq3A_1167 : i1
            %convert_element_type3A_1169 = arith.extui %and3A_1168 : i1 to i32
            %cond3A_1170 = arith.constant 0 : i32
            %cond3A_1171 = arith.cmpi ne, %convert_element_type3A_1169, %cond3A_1170 : i32
            %cond3A_1172:3 = scf.if %cond3A_1171 -> (i32, i32, vector<16xf32>) {
              %add3A_1173 = arith.constant 80 : i32
              %add3A_1174 = arith.addi %while3A_988, %add3A_1173 : i32
              %add3A_1175 = arith.addf %while3A_989, %add3A_1165 : vector<16xf32>
              scf.yield %while3A_987, %add3A_1174, %add3A_1175 : i32, i32, vector<16xf32>
            } else {
              %mul3A_1173 = arith.constant 5 : i32
              %mul3A_1174 = arith.muli %while3A_986, %mul3A_1173 : i32
              %add3A_1175 = arith.constant 1 : i32
              %add3A_1176 = arith.addi %while3A_986, %add3A_1175 : i32
              %mul3A_1177 = arith.constant 5 : i32
              %mul3A_1178 = arith.muli %add3A_1176, %mul3A_1177 : i32
              %while3A_1179 = arith.subi %mul3A_1178, %mul3A_1174 : i32
              %while3A_1180 = arith.addi %mul3A_1174, %while3A_1179 : i32
              %while3A_1181 = arith.constant 1 : i32
              %while3A_1182 = arith.divsi %while3A_1179, %while3A_1181 : i32
              %while3A_1183 = arith.muli %while3A_1182, %while3A_1181 : i32
              %while3A_1184 = arith.addi %mul3A_1174, %while3A_1183 : i32
              %while3A_1185 = arith.constant 1 : i32
              %while3A_1186:3 = scf.for %while3A_1189 = %mul3A_1174 to %while3A_1184 step %while3A_1185 iter_args(%while3A_1190 = %while3A_987, %while3A_1191 = %while3A_988, %while3A_1192 = %while3A_989) -> (i32, i32, vector<16xf32>)  : i32 {
                %mul3A_1193 = arith.constant 16 : i32
                %mul3A_1194 = arith.muli %while3A_1189, %mul3A_1193 : i32
                %get3A_1195 = arith.index_cast %mul3A_1194 : i32 to index
                %get3A_1196 = tpu.vector_load %arg13[%get3A_1195] {strides = array<i32>} : memref<10000xi32, #tpu.memory_space<vmem>>, vector<16xi32>,
                %get3A_1197 = arith.index_cast %mul3A_1194 : i32 to index
                %get3A_1198 = tpu.vector_load %arg9[%get3A_1197] {strides = array<i32>} : memref<10000xf32, #tpu.memory_space<vmem>>, vector<16xf32>,
                %get3A_1199 = arith.index_cast %mul3A_1194 : i32 to index
                %get3A_1200 = tpu.vector_load %arg11[%get3A_1199] {strides = array<i32>} : memref<10000xi32, #tpu.memory_space<vmem>>, vector<16xi32>,
                %neg3A_1201 = arith.constant 0.000000e+00 : f32
                %neg3A_1202 = vector.broadcast %neg3A_1201 : f32 to vector<16xf32>
                %neg3A_1203 = arith.subf %neg3A_1202, %get3A_1198 : vector<16xf32>
                %abs3A_1204 = math.absf %get3A_1198 : vector<16xf32>
                %mul3A_1205 = arith.constant 2.560000e+02 : f32
                %mul3A_1206 = vector.broadcast %mul3A_1205 : f32 to vector<16xf32>
                %mul3A_1207 = arith.mulf %abs3A_1204, %mul3A_1206 : vector<16xf32>
                %min3A_1208 = arith.constant 4.095000e+03 : f32
                %min3A_1209 = vector.broadcast %min3A_1208 : f32 to vector<16xf32>
                %min3A_1210 = arith.minimumf %mul3A_1207, %min3A_1209 : vector<16xf32>
                %convert_element_type3A_1211 = arith.fptosi %min3A_1210 : vector<16xf32> to vector<16xi32>
                %gather3A_1212 = tpu.vector_load_idx %arg16[%convert_element_type3A_1211] : memref<4096xf32, #tpu.memory_space<vmem>>[vector<16xi32>], vector<16xf32>,
                %ne3A_1213 = arith.constant 0 : i32
                %ne3A_1214 = vector.broadcast %ne3A_1213 : i32 to vector<16xi32>
                %ne3A_1215 = arith.cmpi ne, %get3A_1200, %ne3A_1214 : vector<16xi32>
                %select_n3A_1216 = arith.select %ne3A_1215, %neg3A_1203, %get3A_1198 : vector<16xi1>, vector<16xf32>
                %max3A_1217 = arith.constant 0.000000e+00 : f32
                %max3A_1218 = vector.broadcast %max3A_1217 : f32 to vector<16xf32>
                %max3A_1219 = arith.maximumf %select_n3A_1216, %max3A_1218 : vector<16xf32>
                %add3A_1220 = arith.addf %gather3A_1212, %max3A_1219 : vector<16xf32>
                %jit3A_1221 = arith.constant 0.000000e+00 : f32
                %broadcast_in_dim3A_1222 = vector.broadcast %jit3A_1221 : f32 to vector<16xf32>
                %select_n3A_1223 = arith.select %ne3A_1215, %add3A_1220, %broadcast_in_dim3A_1222 : vector<16xi1>, vector<16xf32>
                %add3A_1224 = arith.addf %add3A_1220, %select_n3A_1223 : vector<16xf32>
                %slice3A_1225 = vector.extract_strided_slice %get3A_1196 {offsets = [0], sizes = [1], strides = [1]} : vector<16xi32> to vector<1xi32>
                %squeeze3A_1226 = vector.extract %slice3A_1225[0] : i32 from vector<1xi32>
                %slice3A_1227 = vector.extract_strided_slice %get3A_1196 {offsets = [15], sizes = [1], strides = [1]} : vector<16xi32> to vector<1xi32>
                %squeeze3A_1228 = vector.extract %slice3A_1227[0] : i32 from vector<1xi32>
                %eq3A_1229 = arith.cmpi eq, %squeeze3A_1226, %while3A_1190 : i32
                %eq3A_1230 = arith.cmpi eq, %squeeze3A_1228, %while3A_1190 : i32
                %and3A_1231 = arith.andi %eq3A_1229, %eq3A_1230 : i1
                %not3A = arith.constant true
                %not3A_1232 = arith.xori %and3A_1231, %not3A : i1
                %convert_element_type3A_1233 = arith.extui %not3A_1232 : i1 to i32
                %cond3A_1234 = arith.constant 0 : i32
                %cond3A_1235 = arith.cmpi ne, %convert_element_type3A_1233, %cond3A_1234 : i32
                scf.if %cond3A_1235 {
                  %broadcast_in_dim3A_1243 = vector.broadcast %while3A_1190 : i32 to vector<16xi32>
                  %scan3A_1244 = arith.constant 0 : i32
                  %scan3A_1245 = arith.constant 0 : i32
                  %scan3A_1246 = arith.constant 16 : i32
                  %scan3A_1247 = arith.addi %scan3A_1245, %scan3A_1246 : i32
                  %scan3A_1248 = arith.constant 1 : i32
                  %scan3A_1249 = scf.for %scan3A_1260 = %scan3A_1245 to %scan3A_1247 step %scan3A_1248 iter_args(%scan3A_1261 = %scan3A_1244) -> (i32)  : i32 {
                    %eq3A_1262 = vector.broadcast %scan3A_1260 : i32 to vector<16xi32>
                    %eq3A_1263 = arith.cmpi eq, %iota3A, %eq3A_1262 : vector<16xi32>
                    tpu.vector_store_idx %arg14[%broadcast_in_dim3A_1243], %while3A_1192 masked %eq3A_1263 {add = true} : memref<1024xf32, #tpu.memory_space<vmem>>[vector<16xi32>], vector<16xf32>, vector<16xi1>
                    %scan3A_1264 = arith.constant 0 : i32
                    scf.yield %scan3A_1264 : i32
                  }
                  %scan3A_1250 = arith.constant 16 : i32
                  %convert_element_type3A_1251 = arith.sitofp %while3A_1191 : i32 to f32
                  %broadcast_in_dim3A_1252 = vector.broadcast %convert_element_type3A_1251 : f32 to vector<16xf32>
                  tpu.vector_store_idx %arg15[%broadcast_in_dim3A_1243], %broadcast_in_dim3A_1252 masked %eq3A_4 {add = true} : memref<1024xf32, #tpu.memory_space<vmem>>[vector<16xi32>], vector<16xf32>, vector<16xi1>
                  %scan3A_1253 = arith.constant 0 : i32
                  %scan3A_1254 = arith.constant 0 : i32
                  %scan3A_1255 = arith.constant 16 : i32
                  %scan3A_1256 = arith.addi %scan3A_1254, %scan3A_1255 : i32
                  %scan3A_1257 = arith.constant 1 : i32
                  %scan3A_1258 = scf.for %scan3A_1260 = %scan3A_1254 to %scan3A_1256 step %scan3A_1257 iter_args(%scan3A_1261 = %scan3A_1253) -> (i32)  : i32 {
                    %eq3A_1262 = vector.broadcast %scan3A_1260 : i32 to vector<16xi32>
                    %eq3A_1263 = arith.cmpi eq, %iota3A, %eq3A_1262 : vector<16xi32>
                    tpu.vector_store_idx %arg14[%get3A_1196], %add3A_1224 masked %eq3A_1263 {add = true} : memref<1024xf32, #tpu.memory_space<vmem>>[vector<16xi32>], vector<16xf32>, vector<16xi1>
                    tpu.vector_store_idx %arg15[%get3A_1196], %broadcast_in_dim3A_7 masked %eq3A_1263 {add = true} : memref<1024xf32, #tpu.memory_space<vmem>>[vector<16xi32>], vector<16xf32>, vector<16xi1>
                    %scan3A_1264 = arith.constant 0 : i32
                    scf.yield %scan3A_1264 : i32
                  }
                  %scan3A_1259 = arith.constant 16 : i32
                } else {
                }
                %select_n3A_1236 = arith.select %and3A_1231, %while3A_1190, %squeeze3A_1228 : i32
                %add3A_1237 = arith.constant 16 : i32
                %add3A_1238 = arith.addi %while3A_1191, %add3A_1237 : i32
                %jit3A_1239 = arith.constant 0 : i32
                %select_n3A_1240 = arith.select %and3A_1231, %add3A_1238, %jit3A_1239 : i32
                %add3A_1241 = arith.addf %while3A_1192, %add3A_1224 : vector<16xf32>
                %select_n3A_1242 = arith.select %and3A_1231, %add3A_1241, %broadcast_in_dim3A_5 : vector<16xf32>
                scf.yield %select_n3A_1236, %select_n3A_1240, %select_n3A_1242 : i32, i32, vector<16xf32>
              }
              %while3A_1187 = arith.constant 1 : i32
              %while3A_1188:3 = scf.for %while3A_1189 = %while3A_1184 to %while3A_1180 step %while3A_1187 iter_args(%while3A_1190 = %while3A_1186#0, %while3A_1191 = %while3A_1186#1, %while3A_1192 = %while3A_1186#2) -> (i32, i32, vector<16xf32>)  : i32 {
                %mul3A_1193 = arith.constant 16 : i32
                %mul3A_1194 = arith.muli %while3A_1189, %mul3A_1193 : i32
                %get3A_1195 = arith.index_cast %mul3A_1194 : i32 to index
                %get3A_1196 = tpu.vector_load %arg13[%get3A_1195] {strides = array<i32>} : memref<10000xi32, #tpu.memory_space<vmem>>, vector<16xi32>,
                %get3A_1197 = arith.index_cast %mul3A_1194 : i32 to index
                %get3A_1198 = tpu.vector_load %arg9[%get3A_1197] {strides = array<i32>} : memref<10000xf32, #tpu.memory_space<vmem>>, vector<16xf32>,
                %get3A_1199 = arith.index_cast %mul3A_1194 : i32 to index
                %get3A_1200 = tpu.vector_load %arg11[%get3A_1199] {strides = array<i32>} : memref<10000xi32, #tpu.memory_space<vmem>>, vector<16xi32>,
                %neg3A_1201 = arith.constant 0.000000e+00 : f32
                %neg3A_1202 = vector.broadcast %neg3A_1201 : f32 to vector<16xf32>
                %neg3A_1203 = arith.subf %neg3A_1202, %get3A_1198 : vector<16xf32>
                %abs3A_1204 = math.absf %get3A_1198 : vector<16xf32>
                %mul3A_1205 = arith.constant 2.560000e+02 : f32
                %mul3A_1206 = vector.broadcast %mul3A_1205 : f32 to vector<16xf32>
                %mul3A_1207 = arith.mulf %abs3A_1204, %mul3A_1206 : vector<16xf32>
                %min3A_1208 = arith.constant 4.095000e+03 : f32
                %min3A_1209 = vector.broadcast %min3A_1208 : f32 to vector<16xf32>
                %min3A_1210 = arith.minimumf %mul3A_1207, %min3A_1209 : vector<16xf32>
                %convert_element_type3A_1211 = arith.fptosi %min3A_1210 : vector<16xf32> to vector<16xi32>
                %gather3A_1212 = tpu.vector_load_idx %arg16[%convert_element_type3A_1211] : memref<4096xf32, #tpu.memory_space<vmem>>[vector<16xi32>], vector<16xf32>,
                %ne3A_1213 = arith.constant 0 : i32
                %ne3A_1214 = vector.broadcast %ne3A_1213 : i32 to vector<16xi32>
                %ne3A_1215 = arith.cmpi ne, %get3A_1200, %ne3A_1214 : vector<16xi32>
                %select_n3A_1216 = arith.select %ne3A_1215, %neg3A_1203, %get3A_1198 : vector<16xi1>, vector<16xf32>
                %max3A_1217 = arith.constant 0.000000e+00 : f32
                %max3A_1218 = vector.broadcast %max3A_1217 : f32 to vector<16xf32>
                %max3A_1219 = arith.maximumf %select_n3A_1216, %max3A_1218 : vector<16xf32>
                %add3A_1220 = arith.addf %gather3A_1212, %max3A_1219 : vector<16xf32>
                %jit3A_1221 = arith.constant 0.000000e+00 : f32
                %broadcast_in_dim3A_1222 = vector.broadcast %jit3A_1221 : f32 to vector<16xf32>
                %select_n3A_1223 = arith.select %ne3A_1215, %add3A_1220, %broadcast_in_dim3A_1222 : vector<16xi1>, vector<16xf32>
                %add3A_1224 = arith.addf %add3A_1220, %select_n3A_1223 : vector<16xf32>
                %slice3A_1225 = vector.extract_strided_slice %get3A_1196 {offsets = [0], sizes = [1], strides = [1]} : vector<16xi32> to vector<1xi32>
                %squeeze3A_1226 = vector.extract %slice3A_1225[0] : i32 from vector<1xi32>
                %slice3A_1227 = vector.extract_strided_slice %get3A_1196 {offsets = [15], sizes = [1], strides = [1]} : vector<16xi32> to vector<1xi32>
                %squeeze3A_1228 = vector.extract %slice3A_1227[0] : i32 from vector<1xi32>
                %eq3A_1229 = arith.cmpi eq, %squeeze3A_1226, %while3A_1190 : i32
                %eq3A_1230 = arith.cmpi eq, %squeeze3A_1228, %while3A_1190 : i32
                %and3A_1231 = arith.andi %eq3A_1229, %eq3A_1230 : i1
                %not3A = arith.constant true
                %not3A_1232 = arith.xori %and3A_1231, %not3A : i1
                %convert_element_type3A_1233 = arith.extui %not3A_1232 : i1 to i32
                %cond3A_1234 = arith.constant 0 : i32
                %cond3A_1235 = arith.cmpi ne, %convert_element_type3A_1233, %cond3A_1234 : i32
                scf.if %cond3A_1235 {
                  %broadcast_in_dim3A_1243 = vector.broadcast %while3A_1190 : i32 to vector<16xi32>
                  %scan3A_1244 = arith.constant 0 : i32
                  %scan3A_1245 = arith.constant 0 : i32
                  %scan3A_1246 = arith.constant 16 : i32
                  %scan3A_1247 = arith.addi %scan3A_1245, %scan3A_1246 : i32
                  %scan3A_1248 = arith.constant 1 : i32
                  %scan3A_1249 = scf.for %scan3A_1260 = %scan3A_1245 to %scan3A_1247 step %scan3A_1248 iter_args(%scan3A_1261 = %scan3A_1244) -> (i32)  : i32 {
                    %eq3A_1262 = vector.broadcast %scan3A_1260 : i32 to vector<16xi32>
                    %eq3A_1263 = arith.cmpi eq, %iota3A, %eq3A_1262 : vector<16xi32>
                    tpu.vector_store_idx %arg14[%broadcast_in_dim3A_1243], %while3A_1192 masked %eq3A_1263 {add = true} : memref<1024xf32, #tpu.memory_space<vmem>>[vector<16xi32>], vector<16xf32>, vector<16xi1>
                    %scan3A_1264 = arith.constant 0 : i32
                    scf.yield %scan3A_1264 : i32
                  }
                  %scan3A_1250 = arith.constant 16 : i32
                  %convert_element_type3A_1251 = arith.sitofp %while3A_1191 : i32 to f32
                  %broadcast_in_dim3A_1252 = vector.broadcast %convert_element_type3A_1251 : f32 to vector<16xf32>
                  tpu.vector_store_idx %arg15[%broadcast_in_dim3A_1243], %broadcast_in_dim3A_1252 masked %eq3A_4 {add = true} : memref<1024xf32, #tpu.memory_space<vmem>>[vector<16xi32>], vector<16xf32>, vector<16xi1>
                  %scan3A_1253 = arith.constant 0 : i32
                  %scan3A_1254 = arith.constant 0 : i32
                  %scan3A_1255 = arith.constant 16 : i32
                  %scan3A_1256 = arith.addi %scan3A_1254, %scan3A_1255 : i32
                  %scan3A_1257 = arith.constant 1 : i32
                  %scan3A_1258 = scf.for %scan3A_1260 = %scan3A_1254 to %scan3A_1256 step %scan3A_1257 iter_args(%scan3A_1261 = %scan3A_1253) -> (i32)  : i32 {
                    %eq3A_1262 = vector.broadcast %scan3A_1260 : i32 to vector<16xi32>
                    %eq3A_1263 = arith.cmpi eq, %iota3A, %eq3A_1262 : vector<16xi32>
                    tpu.vector_store_idx %arg14[%get3A_1196], %add3A_1224 masked %eq3A_1263 {add = true} : memref<1024xf32, #tpu.memory_space<vmem>>[vector<16xi32>], vector<16xf32>, vector<16xi1>
                    tpu.vector_store_idx %arg15[%get3A_1196], %broadcast_in_dim3A_7 masked %eq3A_1263 {add = true} : memref<1024xf32, #tpu.memory_space<vmem>>[vector<16xi32>], vector<16xf32>, vector<16xi1>
                    %scan3A_1264 = arith.constant 0 : i32
                    scf.yield %scan3A_1264 : i32
                  }
                  %scan3A_1259 = arith.constant 16 : i32
                } else {
                }
                %select_n3A_1236 = arith.select %and3A_1231, %while3A_1190, %squeeze3A_1228 : i32
                %add3A_1237 = arith.constant 16 : i32
                %add3A_1238 = arith.addi %while3A_1191, %add3A_1237 : i32
                %jit3A_1239 = arith.constant 0 : i32
                %select_n3A_1240 = arith.select %and3A_1231, %add3A_1238, %jit3A_1239 : i32
                %add3A_1241 = arith.addf %while3A_1192, %add3A_1224 : vector<16xf32>
                %select_n3A_1242 = arith.select %and3A_1231, %add3A_1241, %broadcast_in_dim3A_5 : vector<16xf32>
                scf.yield %select_n3A_1236, %select_n3A_1240, %select_n3A_1242 : i32, i32, vector<16xf32>
              }
              scf.yield %while3A_1188#0, %while3A_1188#1, %while3A_1188#2 : i32, i32, vector<16xf32>
            }
            scf.yield %cond3A_1172#0, %cond3A_1172#1, %cond3A_1172#2 : i32, i32, vector<16xf32>
          }
          scf.yield %while3A_985#0, %while3A_985#1, %while3A_985#2 : i32, i32, vector<16xf32>
        }
        scf.yield %cond3A_970#0, %cond3A_970#1, %cond3A_970#2, %squeeze3A_142, %squeeze3A_148 : i32, i32, vector<16xf32>, i32, i32
      }
      %scan3A_124 = arith.constant 25 : i32
      scf.yield %scan3A_123#0, %scan3A_123#1, %scan3A_123#2 : i32, i32, vector<16xf32>
    }
    %scan3A_28 = arith.constant 10 : i32
    %broadcast_in_dim3A_29 = vector.broadcast %scan3A_27#0 : i32 to vector<16xi32>
    %scan3A_30 = arith.constant 0 : i32
    %scan3A_31 = arith.constant 0 : i32
    %scan3A_32 = arith.constant 16 : i32
    %scan3A_33 = arith.addi %scan3A_31, %scan3A_32 : i32
    %scan3A_34 = arith.constant 1 : i32
    %scan3A_35 = scf.for %scan3A_45 = %scan3A_31 to %scan3A_33 step %scan3A_34 iter_args(%scan3A_46 = %scan3A_30) -> (i32)  : i32 {
      %eq3A_47 = vector.broadcast %scan3A_45 : i32 to vector<16xi32>
      %eq3A_48 = arith.cmpi eq, %iota3A, %eq3A_47 : vector<16xi32>
      tpu.vector_store_idx %arg14[%broadcast_in_dim3A_29], %scan3A_27#2 masked %eq3A_48 {add = true} : memref<1024xf32, #tpu.memory_space<vmem>>[vector<16xi32>], vector<16xf32>, vector<16xi1>
      %scan3A_49 = arith.constant 0 : i32
      scf.yield %scan3A_49 : i32
    }
    %scan3A_36 = arith.constant 16 : i32
    %convert_element_type3A = arith.sitofp %scan3A_27#1 : i32 to f32
    %broadcast_in_dim3A_37 = vector.broadcast %convert_element_type3A : f32 to vector<16xf32>
    tpu.vector_store_idx %arg15[%broadcast_in_dim3A_29], %broadcast_in_dim3A_37 masked %eq3A_4 {add = true} : memref<1024xf32, #tpu.memory_space<vmem>>[vector<16xi32>], vector<16xf32>, vector<16xi1>
    %add3A_38 = arith.constant 190000 : i32
    %add3A_39 = arith.addi %mul3A_2, %add3A_38 : i32
    %dma_wait3A = tpu.memref_slice %arg2[%add3A_39] : memref<6400000xf32, #tpu.memory_space<hbm>> -> memref<10000xf32, #tpu.memory_space<hbm>>
    %dma_wait3A_40 = tpu.memref_slice %arg2[%add3A_39] : memref<6400000xf32, #tpu.memory_space<hbm>> -> memref<10000xf32, #tpu.memory_space<hbm>>
    tpu.wait_dma2 semaphore(%arg17 : memref<!tpu.dma_semaphore, #tpu.memory_space<semaphore_mem>>) src(%dma_wait3A_40 : memref<10000xf32, #tpu.memory_space<hbm>>) dst(%arg8 : memref<10000xf32, #tpu.memory_space<vmem>>)
    %dma_wait3A_41 = tpu.memref_slice %arg3[%add3A_39] : memref<6400000xi32, #tpu.memory_space<hbm>> -> memref<10000xi32, #tpu.memory_space<hbm>>
    %dma_wait3A_42 = tpu.memref_slice %arg3[%add3A_39] : memref<6400000xi32, #tpu.memory_space<hbm>> -> memref<10000xi32, #tpu.memory_space<hbm>>
    tpu.wait_dma2 semaphore(%arg17 : memref<!tpu.dma_semaphore, #tpu.memory_space<semaphore_mem>>) src(%dma_wait3A_42 : memref<10000xi32, #tpu.memory_space<hbm>>) dst(%arg10 : memref<10000xi32, #tpu.memory_space<vmem>>)
    %dma_wait3A_43 = tpu.memref_slice %arg4[%add3A_39] : memref<6400000xi32, #tpu.memory_space<hbm>> -> memref<10000xi32, #tpu.memory_space<hbm>>
    %dma_wait3A_44 = tpu.memref_slice %arg4[%add3A_39] : memref<6400000xi32, #tpu.memory_space<hbm>> -> memref<10000xi32, #tpu.memory_space<hbm>>
    tpu.wait_dma2 semaphore(%arg17 : memref<!tpu.dma_semaphore, #tpu.memory_space<semaphore_mem>>) src(%dma_wait3A_44 : memref<10000xi32, #tpu.memory_space<hbm>>) dst(%arg12 : memref<10000xi32, #tpu.memory_space<vmem>>)
    "tpu.region"() ({
      %run_scoped3A = tpu.sem_alloc : memref<!tpu.dma_semaphore, #tpu.memory_space<semaphore_mem>>
      %dma_start3A_45 = arith.constant 0 : i32
      %dma_start3A_46 = tpu.memref_slice %arg6[%add3A, %dma_start3A_45] : memref<32x1024xf32, #tpu.memory_space<hbm>> -> memref<1x1024xf32, #tpu.memory_space<hbm>>
      %dma_start3A_47 = tpu.memref_squeeze %dma_start3A_46 : memref<1x1024xf32, #tpu.memory_space<hbm>> -> memref<1024xf32, #tpu.memory_space<hbm>>
      %dma_start3A_48 = arith.constant 0 : i32
      %dma_start3A_49 = tpu.memref_slice %arg6[%add3A, %dma_start3A_48] : memref<32x1024xf32, #tpu.memory_space<hbm>> -> memref<1x1024xf32, #tpu.memory_space<hbm>>
      %dma_start3A_50 = tpu.memref_squeeze %dma_start3A_49 : memref<1x1024xf32, #tpu.memory_space<hbm>> -> memref<1024xf32, #tpu.memory_space<hbm>>
      tpu.enqueue_dma source(%arg14 : memref<1024xf32, #tpu.memory_space<vmem>>) target(%dma_start3A_50 : memref<1024xf32, #tpu.memory_space<hbm>>) target_semaphore(%run_scoped3A : memref<!tpu.dma_semaphore, #tpu.memory_space<semaphore_mem>>)
      %dma_wait3A_51 = arith.constant 0 : i32
      %dma_wait3A_52 = tpu.memref_slice %arg6[%add3A, %dma_wait3A_51] : memref<32x1024xf32, #tpu.memory_space<hbm>> -> memref<1x1024xf32, #tpu.memory_space<hbm>>
      %dma_wait3A_53 = tpu.memref_squeeze %dma_wait3A_52 : memref<1x1024xf32, #tpu.memory_space<hbm>> -> memref<1024xf32, #tpu.memory_space<hbm>>
      %dma_wait3A_54 = arith.constant 0 : i32
      %dma_wait3A_55 = tpu.memref_slice %arg6[%add3A, %dma_wait3A_54] : memref<32x1024xf32, #tpu.memory_space<hbm>> -> memref<1x1024xf32, #tpu.memory_space<hbm>>
      %dma_wait3A_56 = tpu.memref_squeeze %dma_wait3A_55 : memref<1x1024xf32, #tpu.memory_space<hbm>> -> memref<1024xf32, #tpu.memory_space<hbm>>
      tpu.wait_dma2 semaphore(%run_scoped3A : memref<!tpu.dma_semaphore, #tpu.memory_space<semaphore_mem>>) src(%arg14 : memref<1024xf32, #tpu.memory_space<vmem>>) dst(%dma_wait3A_56 : memref<1024xf32, #tpu.memory_space<hbm>>)
      tpu.yield
    }) : () -> ()
    "tpu.region"() ({
      %run_scoped3A = tpu.sem_alloc : memref<!tpu.dma_semaphore, #tpu.memory_space<semaphore_mem>>
      %dma_start3A_45 = arith.constant 0 : i32
      %dma_start3A_46 = tpu.memref_slice %arg7[%add3A, %dma_start3A_45] : memref<32x1024xf32, #tpu.memory_space<hbm>> -> memref<1x1024xf32, #tpu.memory_space<hbm>>
      %dma_start3A_47 = tpu.memref_squeeze %dma_start3A_46 : memref<1x1024xf32, #tpu.memory_space<hbm>> -> memref<1024xf32, #tpu.memory_space<hbm>>
      %dma_start3A_48 = arith.constant 0 : i32
      %dma_start3A_49 = tpu.memref_slice %arg7[%add3A, %dma_start3A_48] : memref<32x1024xf32, #tpu.memory_space<hbm>> -> memref<1x1024xf32, #tpu.memory_space<hbm>>
      %dma_start3A_50 = tpu.memref_squeeze %dma_start3A_49 : memref<1x1024xf32, #tpu.memory_space<hbm>> -> memref<1024xf32, #tpu.memory_space<hbm>>
      tpu.enqueue_dma source(%arg15 : memref<1024xf32, #tpu.memory_space<vmem>>) target(%dma_start3A_50 : memref<1024xf32, #tpu.memory_space<hbm>>) target_semaphore(%run_scoped3A : memref<!tpu.dma_semaphore, #tpu.memory_space<semaphore_mem>>)
      %dma_wait3A_51 = arith.constant 0 : i32
      %dma_wait3A_52 = tpu.memref_slice %arg7[%add3A, %dma_wait3A_51] : memref<32x1024xf32, #tpu.memory_space<hbm>> -> memref<1x1024xf32, #tpu.memory_space<hbm>>
      %dma_wait3A_53 = tpu.memref_squeeze %dma_wait3A_52 : memref<1x1024xf32, #tpu.memory_space<hbm>> -> memref<1024xf32, #tpu.memory_space<hbm>>
      %dma_wait3A_54 = arith.constant 0 : i32
      %dma_wait3A_55 = tpu.memref_slice %arg7[%add3A, %dma_wait3A_54] : memref<32x1024xf32, #tpu.memory_space<hbm>> -> memref<1x1024xf32, #tpu.memory_space<hbm>>
      %dma_wait3A_56 = tpu.memref_squeeze %dma_wait3A_55 : memref<1x1024xf32, #tpu.memory_space<hbm>> -> memref<1024xf32, #tpu.memory_space<hbm>>
      tpu.wait_dma2 semaphore(%run_scoped3A : memref<!tpu.dma_semaphore, #tpu.memory_space<semaphore_mem>>) src(%arg15 : memref<1024xf32, #tpu.memory_space<vmem>>) dst(%dma_wait3A_56 : memref<1024xf32, #tpu.memory_space<hbm>>)
      tpu.yield
    }) : () -> ()
    return
  }
}

module attributes {stable_mosaic.version = 14 : i64} {
  func.func @k(%arg0: memref<32x1024xf32, #tpu.memory_space<vmem>>, %arg1: memref<32x1024xf32, #tpu.memory_space<vmem>>, %arg2: memref<1x1xf32, #tpu.memory_space<smem>>) attributes {dimension_semantics = [], scalar_prefetch = 0 : i64, scratch_operands = 0 : i64, tpu.core_type = #tpu.core_type<tc>} {
    %get3A = arith.constant 0 : index
    %get3A_0 = arith.constant 0 : index
    %get3A_1 = vector.load %arg0[%get3A, %get3A_0] : memref<32x1024xf32, #tpu.memory_space<vmem>>, vector<32x1024xf32>
    %reduce_sum3A = arith.constant dense<0.000000e+00> : vector<1024xf32>
    %reduce_sum3A_2 = vector.multi_reduction <add>, %get3A_1, %reduce_sum3A [0] : vector<32x1024xf32> to vector<1024xf32>
    %get3A_3 = arith.constant 0 : index
    %get3A_4 = arith.constant 0 : index
    %get3A_5 = vector.load %arg1[%get3A_3, %get3A_4] : memref<32x1024xf32, #tpu.memory_space<vmem>>, vector<32x1024xf32>
    %reduce_sum3A_6 = arith.constant dense<0.000000e+00> : vector<1024xf32>
    %reduce_sum3A_7 = vector.multi_reduction <add>, %get3A_5, %reduce_sum3A_6 [0] : vector<32x1024xf32> to vector<1024xf32>
    %jit3A = arith.constant 1.000000e+00 : f32
    %max3A = vector.broadcast %jit3A : f32 to vector<1024xf32>
    %max3A_8 = arith.maximumf %max3A, %reduce_sum3A_7 : vector<1024xf32>
    %div3A = arith.divf %reduce_sum3A_2, %max3A_8 : vector<1024xf32>
    %reduce_sum3A_9 = vector.shape_cast %div3A : vector<1024xf32> to vector<1x1024xf32>
    %reduce_sum3A_10 = arith.constant dense<0.000000e+00> : vector<1xf32>
    %reduce_sum3A_11 = vector.multi_reduction <add>, %reduce_sum3A_9, %reduce_sum3A_10 [1] : vector<1x1024xf32> to vector<1xf32>
    %reduce_sum3A_12 = vector.shape_cast %reduce_sum3A_11 : vector<1xf32> to vector<1x1xf32>
    %reduce_sum3A_13 = vector.extract %reduce_sum3A_12[0, 0] : f32 from vector<1x1xf32>
    %div3A_14 = arith.constant 1.024000e+03 : f32
    %div3A_15 = arith.divf %reduce_sum3A_13, %div3A_14 : f32
    %swap3A = arith.constant 0 : index
    %swap3A_16 = arith.constant 0 : index
    %swap3A_17 = memref.load %arg2[%swap3A, %swap3A_16] : memref<1x1xf32, #tpu.memory_space<smem>>
    memref.store %div3A_15, %arg2[%swap3A, %swap3A_16] : memref<1x1xf32, #tpu.memory_space<smem>>
    return
  }
}

</mosaic_0001>

<sc_bundles>
// kernel: kernel.4.cloned.1.call-start
scs
__scs_entry_jumppad:
0x0: {  	(pc) =	sbr.rel $0x88, $3  }
0x1: {  	(tag) =	ssettag $0x0;
	lr =	simm.s32 $0x1  }
0x2: {  	[smem:$0x3F9E] =	sst lr;
	_ =	strace $0xD0000000  }
0x3: {  	_ = 	snop  }
0x4: {  	_ = 	snop  }
0x5: {  	_ = 	snop  }
0x6: {  	_ = 	snop  }
0x7: {  	_ = 	snop  }
__scs_overlays_trampoline_lowered:
0x8: {  	[smem:$0x3FAD] =	sst s0  }
0x9: {  	[smem:$0x3FAE] =	sst s1  }
0xa: {  	[smem:$0x3FAF] =	sst s2  }
0xb: {  	[smem:$0x3FB0] =	sst s3  }
0xc: {  	[smem:$0x3FB1] =	sst s4  }
0xd: {  	[smem:$0x3FB2] =	sst s5  }
0xe: {  	[smem:$0x3FB3] =	sst s6  }
0xf: {  	[smem:$0x3FB4] =	sst s7  }
0x10: {  	[smem:$0x3FB5] =	sst s8  }
0x11: {  	[smem:$0x3FB6] =	sst s9;
	s0 =	simm.s32 @!p0 $0x0  }
0x12: {  	s1 =	sld [smem:$0x3F9C];
	s0 =	simm.s32 @p0 $0x1  }
0x13: {  	[smem:$0x3FB7] =	sst s0;
	s0 =	simm.s32 @!p1 $0x0  }
0x14: {  	s2 =	sld [smem:$0x3F9B];
	s0 =	simm.s32 @p1 $0x1  }
0x15: {  	[smem:$0x3FB8] =	sst s0;
	s0 =	simm.s32 @!p2 $0x0  }
0x16: {  	s3 =	sld [smem:$0x3FDB];
	s0 =	simm.s32 @p2 $0x1  }
0x17: {  	s4 =	simm.s32 $0x1BF5;
	[smem:$0x3FBA] =	sst s0  }
0x18: {  	s0 =	sld [smem:$0x3F9D];
	_ =	swait.ge [sflag:s4], $0x0  }
0x19: {  	s7 =	sld [smem:$0x3F9E]  }
0x1a: {  	s8 =	sadd.s32 $0xFFFFE003, lr  }
0x1b: {  	s9 =	sadd.s32 $0xFFFFFEF7, lr;
	s5 =	simm.s32 $0xFFFFFFFF;
	p2 =	slt.u32 s8, $0xFFFFF086  }
0x1c: {  	p1 =	slt.u32 s9, $0xF7A;
	s5 =	simm.s32 @!p2 $0x0  }
0x1d: {  	s5 =	simm.s32 @p1 $0x1;
	p0 =	seq.s32 s7, s2  }
0x1e: {  	s7 =	smul.u32 @!p0 $0xF7A, s2;
	p2 =	seq.s32 @!p0 s5, $0x0  }
0x1f: {  	s9 =	smul.u32 $0xF7A, s1;
	s8 =	simm.s32 @!p0 $0x1BF5;
	p2 =	por !p2, p0  }
0x20: {  	[sflag:s8] =	ssyncset.s32 @!p0 $0xFFFFF086;
	s6 =	sadd.s32 @!p0 s3, s7;
	s7 =	simm.s32 @!p0 $0x108  }
0x21: {  	s3 =	sadd.s32 s3, s9;
	s6 =	sadd.s32 @!p0 $0x88, s6;
	s7 =	simm.s32 @p2 $0x1082  }
0x22: {  	[simem:s7], [sflag:s8] =	dma.local @!p0 [hbm:s6], $0xF7A  }
0x23: {  	s9 =	sor.u32 $0xD0000000, s2;
	s6 =	simm.s32 $0x108;
	_ =	swait.ge @!p0 [sflag:s8], $0x0  }
0x24: {  	s3 =	sadd.s32 $0x88, s3;
	s6 =	simm.s32 @!p1 $0x1082;
	[sflag:s4] =	ssyncset.s32 $0xFFFFF086  }
0x25: {  	[simem:s6], [sflag:s4] =	dma.local [hbm:s3], $0xF7A  }
0x26: {  	[smem:$0x3F9E] =	sst s1;
	(tag) =	ssettag s2;
	_ =	strace s9  }
0x27: {  	s1 =	sld [smem:$0x3FAE]  }
0x28: {  	s2 =	sld [smem:$0x3FAF]  }
0x29: {  	s4 =	sld [smem:$0x3FB1]  }
0x2a: {  	p0 =	seq.s32 s5, $0x0;
	s5 =	sld [smem:$0x3FB2]  }
0x2b: {  	s6 =	sld [smem:$0x3FB3]  }
0x2c: {  	s7 =	sld [smem:$0x3FB4]  }
0x2d: {  	s3 =	simm.s32 $0x108;
	s8 =	sld [smem:$0x3FB5]  }
0x2e: {  	s3 =	simm.s32 @!p0 $0x1082;
	s9 =	sld [smem:$0x3FB6]  }
0x2f: {  	lr =	sadd.s32 s0, s3;
	s0 =	sld [smem:$0x3FAD]  }
0x30: {  	s3 =	sld [smem:$0x3FB0]  }
0x31: {  	[smem:$0x3FB9] =	sst s10  }
0x32: {  	s10 =	sld [smem:$0x3FB7];
	_ =	sdelay $0x3  }
0x33: {  	p0 =	seq.s32 s10, $0x1;
	s10 =	sld [smem:$0x3FB9];
	_ =	sdelay $0x3  }
0x34: {  	[smem:$0x3FB9] =	sst s10  }
0x35: {  	s10 =	sld [smem:$0x3FB8];
	_ =	sdelay $0x3  }
0x36: {  	p1 =	seq.s32 s10, $0x1;
	s10 =	sld [smem:$0x3FB9];
	_ =	sdelay $0x3  }
0x37: {  	[smem:$0x3FB9] =	sst s10  }
0x38: {  	s10 =	sld [smem:$0x3FBA]  }
0x39: {  	_ = 	snop;
	(pc) =	sbr.ind lr, $3  }
0x3a: {  	_ = 	snop  }
0x3b: {  	_ = 	snop  }
0x3c: {  	p2 =	seq.s32 s10, $0x1;
	s10 =	sld [smem:$0x3FB9]  }
0x3d: {  	_ =	shalt  }
0x3e: {  	_ =	shalt  }
0x3f: {  	_ =	shalt  }
0x40: {  	_ =	shalt  }
0x41: {  	_ =	shalt  }
0x42: {  	_ =	shalt  }
0x43: {  	_ =	shalt  }
0x44: {  	_ =	shalt  }
0x45: {  	_ =	shalt  }
0x46: {  	_ =	shalt  }
0x47: {  	_ =	shalt  }
0x48: {  	_ =	shalt  }
0x49: {  	_ =	shalt  }
0x4a: {  	_ =	shalt  }
0x4b: {  	_ =	shalt  }
0x4c: {  	_ =	shalt  }
0x4d: {  	_ =	shalt  }
0x4e: {  	_ =	shalt  }
0x4f: {  	_ =	shalt  }
0x50: {  	_ =	shalt  }
0x51: {  	_ =	shalt  }
0x52: {  	_ =	shalt  }
0x53: {  	_ =	shalt  }
0x54: {  	_ =	shalt  }
0x55: {  	_ =	shalt  }
0x56: {  	_ =	shalt  }
0x57: {  	_ =	shalt  }
0x58: {  	_ =	shalt  }
0x59: {  	_ =	shalt  }
0x5a: {  	_ =	shalt  }
0x5b: {  	_ =	shalt  }
0x5c: {  	_ =	shalt  }
0x5d: {  	_ =	shalt  }
0x5e: {  	_ =	shalt  }
0x5f: {  	_ =	shalt  }
0x60: {  	_ =	shalt  }
0x61: {  	_ =	shalt  }
0x62: {  	_ =	shalt  }
0x63: {  	_ =	shalt  }
0x64: {  	_ =	shalt  }
0x65: {  	_ =	shalt  }
0x66: {  	_ =	shalt  }
0x67: {  	_ =	shalt  }
0x68: {  	_ =	shalt  }
0x69: {  	_ =	shalt  }
0x6a: {  	_ =	shalt  }
0x6b: {  	_ =	shalt  }
0x6c: {  	_ =	shalt  }
0x6d: {  	_ =	shalt  }
0x6e: {  	_ =	shalt  }
0x6f: {  	_ =	shalt  }
0x70: {  	_ =	shalt  }
0x71: {  	_ =	shalt  }
0x72: {  	_ =	shalt  }
0x73: {  	_ =	shalt  }
0x74: {  	_ =	shalt  }
0x75: {  	_ =	shalt  }
0x76: {  	_ =	shalt  }
0x77: {  	_ =	shalt  }
0x78: {  	_ =	shalt  }
0x79: {  	_ =	shalt  }
0x7a: {  	_ =	shalt  }
0x7b: {  	_ =	shalt  }
0x7c: {  	_ =	shalt  }
0x7d: {  	_ =	shalt  }
0x7e: {  	_ =	shalt  }
0x7f: {  	_ =	shalt  }
0x80: {  	_ =	shalt  }
0x81: {  	_ =	shalt  }
0x82: {  	_ =	shalt  }
0x83: {  	_ =	shalt  }
0x84: {  	_ =	shalt  }
0x85: {  	_ =	shalt  }
0x86: {  	_ =	shalt  }
0x87: {  	_ =	shalt  }
.Lfunc_end0:
.L_simem_size_0:
called_computation_lowered:
.L_overlay_start_0:
0x88: {  	s2 =	sld [smem:$0x3FD9]  }
0x89: {  	s3 =	sld [smem:$0x3FFE];
	_ =	sdelay $0x1  }
0x8a: {  	s1 =	srdreg.scid  }
0x8b: {  	s0 =	sand.u32 $0x1, s1  }
0x8c: {  	s17 =	sshll.u32 s0, $0xA;
	s2 =	sadd.s32 s3, s2  }
0x8d: {  	s2 =	sadd.s32 s2, s17  }
0x8e: {  	[smem:$0x3FC5] =	sst s2  }
0x8f: {  	_ = 	snop  }
0x90: {  	s2 =	sld [smem:$0x3FC9]  }
0x91: {  	s18 =	sld [smem:$0x3FC8]  }
0x92: {  	s4 =	sld [smem:$0x3FC7];
	(tm) =	ssettm $0x1  }
0x93: {  	s5 =	sld [smem:$0x3FFB];
	_ =	sdelay $0x3  }
0x94: {  	_ =	strace s5  }
0x95: {  	s5 =	sld [smem:$0x3FFC];
	_ =	sdelay $0x3  }
0x96: {  	_ =	strace s5  }
0x97: {  	s5 =	sld [smem:$0x3FFD];
	_ =	sdelay $0x3  }
0x98: {  	_ =	strace s5  }
0x99: {  	_ =	strace $0x8FFFFFFF  }
0x9a: {  	s19 =	sld [smem:$0x3FDB];
	_ =	sdelay $0x1  }
0x9b: {  	s6 =	simm.s32 $_scs_section_size  }
0x9c: {  	s7 =	simm.s32 $_size__tile_overlayer_lowered;
	s8 =	simm.s32 $_tile_overlayer_lowered  }
0x9d: {  	s22 =	simm.s32 $0x1BFF;
	s21 =	sshll.u32 s8, $0x1;
	s5 =	sadd.s32 s6, s19  }
0x9e: {  	s9 =	simm.s32 $0x0;
	s20 =	sshll.u32 s7, $0x1;
	s7 =	sadd.s32 s21, s5  }
0x9f: {  	[timem:s9], [sflag:s22] =	dma.local [hbm:s7], s20  }
0xa0: {  	_ =	swait.ge [sflag:s22], s20  }
0xa1: {  	s6 =	ssub.s32 $0x0, s20;
	[sflag:s22] =	ssyncset.done $0x0  }
0xa2: {  	[sflag:s22] =	ssyncadd.s32 s6;
	_ =	sdelay $0x1  }
0xa3: {  	s23 =	simm.s32 $0x1B8B  }
0xa4: {  	_ =	swait.ge [sflag:s23], $0x1  }
0xa5: {  	[sflag:s23] =	ssyncset.done $0x0  }
0xa6: {  	s25 =	simm.s32 $0x1B8E;
	s24 =	sld [smem:$0x3FFE];
	[sflag:s23] =	ssyncadd.s32 $0xFFFFFFFF  }
0xa7: {  	s26 =	simm.s32 $execute0_lowered;
	[smem:$0x3FD2] =	sst s25  }
0xa8: {  	s7 =	sshll.u32 s26, $0x1;
	_ =	strace $0x80000046;
	[dreg:$0x1] =	wrdreg $0xFFFFFFFF  }
0xa9: {  	s28 =	simm.s32 $_size_execute0_lowered;
	s5 =	sadd.s32 s5, s7;
	[dreg:$0x0] =	wrdreg $0x0  }
0xaa: {  	s7 =	sshll.u32 s28, $0x1;
	[dreg:$0x2] =	wrdreg s5  }
0xab: {  	[dreg:$0x3] =	wrdreg s7  }
0xac: {  	[dreg:$0x4] =	wrdreg $0xC0  }
0xad: {  	_ =	task [dreg:s9], $0x5FFFF  }
0xae: {  	[dreg:$0x1] =	wrdreg $0xFFFFFFFF  }
0xaf: {  	[dreg:$0x0] =	wrdreg $0x60  }
0xb0: {  	[dreg:$0x2] =	wrdreg s2  }
0xb1: {  	[dreg:$0x3] =	wrdreg s18  }
0xb2: {  	[dreg:$0x4] =	wrdreg s4  }
0xb3: {  	[dreg:$0x5] =	wrdreg s24  }
0xb4: {  	[dreg:$0x6] =	wrdreg $0x9  }
0xb5: {  	_ =	task.clear_ibuf [dreg:s9], $0x7FFFF;
	_ =	strace $0x90000046  }
0xb6: {  	s29 =	simm.s32 $0x9;
	_ =	strace $0x80000048  }
0xb7: {  	_ =	swait.ge [sflag:s29], $0x1  }
0xb8: {  	[sflag:s29] =	ssyncadd.s32 $0xFFFFFFFF  }
0xb9: {  	_ =	strace $0x90000048  }
0xba: {  	_ =	sfence  }
0xbb: {  	s30 =	sld [smem:$0x0];
	_ =	sdelay $0x2  }
0xbc: {  	s31 =	sshll.u32 s1, $0xD;
	s1 =	sshrl.u32 s1, $0x2  }
0xbd: {  	s3 =	sand.u32 $0x4000, s31;
	s1 =	sadd.s32 s1, s30  }
0xbe: {  	s0 =	sor.u32 s3, s0;
	s1 =	sshll.u32 s1, $0x11  }
0xbf: {  	s0 =	sor.u32 s1, s0  }
0xc0: {  	s0 =	sadd.s32 $0x8F2B, s0  }
0xc1: {  	[sflag:s0] =	ssyncadd.remote.s32 $0x1  }
0xc2: {  	_ =	sfence.sel $0xFFFF  }
0xc3: {  	[dreg:$0x0] =	wrdreg $0xFFFFFFFF;
	(pc) =	sbr.abs _section_cstart, $3  }
0xc4: {  	[dreg:$0x1] =	wrdreg $0xFFFFFFFF  }
0xc5: {  	_ =	task.clear_ibuf [dreg:s9], $0x2FFFF;
	_ =	strace $0x9FFFFFFF  }
0xc6: {  	(tm) =	ssettm $0x7FFFFFFF  }
0xc7: {  	_ =	shalt  }
tec
execute0_lowered:
.L_overlay_start_1:
0x0: {  	(tag) =	ssettag $0x1  }
0x1: {  	s1 =	rddreg [dreg:$0x0]  }
0x2: {  	s2 =	rddreg [dreg:$0x1]  }
0x3: {  	s3 =	rddreg [dreg:$0x2]  }
0x4: {  	s0 =	rddreg [dreg:$0x3];
	s5 =	simm.s32 $0x0;
	s4 =	srdreg.scid  }
0x5: {  	s6 =	stileid.u32;
	s15 =	simm.s32 $0xF500;
	s16 =	simm.s32 $0x3  }
0x6: {  	s17 =	simm.s32 $0x4F00;
	s18 =	simm.s32 $0x9E00;
	s19 =	simm.s32 $0x1  }
0x7: {  	s20 =	simm.s32 $0x2780;
	s29 =	simm.s32 $0x0;
	s31 =	simm.s32 $0x0  }
0x8: {  	[smem:$0x7FF] =	sst s5;
	s4 =	sand.u32 $0x1, s4;
	s21 =	sshll.u32 s6, $0x1  }
0x9: {  	s6 =	sshll.u32 s6, $0x8;
	s8 =	sadd.s32 $0xC00, s0;
	_ =	strace $0x80000047  }
0xa: {  	s5 =	sor.u32 s4, s21;
	[dreg:$0x5] =	wrdreg s8;
	s4 =	ssub.s32 $0x2, s4  }
0xb: {  	s7 =	sshll.u32 s5, $0x4;
	s5 =	smul.u32 $0x30D40, s5;
	s22 =	sshrl.u32 s4, $0x1  }
0xc: {  	s21 =	simm.s32 $0x7680;
	s6 =	sor.u32 s6, s7;
	s4 =	ssub.s32 s4, s22  }
0xd: {  	s22 =	simm.s32 $0xC580;
	s23 =	sshrl.u32 s5, $0x3;
	s30 =	smax.u32 s4, $0x1  }
0xe: {  	s6 =	sand.u32 $0xC70, s6;
	s24 =	sadd.s32 s1, s23;
	[dreg:$0xb] =	wrdreg s30  }
0xf: {  	s10 =	sadd.s32 $0x2710, s5;
	s25 =	sadd.s32 s2, s23;
	[dreg:$0x6] =	wrdreg s24  }
0x10: {  	s0 =	sadd.s32 s6, s0;
	s26 =	sadd.s32 s3, s23;
	[dreg:$0x7] =	wrdreg s25  }
0x11: {  	s11 =	sadd.s32 $0x4E20, s5;
	[dreg:$0x8] =	wrdreg s26;
	s28 =	sadd.s32 $0xE00, s0  }
0x12: {  	s23 =	simm.s32 $0x2;
	s0 =	sadd.s32 $0x1E00, s0;
	[dreg:$0x9] =	wrdreg s28  }
0x13: {  	v0 =	vimm.f32 $0.0e+00;
	v1 =	vlaneseq.u32;
	v2 =	vimm.f32 $1.000000000e+00;
	s24 =	simm.s32 $0xED00;
	s25 =	simm.s32 $0xF100;
	[dreg:$0xa] =	wrdreg s0  }
.LBB2_1:
0x14: {  	s0 =	simm.s32 $0x0;
	s4 =	rddreg [dreg:$0x5]  }
0x15: {  	[tilespmem:s15], [sflag:$0x3] =	stream.linear.gather [hbm4b:s4+s0], $0x1000, $0x38;
	[tilespmem:$0x10500] =	vst v63  }
0x16: {  	_ =	swait.ge [sflag:s16], $0x1000  }
0x17: {  	[sflag:s16] =	ssyncset.done $0x0  }
0x18: {  	s0 =	simm.s32 $0x40;
	s4 =	simm.s32 $0x0;
	[sflag:s16] =	ssyncadd.s32 $0xFFFFF000  }
.LBB2_2:
0x19: {  	p0 =	sne.s32 s0, $0xFC0;
	[tilespmem:s4+$0xED00] =	vst v0;
	s5 =	smov.u32 s0;
	s0 =	sadd.s32 $0x40, s0  }
.Ltmp0:
0x1a: {  	[tilespmem:s4+$0xF100] =	vst v0;
	(pc) =	sbr.rel @p0 .LBB2_2-.Ltmp0, $2  }
0x1b: {  	_ =	sdelay $0x2  }
0x1c: {  	s4 =	sshra.s32 s5, $0x2  }
0x1d: {  	[tilespmem:s4+$0xED00] =	vst v0  }
0x1e: {  	[tilespmem:s4+$0xF100] =	vst v0;
	s0 =	rddreg [dreg:$0x6]  }
0x1f: {  	[tilespmem:s31], [sflag:$0x1] =	stream.linear.gather [hbm4b:s0+s31], $0x2710, $0x38;
	[tilespmem:$0x10500] =	vst v63  }
.Ltmp1:
0x20: {  	s26 =	rddreg [dreg:$0x7];
	(pc) =	sbr.rel .LBB2_4-.Ltmp1, $4  }
0x21: {  	s28 =	rddreg [dreg:$0x8]  }
0x22: {  	[tilespmem:s17], [sflag:$0x1] =	stream.linear.gather [hbm4b:s26+s31], $0x2710, $0x38;
	[tilespmem:$0x10500] =	vst v63  }
0x23: {  	s30 =	simm.s32 $0x0;
	s7 =	simm.s32 $0x0;
	s0 =	simm.s32 $0x0  }
0x24: {  	v3 =	vimm.f32 $0.0e+00;
	[tilespmem:s18], [sflag:$0x1] =	stream.linear.gather [hbm4b:s28+s31], $0x2710, $0x38;
	[tilespmem:$0x10500] =	vst v63  }
.LBB2_38:
0x25: {  	s0 =	sadd.s32 $0x1, s0  }
0x26: {  	p0 =	sne.s32 s0, $0xA  }
.Ltmp2:
0x27: {  	_ = 	snop;
	(pc) =	sbr.rel @!p0 .LBB2_39-.Ltmp2, $1  }
0x28: {  	_ =	sdelay $0x3  }
.LBB2_4:
0x29: {  	_ =	swait.ge [sflag:s19], $0x2710  }
0x2a: {  	[sflag:s19] =	ssyncset.done $0x0  }
0x2b: {  	[sflag:s19] =	ssyncadd.s32 $0xFFFFD8F0  }
0x2c: {  	_ =	swait.ge [sflag:s19], $0x2710  }
0x2d: {  	s4 =	smul.u32 $0x4E20, s0;
	[sflag:s19] =	ssyncset.done $0x0  }
0x2e: {  	[sflag:s19] =	ssyncadd.s32 $0xFFFFD8F0  }
0x2f: {  	s4 =	sadd.s32 s4, s10;
	_ =	swait.ge [sflag:s19], $0x2710  }
0x30: {  	s4 =	sshrl.u32 s4, $0x3;
	[sflag:s19] =	ssyncset.done $0x0  }
0x31: {  	s5 =	sadd.s32 s1, s4;
	[sflag:s19] =	ssyncadd.s32 $0xFFFFD8F0  }
0x32: {  	[tilespmem:s20], [sflag:$0x2] =	stream.linear.gather [hbm4b:s5+s31], $0x2710, $0x38;
	[tilespmem:$0x10500] =	vst v63  }
0x33: {  	s28 =	sadd.s32 s2, s4  }
0x34: {  	[tilespmem:s21], [sflag:$0x2] =	stream.linear.gather [hbm4b:s28+s31], $0x2710, $0x38;
	[tilespmem:$0x10500] =	vst v63  }
0x35: {  	s4 =	sadd.s32 s3, s4  }
0x36: {  	[tilespmem:s22], [sflag:$0x2] =	stream.linear.gather [hbm4b:s4+s31], $0x2710, $0x38;
	[tilespmem:$0x10500] =	vst v63  }
0x37: {  	v4 =	vld [tilespmem:$0x9E00]  }
0x38: {  	v5 =	vld [tilespmem:$0x9F80];
	_ =	sdelay $0x3  }
0x39: {  	(v2sf) =	vpush v4, $0x0  }
0x3a: {  	(v2sf) =	vpush v5, $0xF;
	_ =	sdelay $0xa  }
.Ltmp3:
0x3b: {  	_ = 	snop;
	(pc) =	sbr.rel .LBB2_5-.Ltmp3, $3  }
0x3c: {  	_ =	sdelay $0x1  }
0x3d: {  	s9 =	simm.s32 $0x0;
	s6 =	spop (v2sf)  }
0x3e: {  	s5 =	simm.s32 $0x5;
	s4 =	simm.s32 $0x5;
	s12 =	spop (v2sf)  }
.LBB2_6:
0x3f: {  	s28 =	smul.u32 $0x190, s9;
	_ =	sdelay $0x1  }
0x40: {  	v17 =	vld [tilespmem:s28+$0x0]  }
0x41: {  	v12 =	vld [tilespmem:s28+$0x10]  }
0x42: {  	v27 =	vld [tilespmem:s28+$0x20]  }
0x43: {  	v32 =	vld [tilespmem:s28+$0x40]  }
0x44: {  	v30 =	vld [tilespmem:s28+$0x50];
	_ =	sdelay $0x1  }
0x45: {  	v37 =	vld [tilespmem:s28+$0x30];
	v4 =	vand.u32 $0x7FFFFFFF, v17  }
0x46: {  	v28 =	vld [tilespmem:s28+$0x70];
	v5 =	vand.u32 $0x7FFFFFFF, v12;
	v4 =	vmul.f32 $2.560000000e+02, v4  }
0x47: {  	v23 =	vld [tilespmem:s28+$0x90];
	v6 =	vand.u32 $0x7FFFFFFF, v27;
	v5 =	vmul.f32 $2.560000000e+02, v5  }
0x48: {  	v7 =	vand.u32 $0x7FFFFFFF, v32;
	v47 =	vand.u32 $0x7FFFFFFF, v30;
	v4 =	vmin.f32 v4, $4.095000000e+03  }
0x49: {  	v6 =	vmul.f32 $2.560000000e+02, v6;
	v5 =	vmin.f32 v5, $4.095000000e+03;
	v4 =	vtrunc.f32 v4  }
0x4a: {  	v31 =	vld [tilespmem:s28+$0x60];
	v9 =	vcvt.f32.s32 v4;
	v4 =	vtrunc.f32 v5;
	v5 =	vand.u32 $0x7FFFFFFF, v37  }
0x4b: {  	v48 =	vand.u32 $0x7FFFFFFF, v28;
	v6 =	vmin.f32 v6, $4.095000000e+03;
	v5 =	vmul.f32 $2.560000000e+02, v5  }
0x4c: {  	s9 =	sand.u32 $0x3FF0, s28;
	v19 =	vld [tilespmem:s28+$0xA0];
	v49 =	vand.u32 $0x7FFFFFFF, v23;
	v7 =	vmul.f32 $2.560000000e+02, v7;
	v6 =	vtrunc.f32 v6  }
0x4d: {  	v24 =	vld [tilespmem:s9+$0x80];
	v46 =	vcvt.f32.s32 v6;
	v18 =	vcvt.f32.s32 v4;
	v4 =	vmin.f32 v5, $4.095000000e+03  }
0x4e: {  	v13 =	vld [tilespmem:s28+$0xF0];
	v6 =	vmul.f32 $2.560000000e+02, v47;
	v5 =	vmin.f32 v7, $4.095000000e+03;
	v4 =	vtrunc.f32 v4  }
0x4f: {  	v5 =	vtrunc.f32 v5;
	v47 =	vcvt.f32.s32 v4;
	v4 =	vand.u32 $0x7FFFFFFF, v31  }
0x50: {  	v45 =	vcvt.f32.s32 v5;
	v5 =	vmin.f32 v6, $4.095000000e+03;
	v4 =	vmul.f32 $2.560000000e+02, v4  }
0x51: {  	v20 =	vld [tilespmem:s28+$0xB0];
	v50 =	vand.u32 $0x7FFFFFFF, v19;
	v6 =	vmul.f32 $2.560000000e+02, v48;
	v5 =	vtrunc.f32 v5  }
0x52: {  	v43 =	vcvt.f32.s32 v5;
	v5 =	vand.u32 $0x7FFFFFFF, v24;
	v4 =	vmin.f32 v4, $4.095000000e+03  }
0x53: {  	v53 =	vand.u32 $0x7FFFFFFF, v13;
	v5 =	vmul.f32 $2.560000000e+02, v5;
	v4 =	vtrunc.f32 v4  }
0x54: {  	v15 =	vld [tilespmem:s28+$0xD0];
	v8 =	vmul.f32 $2.560000000e+02, v53;
	v6 =	vmin.f32 v6, $4.095000000e+03;
	v42 =	vcvt.f32.s32 v4  }
0x55: {  	v16 =	vld [tilespmem:s28+$0xC0];
	v4 =	vtrunc.f32 v6;
	v5 =	vmin.f32 v5, $4.095000000e+03;
	v6 =	vmul.f32 $2.560000000e+02, v49  }
0x56: {  	v11 =	vld [tilespmem:s28+$0x110];
	v51 =	vand.u32 $0x7FFFFFFF, v20;
	v7 =	vmul.f32 $2.560000000e+02, v50;
	v5 =	vtrunc.f32 v5  }
0x57: {  	v14 =	vld [tilespmem:s28+$0xE0];
	v44 =	vcvt.f32.s32 v4;
	v40 =	vcvt.f32.s32 v5;
	v4 =	vmin.f32 v6, $4.095000000e+03  }
0x58: {  	s13 =	sadd.s32 $0x20, s28;
	v10 =	vld [tilespmem:s9+$0x100];
	v5 =	vmin.f32 v7, $4.095000000e+03;
	v6 =	vmul.f32 $2.560000000e+02, v51;
	v4 =	vtrunc.f32 v4  }
0x59: {  	v63 =	vld [tilespmem:s13+$0x4F00];
	v52 =	vand.u32 $0x7FFFFFFF, v15;
	v5 =	vtrunc.f32 v5;
	v41 =	vcvt.f32.s32 v4  }
0x5a: {  	s7 =	sadd.s32 $0x10, s28;
	v38 =	vcvt.f32.s32 v5;
	v4 =	vand.u32 $0x7FFFFFFF, v16;
	v5 =	vmin.f32 v6, $4.095000000e+03  }
0x5b: {  	v55 =	vand.u32 $0x7FFFFFFF, v11;
	v53 =	vld [tilespmem:s7+$0x4F00];
	v4 =	vmul.f32 $2.560000000e+02, v4;
	v5 =	vtrunc.f32 v5  }
0x5c: {  	v6 =	vmul.f32 $2.560000000e+02, v52;
	v39 =	vcvt.f32.s32 v5;
	v5 =	vand.u32 $0x7FFFFFFF, v14  }
0x5d: {  	v54 =	vand.u32 $0x7FFFFFFF, v10;
	v4 =	vmin.f32 v4, $4.095000000e+03;
	v5 =	vmul.f32 $2.560000000e+02, v5  }
0x5e: {  	vm6 =	veq.s32 v63, $0x0;
	v6 =	vmin.f32 v6, $4.095000000e+03;
	v4 =	vtrunc.f32 v4  }
0x5f: {  	v35 =	vcvt.f32.s32 v4;
	v4 =	vtrunc.f32 v6;
	v5 =	vmin.f32 v5, $4.095000000e+03;
	v6 =	vld [tilespmem:s28+$0x120]  }
0x60: {  	v21 =	vmul.f32 $2.560000000e+02, v54;
	vm1 =	veq.s32 v53, $0x0;
	v48 =	vld [tilespmem:s28+$0x4F00];
	v5 =	vtrunc.f32 v5  }
0x61: {  	v7 =	vld [tilespmem:s28+$0x130];
	v36 =	vcvt.f32.s32 v4;
	v4 =	vmin.f32 v8, $4.095000000e+03;
	v34 =	vcvt.f32.s32 v5  }
0x62: {  	v8 =	vld [tilespmem:s28+$0x140];
	v4 =	vtrunc.f32 v4;
	v5 =	vmin.f32 v21, $4.095000000e+03;
	v21 =	vmul.f32 $2.560000000e+02, v55  }
0x63: {  	v52 =	vsub.f32 $0.0e+00, v17;
	v5 =	vtrunc.f32 v5;
	v33 =	vcvt.f32.s32 v4  }
0x64: {  	v4 =	vld [tilespmem:s28+$0x150];
	v25 =	vcvt.f32.s32 v5;
	v21 =	vmin.f32 v21, $4.095000000e+03;
	v5 =	vand.u32 $0x7FFFFFFF, v6  }
0x65: {  	v50 =	vld.idx.msk [tilespmem:v9+s15+$0x0], $0xffff;
	vm0 =	veq.s32 v48, $0x0;
	v21 =	vtrunc.f32 v21;
	v22 =	vmul.f32 $2.560000000e+02, v5  }
0x66: {  	v9 =	vld [tilespmem:s28+$0x170];
	v61 =	vsel vm0, v17, v52;
	v5 =	vand.u32 $0x7FFFFFFF, v7;
	v29 =	vcvt.f32.s32 v21  }
0x67: {  	v57 =	vand.u32 $0x7FFFFFFF, v8;
	v26 =	vmul.f32 $2.560000000e+02, v5;
	v5 =	vld [tilespmem:s28+$0x160];
	v56 =	vmin.f32 v22, $4.095000000e+03  }
0x68: {  	v55 =	vsub.f32 $0.0e+00, v23;
	v49 =	vmul.f32 $2.560000000e+02, v57;
	v21 =	vtrunc.f32 v56  }
0x69: {  	v59 =	vand.u32 $0x7FFFFFFF, v4;
	v26 =	vmin.f32 v26, $4.095000000e+03;
	v21 =	vcvt.f32.s32 v21  }
0x6a: {  	v49 =	vmin.f32 v49, $4.095000000e+03;
	v58 =	vtrunc.f32 v26;
	v26 =	vmul.f32 $2.560000000e+02, v59  }
0x6b: {  	v57 =	vsub.f32 $0.0e+00, v12;
	v49 =	vtrunc.f32 v49;
	v22 =	vcvt.f32.s32 v58  }
0x6c: {  	s14 =	sadd.s32 $0x30, s28;
	v48 =	vld.idx.msk [tilespmem:v18+s15+$0x0], $0xffff;
	v58 =	vand.u32 $0x7FFFFFFF, v9;
	v51 =	vand.u32 $0x7FFFFFFF, v5;
	v54 =	vmin.f32 v26, $4.095000000e+03  }
0x6d: {  	v59 =	vld [tilespmem:s14+$0x4F00];
	v26 =	vcvt.f32.s32 v49;
	v49 =	vmax.f32 v61, $0.0e+00;
	v52 =	vmul.f32 $2.560000000e+02, v58  }
0x6e: {  	v61 =	vsub.f32 $0.0e+00, v27;
	v51 =	vmul.f32 $2.560000000e+02, v51;
	v60 =	vtrunc.f32 v54  }
0x6f: {  	v46 =	vld.idx.msk [tilespmem:v46+s15+$0x0], $0xffff;
	v49 =	vadd.f32 v49, v50;
	v50 =	vsel vm1, v12, v57;
	v57 =	vsub.f32 $0.0e+00, v37  }
0x70: {  	v17 =	vcvt.f32.s32 v60;
	v50 =	vmax.f32 v50, $0.0e+00;
	v52 =	vmin.f32 v52, $4.095000000e+03  }
0x71: {  	v47 =	vld.idx.msk [tilespmem:v47+s15+$0x0], $0xffff;
	v63 =	vsel vm6, v27, v61;
	v61 =	vsub.f32 $0.0e+00, v32;
	v62 =	vmin.f32 v51, $4.095000000e+03  }
0x72: {  	s13 =	sadd.s32 $0x40, s28;
	v12 =	vld [tilespmem:s9+$0x180];
	v60 =	vsel vm0, $0x0, v49;
	v48 =	vadd.f32 v50, v48;
	vm7 =	veq.s32 v59, $0x0  }
0x73: {  	v50 =	vld [tilespmem:s13+$0x4F00];
	v59 =	vmax.f32 v63, $0.0e+00;
	v18 =	vtrunc.f32 v62;
	v49 =	vadd.f32 v60, v49  }
0x74: {  	s14 =	sadd.s32 $0x50, s28;
	v62 =	vtrunc.f32 v52;
	v37 =	vsel vm7, v37, v57;
	v46 =	vadd.f32 v59, v46  }
0x75: {  	s13 =	sadd.s32 $0x60, s28;
	v60 =	vld [tilespmem:s14+$0x4F00];
	v59 =	vsub.f32 $0.0e+00, v30;
	v52 =	vsub.f32 $0.0e+00, v24;
	v18 =	vcvt.f32.s32 v18  }
0x76: {  	v63 =	vld [tilespmem:s13+$0x4F00];
	s14 =	sadd.s32 $0x70, s28;
	v27 =	vcvt.f32.s32 v62;
	v58 =	vsel vm1, $0x0, v48;
	v37 =	vmax.f32 v37, $0.0e+00  }
0x77: {  	v57 =	vld [tilespmem:s14+$0x4F00];
	v48 =	vadd.f32 v58, v48;
	v37 =	vadd.f32 v37, v47;
	v56 =	vsel vm6, $0x0, v46  }
0x78: {  	v62 =	vand.u32 $0x7FFFFFFF, v12;
	v46 =	vadd.f32 v56, v46;
	vm2 =	veq.s32 v50, $0x0  }
0x79: {  	v45 =	vld.idx.msk [tilespmem:v45+s15+$0x0], $0xffff;
	v50 =	vmul.f32 $2.560000000e+02, v62;
	v48 =	vadd.f32 v48, v49;
	v58 =	vsel vm7, $0x0, v37  }
0x7a: {  	v43 =	vld.idx.msk [tilespmem:v43+s15+$0x0], $0xffff;
	v62 =	vsub.f32 $0.0e+00, v28;
	v32 =	vsel vm2, v32, v61;
	v37 =	vadd.f32 v58, v37  }
0x7b: {  	v42 =	vld.idx.msk [tilespmem:v42+s15+$0x0], $0xffff;
	vm8 =	veq.s32 v60, $0x0;
	v60 =	vsub.f32 $0.0e+00, v31;
	vm9 =	veq.s32 v63, $0x0  }
0x7c: {  	v44 =	vld.idx.msk [tilespmem:v44+s15+$0x0], $0xffff;
	s14 =	sadd.s32 $0x90, s28;
	v32 =	vmax.f32 v32, $0.0e+00;
	v30 =	vsel vm8, v30, v59;
	vm10 =	veq.s32 v57, $0x0  }
0x7d: {  	s13 =	sadd.s32 $0x80, s9;
	v49 =	vld [tilespmem:s14+$0x4F00];
	v57 =	vsub.f32 $0.0e+00, v19;
	v47 =	vmin.f32 v50, $4.095000000e+03;
	v50 =	vsub.f32 $0.0e+00, v15  }
0x7e: {  	s14 =	sadd.s32 $0xB0, s28;
	v63 =	vld [tilespmem:s13+$0x4F00];
	v32 =	vadd.f32 v32, v45;
	v30 =	vmax.f32 v30, $0.0e+00;
	v31 =	vsel vm9, v31, v60  }
0x7f: {  	v56 =	vld [tilespmem:s14+$0x4F00];
	v37 =	vadd.f32 v37, v46;
	v28 =	vsel vm10, v28, v62;
	v60 =	vsub.f32 $0.0e+00, v20  }
0x80: {  	v46 =	vld.idx.msk [tilespmem:v36+s15+$0x0], $0xffff;
	v36 =	vtrunc.f32 v47;
	v30 =	vadd.f32 v30, v43;
	v31 =	vmax.f32 v31, $0.0e+00  }
0x81: {  	s13 =	sadd.s32 $0xA0, s28;
	v28 =	vmax.f32 v28, $0.0e+00;
	v61 =	vsel vm2, $0x0, v32;
	v31 =	vadd.f32 v31, v42  }
0x82: {  	v53 =	vld [tilespmem:s13+$0x4F00];
	v28 =	vadd.f32 v28, v44;
	vm12 =	veq.s32 v49, $0x0;
	v42 =	vsub.f32 $0.0e+00, v8  }
0x83: {  	v41 =	vld.idx.msk [tilespmem:v41+s15+$0x0], $0xffff;
	v32 =	vadd.f32 v61, v32;
	v43 =	vsel vm8, $0x0, v30;
	vm11 =	veq.s32 v63, $0x0  }
0x84: {  	v40 =	vld.idx.msk [tilespmem:v40+s15+$0x0], $0xffff;
	v23 =	vsel vm12, v23, v55;
	vm14 =	veq.s32 v56, $0x0;
	v55 =	vsub.f32 $0.0e+00, v13  }
0x85: {  	v51 =	vsel vm9, $0x0, v31;
	v30 =	vadd.f32 v43, v30;
	v54 =	vsel vm10, $0x0, v28  }
0x86: {  	v38 =	vld.idx.msk [tilespmem:v38+s15+$0x0], $0xffff;
	v24 =	vsel vm11, v24, v52;
	v23 =	vmax.f32 v23, $0.0e+00;
	v52 =	vsub.f32 $0.0e+00, v14  }
0x87: {  	s13 =	sadd.s32 $0xC0, s28;
	vm13 =	veq.s32 v53, $0x0;
	v31 =	vadd.f32 v51, v31;
	v28 =	vadd.f32 v54, v28  }
0x88: {  	s14 =	sadd.s32 $0xD0, s28;
	v61 =	vld [tilespmem:s13+$0x4F00];
	v24 =	vmax.f32 v24, $0.0e+00;
	v23 =	vadd.f32 v23, v41;
	v41 =	vsub.f32 $0.0e+00, v7  }
0x89: {  	v63 =	vld [tilespmem:s14+$0x4F00];
	v19 =	vsel vm13, v19, v57;
	v30 =	vadd.f32 v30, v32;
	v24 =	vadd.f32 v24, v40  }
0x8a: {  	v19 =	vmax.f32 v19, $0.0e+00;
	v40 =	vsub.f32 $0.0e+00, v6;
	v28 =	vadd.f32 v28, v31  }
0x8b: {  	v58 =	vld.idx.msk [tilespmem:v39+s15+$0x0], $0xffff;
	s13 =	sadd.s32 $0xE0, s28;
	v62 =	vsel vm12, $0x0, v23;
	v38 =	vadd.f32 v19, v38;
	v19 =	vadd.f32 v37, v48  }
0x8c: {  	s14 =	sadd.s32 $0xF0, s28;
	v45 =	vld [tilespmem:s13+$0x4F00];
	v31 =	vsel vm14, v20, v60;
	v48 =	vsub.f32 $0.0e+00, v16;
	v60 =	vsub.f32 $0.0e+00, v10  }
0x8d: {  	s13 =	sadd.s32 $0x100, s9;
	v51 =	vld [tilespmem:s14+$0x4F00];
	v59 =	vsel vm11, $0x0, v24;
	v23 =	vadd.f32 v62, v23;
	v43 =	vmax.f32 v31, $0.0e+00  }
0x8e: {  	v53 =	vld [tilespmem:s13+$0x4F00];
	vm15 =	veq.s32 v61, $0x0;
	vm4 =	veq.s32 v63, $0x0;
	v61 =	vsub.f32 $0.0e+00, v11  }
0x8f: {  	v24 =	vadd.f32 v59, v24;
	v20 =	vadd.f32 v28, v30;
	v44 =	vsel vm13, $0x0, v38  }
0x90: {  	v35 =	vld.idx.msk [tilespmem:v35+s15+$0x0], $0xffff;
	s14 =	sadd.s32 $0x110, s28;
	v28 =	vadd.f32 v43, v58;
	v16 =	vsel vm15, v16, v48;
	v15 =	vsel vm4, v15, v50  }
0x91: {  	v56 =	vld [tilespmem:s14+$0x4F00];
	vm5 =	veq.s32 v45, $0x0;
	v50 =	vsub.f32 $0.0e+00, v4;
	v16 =	vmax.f32 v16, $0.0e+00  }
0x92: {  	v34 =	vld.idx.msk [tilespmem:v34+s15+$0x0], $0xffff;
	v15 =	vmax.f32 v15, $0.0e+00;
	v14 =	vsel vm5, v14, v52;
	vm6 =	veq.s32 v51, $0x0  }
0x93: {  	v33 =	vld.idx.msk [tilespmem:v33+s15+$0x0], $0xffff;
	vm7 =	veq.s32 v53, $0x0;
	v52 =	vsub.f32 $0.0e+00, v5;
	v53 =	vsub.f32 $0.0e+00, v9  }
0x94: {  	v25 =	vld.idx.msk [tilespmem:v25+s15+$0x0], $0xffff;
	s13 =	sadd.s32 $0x120, s28;
	v23 =	vadd.f32 v23, v24;
	v24 =	vadd.f32 v44, v38;
	v49 =	vsel vm14, $0x0, v28  }
0x95: {  	s14 =	sadd.s32 $0x130, s28;
	v62 =	vld [tilespmem:s13+$0x4F00];
	v16 =	vadd.f32 v16, v35;
	v15 =	vadd.f32 v15, v46;
	v14 =	vmax.f32 v14, $0.0e+00  }
0x96: {  	v63 =	vld [tilespmem:s14+$0x4F00];
	v13 =	vsel vm6, v13, v55;
	v10 =	vsel vm7, v10, v60;
	vm8 =	veq.s32 v56, $0x0  }
0x97: {  	s14 =	sadd.s32 $0x150, s28;
	v58 =	vld.idx.msk [tilespmem:v29+s15+$0x0], $0xffff;
	v46 =	vcvt.f32.s32 v36;
	v28 =	vadd.f32 v49, v28;
	v14 =	vadd.f32 v14, v34  }
0x98: {  	v43 =	vld [tilespmem:s14+$0x4F00];
	v13 =	vmax.f32 v13, $0.0e+00;
	v10 =	vmax.f32 v10, $0.0e+00;
	v11 =	vsel vm8, v11, v61  }
0x99: {  	v54 =	vsel vm15, $0x0, v16;
	v57 =	vsel vm4, $0x0, v15;
	v13 =	vadd.f32 v13, v33  }
0x9a: {  	v21 =	vld.idx.msk [tilespmem:v21+s15+$0x0], $0xffff;
	s14 =	sadd.s32 $0x170, s28;
	v10 =	vadd.f32 v10, v25;
	v11 =	vmax.f32 v11, $0.0e+00;
	vm9 =	veq.s32 v62, $0x0  }
0x9b: {  	v45 =	vld [tilespmem:s14+$0x4F00];
	vm10 =	veq.s32 v63, $0x0;
	v24 =	vadd.f32 v28, v24;
	v16 =	vadd.f32 v54, v16  }
0x9c: {  	v22 =	vld.idx.msk [tilespmem:v22+s15+$0x0], $0xffff;
	s13 =	sadd.s32 $0x140, s28;
	v15 =	vadd.f32 v57, v15;
	v59 =	vsel vm5, $0x0, v14;
	v11 =	vadd.f32 v11, v58  }
0x9d: {  	v35 =	vld [tilespmem:s13+$0x4F00];
	v6 =	vsel vm9, v6, v40;
	v7 =	vsel vm10, v7, v41;
	vm12 =	veq.s32 v43, $0x0  }
0x9e: {  	v17 =	vld.idx.msk [tilespmem:v17+s15+$0x0], $0xffff;
	s13 =	sadd.s32 $0x160, s28;
	v14 =	vadd.f32 v59, v14;
	v34 =	vsel vm6, $0x0, v13;
	v37 =	vsel vm7, $0x0, v10  }
0x9f: {  	v44 =	vld [tilespmem:s13+$0x4F00];
	v6 =	vmax.f32 v6, $0.0e+00;
	v7 =	vmax.f32 v7, $0.0e+00;
	v4 =	vsel vm12, v4, v50  }
0xa0: {  	vm14 =	veq.s32 v45, $0x0;
	v59 =	vsub.f32 $0.0e+00, v12;
	v13 =	vadd.f32 v34, v13  }
0xa1: {  	v27 =	vld.idx.msk [tilespmem:v27+s15+$0x0], $0xffff;
	v15 =	vadd.f32 v15, v16;
	v39 =	vsel vm8, $0x0, v11;
	v6 =	vadd.f32 v6, v21  }
0xa2: {  	v38 =	vld.idx.msk [tilespmem:v26+s15+$0x0], $0xffff;
	vm11 =	veq.s32 v35, $0x0;
	v7 =	vadd.f32 v7, v22;
	v10 =	vadd.f32 v37, v10  }
0xa3: {  	v47 =	vld.idx.msk [tilespmem:v18+s15+$0x0], $0xffff;
	s28 =	sadd.s32 $0x180, s9;
	v4 =	vmax.f32 v4, $0.0e+00;
	v9 =	vsel vm14, v9, v53;
	v8 =	vsel vm11, v8, v42  }
0xa4: {  	v54 =	vld [tilespmem:s28+$0x4F00];
	vm13 =	veq.s32 v44, $0x0;
	v4 =	vadd.f32 v4, v17;
	v11 =	vadd.f32 v39, v11  }
0xa5: {  	v9 =	vmax.f32 v9, $0.0e+00;
	v13 =	vadd.f32 v13, v14;
	v8 =	vmax.f32 v8, $0.0e+00  }
0xa6: {  	v48 =	vsel vm9, $0x0, v6;
	v49 =	vsel vm10, $0x0, v7;
	v5 =	vsel vm13, v5, v52  }
0xa7: {  	v9 =	vadd.f32 v9, v27;
	v8 =	vadd.f32 v8, v38;
	v5 =	vmax.f32 v5, $0.0e+00  }
0xa8: {  	v57 =	vld.idx.msk [tilespmem:v46+s15+$0x0], $0xffff;
	v55 =	vsel vm12, $0x0, v4;
	v6 =	vadd.f32 v48, v6;
	v7 =	vadd.f32 v49, v7  }
0xa9: {  	vm15 =	veq.s32 v54, $0x0;
	v5 =	vadd.f32 v5, v47;
	v4 =	vadd.f32 v55, v4  }
0xaa: {  	v58 =	vsel vm14, $0x0, v9;
	v60 =	vsel vm15, v12, v59;
	v51 =	vsel vm11, $0x0, v8  }
0xab: {  	v9 =	vadd.f32 v58, v9;
	v6 =	vadd.f32 v7, v6;
	v56 =	vsel vm13, $0x0, v5  }
0xac: {  	v7 =	vmax.f32 v60, $0.0e+00;
	v8 =	vadd.f32 v51, v8;
	v5 =	vadd.f32 v56, v5  }
0xad: {  	v10 =	vadd.f32 v11, v10;
	v7 =	vadd.f32 v7, v57  }
0xae: {  	v4 =	vadd.f32 v4, v8;
	v5 =	vadd.f32 v9, v5  }
0xaf: {  	v23 =	vadd.f32 v24, v23;
	v61 =	vadd.f32 v13, v15  }
0xb0: {  	v6 =	vadd.f32 v6, v10;
	v62 =	vsel vm15, $0x0, v7;
	v4 =	vadd.f32 v5, v4  }
0xb1: {  	v8 =	vadd.f32 v61, v23;
	v63 =	vadd.f32 v62, v7  }
0xb2: {  	v5 =	vadd.f32 v20, v19;
	v4 =	vadd.f32 v4, v6;
	_ =	sdelay $0x1  }
0xb3: {  	v5 =	vadd.f32 v8, v5;
	v4 =	vadd.f32 v4, v63;
	_ =	sdelay $0x1  }
0xb4: {  	v4 =	vadd.f32 v4, v5;
	_ =	sdelay $0x1  }
0xb5: {  	s30 =	sadd.s32 $0x190, s30;
	s7 =	smov.u32 s12;
	v3 =	vadd.f32 v4, v3  }
.LBB2_20:
0xb6: {  	p0 =	sne.s32 s26, $0x19  }
.Ltmp4:
0xb7: {  	_ = 	snop;
	(pc) =	sbr.rel @!p0 .LBB2_21-.Ltmp4, $3  }
0xb8: {  	_ =	sdelay $0x1  }
0xb9: {  	s4 =	sadd.s32 $0x19, s4  }
0xba: {  	s5 =	sadd.s32 $0x5, s5;
	s12 =	smov.u32 s8;
	s9 =	smov.u32 s26  }
.LBB2_5:
0xbb: {  	s26 =	sadd.s32 $0x1, s9  }
0xbc: {  	s8 =	smin.u32 s26, $0x18  }
0xbd: {  	s8 =	smul.u32 $0x190, s8;
	_ =	sdelay $0x1  }
0xbe: {  	v4 =	vld [tilespmem:s8+$0x9E00]  }
0xbf: {  	v5 =	vld [tilespmem:s8+$0x9F80];
	_ =	sdelay $0x3  }
0xc0: {  	(v2sf) =	vpush v4, $0x0  }
0xc1: {  	(v2sf) =	vpush v5, $0xF;
	_ =	sdelay $0x7  }
0xc2: {  	p0 =	sne.s32 s6, s7  }
0xc3: {  	p1 =	sne.s32 @!p0 s12, s7  }
0xc4: {  	p0 =	por p0, p1  }
.Ltmp5:
0xc5: {  	_ = 	snop;
	(pc) =	sbr.rel @!p0 .LBB2_6-.Ltmp5, $3  }
0xc6: {  	_ =	sdelay $0x1  }
0xc7: {  	s6 =	spop (v2sf)  }
0xc8: {  	s8 =	spop (v2sf)  }
.Ltmp6:
0xc9: {  	(pc) =	sbr.rel .LBB2_8-.Ltmp6, $2  }
0xca: {  	_ =	sdelay $0x2  }
0xcb: {  	s13 =	smul.u32 $0x5, s9;
	s9 =	smov.u32 s4  }
.LBB2_9:
0xcc: {  	v4 =	vld [tilespmem:s12+$0x0]  }
0xcd: {  	v5 =	vld [tilespmem:s12+$0x10]  }
0xce: {  	v7 =	vld [tilespmem:s12+$0x20]  }
0xcf: {  	v8 =	vld [tilespmem:s12+$0x30];
	_ =	sdelay $0x1  }
0xd0: {  	v6 =	vand.u32 $0x7FFFFFFF, v4  }
0xd1: {  	v9 =	vand.u32 $0x7FFFFFFF, v5;
	v6 =	vmul.f32 $2.560000000e+02, v6  }
0xd2: {  	v12 =	vld [tilespmem:s12+$0x40];
	v10 =	vand.u32 $0x7FFFFFFF, v7;
	v9 =	vmul.f32 $2.560000000e+02, v9  }
0xd3: {  	v11 =	vand.u32 $0x7FFFFFFF, v8;
	v10 =	vmul.f32 $2.560000000e+02, v10;
	v6 =	vmin.f32 v6, $4.095000000e+03  }
0xd4: {  	v11 =	vmul.f32 $2.560000000e+02, v11;
	v9 =	vmin.f32 v9, $4.095000000e+03;
	v6 =	vtrunc.f32 v6  }
0xd5: {  	v10 =	vmin.f32 v10, $4.095000000e+03;
	v9 =	vtrunc.f32 v9;
	v6 =	vcvt.f32.s32 v6  }
0xd6: {  	v13 =	vld [tilespmem:s12+$0x4F00];
	s14 =	sadd.s32 $0x10, s12;
	v11 =	vmin.f32 v11, $4.095000000e+03;
	v10 =	vtrunc.f32 v10;
	v9 =	vcvt.f32.s32 v9  }
0xd7: {  	s28 =	sadd.s32 $0x20, s12;
	v15 =	vld [tilespmem:s14+$0x4F00];
	v14 =	vand.u32 $0x7FFFFFFF, v12;
	v11 =	vtrunc.f32 v11;
	v10 =	vcvt.f32.s32 v10  }
0xd8: {  	s14 =	sadd.s32 $0x30, s12;
	v17 =	vld [tilespmem:s28+$0x4F00];
	v14 =	vmul.f32 $2.560000000e+02, v14;
	v11 =	vcvt.f32.s32 v11  }
0xd9: {  	s28 =	sadd.s32 $0x40, s12;
	v52 =	vld [tilespmem:s14+$0x4F00]  }
0xda: {  	v56 =	vld [tilespmem:s28+$0x4F00];
	v14 =	vmin.f32 v14, $4.095000000e+03  }
0xdb: {  	v16 =	vsub.f32 $0.0e+00, v4;
	v14 =	vtrunc.f32 v14;
	v6 =	vld.idx.msk [tilespmem:v6+s15+$0x0], $0xffff  }
0xdc: {  	v53 =	vsub.f32 $0.0e+00, v5;
	v54 =	vsub.f32 $0.0e+00, v7;
	v14 =	vcvt.f32.s32 v14;
	v9 =	vld.idx.msk [tilespmem:v9+s15+$0x0], $0xffff  }
0xdd: {  	vm0 =	veq.s32 v13, $0x0;
	v55 =	vsub.f32 $0.0e+00, v8;
	v60 =	vsub.f32 $0.0e+00, v12;
	v10 =	vld.idx.msk [tilespmem:v10+s15+$0x0], $0xffff  }
0xde: {  	vm1 =	veq.s32 v15, $0x0;
	vm2 =	veq.s32 v17, $0x0;
	v4 =	vsel vm0, v4, v16;
	v11 =	vld.idx.msk [tilespmem:v11+s15+$0x0], $0xffff  }
0xdf: {  	v5 =	vsel vm1, v5, v53;
	vm3 =	veq.s32 v52, $0x0;
	v7 =	vsel vm2, v7, v54  }
0xe0: {  	vm15 =	veq.s32 v56, $0x0;
	v4 =	vmax.f32 v4, $0.0e+00;
	v8 =	vsel vm3, v8, v55  }
0xe1: {  	v5 =	vmax.f32 v5, $0.0e+00;
	v7 =	vmax.f32 v7, $0.0e+00;
	v4 =	vadd.f32 v4, v6  }
0xe2: {  	v8 =	vmax.f32 v8, $0.0e+00;
	v57 =	vld.idx.msk [tilespmem:v14+s15+$0x0], $0xffff;
	v5 =	vadd.f32 v5, v9;
	v7 =	vadd.f32 v7, v10  }
0xe3: {  	v8 =	vadd.f32 v8, v11;
	v6 =	vsel vm15, v12, v60  }
0xe4: {  	v58 =	vsel vm0, $0x0, v4;
	v59 =	vsel vm1, $0x0, v5;
	v61 =	vsel vm2, $0x0, v7  }
0xe5: {  	v62 =	vsel vm3, $0x0, v8;
	v4 =	vadd.f32 v58, v4;
	v5 =	vadd.f32 v59, v5  }
0xe6: {  	v6 =	vmax.f32 v6, $0.0e+00;
	v7 =	vadd.f32 v61, v7;
	v8 =	vadd.f32 v62, v8  }
0xe7: {  	v6 =	vadd.f32 v6, v57  }
0xe8: {  	v4 =	vadd.f32 v5, v4;
	v5 =	vadd.f32 v8, v7  }
0xe9: {  	v63 =	vsel vm15, $0x0, v6  }
0xea: {  	v4 =	vadd.f32 v5, v4;
	v5 =	vadd.f32 v63, v6;
	_ =	sdelay $0x1  }
0xeb: {  	v4 =	vadd.f32 v4, v5;
	_ =	sdelay $0x1  }
0xec: {  	s30 =	sadd.s32 $0x50, s30;
	v3 =	vadd.f32 v4, v3  }
.LBB2_19:
0xed: {  	s13 =	sadd.s32 $0x1, s13  }
0xee: {  	p0 =	sne.s32 s13, s5  }
.Ltmp7:
0xef: {  	_ = 	snop;
	(pc) =	sbr.rel @!p0 .LBB2_20-.Ltmp7, $2  }
0xf0: {  	_ =	sdelay $0x2  }
0xf1: {  	s9 =	sadd.s32 $0x5, s9  }
.LBB2_8:
0xf2: {  	_ = 	snop  }
0xf3: {  	s12 =	smul.u32 $0x50, s13;
	_ =	sdelay $0x1  }
0xf4: {  	v4 =	vld [tilespmem:s12+$0x9E00]  }
0xf5: {  	v5 =	vld [tilespmem:s12+$0x9E40];
	_ =	sdelay $0x3  }
0xf6: {  	(v2sf) =	vpush v4, $0x0  }
0xf7: {  	(v2sf) =	vpush v5, $0xF;
	_ =	sdelay $0xd  }
0xf8: {  	s28 =	spop (v2sf)  }
0xf9: {  	s14 =	spop (v2sf);
	p0 =	sne.s32 s28, s7  }
0xfa: {  	p1 =	sne.s32 @!p0 s14, s7  }
0xfb: {  	p0 =	por p0, p1  }
.Ltmp8:
0xfc: {  	_ = 	snop;
	(pc) =	sbr.rel @!p0 .LBB2_9-.Ltmp8, $1  }
0xfd: {  	_ =	sdelay $0x3  }
.Ltmp9:
0xfe: {  	(pc) =	sbr.rel .LBB2_11-.Ltmp9, $2  }
0xff: {  	_ =	sdelay $0x2  }
0x100: {  	s12 =	smul.u32 $0x5, s13;
	s28 =	smov.u32 s7  }
.LBB2_12:
0x101: {  	s7 =	smov.u32 s28  }
.LBB2_18:
0x102: {  	s12 =	sadd.s32 $0x1, s12  }
0x103: {  	p1 =	sne.s32 s12, s9  }
.Ltmp10:
0x104: {  	_ = 	snop;
	(pc) =	sbr.rel @!p1 .LBB2_19-.Ltmp10, $4  }
0x105: {  	_ = 	snop  }
0x106: {  	v3 =	vadd.f32 v5, v3  }
0x107: {  	s30 =	sadd.s32 $0x10, s30  }
0x108: {  	s30 =	simm.s32 @p0 $0x0;
	v3 =	vpsel p0, $0x0, v3  }
.LBB2_11:
0x109: {  	_ = 	snop  }
0x10a: {  	s7 =	sshll.u32 s12, $0x4  }
0x10b: {  	v4 =	vld [tilespmem:s7+$0x9E00];
	_ =	sdelay $0x3  }
0x10c: {  	v5 =	vld [tilespmem:s7+$0x0]  }
0x10d: {  	(v2sf) =	vpush v4, $0x0  }
0x10e: {  	(v2sf) =	vpush v4, $0xF;
	_ =	sdelay $0x2  }
0x10f: {  	v6 =	vand.u32 $0x7FFFFFFF, v5  }
0x110: {  	v6 =	vmul.f32 $2.560000000e+02, v6;
	_ =	sdelay $0x1  }
0x111: {  	v6 =	vmin.f32 v6, $4.095000000e+03  }
0x112: {  	v6 =	vtrunc.f32 v6  }
0x113: {  	v6 =	vcvt.f32.s32 v6;
	_ =	sdelay $0x2  }
0x114: {  	v7 =	vld [tilespmem:s7+$0x4F00];
	_ =	sdelay $0x2  }
0x115: {  	v6 =	vld.idx.msk [tilespmem:v6+s15+$0x0], $0xffff;
	s14 =	spop (v2sf)  }
0x116: {  	v8 =	vsub.f32 $0.0e+00, v5;
	s7 =	spop (v2sf)  }
0x117: {  	vm0 =	veq.s32 v7, $0x0;
	p0 =	sne.s32 s14, s28;
	p1 =	sne.s32 s7, s28  }
0x118: {  	v5 =	vsel vm0, v5, v8;
	p0 =	por p0, p1  }
.Ltmp11:
0x119: {  	v5 =	vmax.f32 v5, $0.0e+00;
	(pc) =	sbr.rel @!p0 .LBB2_12-.Ltmp11, $3  }
0x11a: {  	v5 =	vadd.f32 v5, v6;
	_ =	sdelay $0x1  }
0x11b: {  	v6 =	vsel vm0, $0x0, v5  }
0x11c: {  	v5 =	vadd.f32 v6, v5  }
0x11d: {  	s14 =	simm.s32 $0x0  }
0x11e: {  	v7 =	vmov s14  }
0x11f: {  	v6 =	vmov s28;
	s28 =	simm.s32 $0x1;
	vm0 =	veq.s32 v7, v1  }
.LBB2_14:
0x120: {  	p1 =	sne.s32 s28, $0xF  }
.Ltmp12:
0x121: {  	_ = 	snop;
	(pc) =	sbr.rel @p1 .LBB2_14-.Ltmp12, $3  }
0x122: {  	_ =	sdelay $0x1  }
0x123: {  	v7 =	vmov s28;
	s28 =	sadd.s32 $0x1, s28  }
0x124: {  	[tilespmem:v6+s24+$0x0] =	vst.idx.add.f32.msk vm0, v3;
	vm0 =	veq.s32 v7, v1  }
0x125: {  	_ =	sdelay $0x2  }
0x126: {  	s14 =	scvt.s32.f32 s30;
	s28 =	simm.s32 $0x0  }
0x127: {  	v7 =	vmov s28  }
0x128: {  	[tilespmem:v6+s24+$0x0] =	vst.idx.add.f32.msk vm0, v3;
	v8 =	vmov s14;
	vm0 =	veq.s32 v7, v1  }
0x129: {  	s28 =	simm.s32 $0x1;
	[tilespmem:v6+s25+$0x0] =	vst.idx.add.f32.msk $0x1, v8;
	vm1 =	vmmov vm0  }
.LBB2_16:
0x12a: {  	p1 =	sne.s32 s28, $0xF  }
.Ltmp13:
0x12b: {  	_ = 	snop;
	(pc) =	sbr.rel @p1 .LBB2_16-.Ltmp13, $4  }
0x12c: {  	_ = 	snop  }
0x12d: {  	v6 =	vmov s28  }
0x12e: {  	s28 =	sadd.s32 $0x1, s28;
	[tilespmem:v4+s24+$0x0] =	vst.idx.add.f32.msk vm0, v5;
	vm0 =	veq.s32 v6, v1  }
0x12f: {  	[tilespmem:v4+s25+$0x0] =	vst.idx.add.f32.msk vm1, v2;
	vm1 =	vmmov vm0  }
0x130: {  	_ =	sdelay $0x1  }
.Ltmp14:
0x131: {  	_ = 	snop;
	(pc) =	sbr.rel .LBB2_18-.Ltmp14, $3  }
0x132: {  	_ =	sdelay $0x1  }
0x133: {  	[tilespmem:v4+s24+$0x0] =	vst.idx.add.f32.msk vm0, v5  }
0x134: {  	s28 =	smov.u32 s7;
	[tilespmem:v4+s25+$0x0] =	vst.idx.add.f32.msk vm1, v2  }
.LBB2_21:
0x135: {  	_ =	swait.ge [sflag:s23], $0x2710  }
0x136: {  	[sflag:s23] =	ssyncset.done $0x0  }
0x137: {  	s4 =	sshll.u32 s0, $0x1;
	[sflag:s23] =	ssyncadd.s32 $0xFFFFD8F0  }
0x138: {  	s4 =	smin.u32 s4, $0x11;
	_ =	swait.ge [sflag:s23], $0x2710  }
0x139: {  	s4 =	smul.u32 $0x2710, s4;
	[sflag:s23] =	ssyncset.done $0x0  }
0x13a: {  	[sflag:s23] =	ssyncadd.s32 $0xFFFFD8F0  }
0x13b: {  	s4 =	sadd.s32 s4, s11;
	_ =	swait.ge [sflag:s23], $0x2710  }
0x13c: {  	s4 =	sshrl.u32 s4, $0x3;
	[sflag:s23] =	ssyncset.done $0x0  }
0x13d: {  	s9 =	simm.s32 $0x0;
	s5 =	sadd.s32 s1, s4;
	[sflag:s23] =	ssyncadd.s32 $0xFFFFD8F0  }
0x13e: {  	[tilespmem:s9], [sflag:$0x1] =	stream.linear.gather [hbm4b:s5+s9], $0x2710, $0x38;
	[tilespmem:$0x10500] =	vst v63  }
0x13f: {  	s28 =	sadd.s32 s2, s4  }
0x140: {  	[tilespmem:s17], [sflag:$0x1] =	stream.linear.gather [hbm4b:s28+s9], $0x2710, $0x38;
	[tilespmem:$0x10500] =	vst v63  }
0x141: {  	s4 =	sadd.s32 s3, s4  }
0x142: {  	[tilespmem:s18], [sflag:$0x1] =	stream.linear.gather [hbm4b:s4+s9], $0x2710, $0x38;
	[tilespmem:$0x10500] =	vst v63  }
0x143: {  	v4 =	vld [tilespmem:$0xC580]  }
0x144: {  	v5 =	vld [tilespmem:$0xC700];
	_ =	sdelay $0x3  }
0x145: {  	(v2sf) =	vpush v4, $0x0  }
0x146: {  	(v2sf) =	vpush v5, $0xF;
	_ =	sdelay $0xa  }
.Ltmp15:
0x147: {  	_ = 	snop;
	(pc) =	sbr.rel .LBB2_22-.Ltmp15, $3  }
0x148: {  	_ =	sdelay $0x1  }
0x149: {  	s6 =	spop (v2sf)  }
0x14a: {  	s5 =	simm.s32 $0x5;
	s4 =	simm.s32 $0x5;
	s8 =	spop (v2sf)  }
.LBB2_23:
0x14b: {  	s28 =	smul.u32 $0x190, s9;
	_ =	sdelay $0x1  }
0x14c: {  	v17 =	vld [tilespmem:s28+$0x2780]  }
0x14d: {  	v12 =	vld [tilespmem:s28+$0x2790]  }
0x14e: {  	v27 =	vld [tilespmem:s28+$0x27A0]  }
0x14f: {  	v32 =	vld [tilespmem:s28+$0x27C0]  }
0x150: {  	v30 =	vld [tilespmem:s28+$0x27D0];
	_ =	sdelay $0x1  }
0x151: {  	v37 =	vld [tilespmem:s28+$0x27B0];
	v4 =	vand.u32 $0x7FFFFFFF, v17  }
0x152: {  	v28 =	vld [tilespmem:s28+$0x27F0];
	v5 =	vand.u32 $0x7FFFFFFF, v12;
	v4 =	vmul.f32 $2.560000000e+02, v4  }
0x153: {  	v23 =	vld [tilespmem:s28+$0x2810];
	v6 =	vand.u32 $0x7FFFFFFF, v27;
	v5 =	vmul.f32 $2.560000000e+02, v5  }
0x154: {  	v7 =	vand.u32 $0x7FFFFFFF, v32;
	v47 =	vand.u32 $0x7FFFFFFF, v30;
	v4 =	vmin.f32 v4, $4.095000000e+03  }
0x155: {  	v6 =	vmul.f32 $2.560000000e+02, v6;
	v5 =	vmin.f32 v5, $4.095000000e+03;
	v4 =	vtrunc.f32 v4  }
0x156: {  	v31 =	vld [tilespmem:s28+$0x27E0];
	v9 =	vcvt.f32.s32 v4;
	v4 =	vtrunc.f32 v5;
	v5 =	vand.u32 $0x7FFFFFFF, v37  }
0x157: {  	v48 =	vand.u32 $0x7FFFFFFF, v28;
	v6 =	vmin.f32 v6, $4.095000000e+03;
	v5 =	vmul.f32 $2.560000000e+02, v5  }
0x158: {  	s9 =	sand.u32 $0x3FF0, s28;
	v19 =	vld [tilespmem:s28+$0x2820];
	v49 =	vand.u32 $0x7FFFFFFF, v23;
	v7 =	vmul.f32 $2.560000000e+02, v7;
	v6 =	vtrunc.f32 v6  }
0x159: {  	v24 =	vld [tilespmem:s9+$0x2800];
	v46 =	vcvt.f32.s32 v6;
	v18 =	vcvt.f32.s32 v4;
	v4 =	vmin.f32 v5, $4.095000000e+03  }
0x15a: {  	v13 =	vld [tilespmem:s28+$0x2870];
	v6 =	vmul.f32 $2.560000000e+02, v47;
	v5 =	vmin.f32 v7, $4.095000000e+03;
	v4 =	vtrunc.f32 v4  }
0x15b: {  	v5 =	vtrunc.f32 v5;
	v47 =	vcvt.f32.s32 v4;
	v4 =	vand.u32 $0x7FFFFFFF, v31  }
0x15c: {  	v45 =	vcvt.f32.s32 v5;
	v5 =	vmin.f32 v6, $4.095000000e+03;
	v4 =	vmul.f32 $2.560000000e+02, v4  }
0x15d: {  	v20 =	vld [tilespmem:s28+$0x2830];
	v50 =	vand.u32 $0x7FFFFFFF, v19;
	v6 =	vmul.f32 $2.560000000e+02, v48;
	v5 =	vtrunc.f32 v5  }
0x15e: {  	v43 =	vcvt.f32.s32 v5;
	v5 =	vand.u32 $0x7FFFFFFF, v24;
	v4 =	vmin.f32 v4, $4.095000000e+03  }
0x15f: {  	v53 =	vand.u32 $0x7FFFFFFF, v13;
	v5 =	vmul.f32 $2.560000000e+02, v5;
	v4 =	vtrunc.f32 v4  }
0x160: {  	v15 =	vld [tilespmem:s28+$0x2850];
	v8 =	vmul.f32 $2.560000000e+02, v53;
	v6 =	vmin.f32 v6, $4.095000000e+03;
	v42 =	vcvt.f32.s32 v4  }
0x161: {  	v16 =	vld [tilespmem:s28+$0x2840];
	v4 =	vtrunc.f32 v6;
	v5 =	vmin.f32 v5, $4.095000000e+03;
	v6 =	vmul.f32 $2.560000000e+02, v49  }
0x162: {  	v11 =	vld [tilespmem:s28+$0x2890];
	v51 =	vand.u32 $0x7FFFFFFF, v20;
	v7 =	vmul.f32 $2.560000000e+02, v50;
	v5 =	vtrunc.f32 v5  }
0x163: {  	v14 =	vld [tilespmem:s28+$0x2860];
	v44 =	vcvt.f32.s32 v4;
	v40 =	vcvt.f32.s32 v5;
	v4 =	vmin.f32 v6, $4.095000000e+03  }
0x164: {  	s12 =	sadd.s32 $0x20, s28;
	v10 =	vld [tilespmem:s9+$0x2880];
	v5 =	vmin.f32 v7, $4.095000000e+03;
	v6 =	vmul.f32 $2.560000000e+02, v51;
	v4 =	vtrunc.f32 v4  }
0x165: {  	v63 =	vld [tilespmem:s12+$0x7680];
	v52 =	vand.u32 $0x7FFFFFFF, v15;
	v5 =	vtrunc.f32 v5;
	v41 =	vcvt.f32.s32 v4  }
0x166: {  	s7 =	sadd.s32 $0x10, s28;
	v38 =	vcvt.f32.s32 v5;
	v4 =	vand.u32 $0x7FFFFFFF, v16;
	v5 =	vmin.f32 v6, $4.095000000e+03  }
0x167: {  	v55 =	vand.u32 $0x7FFFFFFF, v11;
	v53 =	vld [tilespmem:s7+$0x7680];
	v4 =	vmul.f32 $2.560000000e+02, v4;
	v5 =	vtrunc.f32 v5  }
0x168: {  	v6 =	vmul.f32 $2.560000000e+02, v52;
	v39 =	vcvt.f32.s32 v5;
	v5 =	vand.u32 $0x7FFFFFFF, v14  }
0x169: {  	v54 =	vand.u32 $0x7FFFFFFF, v10;
	v4 =	vmin.f32 v4, $4.095000000e+03;
	v5 =	vmul.f32 $2.560000000e+02, v5  }
0x16a: {  	vm6 =	veq.s32 v63, $0x0;
	v6 =	vmin.f32 v6, $4.095000000e+03;
	v4 =	vtrunc.f32 v4  }
0x16b: {  	v35 =	vcvt.f32.s32 v4;
	v4 =	vtrunc.f32 v6;
	v5 =	vmin.f32 v5, $4.095000000e+03;
	v6 =	vld [tilespmem:s28+$0x28A0]  }
0x16c: {  	v21 =	vmul.f32 $2.560000000e+02, v54;
	vm1 =	veq.s32 v53, $0x0;
	v48 =	vld [tilespmem:s28+$0x7680];
	v5 =	vtrunc.f32 v5  }
0x16d: {  	v7 =	vld [tilespmem:s28+$0x28B0];
	v36 =	vcvt.f32.s32 v4;
	v4 =	vmin.f32 v8, $4.095000000e+03;
	v34 =	vcvt.f32.s32 v5  }
0x16e: {  	v8 =	vld [tilespmem:s28+$0x28C0];
	v4 =	vtrunc.f32 v4;
	v5 =	vmin.f32 v21, $4.095000000e+03;
	v21 =	vmul.f32 $2.560000000e+02, v55  }
0x16f: {  	v52 =	vsub.f32 $0.0e+00, v17;
	v5 =	vtrunc.f32 v5;
	v33 =	vcvt.f32.s32 v4  }
0x170: {  	v4 =	vld [tilespmem:s28+$0x28D0];
	v25 =	vcvt.f32.s32 v5;
	v21 =	vmin.f32 v21, $4.095000000e+03;
	v5 =	vand.u32 $0x7FFFFFFF, v6  }
0x171: {  	v50 =	vld.idx.msk [tilespmem:v9+s15+$0x0], $0xffff;
	vm0 =	veq.s32 v48, $0x0;
	v21 =	vtrunc.f32 v21;
	v22 =	vmul.f32 $2.560000000e+02, v5  }
0x172: {  	v9 =	vld [tilespmem:s28+$0x28F0];
	v61 =	vsel vm0, v17, v52;
	v5 =	vand.u32 $0x7FFFFFFF, v7;
	v29 =	vcvt.f32.s32 v21  }
0x173: {  	v57 =	vand.u32 $0x7FFFFFFF, v8;
	v26 =	vmul.f32 $2.560000000e+02, v5;
	v5 =	vld [tilespmem:s28+$0x28E0];
	v56 =	vmin.f32 v22, $4.095000000e+03  }
0x174: {  	v55 =	vsub.f32 $0.0e+00, v23;
	v49 =	vmul.f32 $2.560000000e+02, v57;
	v21 =	vtrunc.f32 v56  }
0x175: {  	v59 =	vand.u32 $0x7FFFFFFF, v4;
	v26 =	vmin.f32 v26, $4.095000000e+03;
	v21 =	vcvt.f32.s32 v21  }
0x176: {  	v49 =	vmin.f32 v49, $4.095000000e+03;
	v58 =	vtrunc.f32 v26;
	v26 =	vmul.f32 $2.560000000e+02, v59  }
0x177: {  	v57 =	vsub.f32 $0.0e+00, v12;
	v49 =	vtrunc.f32 v49;
	v22 =	vcvt.f32.s32 v58  }
0x178: {  	s14 =	sadd.s32 $0x30, s28;
	v48 =	vld.idx.msk [tilespmem:v18+s15+$0x0], $0xffff;
	v58 =	vand.u32 $0x7FFFFFFF, v9;
	v51 =	vand.u32 $0x7FFFFFFF, v5;
	v54 =	vmin.f32 v26, $4.095000000e+03  }
0x179: {  	v59 =	vld [tilespmem:s14+$0x7680];
	v26 =	vcvt.f32.s32 v49;
	v49 =	vmax.f32 v61, $0.0e+00;
	v52 =	vmul.f32 $2.560000000e+02, v58  }
0x17a: {  	v61 =	vsub.f32 $0.0e+00, v27;
	v51 =	vmul.f32 $2.560000000e+02, v51;
	v60 =	vtrunc.f32 v54  }
0x17b: {  	v46 =	vld.idx.msk [tilespmem:v46+s15+$0x0], $0xffff;
	v49 =	vadd.f32 v49, v50;
	v50 =	vsel vm1, v12, v57;
	v57 =	vsub.f32 $0.0e+00, v37  }
0x17c: {  	v17 =	vcvt.f32.s32 v60;
	v50 =	vmax.f32 v50, $0.0e+00;
	v52 =	vmin.f32 v52, $4.095000000e+03  }
0x17d: {  	v47 =	vld.idx.msk [tilespmem:v47+s15+$0x0], $0xffff;
	v63 =	vsel vm6, v27, v61;
	v61 =	vsub.f32 $0.0e+00, v32;
	v62 =	vmin.f32 v51, $4.095000000e+03  }
0x17e: {  	s12 =	sadd.s32 $0x40, s28;
	v12 =	vld [tilespmem:s9+$0x2900];
	v60 =	vsel vm0, $0x0, v49;
	v48 =	vadd.f32 v50, v48;
	vm7 =	veq.s32 v59, $0x0  }
0x17f: {  	v50 =	vld [tilespmem:s12+$0x7680];
	v59 =	vmax.f32 v63, $0.0e+00;
	v18 =	vtrunc.f32 v62;
	v49 =	vadd.f32 v60, v49  }
0x180: {  	s14 =	sadd.s32 $0x50, s28;
	v62 =	vtrunc.f32 v52;
	v37 =	vsel vm7, v37, v57;
	v46 =	vadd.f32 v59, v46  }
0x181: {  	s12 =	sadd.s32 $0x60, s28;
	v60 =	vld [tilespmem:s14+$0x7680];
	v59 =	vsub.f32 $0.0e+00, v30;
	v52 =	vsub.f32 $0.0e+00, v24;
	v18 =	vcvt.f32.s32 v18  }
0x182: {  	v63 =	vld [tilespmem:s12+$0x7680];
	s14 =	sadd.s32 $0x70, s28;
	v27 =	vcvt.f32.s32 v62;
	v58 =	vsel vm1, $0x0, v48;
	v37 =	vmax.f32 v37, $0.0e+00  }
0x183: {  	v57 =	vld [tilespmem:s14+$0x7680];
	v48 =	vadd.f32 v58, v48;
	v37 =	vadd.f32 v37, v47;
	v56 =	vsel vm6, $0x0, v46  }
0x184: {  	v62 =	vand.u32 $0x7FFFFFFF, v12;
	v46 =	vadd.f32 v56, v46;
	vm2 =	veq.s32 v50, $0x0  }
0x185: {  	v45 =	vld.idx.msk [tilespmem:v45+s15+$0x0], $0xffff;
	v50 =	vmul.f32 $2.560000000e+02, v62;
	v48 =	vadd.f32 v48, v49;
	v58 =	vsel vm7, $0x0, v37  }
0x186: {  	v43 =	vld.idx.msk [tilespmem:v43+s15+$0x0], $0xffff;
	v62 =	vsub.f32 $0.0e+00, v28;
	v32 =	vsel vm2, v32, v61;
	v37 =	vadd.f32 v58, v37  }
0x187: {  	v42 =	vld.idx.msk [tilespmem:v42+s15+$0x0], $0xffff;
	vm8 =	veq.s32 v60, $0x0;
	v60 =	vsub.f32 $0.0e+00, v31;
	vm9 =	veq.s32 v63, $0x0  }
0x188: {  	v44 =	vld.idx.msk [tilespmem:v44+s15+$0x0], $0xffff;
	s14 =	sadd.s32 $0x90, s28;
	v32 =	vmax.f32 v32, $0.0e+00;
	v30 =	vsel vm8, v30, v59;
	vm10 =	veq.s32 v57, $0x0  }
0x189: {  	s12 =	sadd.s32 $0x80, s9;
	v49 =	vld [tilespmem:s14+$0x7680];
	v57 =	vsub.f32 $0.0e+00, v19;
	v47 =	vmin.f32 v50, $4.095000000e+03;
	v50 =	vsub.f32 $0.0e+00, v15  }
0x18a: {  	s14 =	sadd.s32 $0xB0, s28;
	v63 =	vld [tilespmem:s12+$0x7680];
	v32 =	vadd.f32 v32, v45;
	v30 =	vmax.f32 v30, $0.0e+00;
	v31 =	vsel vm9, v31, v60  }
0x18b: {  	v56 =	vld [tilespmem:s14+$0x7680];
	v37 =	vadd.f32 v37, v46;
	v28 =	vsel vm10, v28, v62;
	v60 =	vsub.f32 $0.0e+00, v20  }
0x18c: {  	v46 =	vld.idx.msk [tilespmem:v36+s15+$0x0], $0xffff;
	v36 =	vtrunc.f32 v47;
	v30 =	vadd.f32 v30, v43;
	v31 =	vmax.f32 v31, $0.0e+00  }
0x18d: {  	s12 =	sadd.s32 $0xA0, s28;
	v28 =	vmax.f32 v28, $0.0e+00;
	v61 =	vsel vm2, $0x0, v32;
	v31 =	vadd.f32 v31, v42  }
0x18e: {  	v53 =	vld [tilespmem:s12+$0x7680];
	v28 =	vadd.f32 v28, v44;
	vm12 =	veq.s32 v49, $0x0;
	v42 =	vsub.f32 $0.0e+00, v8  }
0x18f: {  	v41 =	vld.idx.msk [tilespmem:v41+s15+$0x0], $0xffff;
	v32 =	vadd.f32 v61, v32;
	v43 =	vsel vm8, $0x0, v30;
	vm11 =	veq.s32 v63, $0x0  }
0x190: {  	v40 =	vld.idx.msk [tilespmem:v40+s15+$0x0], $0xffff;
	v23 =	vsel vm12, v23, v55;
	vm14 =	veq.s32 v56, $0x0;
	v55 =	vsub.f32 $0.0e+00, v13  }
0x191: {  	v51 =	vsel vm9, $0x0, v31;
	v30 =	vadd.f32 v43, v30;
	v54 =	vsel vm10, $0x0, v28  }
0x192: {  	v38 =	vld.idx.msk [tilespmem:v38+s15+$0x0], $0xffff;
	v24 =	vsel vm11, v24, v52;
	v23 =	vmax.f32 v23, $0.0e+00;
	v52 =	vsub.f32 $0.0e+00, v14  }
0x193: {  	s12 =	sadd.s32 $0xC0, s28;
	vm13 =	veq.s32 v53, $0x0;
	v31 =	vadd.f32 v51, v31;
	v28 =	vadd.f32 v54, v28  }
0x194: {  	s14 =	sadd.s32 $0xD0, s28;
	v61 =	vld [tilespmem:s12+$0x7680];
	v24 =	vmax.f32 v24, $0.0e+00;
	v23 =	vadd.f32 v23, v41;
	v41 =	vsub.f32 $0.0e+00, v7  }
0x195: {  	v63 =	vld [tilespmem:s14+$0x7680];
	v19 =	vsel vm13, v19, v57;
	v30 =	vadd.f32 v30, v32;
	v24 =	vadd.f32 v24, v40  }
0x196: {  	v19 =	vmax.f32 v19, $0.0e+00;
	v40 =	vsub.f32 $0.0e+00, v6;
	v28 =	vadd.f32 v28, v31  }
0x197: {  	v58 =	vld.idx.msk [tilespmem:v39+s15+$0x0], $0xffff;
	s12 =	sadd.s32 $0xE0, s28;
	v62 =	vsel vm12, $0x0, v23;
	v38 =	vadd.f32 v19, v38;
	v19 =	vadd.f32 v37, v48  }
0x198: {  	s14 =	sadd.s32 $0xF0, s28;
	v45 =	vld [tilespmem:s12+$0x7680];
	v31 =	vsel vm14, v20, v60;
	v48 =	vsub.f32 $0.0e+00, v16;
	v60 =	vsub.f32 $0.0e+00, v10  }
0x199: {  	s12 =	sadd.s32 $0x100, s9;
	v51 =	vld [tilespmem:s14+$0x7680];
	v59 =	vsel vm11, $0x0, v24;
	v23 =	vadd.f32 v62, v23;
	v43 =	vmax.f32 v31, $0.0e+00  }
0x19a: {  	v53 =	vld [tilespmem:s12+$0x7680];
	vm15 =	veq.s32 v61, $0x0;
	vm4 =	veq.s32 v63, $0x0;
	v61 =	vsub.f32 $0.0e+00, v11  }
0x19b: {  	v24 =	vadd.f32 v59, v24;
	v20 =	vadd.f32 v28, v30;
	v44 =	vsel vm13, $0x0, v38  }
0x19c: {  	v35 =	vld.idx.msk [tilespmem:v35+s15+$0x0], $0xffff;
	s14 =	sadd.s32 $0x110, s28;
	v28 =	vadd.f32 v43, v58;
	v16 =	vsel vm15, v16, v48;
	v15 =	vsel vm4, v15, v50  }
0x19d: {  	v56 =	vld [tilespmem:s14+$0x7680];
	vm5 =	veq.s32 v45, $0x0;
	v50 =	vsub.f32 $0.0e+00, v4;
	v16 =	vmax.f32 v16, $0.0e+00  }
0x19e: {  	v34 =	vld.idx.msk [tilespmem:v34+s15+$0x0], $0xffff;
	v15 =	vmax.f32 v15, $0.0e+00;
	v14 =	vsel vm5, v14, v52;
	vm6 =	veq.s32 v51, $0x0  }
0x19f: {  	v33 =	vld.idx.msk [tilespmem:v33+s15+$0x0], $0xffff;
	vm7 =	veq.s32 v53, $0x0;
	v52 =	vsub.f32 $0.0e+00, v5;
	v53 =	vsub.f32 $0.0e+00, v9  }
0x1a0: {  	v25 =	vld.idx.msk [tilespmem:v25+s15+$0x0], $0xffff;
	s12 =	sadd.s32 $0x120, s28;
	v23 =	vadd.f32 v23, v24;
	v24 =	vadd.f32 v44, v38;
	v49 =	vsel vm14, $0x0, v28  }
0x1a1: {  	s14 =	sadd.s32 $0x130, s28;
	v62 =	vld [tilespmem:s12+$0x7680];
	v16 =	vadd.f32 v16, v35;
	v15 =	vadd.f32 v15, v46;
	v14 =	vmax.f32 v14, $0.0e+00  }
0x1a2: {  	v63 =	vld [tilespmem:s14+$0x7680];
	v13 =	vsel vm6, v13, v55;
	v10 =	vsel vm7, v10, v60;
	vm8 =	veq.s32 v56, $0x0  }
0x1a3: {  	s14 =	sadd.s32 $0x150, s28;
	v58 =	vld.idx.msk [tilespmem:v29+s15+$0x0], $0xffff;
	v46 =	vcvt.f32.s32 v36;
	v28 =	vadd.f32 v49, v28;
	v14 =	vadd.f32 v14, v34  }
0x1a4: {  	v43 =	vld [tilespmem:s14+$0x7680];
	v13 =	vmax.f32 v13, $0.0e+00;
	v10 =	vmax.f32 v10, $0.0e+00;
	v11 =	vsel vm8, v11, v61  }
0x1a5: {  	v54 =	vsel vm15, $0x0, v16;
	v57 =	vsel vm4, $0x0, v15;
	v13 =	vadd.f32 v13, v33  }
0x1a6: {  	v21 =	vld.idx.msk [tilespmem:v21+s15+$0x0], $0xffff;
	s14 =	sadd.s32 $0x170, s28;
	v10 =	vadd.f32 v10, v25;
	v11 =	vmax.f32 v11, $0.0e+00;
	vm9 =	veq.s32 v62, $0x0  }
0x1a7: {  	v45 =	vld [tilespmem:s14+$0x7680];
	vm10 =	veq.s32 v63, $0x0;
	v24 =	vadd.f32 v28, v24;
	v16 =	vadd.f32 v54, v16  }
0x1a8: {  	v22 =	vld.idx.msk [tilespmem:v22+s15+$0x0], $0xffff;
	s12 =	sadd.s32 $0x140, s28;
	v15 =	vadd.f32 v57, v15;
	v59 =	vsel vm5, $0x0, v14;
	v11 =	vadd.f32 v11, v58  }
0x1a9: {  	v35 =	vld [tilespmem:s12+$0x7680];
	v6 =	vsel vm9, v6, v40;
	v7 =	vsel vm10, v7, v41;
	vm12 =	veq.s32 v43, $0x0  }
0x1aa: {  	v17 =	vld.idx.msk [tilespmem:v17+s15+$0x0], $0xffff;
	s12 =	sadd.s32 $0x160, s28;
	v14 =	vadd.f32 v59, v14;
	v34 =	vsel vm6, $0x0, v13;
	v37 =	vsel vm7, $0x0, v10  }
0x1ab: {  	v44 =	vld [tilespmem:s12+$0x7680];
	v6 =	vmax.f32 v6, $0.0e+00;
	v7 =	vmax.f32 v7, $0.0e+00;
	v4 =	vsel vm12, v4, v50  }
0x1ac: {  	vm14 =	veq.s32 v45, $0x0;
	v59 =	vsub.f32 $0.0e+00, v12;
	v13 =	vadd.f32 v34, v13  }
0x1ad: {  	v27 =	vld.idx.msk [tilespmem:v27+s15+$0x0], $0xffff;
	v15 =	vadd.f32 v15, v16;
	v39 =	vsel vm8, $0x0, v11;
	v6 =	vadd.f32 v6, v21  }
0x1ae: {  	v38 =	vld.idx.msk [tilespmem:v26+s15+$0x0], $0xffff;
	vm11 =	veq.s32 v35, $0x0;
	v7 =	vadd.f32 v7, v22;
	v10 =	vadd.f32 v37, v10  }
0x1af: {  	v47 =	vld.idx.msk [tilespmem:v18+s15+$0x0], $0xffff;
	s28 =	sadd.s32 $0x180, s9;
	v4 =	vmax.f32 v4, $0.0e+00;
	v9 =	vsel vm14, v9, v53;
	v8 =	vsel vm11, v8, v42  }
0x1b0: {  	v54 =	vld [tilespmem:s28+$0x7680];
	vm13 =	veq.s32 v44, $0x0;
	v4 =	vadd.f32 v4, v17;
	v11 =	vadd.f32 v39, v11  }
0x1b1: {  	v9 =	vmax.f32 v9, $0.0e+00;
	v13 =	vadd.f32 v13, v14;
	v8 =	vmax.f32 v8, $0.0e+00  }
0x1b2: {  	v48 =	vsel vm9, $0x0, v6;
	v49 =	vsel vm10, $0x0, v7;
	v5 =	vsel vm13, v5, v52  }
0x1b3: {  	v9 =	vadd.f32 v9, v27;
	v8 =	vadd.f32 v8, v38;
	v5 =	vmax.f32 v5, $0.0e+00  }
0x1b4: {  	v57 =	vld.idx.msk [tilespmem:v46+s15+$0x0], $0xffff;
	v55 =	vsel vm12, $0x0, v4;
	v6 =	vadd.f32 v48, v6;
	v7 =	vadd.f32 v49, v7  }
0x1b5: {  	vm15 =	veq.s32 v54, $0x0;
	v5 =	vadd.f32 v5, v47;
	v4 =	vadd.f32 v55, v4  }
0x1b6: {  	v58 =	vsel vm14, $0x0, v9;
	v60 =	vsel vm15, v12, v59;
	v51 =	vsel vm11, $0x0, v8  }
0x1b7: {  	v9 =	vadd.f32 v58, v9;
	v6 =	vadd.f32 v7, v6;
	v56 =	vsel vm13, $0x0, v5  }
0x1b8: {  	v7 =	vmax.f32 v60, $0.0e+00;
	v8 =	vadd.f32 v51, v8;
	v5 =	vadd.f32 v56, v5  }
0x1b9: {  	v10 =	vadd.f32 v11, v10;
	v7 =	vadd.f32 v7, v57  }
0x1ba: {  	v4 =	vadd.f32 v4, v8;
	v5 =	vadd.f32 v9, v5  }
0x1bb: {  	v23 =	vadd.f32 v24, v23;
	v61 =	vadd.f32 v13, v15  }
0x1bc: {  	v6 =	vadd.f32 v6, v10;
	v62 =	vsel vm15, $0x0, v7;
	v4 =	vadd.f32 v5, v4  }
0x1bd: {  	v8 =	vadd.f32 v61, v23;
	v63 =	vadd.f32 v62, v7  }
0x1be: {  	v5 =	vadd.f32 v20, v19;
	v4 =	vadd.f32 v4, v6;
	_ =	sdelay $0x1  }
0x1bf: {  	v5 =	vadd.f32 v8, v5;
	v4 =	vadd.f32 v4, v63;
	_ =	sdelay $0x1  }
0x1c0: {  	v4 =	vadd.f32 v4, v5;
	_ =	sdelay $0x1  }
0x1c1: {  	s30 =	sadd.s32 $0x190, s30;
	s7 =	smov.u32 s8;
	v3 =	vadd.f32 v4, v3  }
.LBB2_37:
0x1c2: {  	p0 =	sne.s32 s26, $0x19  }
.Ltmp16:
0x1c3: {  	_ = 	snop;
	(pc) =	sbr.rel @!p0 .LBB2_38-.Ltmp16, $3  }
0x1c4: {  	_ =	sdelay $0x1  }
0x1c5: {  	s4 =	sadd.s32 $0x19, s4  }
0x1c6: {  	s5 =	sadd.s32 $0x5, s5;
	s8 =	smov.u32 s13;
	s9 =	smov.u32 s26  }
.LBB2_22:
0x1c7: {  	s26 =	sadd.s32 $0x1, s9  }
0x1c8: {  	s12 =	smin.u32 s26, $0x18  }
0x1c9: {  	s12 =	smul.u32 $0x190, s12;
	_ =	sdelay $0x1  }
0x1ca: {  	v4 =	vld [tilespmem:s12+$0xC580]  }
0x1cb: {  	v5 =	vld [tilespmem:s12+$0xC700];
	_ =	sdelay $0x3  }
0x1cc: {  	(v2sf) =	vpush v4, $0x0  }
0x1cd: {  	(v2sf) =	vpush v5, $0xF;
	_ =	sdelay $0x7  }
0x1ce: {  	p0 =	sne.s32 s6, s7  }
0x1cf: {  	p1 =	sne.s32 @!p0 s8, s7  }
0x1d0: {  	p0 =	por p0, p1  }
.Ltmp17:
0x1d1: {  	_ = 	snop;
	(pc) =	sbr.rel @!p0 .LBB2_23-.Ltmp17, $3  }
0x1d2: {  	_ =	sdelay $0x1  }
0x1d3: {  	s6 =	spop (v2sf)  }
0x1d4: {  	s13 =	spop (v2sf)  }
.Ltmp18:
0x1d5: {  	(pc) =	sbr.rel .LBB2_25-.Ltmp18, $2  }
0x1d6: {  	_ =	sdelay $0x2  }
0x1d7: {  	s8 =	smul.u32 $0x5, s9;
	s9 =	smov.u32 s4  }
.LBB2_26:
0x1d8: {  	v4 =	vld [tilespmem:s12+$0x2780]  }
0x1d9: {  	v5 =	vld [tilespmem:s12+$0x2790]  }
0x1da: {  	v7 =	vld [tilespmem:s12+$0x27A0]  }
0x1db: {  	v8 =	vld [tilespmem:s12+$0x27B0];
	_ =	sdelay $0x1  }
0x1dc: {  	v6 =	vand.u32 $0x7FFFFFFF, v4  }
0x1dd: {  	v9 =	vand.u32 $0x7FFFFFFF, v5;
	v6 =	vmul.f32 $2.560000000e+02, v6  }
0x1de: {  	v12 =	vld [tilespmem:s12+$0x27C0];
	v10 =	vand.u32 $0x7FFFFFFF, v7;
	v9 =	vmul.f32 $2.560000000e+02, v9  }
0x1df: {  	v11 =	vand.u32 $0x7FFFFFFF, v8;
	v10 =	vmul.f32 $2.560000000e+02, v10;
	v6 =	vmin.f32 v6, $4.095000000e+03  }
0x1e0: {  	v11 =	vmul.f32 $2.560000000e+02, v11;
	v9 =	vmin.f32 v9, $4.095000000e+03;
	v6 =	vtrunc.f32 v6  }
0x1e1: {  	v10 =	vmin.f32 v10, $4.095000000e+03;
	v9 =	vtrunc.f32 v9;
	v6 =	vcvt.f32.s32 v6  }
0x1e2: {  	v13 =	vld [tilespmem:s12+$0x7680];
	s14 =	sadd.s32 $0x10, s12;
	v11 =	vmin.f32 v11, $4.095000000e+03;
	v10 =	vtrunc.f32 v10;
	v9 =	vcvt.f32.s32 v9  }
0x1e3: {  	s28 =	sadd.s32 $0x20, s12;
	v15 =	vld [tilespmem:s14+$0x7680];
	v14 =	vand.u32 $0x7FFFFFFF, v12;
	v11 =	vtrunc.f32 v11;
	v10 =	vcvt.f32.s32 v10  }
0x1e4: {  	s14 =	sadd.s32 $0x30, s12;
	v17 =	vld [tilespmem:s28+$0x7680];
	v14 =	vmul.f32 $2.560000000e+02, v14;
	v11 =	vcvt.f32.s32 v11  }
0x1e5: {  	s28 =	sadd.s32 $0x40, s12;
	v52 =	vld [tilespmem:s14+$0x7680]  }
0x1e6: {  	v56 =	vld [tilespmem:s28+$0x7680];
	v14 =	vmin.f32 v14, $4.095000000e+03  }
0x1e7: {  	v16 =	vsub.f32 $0.0e+00, v4;
	v14 =	vtrunc.f32 v14;
	v6 =	vld.idx.msk [tilespmem:v6+s15+$0x0], $0xffff  }
0x1e8: {  	v53 =	vsub.f32 $0.0e+00, v5;
	v54 =	vsub.f32 $0.0e+00, v7;
	v14 =	vcvt.f32.s32 v14;
	v9 =	vld.idx.msk [tilespmem:v9+s15+$0x0], $0xffff  }
0x1e9: {  	vm0 =	veq.s32 v13, $0x0;
	v55 =	vsub.f32 $0.0e+00, v8;
	v60 =	vsub.f32 $0.0e+00, v12;
	v10 =	vld.idx.msk [tilespmem:v10+s15+$0x0], $0xffff  }
0x1ea: {  	vm1 =	veq.s32 v15, $0x0;
	vm2 =	veq.s32 v17, $0x0;
	v4 =	vsel vm0, v4, v16;
	v11 =	vld.idx.msk [tilespmem:v11+s15+$0x0], $0xffff  }
0x1eb: {  	v5 =	vsel vm1, v5, v53;
	vm3 =	veq.s32 v52, $0x0;
	v7 =	vsel vm2, v7, v54  }
0x1ec: {  	vm15 =	veq.s32 v56, $0x0;
	v4 =	vmax.f32 v4, $0.0e+00;
	v8 =	vsel vm3, v8, v55  }
0x1ed: {  	v5 =	vmax.f32 v5, $0.0e+00;
	v7 =	vmax.f32 v7, $0.0e+00;
	v4 =	vadd.f32 v4, v6  }
0x1ee: {  	v8 =	vmax.f32 v8, $0.0e+00;
	v57 =	vld.idx.msk [tilespmem:v14+s15+$0x0], $0xffff;
	v5 =	vadd.f32 v5, v9;
	v7 =	vadd.f32 v7, v10  }
0x1ef: {  	v8 =	vadd.f32 v8, v11;
	v6 =	vsel vm15, v12, v60  }
0x1f0: {  	v58 =	vsel vm0, $0x0, v4;
	v59 =	vsel vm1, $0x0, v5;
	v61 =	vsel vm2, $0x0, v7  }
0x1f1: {  	v62 =	vsel vm3, $0x0, v8;
	v4 =	vadd.f32 v58, v4;
	v5 =	vadd.f32 v59, v5  }
0x1f2: {  	v6 =	vmax.f32 v6, $0.0e+00;
	v7 =	vadd.f32 v61, v7;
	v8 =	vadd.f32 v62, v8  }
0x1f3: {  	v6 =	vadd.f32 v6, v57  }
0x1f4: {  	v4 =	vadd.f32 v5, v4;
	v5 =	vadd.f32 v8, v7  }
0x1f5: {  	v63 =	vsel vm15, $0x0, v6  }
0x1f6: {  	v4 =	vadd.f32 v5, v4;
	v5 =	vadd.f32 v63, v6;
	_ =	sdelay $0x1  }
0x1f7: {  	v4 =	vadd.f32 v4, v5;
	_ =	sdelay $0x1  }
0x1f8: {  	s30 =	sadd.s32 $0x50, s30;
	v3 =	vadd.f32 v4, v3  }
.LBB2_36:
0x1f9: {  	s8 =	sadd.s32 $0x1, s8  }
0x1fa: {  	p0 =	sne.s32 s8, s5  }
.Ltmp19:
0x1fb: {  	_ = 	snop;
	(pc) =	sbr.rel @!p0 .LBB2_37-.Ltmp19, $2  }
0x1fc: {  	_ =	sdelay $0x2  }
0x1fd: {  	s9 =	sadd.s32 $0x5, s9  }
.LBB2_25:
0x1fe: {  	_ = 	snop  }
0x1ff: {  	s12 =	smul.u32 $0x50, s8;
	_ =	sdelay $0x1  }
0x200: {  	v4 =	vld [tilespmem:s12+$0xC580]  }
0x201: {  	v5 =	vld [tilespmem:s12+$0xC5C0];
	_ =	sdelay $0x3  }
0x202: {  	(v2sf) =	vpush v4, $0x0  }
0x203: {  	(v2sf) =	vpush v5, $0xF;
	_ =	sdelay $0xd  }
0x204: {  	s14 =	spop (v2sf)  }
0x205: {  	s28 =	spop (v2sf);
	p0 =	sne.s32 s14, s7  }
0x206: {  	p1 =	sne.s32 @!p0 s28, s7  }
0x207: {  	p0 =	por p0, p1  }
.Ltmp20:
0x208: {  	_ = 	snop;
	(pc) =	sbr.rel @!p0 .LBB2_26-.Ltmp20, $1  }
0x209: {  	_ =	sdelay $0x3  }
.Ltmp21:
0x20a: {  	(pc) =	sbr.rel .LBB2_28-.Ltmp21, $2  }
0x20b: {  	_ =	sdelay $0x2  }
0x20c: {  	s12 =	smul.u32 $0x5, s8;
	s28 =	smov.u32 s7  }
.LBB2_29:
0x20d: {  	s7 =	smov.u32 s28  }
.LBB2_35:
0x20e: {  	s12 =	sadd.s32 $0x1, s12  }
0x20f: {  	p1 =	sne.s32 s12, s9  }
.Ltmp22:
0x210: {  	_ = 	snop;
	(pc) =	sbr.rel @!p1 .LBB2_36-.Ltmp22, $4  }
0x211: {  	_ = 	snop  }
0x212: {  	v3 =	vadd.f32 v5, v3  }
0x213: {  	s30 =	sadd.s32 $0x10, s30  }
0x214: {  	s30 =	simm.s32 @p0 $0x0;
	v3 =	vpsel p0, $0x0, v3  }
.LBB2_28:
0x215: {  	_ = 	snop  }
0x216: {  	s7 =	sshll.u32 s12, $0x4  }
0x217: {  	v4 =	vld [tilespmem:s7+$0xC580];
	_ =	sdelay $0x3  }
0x218: {  	v5 =	vld [tilespmem:s7+$0x2780]  }
0x219: {  	(v2sf) =	vpush v4, $0x0  }
0x21a: {  	(v2sf) =	vpush v4, $0xF;
	_ =	sdelay $0x2  }
0x21b: {  	v6 =	vand.u32 $0x7FFFFFFF, v5  }
0x21c: {  	v6 =	vmul.f32 $2.560000000e+02, v6;
	_ =	sdelay $0x1  }
0x21d: {  	v6 =	vmin.f32 v6, $4.095000000e+03  }
0x21e: {  	v6 =	vtrunc.f32 v6  }
0x21f: {  	v6 =	vcvt.f32.s32 v6;
	_ =	sdelay $0x2  }
0x220: {  	v7 =	vld [tilespmem:s7+$0x7680];
	_ =	sdelay $0x2  }
0x221: {  	v6 =	vld.idx.msk [tilespmem:v6+s15+$0x0], $0xffff;
	s14 =	spop (v2sf)  }
0x222: {  	v8 =	vsub.f32 $0.0e+00, v5;
	s7 =	spop (v2sf)  }
0x223: {  	vm0 =	veq.s32 v7, $0x0;
	p0 =	sne.s32 s14, s28;
	p1 =	sne.s32 s7, s28  }
0x224: {  	v5 =	vsel vm0, v5, v8;
	p0 =	por p0, p1  }
.Ltmp23:
0x225: {  	v5 =	vmax.f32 v5, $0.0e+00;
	(pc) =	sbr.rel @!p0 .LBB2_29-.Ltmp23, $3  }
0x226: {  	v5 =	vadd.f32 v5, v6;
	_ =	sdelay $0x1  }
0x227: {  	v6 =	vsel vm0, $0x0, v5  }
0x228: {  	v5 =	vadd.f32 v6, v5  }
0x229: {  	s14 =	simm.s32 $0x0  }
0x22a: {  	v7 =	vmov s14  }
0x22b: {  	v6 =	vmov s28;
	s28 =	simm.s32 $0x1;
	vm0 =	veq.s32 v7, v1  }
.LBB2_31:
0x22c: {  	p1 =	sne.s32 s28, $0xF  }
.Ltmp24:
0x22d: {  	_ = 	snop;
	(pc) =	sbr.rel @p1 .LBB2_31-.Ltmp24, $3  }
0x22e: {  	_ =	sdelay $0x1  }
0x22f: {  	v7 =	vmov s28;
	s28 =	sadd.s32 $0x1, s28  }
0x230: {  	[tilespmem:v6+s24+$0x0] =	vst.idx.add.f32.msk vm0, v3;
	vm0 =	veq.s32 v7, v1  }
0x231: {  	_ =	sdelay $0x2  }
0x232: {  	s14 =	scvt.s32.f32 s30;
	s28 =	simm.s32 $0x0  }
0x233: {  	v7 =	vmov s28  }
0x234: {  	[tilespmem:v6+s24+$0x0] =	vst.idx.add.f32.msk vm0, v3;
	v8 =	vmov s14;
	vm0 =	veq.s32 v7, v1  }
0x235: {  	s28 =	simm.s32 $0x1;
	[tilespmem:v6+s25+$0x0] =	vst.idx.add.f32.msk $0x1, v8;
	vm1 =	vmmov vm0  }
.LBB2_33:
0x236: {  	p1 =	sne.s32 s28, $0xF  }
.Ltmp25:
0x237: {  	_ = 	snop;
	(pc) =	sbr.rel @p1 .LBB2_33-.Ltmp25, $4  }
0x238: {  	_ = 	snop  }
0x239: {  	v6 =	vmov s28  }
0x23a: {  	s28 =	sadd.s32 $0x1, s28;
	[tilespmem:v4+s24+$0x0] =	vst.idx.add.f32.msk vm0, v5;
	vm0 =	veq.s32 v6, v1  }
0x23b: {  	[tilespmem:v4+s25+$0x0] =	vst.idx.add.f32.msk vm1, v2;
	vm1 =	vmmov vm0  }
0x23c: {  	_ =	sdelay $0x1  }
.Ltmp26:
0x23d: {  	_ = 	snop;
	(pc) =	sbr.rel .LBB2_35-.Ltmp26, $3  }
0x23e: {  	_ =	sdelay $0x1  }
0x23f: {  	[tilespmem:v4+s24+$0x0] =	vst.idx.add.f32.msk vm0, v5  }
0x240: {  	s28 =	smov.u32 s7;
	[tilespmem:v4+s25+$0x0] =	vst.idx.add.f32.msk vm1, v2  }
.LBB2_39:
0x241: {  	s0 =	simm.s32 $0x0  }
0x242: {  	v5 =	vmov s0  }
0x243: {  	v4 =	vmov s7;
	s0 =	simm.s32 $0x1;
	vm0 =	veq.s32 v5, v1  }
.LBB2_40:
0x244: {  	p0 =	sne.s32 s0, $0xF  }
.Ltmp27:
0x245: {  	_ = 	snop;
	(pc) =	sbr.rel @p0 .LBB2_40-.Ltmp27, $3  }
0x246: {  	_ =	sdelay $0x1  }
0x247: {  	v5 =	vmov s0;
	s0 =	sadd.s32 $0x1, s0  }
0x248: {  	[tilespmem:v4+s24+$0x0] =	vst.idx.add.f32.msk vm0, v3;
	vm0 =	veq.s32 v5, v1  }
0x249: {  	_ =	sdelay $0x2  }
0x24a: {  	s0 =	scvt.s32.f32 s30;
	_ =	sdelay $0x1  }
0x24b: {  	[tilespmem:v4+s24+$0x0] =	vst.idx.add.f32.msk vm0, v3;
	v3 =	vmov s0  }
0x24c: {  	[tilespmem:v4+s25+$0x0] =	vst.idx.add.f32.msk $0x1, v3  }
0x24d: {  	_ =	swait.ge [sflag:s19], $0x2710  }
0x24e: {  	[sflag:s19] =	ssyncset.done $0x0  }
0x24f: {  	[sflag:s19] =	ssyncadd.s32 $0xFFFFD8F0  }
0x250: {  	_ =	swait.ge [sflag:s19], $0x2710  }
0x251: {  	[sflag:s19] =	ssyncset.done $0x0  }
0x252: {  	[sflag:s19] =	ssyncadd.s32 $0xFFFFD8F0  }
0x253: {  	_ =	swait.ge [sflag:s19], $0x2710  }
0x254: {  	s4 =	simm.s32 $0x80;
	[sflag:s19] =	ssyncset.done $0x0  }
0x255: {  	s5 =	simm.s32 $0x400;
	s26 =	rddreg [dreg:$0x9];
	[sflag:s19] =	ssyncadd.s32 $0xFFFFD8F0  }
0x256: {  	[hbm4b:s26+s4] =	stream.strided.scatter [tilespmem:s24], [sflag:$0x3], $0x400, s5, s4, $0x38;
	[tilespmem:$0x10500] =	vst v63  }
0x257: {  	_ =	swait.ge [sflag:s16], $0x400  }
0x258: {  	[sflag:s16] =	ssyncset.done $0x0  }
0x259: {  	s28 =	rddreg [dreg:$0xa];
	[sflag:s16] =	ssyncadd.s32 $0xFFFFFC00  }
0x25a: {  	[hbm4b:s28+s4] =	stream.strided.scatter [tilespmem:s25], [sflag:$0x3], $0x400, s5, s4, $0x38;
	[tilespmem:$0x10500] =	vst v63  }
0x25b: {  	_ =	swait.ge [sflag:s16], $0x400  }
0x25c: {  	s29 =	sadd.s32 $0x1, s29;
	s30 =	rddreg [dreg:$0xb]  }
0x25d: {  	p0 =	sne.s32 s29, s30  }
.Ltmp28:
0x25e: {  	_ = 	snop;
	(pc) =	sbr.rel @p0 .LBB2_1-.Ltmp28, $3  }
0x25f: {  	_ =	sdelay $0x1  }
0x260: {  	[sflag:s16] =	ssyncset.done $0x0  }
0x261: {  	[sflag:s16] =	ssyncadd.s32 $0xFFFFFC00  }
0x262: {  	_ =	sfence.sel $0x180000  }
0x263: {  	[bflag:$0x0] =	sbarrier.arrive $0xFFFF  }
0x264: {  	_ =	strace $0x90000047  }
0x265: {  	s0 =	stileid.u32;
	[bflag:$0x2] =	sbarrier.arrive $0xFFFF  }
0x266: {  	p0 =	sne.s32 s0, $0x0;
	s0 =	rddreg [dreg:$0x4]  }
0x267: {  	s0 =	sadd.s32 @!p0 $0x100000, s0  }
0x268: {  	[sflag:s0] =	ssyncadd.tile.s32 @!p0 $0x1;
	_ =	shalt  }
.Lfunc_end2:
_tile_overlayer_lowered:
.L_overlay_start_2:
0x269: {  	(tag) =	ssettag $0x2  }
0x26a: {  	s0 =	rddreg [dreg:$0x0];
	s2 =	stileid.u32  }
0x26b: {  	s1 =	rddreg [dreg:$0x1];
	p0 =	sne.s32 s2, $0x0  }
0x26c: {  	s3 =	rddreg [dreg:$0x2];
	[bflag:$0x3] =	sbarrier.arrive $0xFFFF;
	s2 =	simm.s32 @!p0 $0x1C03  }
0x26d: {  	[timem:s3], [sflag:s2] =	dma.local @!p0 [hbm:s0], s1  }
0x26e: {  	s0 =	simm.s32 @!p0 $0x3  }
0x26f: {  	_ =	swait.ge @!p0 [sflag:s0], s1  }
0x270: {  	s1 =	ssub.s32 @!p0 $0x0, s1;
	[sflag:s0] =	ssyncset.done @!p0 $0x0  }
0x271: {  	[sflag:s0] =	ssyncadd.s32 @!p0 s1  }
0x272: {  	[bflag:$0x3] =	sbarrier.arrive $0xFFFF  }
0x273: {  	_ =	shalt  }

</sc_bundles>
